<compile_context>
chip_gen: v7x
topology: tpu7x:2x2x1
jax: 0.10.2.dev20260603
libtpu: 0.0.44.dev20260713+nightly
codegen_flags: <defaults>
</compile_context>

<pallas_src>
import functools

import jax
import jax.numpy as jnp
from jax import lax
from jax.experimental import pallas as pl
from jax.experimental.pallas import tpu as pltpu
from jax.experimental.pallas import tpu_sc as plsc

CAP = 100000
PAD = 102400
D = 64
K = 32
B = 1024
EPS = 1e-08

QT = 128
KB = 4096
CHUNK = 128
NCHUNK = PAD // CHUNK
CPB = KB // CHUNK
MID = 1024
NMID = PAD // MID
MPB = KB // MID

NW = 32
RPW = B // NW
HOTCAP = 640
CCAP = 512
CBUF = CCAP + 32
INF = float("inf")
BIGF = 1e30



def _dist_kernel(q_ref, k_ref, qn_ref, kn_ref, d_ref, m_ref):
    q = q_ref[...]
    k = k_ref[...]
    sq = qn_ref[...] + kn_ref[...] - 2.0 * lax.dot_general(
        q, k, (((1,), (1,)), ((), ())),
        preferred_element_type=jnp.float32,
        precision=lax.Precision.DEFAULT)
    s = jnp.maximum(sq, 1e-12)
    d_ref[...] = s
    m_ref[0, ...] = jnp.min(s.reshape(QT, CPB, CHUNK), axis=2)


def _tc_stage(queries, keys_p):
    qn = jnp.sum(queries * queries, axis=1, keepdims=True)
    kn = jnp.sum(keys_p * keys_p, axis=1, keepdims=True).T
    grid = (B // QT, PAD // KB)
    return pl.pallas_call(
        _dist_kernel,
        grid=grid,
        in_specs=[
            pl.BlockSpec((QT, D), lambda i, j: (i, 0)),
            pl.BlockSpec((KB, D), lambda i, j: (j, 0)),
            pl.BlockSpec((QT, 1), lambda i, j: (i, 0)),
            pl.BlockSpec((1, KB), lambda i, j: (0, j)),
        ],
        out_specs=[
            pl.BlockSpec((QT, KB), lambda i, j: (i, j)),
            pl.BlockSpec((1, QT, CPB), lambda i, j: (j, i, 0)),
        ],
        out_shape=[
            jax.ShapeDtypeStruct((B, PAD), jnp.float32),
            jax.ShapeDtypeStruct((PAD // KB, B, CPB), jnp.float32),
        ],
    )(queries, keys_p, qn, kn)


def _t2_kernel(m_ref, t2_ref):
    x = m_ref[...]
    m = jnp.min(x, axis=1, keepdims=True)
    for _ in range(K - 1):
        x = jnp.where(x == m, INF, x)
        m = jnp.min(x, axis=1, keepdims=True)
    t2_ref[...] = m


def _t2_stage(m):
    return pl.pallas_call(
        _t2_kernel,
        grid=(B // QT,),
        in_specs=[pl.BlockSpec((QT, NCHUNK), lambda i: (i, 0))],
        out_specs=pl.BlockSpec((QT, 1), lambda i: (i, 0)),
        out_shape=jax.ShapeDtypeStruct((B, 1), jnp.float32),
    )(m)



def _dyn_gather(x, idx16):
    return lax.gather(
        x, idx16[:, None],
        lax.GatherDimensionNumbers(
            offset_dims=(), collapsed_slice_dims=(0,), start_index_map=(0,)),
        (1,), mode=lax.GatherScatterMode.PROMISE_IN_BOUNDS)


_MESH = plsc.VectorSubcoreMesh(core_axis_name="c", subcore_axis_name="s")


@functools.partial(
    pl.kernel,
    mesh=_MESH,
    compiler_params=pltpu.CompilerParams(needs_layout_passes=False),
    out_type=jax.ShapeDtypeStruct((B,), jnp.float32),
    scratch_types=[
        pltpu.VMEM((2, NCHUNK), jnp.float32),
        pltpu.VMEM((128,), jnp.float32),
        pltpu.VMEM((HOTCAP,), jnp.int32),
        pltpu.VMEM((128,), jnp.int32),
        pltpu.VMEM((128, CHUNK), jnp.float32),
        pltpu.VMEM((CBUF,), jnp.float32),
        pltpu.VMEM((CBUF,), jnp.int32),
        pltpu.VMEM((CBUF,), jnp.float32),
        pltpu.VMEM((RPW,), jnp.float32),
        pltpu.SemaphoreType.DMA,
        pltpu.SemaphoreType.DMA,
        pltpu.SemaphoreType.DMA,
    ],
)
def _sc_select(d_hbm, m_hbm, t_hbm, vals_hbm, out_hbm,
               mbuf, t_buf, hot_buf, gidx, dbuf, cand_d, cand_i,
               vbuf, obuf, gsem, vsem, msem):
    wid = lax.axis_index("s") * 2 + lax.axis_index("c")
    base_row = wid * RPW
    iota16 = lax.iota(jnp.int32, 16)
    inf16 = jnp.full((16,), INF, jnp.float32)

    pltpu.sync_copy(t_hbm.at[pl.ds(base_row, RPW)], t_buf.at[pl.ds(0, RPW)])
    pltpu.sync_copy(m_hbm.at[base_row], mbuf.at[0])
    for v in range(HOTCAP // 16):
        hot_buf[pl.ds(v * 16, 16)] = jnp.zeros((16,), jnp.int32)
    for v in range(CBUF // 16):
        cand_i[pl.ds(v * 16, 16)] = jnp.zeros((16,), jnp.int32)

    def row_body(b_local, carry):
        o0, o1 = carry
        b = base_row + b_local
        par = b_local & 1
        nxt = jnp.minimum(b_local + 1, RPW - 1)
        pltpu.async_copy(m_hbm.at[base_row + nxt], mbuf.at[1 - par], msem)

        t0 = t_buf[pl.ds(0, 16)]
        t1 = t_buf[pl.ds(16, 16)]
        bl16 = jnp.full((16,), b_local, jnp.int32)
        tsel = jnp.where(bl16 < 16, t0, t1)
        tb = _dyn_gather(tsel, bl16 & 15)

        ptr_h = jnp.int32(0)
        for v in range(NCHUNK // 16):
            mv = mbuf[par, pl.ds(v * 16, 16)]
            msk = mv <= tb
            ph = jnp.minimum(ptr_h, jnp.int32(HOTCAP - 16))
            plsc.store_compressed(hot_buf.at[pl.ds(ph, 16)],
                                  iota16 + (v * 16), mask=msk)
            ptr_h = ptr_h + plsc.all_reduce_population_count(msk)[0]
        nhot = jnp.minimum(ptr_h, jnp.int32(HOTCAP))

        for v in range(CBUF // 16):
            cand_d[pl.ds(v * 16, 16)] = inf16

        nchunks = lax.div(nhot + 127, jnp.int32(128))
        row_off = jnp.full((16,), b * NCHUNK, jnp.int32)

        def chunk_body(c, ptr_c):
            cbase = c * 128
            for v in range(8):
                hv = hot_buf[pl.ds(cbase + v * 16, 16)]
                gidx[pl.ds(v * 16, 16)] = hv + row_off
            pltpu.async_copy(d_hbm.at[gidx], dbuf, gsem).wait()
            jmax = jnp.minimum(nhot - cbase, jnp.int32(128))

            def jbody(j, p):
                hv16 = hot_buf[pl.ds(cbase + (j & ~15), 16)]
                hj = _dyn_gather(hv16, jnp.full((16,), j & 15, jnp.int32))
                kbase = hj * CHUNK
                for v in range(8):
                    dv = dbuf[j, pl.ds(v * 16, 16)]
                    msk = dv <= tb
                    gk = kbase + (iota16 + v * 16)
                    ps = jnp.minimum(p, jnp.int32(CCAP))
                    plsc.store_compressed(cand_d.at[pl.ds(ps, 16)],
                                          dv, mask=msk)
                    plsc.store_compressed(cand_i.at[pl.ds(ps, 16)],
                                          gk, mask=msk)
                    p = p + plsc.all_reduce_population_count(msk)[0]
                return p

            return lax.fori_loop(0, jmax, jbody, ptr_c)

        nc = jnp.minimum(lax.fori_loop(0, nchunks, chunk_body, jnp.int32(0)),
                         jnp.int32(CCAP))
        nv = lax.div(nc + 15, jnp.int32(16))

        def vg(vv, _):
            pltpu.async_copy(vals_hbm.at[cand_i.at[pl.ds(vv * 16, 16)]],
                             vbuf.at[pl.ds(vv * 16, 16)], vsem)
            return 0
        lax.fori_loop(0, nv, vg, 0)

        def excl(_, prev):
            pv = jnp.full((16,), prev, jnp.int32)

            def scan1(vv, rm):
                dv = cand_d[pl.ds(vv * 16, 16)]
                iv = cand_i[pl.ds(vv * 16, 16)]
                dv = jnp.where((iv == pv) & (dv < BIGF), -1.0, dv)
                cand_d[pl.ds(vv * 16, 16)] = dv
                return jnp.maximum(rm, jnp.where(dv < BIGF, dv, -1.0))

            rm = lax.fori_loop(0, nv, scan1, jnp.full((16,), -1.0))
            m = jnp.max(rm)
            mv16 = jnp.full((16,), m, jnp.float32)

            def scan2(vv, r2):
                dv = cand_d[pl.ds(vv * 16, 16)]
                iv = cand_i[pl.ds(vv * 16, 16)]
                return jnp.maximum(
                    r2, jnp.where((dv == mv16) & (dv < BIGF), iv, -1))

            r2 = lax.fori_loop(0, nv, scan2, jnp.full((16,), -1, jnp.int32))
            return jnp.max(r2)

        last = lax.fori_loop(0, nc - K, excl, jnp.int32(-1))
        lastv = jnp.full((16,), last, jnp.int32)

        def vd(vv, _):
            pltpu.make_async_copy(
                vals_hbm.at[cand_i.at[pl.ds(vv * 16, 16)]],
                vbuf.at[pl.ds(vv * 16, 16)], vsem).wait()
            return 0
        lax.fori_loop(0, nv, vd, 0)

        def acc_body(vv, acc):
            sv = cand_d[pl.ds(vv * 16, 16)]
            iv = cand_i[pl.ds(vv * 16, 16)]
            vv16 = vbuf[pl.ds(vv * 16, 16)]
            sv = jnp.where(iv == lastv, -1.0, sv)
            keep = (sv >= 0.0) & (sv < BIGF)
            sc = jnp.where(keep, sv, 1.0)
            y = plsc.bitcast(
                0x5F3759DF - (plsc.bitcast(sc, jnp.int32) >> 1), jnp.float32)
            for _ in range(3):
                y = y * (1.5 - 0.5 * sc * y * y)
            dv = sc * y
            w = dv / (dv + EPS)
            return acc + jnp.where(keep, w * vv16, 0.0)

        acc = lax.fori_loop(0, nv, acc_body, jnp.zeros((16,), jnp.float32))
        s = jnp.sum(acc) * jnp.float32(1.0 / K)

        pltpu.make_async_copy(m_hbm.at[base_row + nxt],
                              mbuf.at[1 - par], msem).wait()

        s16 = jnp.full((16,), s, jnp.float32)
        o0 = jnp.where(iota16 == bl16, s16, o0)
        o1 = jnp.where(iota16 == (bl16 - 16), s16, o1)
        return o0, o1

    z = jnp.zeros((16,), jnp.float32)
    o0, o1 = lax.fori_loop(0, RPW, row_body, (z, z))
    obuf[pl.ds(0, 16)] = o0
    obuf[pl.ds(16, 16)] = o1
    pltpu.sync_copy(obuf, out_hbm.at[pl.ds(base_row, RPW)])



@jax.jit
def kernel(queries, keys, values):
    keys_p = jnp.concatenate(
        [keys, jnp.full((PAD - CAP, D), 1e4, jnp.float32)], axis=0)
    d, m3 = _tc_stage(queries, keys_p)
    m = jnp.transpose(m3, (1, 0, 2)).reshape(B, NCHUNK)
    t2 = _t2_stage(m)
    vals_p = jnp.concatenate(
        [values[:, 0], jnp.zeros((PAD - CAP,), jnp.float32)], axis=0)
    out = _sc_select(
        jnp.reshape(d, (B * NCHUNK, CHUNK)),
        m,
        jnp.reshape(t2, (B,)),
        vals_p,
    )
    return jnp.reshape(out, (B, 1))

# --- scband reference (transcript-rebuilt; emitter-appended) ---
"""Pipeline reference for scband-neural-knn-16338055594575 (READ-ONLY COPY).

The authoritative reference and input builder live on the scoring server;
editing this copy changes nothing except your own understanding.
"""

import jax, jax.numpy as jnp
import numpy as np

CAPACITY = 100000
KEY_DIM = 64
K_NEIGHBOURS = 32
BATCH = 1024
EPS = 1e-08


def setup_inputs(seed: int = 0) -> dict:
    key = jax.random.key(seed)
    k1, k2, k3 = jax.random.split(key, 3)
    queries = jax.random.normal(k1, (BATCH, KEY_DIM), dtype=jnp.float32)
    # learned parameters of NeuralDictionary (keys, values); we assume memory is full
    # (mem_size == capacity) so the forward is non-degenerate.
    keys = jax.random.normal(k2, (CAPACITY, KEY_DIM), dtype=jnp.float32)
    values = jax.random.normal(k3, (CAPACITY, 1), dtype=jnp.float32)
    return {"queries": queries, "keys": keys, "values": values}


def _cdist(a, b):
    # Euclidean distance matrix, equivalent to torch.cdist(a, b, p=2)
    sq = (jnp.sum(a * a, axis=1)[:, None]
          + jnp.sum(b * b, axis=1)[None, :]
          - 2.0 * (a @ b.T))
    return jnp.sqrt(jnp.maximum(sq, 1e-12))


def reference(queries, keys, values):
    # dists: (B, capacity)
    dists = _cdist(queries, keys)
    k = min(K_NEIGHBOURS, CAPACITY)  # mem_size == capacity
    # smallest-k via top_k on negated distances
    _, k_idxs = jax.lax.top_k(-dists, k)
    rows = jnp.arange(dists.shape[0])[:, None]
    mask = jnp.zeros_like(dists).at[rows, k_idxs].set(1.0)
    topk_dists = dists * mask
    topk_dists_hardsmooth = topk_dists / (topk_dists + EPS)
    ws = topk_dists_hardsmooth / K_NEIGHBOURS
    outputs = ws @ values  # (B, 1)
    return outputs

if __name__ == "__main__":
    import jax
    _d = setup_inputs()
    print(jax.jit(kernel)(*tuple(_d.values())))

</pallas_src>

<mosaic_0001>
#map = affine_map<(d0, d1) -> (0, 0)>
#map1 = affine_map<(d0, d1) -> (0)>
module attributes {stable_mosaic.version = 14 : i64} {
  func.func @_sc_select(%arg0: i32, %arg1: i32, %arg2: memref<819200x128xf32, #tpu.memory_space<hbm>>, %arg3: memref<1024x800xf32, #tpu.memory_space<hbm>>, %arg4: memref<1024xf32, #tpu.memory_space<hbm>>, %arg5: memref<102400xf32, #tpu.memory_space<hbm>>, %arg6: memref<1024xf32, #tpu.memory_space<hbm>>, %arg7: memref<2x800xf32, #tpu.memory_space<vmem>>, %arg8: memref<128xf32, #tpu.memory_space<vmem>>, %arg9: memref<640xi32, #tpu.memory_space<vmem>>, %arg10: memref<128xi32, #tpu.memory_space<vmem>>, %arg11: memref<128x128xf32, #tpu.memory_space<vmem>>, %arg12: memref<544xf32, #tpu.memory_space<vmem>>, %arg13: memref<544xi32, #tpu.memory_space<vmem>>, %arg14: memref<544xf32, #tpu.memory_space<vmem>>, %arg15: memref<32xf32, #tpu.memory_space<vmem>>, %arg16: memref<!tpu.dma_semaphore, #tpu.memory_space<semaphore_mem>>, %arg17: memref<!tpu.dma_semaphore, #tpu.memory_space<semaphore_mem>>, %arg18: memref<!tpu.dma_semaphore, #tpu.memory_space<semaphore_mem>>) attributes {dimension_semantics = [#tpu.dimension_semantics<core_parallel>, #tpu.dimension_semantics<subcore_parallel>], iteration_bounds = array<i64: 2, 16>, scalar_prefetch = 0 : i64, scratch_operands = 12 : i64, tpu.core_type = #tpu.core_type<sc_vector_subcore>, window_params = [{transform_indices = #map}, {transform_indices = #map}, {transform_indices = #map1}, {transform_indices = #map1}, {transform_indices = #map1}]} {
    %mul3A = arith.constant 2 : i32
    %mul3A_0 = arith.muli %arg1, %mul3A : i32
    %add3A = arith.addi %mul3A_0, %arg0 : i32
    %mul3A_1 = arith.constant 32 : i32
    %mul3A_2 = arith.muli %add3A, %mul3A_1 : i32
    %iota3A = tpu.iota {dimensions = array<i32: 0>} : vector<16xi32>
    %broadcast_in_dim3A = arith.constant 0x7F800000 : f32
    %broadcast_in_dim3A_3 = vector.broadcast %broadcast_in_dim3A : f32 to vector<16xf32>
    "tpu.region"() ({
      %run_scoped3A_310 = tpu.sem_alloc : memref<!tpu.dma_semaphore, #tpu.memory_space<semaphore_mem>>
      %dma_start3A = arith.constant 0 : i32
      %dma_start3A_311 = tpu.memref_slice %arg8[%dma_start3A] : memref<128xf32, #tpu.memory_space<vmem>> -> memref<32xf32, #tpu.memory_space<vmem>>
      %dma_start3A_312 = tpu.memref_slice %arg4[%mul3A_2] : memref<1024xf32, #tpu.memory_space<hbm>> -> memref<32xf32, #tpu.memory_space<hbm>>
      %dma_start3A_313 = arith.constant 0 : i32
      %dma_start3A_314 = tpu.memref_slice %arg8[%dma_start3A_313] : memref<128xf32, #tpu.memory_space<vmem>> -> memref<32xf32, #tpu.memory_space<vmem>>
      %dma_start3A_315 = tpu.memref_slice %arg4[%mul3A_2] : memref<1024xf32, #tpu.memory_space<hbm>> -> memref<32xf32, #tpu.memory_space<hbm>>
      tpu.enqueue_dma source(%dma_start3A_315 : memref<32xf32, #tpu.memory_space<hbm>>) target(%dma_start3A_314 : memref<32xf32, #tpu.memory_space<vmem>>) target_semaphore(%run_scoped3A_310 : memref<!tpu.dma_semaphore, #tpu.memory_space<semaphore_mem>>)
      %dma_wait3A = arith.constant 0 : i32
      %dma_wait3A_316 = tpu.memref_slice %arg8[%dma_wait3A] : memref<128xf32, #tpu.memory_space<vmem>> -> memref<32xf32, #tpu.memory_space<vmem>>
      %dma_wait3A_317 = tpu.memref_slice %arg4[%mul3A_2] : memref<1024xf32, #tpu.memory_space<hbm>> -> memref<32xf32, #tpu.memory_space<hbm>>
      %dma_wait3A_318 = arith.constant 0 : i32
      %dma_wait3A_319 = tpu.memref_slice %arg8[%dma_wait3A_318] : memref<128xf32, #tpu.memory_space<vmem>> -> memref<32xf32, #tpu.memory_space<vmem>>
      %dma_wait3A_320 = tpu.memref_slice %arg4[%mul3A_2] : memref<1024xf32, #tpu.memory_space<hbm>> -> memref<32xf32, #tpu.memory_space<hbm>>
      tpu.wait_dma2 semaphore(%run_scoped3A_310 : memref<!tpu.dma_semaphore, #tpu.memory_space<semaphore_mem>>) src(%dma_wait3A_320 : memref<32xf32, #tpu.memory_space<hbm>>) dst(%dma_wait3A_319 : memref<32xf32, #tpu.memory_space<vmem>>)
      tpu.yield
    }) : () -> ()
    %run_scoped3A = arith.constant 0 : i32
    "tpu.region"() ({
      %run_scoped3A_310 = tpu.sem_alloc : memref<!tpu.dma_semaphore, #tpu.memory_space<semaphore_mem>>
      %dma_start3A = arith.constant 0 : i32
      %dma_start3A_311 = tpu.memref_slice %arg7[%run_scoped3A, %dma_start3A] : memref<2x800xf32, #tpu.memory_space<vmem>> -> memref<1x800xf32, #tpu.memory_space<vmem>>
      %dma_start3A_312 = tpu.memref_squeeze %dma_start3A_311 : memref<1x800xf32, #tpu.memory_space<vmem>> -> memref<800xf32, #tpu.memory_space<vmem>>
      %dma_start3A_313 = arith.constant 0 : i32
      %dma_start3A_314 = tpu.memref_slice %arg3[%mul3A_2, %dma_start3A_313] : memref<1024x800xf32, #tpu.memory_space<hbm>> -> memref<1x800xf32, #tpu.memory_space<hbm>>
      %dma_start3A_315 = tpu.memref_squeeze %dma_start3A_314 : memref<1x800xf32, #tpu.memory_space<hbm>> -> memref<800xf32, #tpu.memory_space<hbm>>
      %dma_start3A_316 = arith.constant 0 : i32
      %dma_start3A_317 = tpu.memref_slice %arg7[%run_scoped3A, %dma_start3A_316] : memref<2x800xf32, #tpu.memory_space<vmem>> -> memref<1x800xf32, #tpu.memory_space<vmem>>
      %dma_start3A_318 = tpu.memref_squeeze %dma_start3A_317 : memref<1x800xf32, #tpu.memory_space<vmem>> -> memref<800xf32, #tpu.memory_space<vmem>>
      %dma_start3A_319 = arith.constant 0 : i32
      %dma_start3A_320 = tpu.memref_slice %arg3[%mul3A_2, %dma_start3A_319] : memref<1024x800xf32, #tpu.memory_space<hbm>> -> memref<1x800xf32, #tpu.memory_space<hbm>>
      %dma_start3A_321 = tpu.memref_squeeze %dma_start3A_320 : memref<1x800xf32, #tpu.memory_space<hbm>> -> memref<800xf32, #tpu.memory_space<hbm>>
      tpu.enqueue_dma source(%dma_start3A_321 : memref<800xf32, #tpu.memory_space<hbm>>) target(%dma_start3A_318 : memref<800xf32, #tpu.memory_space<vmem>>) target_semaphore(%run_scoped3A_310 : memref<!tpu.dma_semaphore, #tpu.memory_space<semaphore_mem>>)
      %dma_wait3A = arith.constant 0 : i32
      %dma_wait3A_322 = tpu.memref_slice %arg7[%run_scoped3A, %dma_wait3A] : memref<2x800xf32, #tpu.memory_space<vmem>> -> memref<1x800xf32, #tpu.memory_space<vmem>>
      %dma_wait3A_323 = tpu.memref_squeeze %dma_wait3A_322 : memref<1x800xf32, #tpu.memory_space<vmem>> -> memref<800xf32, #tpu.memory_space<vmem>>
      %dma_wait3A_324 = arith.constant 0 : i32
      %dma_wait3A_325 = tpu.memref_slice %arg3[%mul3A_2, %dma_wait3A_324] : memref<1024x800xf32, #tpu.memory_space<hbm>> -> memref<1x800xf32, #tpu.memory_space<hbm>>
      %dma_wait3A_326 = tpu.memref_squeeze %dma_wait3A_325 : memref<1x800xf32, #tpu.memory_space<hbm>> -> memref<800xf32, #tpu.memory_space<hbm>>
      %dma_wait3A_327 = arith.constant 0 : i32
      %dma_wait3A_328 = tpu.memref_slice %arg7[%run_scoped3A, %dma_wait3A_327] : memref<2x800xf32, #tpu.memory_space<vmem>> -> memref<1x800xf32, #tpu.memory_space<vmem>>
      %dma_wait3A_329 = tpu.memref_squeeze %dma_wait3A_328 : memref<1x800xf32, #tpu.memory_space<vmem>> -> memref<800xf32, #tpu.memory_space<vmem>>
      %dma_wait3A_330 = arith.constant 0 : i32
      %dma_wait3A_331 = tpu.memref_slice %arg3[%mul3A_2, %dma_wait3A_330] : memref<1024x800xf32, #tpu.memory_space<hbm>> -> memref<1x800xf32, #tpu.memory_space<hbm>>
      %dma_wait3A_332 = tpu.memref_squeeze %dma_wait3A_331 : memref<1x800xf32, #tpu.memory_space<hbm>> -> memref<800xf32, #tpu.memory_space<hbm>>
      tpu.wait_dma2 semaphore(%run_scoped3A_310 : memref<!tpu.dma_semaphore, #tpu.memory_space<semaphore_mem>>) src(%dma_wait3A_332 : memref<800xf32, #tpu.memory_space<hbm>>) dst(%dma_wait3A_329 : memref<800xf32, #tpu.memory_space<vmem>>)
      tpu.yield
    }) : () -> ()
    %broadcast_in_dim3A_4 = arith.constant 0 : i32
    %broadcast_in_dim3A_5 = vector.broadcast %broadcast_in_dim3A_4 : i32 to vector<16xi32>
    %swap3A = arith.constant 0 : index
    %swap3A_6 = tpu.vector_load %arg9[%swap3A] {strides = array<i32>} : memref<640xi32, #tpu.memory_space<vmem>>, vector<16xi32>,
    tpu.vector_store %arg9[%swap3A], %broadcast_in_dim3A_5 {strides = array<i32>} : memref<640xi32, #tpu.memory_space<vmem>>, vector<16xi32>,
    %broadcast_in_dim3A_7 = arith.constant 0 : i32
    %broadcast_in_dim3A_8 = vector.broadcast %broadcast_in_dim3A_7 : i32 to vector<16xi32>
    %swap3A_9 = arith.constant 16 : index
    %swap3A_10 = tpu.vector_load %arg9[%swap3A_9] {strides = array<i32>} : memref<640xi32, #tpu.memory_space<vmem>>, vector<16xi32>,
    tpu.vector_store %arg9[%swap3A_9], %broadcast_in_dim3A_8 {strides = array<i32>} : memref<640xi32, #tpu.memory_space<vmem>>, vector<16xi32>,
    %broadcast_in_dim3A_11 = arith.constant 0 : i32
    %broadcast_in_dim3A_12 = vector.broadcast %broadcast_in_dim3A_11 : i32 to vector<16xi32>
    %swap3A_13 = arith.constant 32 : index
    %swap3A_14 = tpu.vector_load %arg9[%swap3A_13] {strides = array<i32>} : memref<640xi32, #tpu.memory_space<vmem>>, vector<16xi32>,
    tpu.vector_store %arg9[%swap3A_13], %broadcast_in_dim3A_12 {strides = array<i32>} : memref<640xi32, #tpu.memory_space<vmem>>, vector<16xi32>,
    %broadcast_in_dim3A_15 = arith.constant 0 : i32
    %broadcast_in_dim3A_16 = vector.broadcast %broadcast_in_dim3A_15 : i32 to vector<16xi32>
    %swap3A_17 = arith.constant 48 : index
    %swap3A_18 = tpu.vector_load %arg9[%swap3A_17] {strides = array<i32>} : memref<640xi32, #tpu.memory_space<vmem>>, vector<16xi32>,
    tpu.vector_store %arg9[%swap3A_17], %broadcast_in_dim3A_16 {strides = array<i32>} : memref<640xi32, #tpu.memory_space<vmem>>, vector<16xi32>,
    %broadcast_in_dim3A_19 = arith.constant 0 : i32
    %broadcast_in_dim3A_20 = vector.broadcast %broadcast_in_dim3A_19 : i32 to vector<16xi32>
    %swap3A_21 = arith.constant 64 : index
    %swap3A_22 = tpu.vector_load %arg9[%swap3A_21] {strides = array<i32>} : memref<640xi32, #tpu.memory_space<vmem>>, vector<16xi32>,
    tpu.vector_store %arg9[%swap3A_21], %broadcast_in_dim3A_20 {strides = array<i32>} : memref<640xi32, #tpu.memory_space<vmem>>, vector<16xi32>,
    %broadcast_in_dim3A_23 = arith.constant 0 : i32
    %broadcast_in_dim3A_24 = vector.broadcast %broadcast_in_dim3A_23 : i32 to vector<16xi32>
    %swap3A_25 = arith.constant 80 : index
    %swap3A_26 = tpu.vector_load %arg9[%swap3A_25] {strides = array<i32>} : memref<640xi32, #tpu.memory_space<vmem>>, vector<16xi32>,
    tpu.vector_store %arg9[%swap3A_25], %broadcast_in_dim3A_24 {strides = array<i32>} : memref<640xi32, #tpu.memory_space<vmem>>, vector<16xi32>,
    %broadcast_in_dim3A_27 = arith.constant 0 : i32
    %broadcast_in_dim3A_28 = vector.broadcast %broadcast_in_dim3A_27 : i32 to vector<16xi32>
    %swap3A_29 = arith.constant 96 : index
    %swap3A_30 = tpu.vector_load %arg9[%swap3A_29] {strides = array<i32>} : memref<640xi32, #tpu.memory_space<vmem>>, vector<16xi32>,
    tpu.vector_store %arg9[%swap3A_29], %broadcast_in_dim3A_28 {strides = array<i32>} : memref<640xi32, #tpu.memory_space<vmem>>, vector<16xi32>,
    %broadcast_in_dim3A_31 = arith.constant 0 : i32
    %broadcast_in_dim3A_32 = vector.broadcast %broadcast_in_dim3A_31 : i32 to vector<16xi32>
    %swap3A_33 = arith.constant 112 : index
    %swap3A_34 = tpu.vector_load %arg9[%swap3A_33] {strides = array<i32>} : memref<640xi32, #tpu.memory_space<vmem>>, vector<16xi32>,
    tpu.vector_store %arg9[%swap3A_33], %broadcast_in_dim3A_32 {strides = array<i32>} : memref<640xi32, #tpu.memory_space<vmem>>, vector<16xi32>,
    %broadcast_in_dim3A_35 = arith.constant 0 : i32
    %broadcast_in_dim3A_36 = vector.broadcast %broadcast_in_dim3A_35 : i32 to vector<16xi32>
    %swap3A_37 = arith.constant 128 : index
    %swap3A_38 = tpu.vector_load %arg9[%swap3A_37] {strides = array<i32>} : memref<640xi32, #tpu.memory_space<vmem>>, vector<16xi32>,
    tpu.vector_store %arg9[%swap3A_37], %broadcast_in_dim3A_36 {strides = array<i32>} : memref<640xi32, #tpu.memory_space<vmem>>, vector<16xi32>,
    %broadcast_in_dim3A_39 = arith.constant 0 : i32
    %broadcast_in_dim3A_40 = vector.broadcast %broadcast_in_dim3A_39 : i32 to vector<16xi32>
    %swap3A_41 = arith.constant 144 : index
    %swap3A_42 = tpu.vector_load %arg9[%swap3A_41] {strides = array<i32>} : memref<640xi32, #tpu.memory_space<vmem>>, vector<16xi32>,
    tpu.vector_store %arg9[%swap3A_41], %broadcast_in_dim3A_40 {strides = array<i32>} : memref<640xi32, #tpu.memory_space<vmem>>, vector<16xi32>,
    %broadcast_in_dim3A_43 = arith.constant 0 : i32
    %broadcast_in_dim3A_44 = vector.broadcast %broadcast_in_dim3A_43 : i32 to vector<16xi32>
    %swap3A_45 = arith.constant 160 : index
    %swap3A_46 = tpu.vector_load %arg9[%swap3A_45] {strides = array<i32>} : memref<640xi32, #tpu.memory_space<vmem>>, vector<16xi32>,
    tpu.vector_store %arg9[%swap3A_45], %broadcast_in_dim3A_44 {strides = array<i32>} : memref<640xi32, #tpu.memory_space<vmem>>, vector<16xi32>,
    %broadcast_in_dim3A_47 = arith.constant 0 : i32
    %broadcast_in_dim3A_48 = vector.broadcast %broadcast_in_dim3A_47 : i32 to vector<16xi32>
    %swap3A_49 = arith.constant 176 : index
    %swap3A_50 = tpu.vector_load %arg9[%swap3A_49] {strides = array<i32>} : memref<640xi32, #tpu.memory_space<vmem>>, vector<16xi32>,
    tpu.vector_store %arg9[%swap3A_49], %broadcast_in_dim3A_48 {strides = array<i32>} : memref<640xi32, #tpu.memory_space<vmem>>, vector<16xi32>,
    %broadcast_in_dim3A_51 = arith.constant 0 : i32
    %broadcast_in_dim3A_52 = vector.broadcast %broadcast_in_dim3A_51 : i32 to vector<16xi32>
    %swap3A_53 = arith.constant 192 : index
    %swap3A_54 = tpu.vector_load %arg9[%swap3A_53] {strides = array<i32>} : memref<640xi32, #tpu.memory_space<vmem>>, vector<16xi32>,
    tpu.vector_store %arg9[%swap3A_53], %broadcast_in_dim3A_52 {strides = array<i32>} : memref<640xi32, #tpu.memory_space<vmem>>, vector<16xi32>,
    %broadcast_in_dim3A_55 = arith.constant 0 : i32
    %broadcast_in_dim3A_56 = vector.broadcast %broadcast_in_dim3A_55 : i32 to vector<16xi32>
    %swap3A_57 = arith.constant 208 : index
    %swap3A_58 = tpu.vector_load %arg9[%swap3A_57] {strides = array<i32>} : memref<640xi32, #tpu.memory_space<vmem>>, vector<16xi32>,
    tpu.vector_store %arg9[%swap3A_57], %broadcast_in_dim3A_56 {strides = array<i32>} : memref<640xi32, #tpu.memory_space<vmem>>, vector<16xi32>,
    %broadcast_in_dim3A_59 = arith.constant 0 : i32
    %broadcast_in_dim3A_60 = vector.broadcast %broadcast_in_dim3A_59 : i32 to vector<16xi32>
    %swap3A_61 = arith.constant 224 : index
    %swap3A_62 = tpu.vector_load %arg9[%swap3A_61] {strides = array<i32>} : memref<640xi32, #tpu.memory_space<vmem>>, vector<16xi32>,
    tpu.vector_store %arg9[%swap3A_61], %broadcast_in_dim3A_60 {strides = array<i32>} : memref<640xi32, #tpu.memory_space<vmem>>, vector<16xi32>,
    %broadcast_in_dim3A_63 = arith.constant 0 : i32
    %broadcast_in_dim3A_64 = vector.broadcast %broadcast_in_dim3A_63 : i32 to vector<16xi32>
    %swap3A_65 = arith.constant 240 : index
    %swap3A_66 = tpu.vector_load %arg9[%swap3A_65] {strides = array<i32>} : memref<640xi32, #tpu.memory_space<vmem>>, vector<16xi32>,
    tpu.vector_store %arg9[%swap3A_65], %broadcast_in_dim3A_64 {strides = array<i32>} : memref<640xi32, #tpu.memory_space<vmem>>, vector<16xi32>,
    %broadcast_in_dim3A_67 = arith.constant 0 : i32
    %broadcast_in_dim3A_68 = vector.broadcast %broadcast_in_dim3A_67 : i32 to vector<16xi32>
    %swap3A_69 = arith.constant 256 : index
    %swap3A_70 = tpu.vector_load %arg9[%swap3A_69] {strides = array<i32>} : memref<640xi32, #tpu.memory_space<vmem>>, vector<16xi32>,
    tpu.vector_store %arg9[%swap3A_69], %broadcast_in_dim3A_68 {strides = array<i32>} : memref<640xi32, #tpu.memory_space<vmem>>, vector<16xi32>,
    %broadcast_in_dim3A_71 = arith.constant 0 : i32
    %broadcast_in_dim3A_72 = vector.broadcast %broadcast_in_dim3A_71 : i32 to vector<16xi32>
    %swap3A_73 = arith.constant 272 : index
    %swap3A_74 = tpu.vector_load %arg9[%swap3A_73] {strides = array<i32>} : memref<640xi32, #tpu.memory_space<vmem>>, vector<16xi32>,
    tpu.vector_store %arg9[%swap3A_73], %broadcast_in_dim3A_72 {strides = array<i32>} : memref<640xi32, #tpu.memory_space<vmem>>, vector<16xi32>,
    %broadcast_in_dim3A_75 = arith.constant 0 : i32
    %broadcast_in_dim3A_76 = vector.broadcast %broadcast_in_dim3A_75 : i32 to vector<16xi32>
    %swap3A_77 = arith.constant 288 : index
    %swap3A_78 = tpu.vector_load %arg9[%swap3A_77] {strides = array<i32>} : memref<640xi32, #tpu.memory_space<vmem>>, vector<16xi32>,
    tpu.vector_store %arg9[%swap3A_77], %broadcast_in_dim3A_76 {strides = array<i32>} : memref<640xi32, #tpu.memory_space<vmem>>, vector<16xi32>,
    %broadcast_in_dim3A_79 = arith.constant 0 : i32
    %broadcast_in_dim3A_80 = vector.broadcast %broadcast_in_dim3A_79 : i32 to vector<16xi32>
    %swap3A_81 = arith.constant 304 : index
    %swap3A_82 = tpu.vector_load %arg9[%swap3A_81] {strides = array<i32>} : memref<640xi32, #tpu.memory_space<vmem>>, vector<16xi32>,
    tpu.vector_store %arg9[%swap3A_81], %broadcast_in_dim3A_80 {strides = array<i32>} : memref<640xi32, #tpu.memory_space<vmem>>, vector<16xi32>,
    %broadcast_in_dim3A_83 = arith.constant 0 : i32
    %broadcast_in_dim3A_84 = vector.broadcast %broadcast_in_dim3A_83 : i32 to vector<16xi32>
    %swap3A_85 = arith.constant 320 : index
    %swap3A_86 = tpu.vector_load %arg9[%swap3A_85] {strides = array<i32>} : memref<640xi32, #tpu.memory_space<vmem>>, vector<16xi32>,
    tpu.vector_store %arg9[%swap3A_85], %broadcast_in_dim3A_84 {strides = array<i32>} : memref<640xi32, #tpu.memory_space<vmem>>, vector<16xi32>,
    %broadcast_in_dim3A_87 = arith.constant 0 : i32
    %broadcast_in_dim3A_88 = vector.broadcast %broadcast_in_dim3A_87 : i32 to vector<16xi32>
    %swap3A_89 = arith.constant 336 : index
    %swap3A_90 = tpu.vector_load %arg9[%swap3A_89] {strides = array<i32>} : memref<640xi32, #tpu.memory_space<vmem>>, vector<16xi32>,
    tpu.vector_store %arg9[%swap3A_89], %broadcast_in_dim3A_88 {strides = array<i32>} : memref<640xi32, #tpu.memory_space<vmem>>, vector<16xi32>,
    %broadcast_in_dim3A_91 = arith.constant 0 : i32
    %broadcast_in_dim3A_92 = vector.broadcast %broadcast_in_dim3A_91 : i32 to vector<16xi32>
    %swap3A_93 = arith.constant 352 : index
    %swap3A_94 = tpu.vector_load %arg9[%swap3A_93] {strides = array<i32>} : memref<640xi32, #tpu.memory_space<vmem>>, vector<16xi32>,
    tpu.vector_store %arg9[%swap3A_93], %broadcast_in_dim3A_92 {strides = array<i32>} : memref<640xi32, #tpu.memory_space<vmem>>, vector<16xi32>,
    %broadcast_in_dim3A_95 = arith.constant 0 : i32
    %broadcast_in_dim3A_96 = vector.broadcast %broadcast_in_dim3A_95 : i32 to vector<16xi32>
    %swap3A_97 = arith.constant 368 : index
    %swap3A_98 = tpu.vector_load %arg9[%swap3A_97] {strides = array<i32>} : memref<640xi32, #tpu.memory_space<vmem>>, vector<16xi32>,
    tpu.vector_store %arg9[%swap3A_97], %broadcast_in_dim3A_96 {strides = array<i32>} : memref<640xi32, #tpu.memory_space<vmem>>, vector<16xi32>,
    %broadcast_in_dim3A_99 = arith.constant 0 : i32
    %broadcast_in_dim3A_100 = vector.broadcast %broadcast_in_dim3A_99 : i32 to vector<16xi32>
    %swap3A_101 = arith.constant 384 : index
    %swap3A_102 = tpu.vector_load %arg9[%swap3A_101] {strides = array<i32>} : memref<640xi32, #tpu.memory_space<vmem>>, vector<16xi32>,
    tpu.vector_store %arg9[%swap3A_101], %broadcast_in_dim3A_100 {strides = array<i32>} : memref<640xi32, #tpu.memory_space<vmem>>, vector<16xi32>,
    %broadcast_in_dim3A_103 = arith.constant 0 : i32
    %broadcast_in_dim3A_104 = vector.broadcast %broadcast_in_dim3A_103 : i32 to vector<16xi32>
    %swap3A_105 = arith.constant 400 : index
    %swap3A_106 = tpu.vector_load %arg9[%swap3A_105] {strides = array<i32>} : memref<640xi32, #tpu.memory_space<vmem>>, vector<16xi32>,
    tpu.vector_store %arg9[%swap3A_105], %broadcast_in_dim3A_104 {strides = array<i32>} : memref<640xi32, #tpu.memory_space<vmem>>, vector<16xi32>,
    %broadcast_in_dim3A_107 = arith.constant 0 : i32
    %broadcast_in_dim3A_108 = vector.broadcast %broadcast_in_dim3A_107 : i32 to vector<16xi32>
    %swap3A_109 = arith.constant 416 : index
    %swap3A_110 = tpu.vector_load %arg9[%swap3A_109] {strides = array<i32>} : memref<640xi32, #tpu.memory_space<vmem>>, vector<16xi32>,
    tpu.vector_store %arg9[%swap3A_109], %broadcast_in_dim3A_108 {strides = array<i32>} : memref<640xi32, #tpu.memory_space<vmem>>, vector<16xi32>,
    %broadcast_in_dim3A_111 = arith.constant 0 : i32
    %broadcast_in_dim3A_112 = vector.broadcast %broadcast_in_dim3A_111 : i32 to vector<16xi32>
    %swap3A_113 = arith.constant 432 : index
    %swap3A_114 = tpu.vector_load %arg9[%swap3A_113] {strides = array<i32>} : memref<640xi32, #tpu.memory_space<vmem>>, vector<16xi32>,
    tpu.vector_store %arg9[%swap3A_113], %broadcast_in_dim3A_112 {strides = array<i32>} : memref<640xi32, #tpu.memory_space<vmem>>, vector<16xi32>,
    %broadcast_in_dim3A_115 = arith.constant 0 : i32
    %broadcast_in_dim3A_116 = vector.broadcast %broadcast_in_dim3A_115 : i32 to vector<16xi32>
    %swap3A_117 = arith.constant 448 : index
    %swap3A_118 = tpu.vector_load %arg9[%swap3A_117] {strides = array<i32>} : memref<640xi32, #tpu.memory_space<vmem>>, vector<16xi32>,
    tpu.vector_store %arg9[%swap3A_117], %broadcast_in_dim3A_116 {strides = array<i32>} : memref<640xi32, #tpu.memory_space<vmem>>, vector<16xi32>,
    %broadcast_in_dim3A_119 = arith.constant 0 : i32
    %broadcast_in_dim3A_120 = vector.broadcast %broadcast_in_dim3A_119 : i32 to vector<16xi32>
    %swap3A_121 = arith.constant 464 : index
    %swap3A_122 = tpu.vector_load %arg9[%swap3A_121] {strides = array<i32>} : memref<640xi32, #tpu.memory_space<vmem>>, vector<16xi32>,
    tpu.vector_store %arg9[%swap3A_121], %broadcast_in_dim3A_120 {strides = array<i32>} : memref<640xi32, #tpu.memory_space<vmem>>, vector<16xi32>,
    %broadcast_in_dim3A_123 = arith.constant 0 : i32
    %broadcast_in_dim3A_124 = vector.broadcast %broadcast_in_dim3A_123 : i32 to vector<16xi32>
    %swap3A_125 = arith.constant 480 : index
    %swap3A_126 = tpu.vector_load %arg9[%swap3A_125] {strides = array<i32>} : memref<640xi32, #tpu.memory_space<vmem>>, vector<16xi32>,
    tpu.vector_store %arg9[%swap3A_125], %broadcast_in_dim3A_124 {strides = array<i32>} : memref<640xi32, #tpu.memory_space<vmem>>, vector<16xi32>,
    %broadcast_in_dim3A_127 = arith.constant 0 : i32
    %broadcast_in_dim3A_128 = vector.broadcast %broadcast_in_dim3A_127 : i32 to vector<16xi32>
    %swap3A_129 = arith.constant 496 : index
    %swap3A_130 = tpu.vector_load %arg9[%swap3A_129] {strides = array<i32>} : memref<640xi32, #tpu.memory_space<vmem>>, vector<16xi32>,
    tpu.vector_store %arg9[%swap3A_129], %broadcast_in_dim3A_128 {strides = array<i32>} : memref<640xi32, #tpu.memory_space<vmem>>, vector<16xi32>,
    %broadcast_in_dim3A_131 = arith.constant 0 : i32
    %broadcast_in_dim3A_132 = vector.broadcast %broadcast_in_dim3A_131 : i32 to vector<16xi32>
    %swap3A_133 = arith.constant 512 : index
    %swap3A_134 = tpu.vector_load %arg9[%swap3A_133] {strides = array<i32>} : memref<640xi32, #tpu.memory_space<vmem>>, vector<16xi32>,
    tpu.vector_store %arg9[%swap3A_133], %broadcast_in_dim3A_132 {strides = array<i32>} : memref<640xi32, #tpu.memory_space<vmem>>, vector<16xi32>,
    %broadcast_in_dim3A_135 = arith.constant 0 : i32
    %broadcast_in_dim3A_136 = vector.broadcast %broadcast_in_dim3A_135 : i32 to vector<16xi32>
    %swap3A_137 = arith.constant 528 : index
    %swap3A_138 = tpu.vector_load %arg9[%swap3A_137] {strides = array<i32>} : memref<640xi32, #tpu.memory_space<vmem>>, vector<16xi32>,
    tpu.vector_store %arg9[%swap3A_137], %broadcast_in_dim3A_136 {strides = array<i32>} : memref<640xi32, #tpu.memory_space<vmem>>, vector<16xi32>,
    %broadcast_in_dim3A_139 = arith.constant 0 : i32
    %broadcast_in_dim3A_140 = vector.broadcast %broadcast_in_dim3A_139 : i32 to vector<16xi32>
    %swap3A_141 = arith.constant 544 : index
    %swap3A_142 = tpu.vector_load %arg9[%swap3A_141] {strides = array<i32>} : memref<640xi32, #tpu.memory_space<vmem>>, vector<16xi32>,
    tpu.vector_store %arg9[%swap3A_141], %broadcast_in_dim3A_140 {strides = array<i32>} : memref<640xi32, #tpu.memory_space<vmem>>, vector<16xi32>,
    %broadcast_in_dim3A_143 = arith.constant 0 : i32
    %broadcast_in_dim3A_144 = vector.broadcast %broadcast_in_dim3A_143 : i32 to vector<16xi32>
    %swap3A_145 = arith.constant 560 : index
    %swap3A_146 = tpu.vector_load %arg9[%swap3A_145] {strides = array<i32>} : memref<640xi32, #tpu.memory_space<vmem>>, vector<16xi32>,
    tpu.vector_store %arg9[%swap3A_145], %broadcast_in_dim3A_144 {strides = array<i32>} : memref<640xi32, #tpu.memory_space<vmem>>, vector<16xi32>,
    %broadcast_in_dim3A_147 = arith.constant 0 : i32
    %broadcast_in_dim3A_148 = vector.broadcast %broadcast_in_dim3A_147 : i32 to vector<16xi32>
    %swap3A_149 = arith.constant 576 : index
    %swap3A_150 = tpu.vector_load %arg9[%swap3A_149] {strides = array<i32>} : memref<640xi32, #tpu.memory_space<vmem>>, vector<16xi32>,
    tpu.vector_store %arg9[%swap3A_149], %broadcast_in_dim3A_148 {strides = array<i32>} : memref<640xi32, #tpu.memory_space<vmem>>, vector<16xi32>,
    %broadcast_in_dim3A_151 = arith.constant 0 : i32
    %broadcast_in_dim3A_152 = vector.broadcast %broadcast_in_dim3A_151 : i32 to vector<16xi32>
    %swap3A_153 = arith.constant 592 : index
    %swap3A_154 = tpu.vector_load %arg9[%swap3A_153] {strides = array<i32>} : memref<640xi32, #tpu.memory_space<vmem>>, vector<16xi32>,
    tpu.vector_store %arg9[%swap3A_153], %broadcast_in_dim3A_152 {strides = array<i32>} : memref<640xi32, #tpu.memory_space<vmem>>, vector<16xi32>,
    %broadcast_in_dim3A_155 = arith.constant 0 : i32
    %broadcast_in_dim3A_156 = vector.broadcast %broadcast_in_dim3A_155 : i32 to vector<16xi32>
    %swap3A_157 = arith.constant 608 : index
    %swap3A_158 = tpu.vector_load %arg9[%swap3A_157] {strides = array<i32>} : memref<640xi32, #tpu.memory_space<vmem>>, vector<16xi32>,
    tpu.vector_store %arg9[%swap3A_157], %broadcast_in_dim3A_156 {strides = array<i32>} : memref<640xi32, #tpu.memory_space<vmem>>, vector<16xi32>,
    %broadcast_in_dim3A_159 = arith.constant 0 : i32
    %broadcast_in_dim3A_160 = vector.broadcast %broadcast_in_dim3A_159 : i32 to vector<16xi32>
    %swap3A_161 = arith.constant 624 : index
    %swap3A_162 = tpu.vector_load %arg9[%swap3A_161] {strides = array<i32>} : memref<640xi32, #tpu.memory_space<vmem>>, vector<16xi32>,
    tpu.vector_store %arg9[%swap3A_161], %broadcast_in_dim3A_160 {strides = array<i32>} : memref<640xi32, #tpu.memory_space<vmem>>, vector<16xi32>,
    %broadcast_in_dim3A_163 = arith.constant 0 : i32
    %broadcast_in_dim3A_164 = vector.broadcast %broadcast_in_dim3A_163 : i32 to vector<16xi32>
    %swap3A_165 = arith.constant 0 : index
    %swap3A_166 = tpu.vector_load %arg13[%swap3A_165] {strides = array<i32>} : memref<544xi32, #tpu.memory_space<vmem>>, vector<16xi32>,
    tpu.vector_store %arg13[%swap3A_165], %broadcast_in_dim3A_164 {strides = array<i32>} : memref<544xi32, #tpu.memory_space<vmem>>, vector<16xi32>,
    %broadcast_in_dim3A_167 = arith.constant 0 : i32
    %broadcast_in_dim3A_168 = vector.broadcast %broadcast_in_dim3A_167 : i32 to vector<16xi32>
    %swap3A_169 = arith.constant 16 : index
    %swap3A_170 = tpu.vector_load %arg13[%swap3A_169] {strides = array<i32>} : memref<544xi32, #tpu.memory_space<vmem>>, vector<16xi32>,
    tpu.vector_store %arg13[%swap3A_169], %broadcast_in_dim3A_168 {strides = array<i32>} : memref<544xi32, #tpu.memory_space<vmem>>, vector<16xi32>,
    %broadcast_in_dim3A_171 = arith.constant 0 : i32
    %broadcast_in_dim3A_172 = vector.broadcast %broadcast_in_dim3A_171 : i32 to vector<16xi32>
    %swap3A_173 = arith.constant 32 : index
    %swap3A_174 = tpu.vector_load %arg13[%swap3A_173] {strides = array<i32>} : memref<544xi32, #tpu.memory_space<vmem>>, vector<16xi32>,
    tpu.vector_store %arg13[%swap3A_173], %broadcast_in_dim3A_172 {strides = array<i32>} : memref<544xi32, #tpu.memory_space<vmem>>, vector<16xi32>,
    %broadcast_in_dim3A_175 = arith.constant 0 : i32
    %broadcast_in_dim3A_176 = vector.broadcast %broadcast_in_dim3A_175 : i32 to vector<16xi32>
    %swap3A_177 = arith.constant 48 : index
    %swap3A_178 = tpu.vector_load %arg13[%swap3A_177] {strides = array<i32>} : memref<544xi32, #tpu.memory_space<vmem>>, vector<16xi32>,
    tpu.vector_store %arg13[%swap3A_177], %broadcast_in_dim3A_176 {strides = array<i32>} : memref<544xi32, #tpu.memory_space<vmem>>, vector<16xi32>,
    %broadcast_in_dim3A_179 = arith.constant 0 : i32
    %broadcast_in_dim3A_180 = vector.broadcast %broadcast_in_dim3A_179 : i32 to vector<16xi32>
    %swap3A_181 = arith.constant 64 : index
    %swap3A_182 = tpu.vector_load %arg13[%swap3A_181] {strides = array<i32>} : memref<544xi32, #tpu.memory_space<vmem>>, vector<16xi32>,
    tpu.vector_store %arg13[%swap3A_181], %broadcast_in_dim3A_180 {strides = array<i32>} : memref<544xi32, #tpu.memory_space<vmem>>, vector<16xi32>,
    %broadcast_in_dim3A_183 = arith.constant 0 : i32
    %broadcast_in_dim3A_184 = vector.broadcast %broadcast_in_dim3A_183 : i32 to vector<16xi32>
    %swap3A_185 = arith.constant 80 : index
    %swap3A_186 = tpu.vector_load %arg13[%swap3A_185] {strides = array<i32>} : memref<544xi32, #tpu.memory_space<vmem>>, vector<16xi32>,
    tpu.vector_store %arg13[%swap3A_185], %broadcast_in_dim3A_184 {strides = array<i32>} : memref<544xi32, #tpu.memory_space<vmem>>, vector<16xi32>,
    %broadcast_in_dim3A_187 = arith.constant 0 : i32
    %broadcast_in_dim3A_188 = vector.broadcast %broadcast_in_dim3A_187 : i32 to vector<16xi32>
    %swap3A_189 = arith.constant 96 : index
    %swap3A_190 = tpu.vector_load %arg13[%swap3A_189] {strides = array<i32>} : memref<544xi32, #tpu.memory_space<vmem>>, vector<16xi32>,
    tpu.vector_store %arg13[%swap3A_189], %broadcast_in_dim3A_188 {strides = array<i32>} : memref<544xi32, #tpu.memory_space<vmem>>, vector<16xi32>,
    %broadcast_in_dim3A_191 = arith.constant 0 : i32
    %broadcast_in_dim3A_192 = vector.broadcast %broadcast_in_dim3A_191 : i32 to vector<16xi32>
    %swap3A_193 = arith.constant 112 : index
    %swap3A_194 = tpu.vector_load %arg13[%swap3A_193] {strides = array<i32>} : memref<544xi32, #tpu.memory_space<vmem>>, vector<16xi32>,
    tpu.vector_store %arg13[%swap3A_193], %broadcast_in_dim3A_192 {strides = array<i32>} : memref<544xi32, #tpu.memory_space<vmem>>, vector<16xi32>,
    %broadcast_in_dim3A_195 = arith.constant 0 : i32
    %broadcast_in_dim3A_196 = vector.broadcast %broadcast_in_dim3A_195 : i32 to vector<16xi32>
    %swap3A_197 = arith.constant 128 : index
    %swap3A_198 = tpu.vector_load %arg13[%swap3A_197] {strides = array<i32>} : memref<544xi32, #tpu.memory_space<vmem>>, vector<16xi32>,
    tpu.vector_store %arg13[%swap3A_197], %broadcast_in_dim3A_196 {strides = array<i32>} : memref<544xi32, #tpu.memory_space<vmem>>, vector<16xi32>,
    %broadcast_in_dim3A_199 = arith.constant 0 : i32
    %broadcast_in_dim3A_200 = vector.broadcast %broadcast_in_dim3A_199 : i32 to vector<16xi32>
    %swap3A_201 = arith.constant 144 : index
    %swap3A_202 = tpu.vector_load %arg13[%swap3A_201] {strides = array<i32>} : memref<544xi32, #tpu.memory_space<vmem>>, vector<16xi32>,
    tpu.vector_store %arg13[%swap3A_201], %broadcast_in_dim3A_200 {strides = array<i32>} : memref<544xi32, #tpu.memory_space<vmem>>, vector<16xi32>,
    %broadcast_in_dim3A_203 = arith.constant 0 : i32
    %broadcast_in_dim3A_204 = vector.broadcast %broadcast_in_dim3A_203 : i32 to vector<16xi32>
    %swap3A_205 = arith.constant 160 : index
    %swap3A_206 = tpu.vector_load %arg13[%swap3A_205] {strides = array<i32>} : memref<544xi32, #tpu.memory_space<vmem>>, vector<16xi32>,
    tpu.vector_store %arg13[%swap3A_205], %broadcast_in_dim3A_204 {strides = array<i32>} : memref<544xi32, #tpu.memory_space<vmem>>, vector<16xi32>,
    %broadcast_in_dim3A_207 = arith.constant 0 : i32
    %broadcast_in_dim3A_208 = vector.broadcast %broadcast_in_dim3A_207 : i32 to vector<16xi32>
    %swap3A_209 = arith.constant 176 : index
    %swap3A_210 = tpu.vector_load %arg13[%swap3A_209] {strides = array<i32>} : memref<544xi32, #tpu.memory_space<vmem>>, vector<16xi32>,
    tpu.vector_store %arg13[%swap3A_209], %broadcast_in_dim3A_208 {strides = array<i32>} : memref<544xi32, #tpu.memory_space<vmem>>, vector<16xi32>,
    %broadcast_in_dim3A_211 = arith.constant 0 : i32
    %broadcast_in_dim3A_212 = vector.broadcast %broadcast_in_dim3A_211 : i32 to vector<16xi32>
    %swap3A_213 = arith.constant 192 : index
    %swap3A_214 = tpu.vector_load %arg13[%swap3A_213] {strides = array<i32>} : memref<544xi32, #tpu.memory_space<vmem>>, vector<16xi32>,
    tpu.vector_store %arg13[%swap3A_213], %broadcast_in_dim3A_212 {strides = array<i32>} : memref<544xi32, #tpu.memory_space<vmem>>, vector<16xi32>,
    %broadcast_in_dim3A_215 = arith.constant 0 : i32
    %broadcast_in_dim3A_216 = vector.broadcast %broadcast_in_dim3A_215 : i32 to vector<16xi32>
    %swap3A_217 = arith.constant 208 : index
    %swap3A_218 = tpu.vector_load %arg13[%swap3A_217] {strides = array<i32>} : memref<544xi32, #tpu.memory_space<vmem>>, vector<16xi32>,
    tpu.vector_store %arg13[%swap3A_217], %broadcast_in_dim3A_216 {strides = array<i32>} : memref<544xi32, #tpu.memory_space<vmem>>, vector<16xi32>,
    %broadcast_in_dim3A_219 = arith.constant 0 : i32
    %broadcast_in_dim3A_220 = vector.broadcast %broadcast_in_dim3A_219 : i32 to vector<16xi32>
    %swap3A_221 = arith.constant 224 : index
    %swap3A_222 = tpu.vector_load %arg13[%swap3A_221] {strides = array<i32>} : memref<544xi32, #tpu.memory_space<vmem>>, vector<16xi32>,
    tpu.vector_store %arg13[%swap3A_221], %broadcast_in_dim3A_220 {strides = array<i32>} : memref<544xi32, #tpu.memory_space<vmem>>, vector<16xi32>,
    %broadcast_in_dim3A_223 = arith.constant 0 : i32
    %broadcast_in_dim3A_224 = vector.broadcast %broadcast_in_dim3A_223 : i32 to vector<16xi32>
    %swap3A_225 = arith.constant 240 : index
    %swap3A_226 = tpu.vector_load %arg13[%swap3A_225] {strides = array<i32>} : memref<544xi32, #tpu.memory_space<vmem>>, vector<16xi32>,
    tpu.vector_store %arg13[%swap3A_225], %broadcast_in_dim3A_224 {strides = array<i32>} : memref<544xi32, #tpu.memory_space<vmem>>, vector<16xi32>,
    %broadcast_in_dim3A_227 = arith.constant 0 : i32
    %broadcast_in_dim3A_228 = vector.broadcast %broadcast_in_dim3A_227 : i32 to vector<16xi32>
    %swap3A_229 = arith.constant 256 : index
    %swap3A_230 = tpu.vector_load %arg13[%swap3A_229] {strides = array<i32>} : memref<544xi32, #tpu.memory_space<vmem>>, vector<16xi32>,
    tpu.vector_store %arg13[%swap3A_229], %broadcast_in_dim3A_228 {strides = array<i32>} : memref<544xi32, #tpu.memory_space<vmem>>, vector<16xi32>,
    %broadcast_in_dim3A_231 = arith.constant 0 : i32
    %broadcast_in_dim3A_232 = vector.broadcast %broadcast_in_dim3A_231 : i32 to vector<16xi32>
    %swap3A_233 = arith.constant 272 : index
    %swap3A_234 = tpu.vector_load %arg13[%swap3A_233] {strides = array<i32>} : memref<544xi32, #tpu.memory_space<vmem>>, vector<16xi32>,
    tpu.vector_store %arg13[%swap3A_233], %broadcast_in_dim3A_232 {strides = array<i32>} : memref<544xi32, #tpu.memory_space<vmem>>, vector<16xi32>,
    %broadcast_in_dim3A_235 = arith.constant 0 : i32
    %broadcast_in_dim3A_236 = vector.broadcast %broadcast_in_dim3A_235 : i32 to vector<16xi32>
    %swap3A_237 = arith.constant 288 : index
    %swap3A_238 = tpu.vector_load %arg13[%swap3A_237] {strides = array<i32>} : memref<544xi32, #tpu.memory_space<vmem>>, vector<16xi32>,
    tpu.vector_store %arg13[%swap3A_237], %broadcast_in_dim3A_236 {strides = array<i32>} : memref<544xi32, #tpu.memory_space<vmem>>, vector<16xi32>,
    %broadcast_in_dim3A_239 = arith.constant 0 : i32
    %broadcast_in_dim3A_240 = vector.broadcast %broadcast_in_dim3A_239 : i32 to vector<16xi32>
    %swap3A_241 = arith.constant 304 : index
    %swap3A_242 = tpu.vector_load %arg13[%swap3A_241] {strides = array<i32>} : memref<544xi32, #tpu.memory_space<vmem>>, vector<16xi32>,
    tpu.vector_store %arg13[%swap3A_241], %broadcast_in_dim3A_240 {strides = array<i32>} : memref<544xi32, #tpu.memory_space<vmem>>, vector<16xi32>,
    %broadcast_in_dim3A_243 = arith.constant 0 : i32
    %broadcast_in_dim3A_244 = vector.broadcast %broadcast_in_dim3A_243 : i32 to vector<16xi32>
    %swap3A_245 = arith.constant 320 : index
    %swap3A_246 = tpu.vector_load %arg13[%swap3A_245] {strides = array<i32>} : memref<544xi32, #tpu.memory_space<vmem>>, vector<16xi32>,
    tpu.vector_store %arg13[%swap3A_245], %broadcast_in_dim3A_244 {strides = array<i32>} : memref<544xi32, #tpu.memory_space<vmem>>, vector<16xi32>,
    %broadcast_in_dim3A_247 = arith.constant 0 : i32
    %broadcast_in_dim3A_248 = vector.broadcast %broadcast_in_dim3A_247 : i32 to vector<16xi32>
    %swap3A_249 = arith.constant 336 : index
    %swap3A_250 = tpu.vector_load %arg13[%swap3A_249] {strides = array<i32>} : memref<544xi32, #tpu.memory_space<vmem>>, vector<16xi32>,
    tpu.vector_store %arg13[%swap3A_249], %broadcast_in_dim3A_248 {strides = array<i32>} : memref<544xi32, #tpu.memory_space<vmem>>, vector<16xi32>,
    %broadcast_in_dim3A_251 = arith.constant 0 : i32
    %broadcast_in_dim3A_252 = vector.broadcast %broadcast_in_dim3A_251 : i32 to vector<16xi32>
    %swap3A_253 = arith.constant 352 : index
    %swap3A_254 = tpu.vector_load %arg13[%swap3A_253] {strides = array<i32>} : memref<544xi32, #tpu.memory_space<vmem>>, vector<16xi32>,
    tpu.vector_store %arg13[%swap3A_253], %broadcast_in_dim3A_252 {strides = array<i32>} : memref<544xi32, #tpu.memory_space<vmem>>, vector<16xi32>,
    %broadcast_in_dim3A_255 = arith.constant 0 : i32
    %broadcast_in_dim3A_256 = vector.broadcast %broadcast_in_dim3A_255 : i32 to vector<16xi32>
    %swap3A_257 = arith.constant 368 : index
    %swap3A_258 = tpu.vector_load %arg13[%swap3A_257] {strides = array<i32>} : memref<544xi32, #tpu.memory_space<vmem>>, vector<16xi32>,
    tpu.vector_store %arg13[%swap3A_257], %broadcast_in_dim3A_256 {strides = array<i32>} : memref<544xi32, #tpu.memory_space<vmem>>, vector<16xi32>,
    %broadcast_in_dim3A_259 = arith.constant 0 : i32
    %broadcast_in_dim3A_260 = vector.broadcast %broadcast_in_dim3A_259 : i32 to vector<16xi32>
    %swap3A_261 = arith.constant 384 : index
    %swap3A_262 = tpu.vector_load %arg13[%swap3A_261] {strides = array<i32>} : memref<544xi32, #tpu.memory_space<vmem>>, vector<16xi32>,
    tpu.vector_store %arg13[%swap3A_261], %broadcast_in_dim3A_260 {strides = array<i32>} : memref<544xi32, #tpu.memory_space<vmem>>, vector<16xi32>,
    %broadcast_in_dim3A_263 = arith.constant 0 : i32
    %broadcast_in_dim3A_264 = vector.broadcast %broadcast_in_dim3A_263 : i32 to vector<16xi32>
    %swap3A_265 = arith.constant 400 : index
    %swap3A_266 = tpu.vector_load %arg13[%swap3A_265] {strides = array<i32>} : memref<544xi32, #tpu.memory_space<vmem>>, vector<16xi32>,
    tpu.vector_store %arg13[%swap3A_265], %broadcast_in_dim3A_264 {strides = array<i32>} : memref<544xi32, #tpu.memory_space<vmem>>, vector<16xi32>,
    %broadcast_in_dim3A_267 = arith.constant 0 : i32
    %broadcast_in_dim3A_268 = vector.broadcast %broadcast_in_dim3A_267 : i32 to vector<16xi32>
    %swap3A_269 = arith.constant 416 : index
    %swap3A_270 = tpu.vector_load %arg13[%swap3A_269] {strides = array<i32>} : memref<544xi32, #tpu.memory_space<vmem>>, vector<16xi32>,
    tpu.vector_store %arg13[%swap3A_269], %broadcast_in_dim3A_268 {strides = array<i32>} : memref<544xi32, #tpu.memory_space<vmem>>, vector<16xi32>,
    %broadcast_in_dim3A_271 = arith.constant 0 : i32
    %broadcast_in_dim3A_272 = vector.broadcast %broadcast_in_dim3A_271 : i32 to vector<16xi32>
    %swap3A_273 = arith.constant 432 : index
    %swap3A_274 = tpu.vector_load %arg13[%swap3A_273] {strides = array<i32>} : memref<544xi32, #tpu.memory_space<vmem>>, vector<16xi32>,
    tpu.vector_store %arg13[%swap3A_273], %broadcast_in_dim3A_272 {strides = array<i32>} : memref<544xi32, #tpu.memory_space<vmem>>, vector<16xi32>,
    %broadcast_in_dim3A_275 = arith.constant 0 : i32
    %broadcast_in_dim3A_276 = vector.broadcast %broadcast_in_dim3A_275 : i32 to vector<16xi32>
    %swap3A_277 = arith.constant 448 : index
    %swap3A_278 = tpu.vector_load %arg13[%swap3A_277] {strides = array<i32>} : memref<544xi32, #tpu.memory_space<vmem>>, vector<16xi32>,
    tpu.vector_store %arg13[%swap3A_277], %broadcast_in_dim3A_276 {strides = array<i32>} : memref<544xi32, #tpu.memory_space<vmem>>, vector<16xi32>,
    %broadcast_in_dim3A_279 = arith.constant 0 : i32
    %broadcast_in_dim3A_280 = vector.broadcast %broadcast_in_dim3A_279 : i32 to vector<16xi32>
    %swap3A_281 = arith.constant 464 : index
    %swap3A_282 = tpu.vector_load %arg13[%swap3A_281] {strides = array<i32>} : memref<544xi32, #tpu.memory_space<vmem>>, vector<16xi32>,
    tpu.vector_store %arg13[%swap3A_281], %broadcast_in_dim3A_280 {strides = array<i32>} : memref<544xi32, #tpu.memory_space<vmem>>, vector<16xi32>,
    %broadcast_in_dim3A_283 = arith.constant 0 : i32
    %broadcast_in_dim3A_284 = vector.broadcast %broadcast_in_dim3A_283 : i32 to vector<16xi32>
    %swap3A_285 = arith.constant 480 : index
    %swap3A_286 = tpu.vector_load %arg13[%swap3A_285] {strides = array<i32>} : memref<544xi32, #tpu.memory_space<vmem>>, vector<16xi32>,
    tpu.vector_store %arg13[%swap3A_285], %broadcast_in_dim3A_284 {strides = array<i32>} : memref<544xi32, #tpu.memory_space<vmem>>, vector<16xi32>,
    %broadcast_in_dim3A_287 = arith.constant 0 : i32
    %broadcast_in_dim3A_288 = vector.broadcast %broadcast_in_dim3A_287 : i32 to vector<16xi32>
    %swap3A_289 = arith.constant 496 : index
    %swap3A_290 = tpu.vector_load %arg13[%swap3A_289] {strides = array<i32>} : memref<544xi32, #tpu.memory_space<vmem>>, vector<16xi32>,
    tpu.vector_store %arg13[%swap3A_289], %broadcast_in_dim3A_288 {strides = array<i32>} : memref<544xi32, #tpu.memory_space<vmem>>, vector<16xi32>,
    %broadcast_in_dim3A_291 = arith.constant 0 : i32
    %broadcast_in_dim3A_292 = vector.broadcast %broadcast_in_dim3A_291 : i32 to vector<16xi32>
    %swap3A_293 = arith.constant 512 : index
    %swap3A_294 = tpu.vector_load %arg13[%swap3A_293] {strides = array<i32>} : memref<544xi32, #tpu.memory_space<vmem>>, vector<16xi32>,
    tpu.vector_store %arg13[%swap3A_293], %broadcast_in_dim3A_292 {strides = array<i32>} : memref<544xi32, #tpu.memory_space<vmem>>, vector<16xi32>,
    %broadcast_in_dim3A_295 = arith.constant 0 : i32
    %broadcast_in_dim3A_296 = vector.broadcast %broadcast_in_dim3A_295 : i32 to vector<16xi32>
    %swap3A_297 = arith.constant 528 : index
    %swap3A_298 = tpu.vector_load %arg13[%swap3A_297] {strides = array<i32>} : memref<544xi32, #tpu.memory_space<vmem>>, vector<16xi32>,
    tpu.vector_store %arg13[%swap3A_297], %broadcast_in_dim3A_296 {strides = array<i32>} : memref<544xi32, #tpu.memory_space<vmem>>, vector<16xi32>,
    %broadcast_in_dim3A_299 = arith.constant 0.000000e+00 : f32
    %broadcast_in_dim3A_300 = vector.broadcast %broadcast_in_dim3A_299 : f32 to vector<16xf32>
    %scan3A = arith.constant 0 : i32
    %scan3A_301 = arith.constant 32 : i32
    %scan3A_302 = arith.addi %scan3A, %scan3A_301 : i32
    %scan3A_303 = arith.constant 1 : i32
    %scan3A_304:2 = scf.for %scan3A_310 = %scan3A to %scan3A_302 step %scan3A_303 iter_args(%scan3A_311 = %broadcast_in_dim3A_300, %scan3A_312 = %broadcast_in_dim3A_300) -> (vector<16xf32>, vector<16xf32>)  : i32 {
      %add3A_313 = arith.addi %mul3A_2, %scan3A_310 : i32
      %and3A = arith.constant 1 : i32
      %and3A_314 = arith.andi %scan3A_310, %and3A : i32
      %add3A_315 = arith.constant 1 : i32
      %add3A_316 = arith.addi %scan3A_310, %add3A_315 : i32
      %min3A = arith.constant 31 : i32
      %min3A_317 = arith.minsi %add3A_316, %min3A : i32
      %add3A_318 = arith.addi %mul3A_2, %min3A_317 : i32
      %sub3A = arith.constant 1 : i32
      %sub3A_319 = arith.subi %sub3A, %and3A_314 : i32
      %dma_start3A = arith.constant 0 : i32
      %dma_start3A_320 = tpu.memref_slice %arg7[%sub3A_319, %dma_start3A] : memref<2x800xf32, #tpu.memory_space<vmem>> -> memref<1x800xf32, #tpu.memory_space<vmem>>
      %dma_start3A_321 = tpu.memref_squeeze %dma_start3A_320 : memref<1x800xf32, #tpu.memory_space<vmem>> -> memref<800xf32, #tpu.memory_space<vmem>>
      %dma_start3A_322 = arith.constant 0 : i32
      %dma_start3A_323 = tpu.memref_slice %arg3[%add3A_318, %dma_start3A_322] : memref<1024x800xf32, #tpu.memory_space<hbm>> -> memref<1x800xf32, #tpu.memory_space<hbm>>
      %dma_start3A_324 = tpu.memref_squeeze %dma_start3A_323 : memref<1x800xf32, #tpu.memory_space<hbm>> -> memref<800xf32, #tpu.memory_space<hbm>>
      %dma_start3A_325 = arith.constant 0 : i32
      %dma_start3A_326 = tpu.memref_slice %arg7[%sub3A_319, %dma_start3A_325] : memref<2x800xf32, #tpu.memory_space<vmem>> -> memref<1x800xf32, #tpu.memory_space<vmem>>
      %dma_start3A_327 = tpu.memref_squeeze %dma_start3A_326 : memref<1x800xf32, #tpu.memory_space<vmem>> -> memref<800xf32, #tpu.memory_space<vmem>>
      %dma_start3A_328 = arith.constant 0 : i32
      %dma_start3A_329 = tpu.memref_slice %arg3[%add3A_318, %dma_start3A_328] : memref<1024x800xf32, #tpu.memory_space<hbm>> -> memref<1x800xf32, #tpu.memory_space<hbm>>
      %dma_start3A_330 = tpu.memref_squeeze %dma_start3A_329 : memref<1x800xf32, #tpu.memory_space<hbm>> -> memref<800xf32, #tpu.memory_space<hbm>>
      tpu.enqueue_dma source(%dma_start3A_330 : memref<800xf32, #tpu.memory_space<hbm>>) target(%dma_start3A_327 : memref<800xf32, #tpu.memory_space<vmem>>) target_semaphore(%arg18 : memref<!tpu.dma_semaphore, #tpu.memory_space<semaphore_mem>>)
      %get3A = arith.constant 0 : index
      %get3A_331 = tpu.vector_load %arg8[%get3A] {strides = array<i32>} : memref<128xf32, #tpu.memory_space<vmem>>, vector<16xf32>,
      %get3A_332 = arith.constant 16 : index
      %get3A_333 = tpu.vector_load %arg8[%get3A_332] {strides = array<i32>} : memref<128xf32, #tpu.memory_space<vmem>>, vector<16xf32>,
      %broadcast_in_dim3A_334 = vector.broadcast %scan3A_310 : i32 to vector<16xi32>
      %lt3A = arith.constant 16 : i32
      %lt3A_335 = vector.broadcast %lt3A : i32 to vector<16xi32>
      %lt3A_336 = arith.cmpi slt, %broadcast_in_dim3A_334, %lt3A_335 : vector<16xi32>
      %select_n3A = arith.select %lt3A_336, %get3A_331, %get3A_333 : vector<16xi1>, vector<16xf32>
      %and3A_337 = arith.constant 15 : i32
      %and3A_338 = vector.broadcast %and3A_337 : i32 to vector<16xi32>
      %and3A_339 = arith.andi %broadcast_in_dim3A_334, %and3A_338 : vector<16xi32>
      %broadcast_in_dim3A_340 = vector.shape_cast %and3A_339 : vector<16xi32> to vector<16x1xi32>
      %gather3A = vector.shape_cast %broadcast_in_dim3A_340 : vector<16x1xi32> to vector<16xi32>
      %gather3A_341 = tpu.dynamic_gather %select_n3A[%gather3A] in [0] : vector<16xf32>, vector<16xi32> -> vector<16xf32>
      %get3A_342 = arith.index_cast %and3A_314 : i32 to index
      %get3A_343 = arith.constant 0 : index
      %get3A_344 = tpu.vector_load %arg7[%get3A_342, %get3A_343] {strides = array<i32>} : memref<2x800xf32, #tpu.memory_space<vmem>>, vector<16xf32>,
      %le3A = arith.cmpf ole, %get3A_344, %gather3A_341 : vector<16xf32>
      %min3A_345 = arith.constant 0 : i32
      %min3A_346 = arith.constant 624 : i32
      %min3A_347 = arith.minsi %min3A_345, %min3A_346 : i32
      %add3A_348 = arith.constant 0 : i32
      %add3A_349 = vector.broadcast %add3A_348 : i32 to vector<16xi32>
      %add3A_350 = arith.addi %iota3A, %add3A_349 : vector<16xi32>
      %swap3A_351 = arith.index_cast %min3A_347 : i32 to index
      %swap3A_352 = tpu.vector_load %arg9[%swap3A_351] masked %le3A {strides = array<i32>} : memref<640xi32, #tpu.memory_space<vmem>>, vector<16xi32>, vector<16xi1>
      tpu.vector_store %arg9[%swap3A_351], %add3A_350 masked %le3A {strides = array<i32>} : memref<640xi32, #tpu.memory_space<vmem>>, vector<16xi32>, vector<16xi1>
      %all_reduce_population_count3A = tpu.all_reduce %le3A {dim = 0 : i64, kind = #tpu.reduction_kind<sum>} : vector<16xi1> -> vector<16xi32>
      %slice3A = vector.extract_strided_slice %all_reduce_population_count3A {offsets = [0], sizes = [1], strides = [1]} : vector<16xi32> to vector<1xi32>
      %squeeze3A = vector.extract %slice3A[0] : i32 from vector<1xi32>
      %add3A_353 = arith.constant 0 : i32
      %add3A_354 = arith.addi %add3A_353, %squeeze3A : i32
      %get3A_355 = arith.index_cast %and3A_314 : i32 to index
      %get3A_356 = arith.constant 16 : index
      %get3A_357 = tpu.vector_load %arg7[%get3A_355, %get3A_356] {strides = array<i32>} : memref<2x800xf32, #tpu.memory_space<vmem>>, vector<16xf32>,
      %le3A_358 = arith.cmpf ole, %get3A_357, %gather3A_341 : vector<16xf32>
      %min3A_359 = arith.constant 624 : i32
      %min3A_360 = arith.minsi %add3A_354, %min3A_359 : i32
      %add3A_361 = arith.constant 16 : i32
      %add3A_362 = vector.broadcast %add3A_361 : i32 to vector<16xi32>
      %add3A_363 = arith.addi %iota3A, %add3A_362 : vector<16xi32>
      %swap3A_364 = arith.index_cast %min3A_360 : i32 to index
      %swap3A_365 = tpu.vector_load %arg9[%swap3A_364] masked %le3A_358 {strides = array<i32>} : memref<640xi32, #tpu.memory_space<vmem>>, vector<16xi32>, vector<16xi1>
      tpu.vector_store %arg9[%swap3A_364], %add3A_363 masked %le3A_358 {strides = array<i32>} : memref<640xi32, #tpu.memory_space<vmem>>, vector<16xi32>, vector<16xi1>
      %all_reduce_population_count3A_366 = tpu.all_reduce %le3A_358 {dim = 0 : i64, kind = #tpu.reduction_kind<sum>} : vector<16xi1> -> vector<16xi32>
      %slice3A_367 = vector.extract_strided_slice %all_reduce_population_count3A_366 {offsets = [0], sizes = [1], strides = [1]} : vector<16xi32> to vector<1xi32>
      %squeeze3A_368 = vector.extract %slice3A_367[0] : i32 from vector<1xi32>
      %add3A_369 = arith.addi %add3A_354, %squeeze3A_368 : i32
      %get3A_370 = arith.index_cast %and3A_314 : i32 to index
      %get3A_371 = arith.constant 32 : index
      %get3A_372 = tpu.vector_load %arg7[%get3A_370, %get3A_371] {strides = array<i32>} : memref<2x800xf32, #tpu.memory_space<vmem>>, vector<16xf32>,
      %le3A_373 = arith.cmpf ole, %get3A_372, %gather3A_341 : vector<16xf32>
      %min3A_374 = arith.constant 624 : i32
      %min3A_375 = arith.minsi %add3A_369, %min3A_374 : i32
      %add3A_376 = arith.constant 32 : i32
      %add3A_377 = vector.broadcast %add3A_376 : i32 to vector<16xi32>
      %add3A_378 = arith.addi %iota3A, %add3A_377 : vector<16xi32>
      %swap3A_379 = arith.index_cast %min3A_375 : i32 to index
      %swap3A_380 = tpu.vector_load %arg9[%swap3A_379] masked %le3A_373 {strides = array<i32>} : memref<640xi32, #tpu.memory_space<vmem>>, vector<16xi32>, vector<16xi1>
      tpu.vector_store %arg9[%swap3A_379], %add3A_378 masked %le3A_373 {strides = array<i32>} : memref<640xi32, #tpu.memory_space<vmem>>, vector<16xi32>, vector<16xi1>
      %all_reduce_population_count3A_381 = tpu.all_reduce %le3A_373 {dim = 0 : i64, kind = #tpu.reduction_kind<sum>} : vector<16xi1> -> vector<16xi32>
      %slice3A_382 = vector.extract_strided_slice %all_reduce_population_count3A_381 {offsets = [0], sizes = [1], strides = [1]} : vector<16xi32> to vector<1xi32>
      %squeeze3A_383 = vector.extract %slice3A_382[0] : i32 from vector<1xi32>
      %add3A_384 = arith.addi %add3A_369, %squeeze3A_383 : i32
      %get3A_385 = arith.index_cast %and3A_314 : i32 to index
      %get3A_386 = arith.constant 48 : index
      %get3A_387 = tpu.vector_load %arg7[%get3A_385, %get3A_386] {strides = array<i32>} : memref<2x800xf32, #tpu.memory_space<vmem>>, vector<16xf32>,
      %le3A_388 = arith.cmpf ole, %get3A_387, %gather3A_341 : vector<16xf32>
      %min3A_389 = arith.constant 624 : i32
      %min3A_390 = arith.minsi %add3A_384, %min3A_389 : i32
      %add3A_391 = arith.constant 48 : i32
      %add3A_392 = vector.broadcast %add3A_391 : i32 to vector<16xi32>
      %add3A_393 = arith.addi %iota3A, %add3A_392 : vector<16xi32>
      %swap3A_394 = arith.index_cast %min3A_390 : i32 to index
      %swap3A_395 = tpu.vector_load %arg9[%swap3A_394] masked %le3A_388 {strides = array<i32>} : memref<640xi32, #tpu.memory_space<vmem>>, vector<16xi32>, vector<16xi1>
      tpu.vector_store %arg9[%swap3A_394], %add3A_393 masked %le3A_388 {strides = array<i32>} : memref<640xi32, #tpu.memory_space<vmem>>, vector<16xi32>, vector<16xi1>
      %all_reduce_population_count3A_396 = tpu.all_reduce %le3A_388 {dim = 0 : i64, kind = #tpu.reduction_kind<sum>} : vector<16xi1> -> vector<16xi32>
      %slice3A_397 = vector.extract_strided_slice %all_reduce_population_count3A_396 {offsets = [0], sizes = [1], strides = [1]} : vector<16xi32> to vector<1xi32>
      %squeeze3A_398 = vector.extract %slice3A_397[0] : i32 from vector<1xi32>
      %add3A_399 = arith.addi %add3A_384, %squeeze3A_398 : i32
      %get3A_400 = arith.index_cast %and3A_314 : i32 to index
      %get3A_401 = arith.constant 64 : index
      %get3A_402 = tpu.vector_load %arg7[%get3A_400, %get3A_401] {strides = array<i32>} : memref<2x800xf32, #tpu.memory_space<vmem>>, vector<16xf32>,
      %le3A_403 = arith.cmpf ole, %get3A_402, %gather3A_341 : vector<16xf32>
      %min3A_404 = arith.constant 624 : i32
      %min3A_405 = arith.minsi %add3A_399, %min3A_404 : i32
      %add3A_406 = arith.constant 64 : i32
      %add3A_407 = vector.broadcast %add3A_406 : i32 to vector<16xi32>
      %add3A_408 = arith.addi %iota3A, %add3A_407 : vector<16xi32>
      %swap3A_409 = arith.index_cast %min3A_405 : i32 to index
      %swap3A_410 = tpu.vector_load %arg9[%swap3A_409] masked %le3A_403 {strides = array<i32>} : memref<640xi32, #tpu.memory_space<vmem>>, vector<16xi32>, vector<16xi1>
      tpu.vector_store %arg9[%swap3A_409], %add3A_408 masked %le3A_403 {strides = array<i32>} : memref<640xi32, #tpu.memory_space<vmem>>, vector<16xi32>, vector<16xi1>
      %all_reduce_population_count3A_411 = tpu.all_reduce %le3A_403 {dim = 0 : i64, kind = #tpu.reduction_kind<sum>} : vector<16xi1> -> vector<16xi32>
      %slice3A_412 = vector.extract_strided_slice %all_reduce_population_count3A_411 {offsets = [0], sizes = [1], strides = [1]} : vector<16xi32> to vector<1xi32>
      %squeeze3A_413 = vector.extract %slice3A_412[0] : i32 from vector<1xi32>
      %add3A_414 = arith.addi %add3A_399, %squeeze3A_413 : i32
      %get3A_415 = arith.index_cast %and3A_314 : i32 to index
      %get3A_416 = arith.constant 80 : index
      %get3A_417 = tpu.vector_load %arg7[%get3A_415, %get3A_416] {strides = array<i32>} : memref<2x800xf32, #tpu.memory_space<vmem>>, vector<16xf32>,
      %le3A_418 = arith.cmpf ole, %get3A_417, %gather3A_341 : vector<16xf32>
      %min3A_419 = arith.constant 624 : i32
      %min3A_420 = arith.minsi %add3A_414, %min3A_419 : i32
      %add3A_421 = arith.constant 80 : i32
      %add3A_422 = vector.broadcast %add3A_421 : i32 to vector<16xi32>
      %add3A_423 = arith.addi %iota3A, %add3A_422 : vector<16xi32>
      %swap3A_424 = arith.index_cast %min3A_420 : i32 to index
      %swap3A_425 = tpu.vector_load %arg9[%swap3A_424] masked %le3A_418 {strides = array<i32>} : memref<640xi32, #tpu.memory_space<vmem>>, vector<16xi32>, vector<16xi1>
      tpu.vector_store %arg9[%swap3A_424], %add3A_423 masked %le3A_418 {strides = array<i32>} : memref<640xi32, #tpu.memory_space<vmem>>, vector<16xi32>, vector<16xi1>
      %all_reduce_population_count3A_426 = tpu.all_reduce %le3A_418 {dim = 0 : i64, kind = #tpu.reduction_kind<sum>} : vector<16xi1> -> vector<16xi32>
      %slice3A_427 = vector.extract_strided_slice %all_reduce_population_count3A_426 {offsets = [0], sizes = [1], strides = [1]} : vector<16xi32> to vector<1xi32>
      %squeeze3A_428 = vector.extract %slice3A_427[0] : i32 from vector<1xi32>
      %add3A_429 = arith.addi %add3A_414, %squeeze3A_428 : i32
      %get3A_430 = arith.index_cast %and3A_314 : i32 to index
      %get3A_431 = arith.constant 96 : index
      %get3A_432 = tpu.vector_load %arg7[%get3A_430, %get3A_431] {strides = array<i32>} : memref<2x800xf32, #tpu.memory_space<vmem>>, vector<16xf32>,
      %le3A_433 = arith.cmpf ole, %get3A_432, %gather3A_341 : vector<16xf32>
      %min3A_434 = arith.constant 624 : i32
      %min3A_435 = arith.minsi %add3A_429, %min3A_434 : i32
      %add3A_436 = arith.constant 96 : i32
      %add3A_437 = vector.broadcast %add3A_436 : i32 to vector<16xi32>
      %add3A_438 = arith.addi %iota3A, %add3A_437 : vector<16xi32>
      %swap3A_439 = arith.index_cast %min3A_435 : i32 to index
      %swap3A_440 = tpu.vector_load %arg9[%swap3A_439] masked %le3A_433 {strides = array<i32>} : memref<640xi32, #tpu.memory_space<vmem>>, vector<16xi32>, vector<16xi1>
      tpu.vector_store %arg9[%swap3A_439], %add3A_438 masked %le3A_433 {strides = array<i32>} : memref<640xi32, #tpu.memory_space<vmem>>, vector<16xi32>, vector<16xi1>
      %all_reduce_population_count3A_441 = tpu.all_reduce %le3A_433 {dim = 0 : i64, kind = #tpu.reduction_kind<sum>} : vector<16xi1> -> vector<16xi32>
      %slice3A_442 = vector.extract_strided_slice %all_reduce_population_count3A_441 {offsets = [0], sizes = [1], strides = [1]} : vector<16xi32> to vector<1xi32>
      %squeeze3A_443 = vector.extract %slice3A_442[0] : i32 from vector<1xi32>
      %add3A_444 = arith.addi %add3A_429, %squeeze3A_443 : i32
      %get3A_445 = arith.index_cast %and3A_314 : i32 to index
      %get3A_446 = arith.constant 112 : index
      %get3A_447 = tpu.vector_load %arg7[%get3A_445, %get3A_446] {strides = array<i32>} : memref<2x800xf32, #tpu.memory_space<vmem>>, vector<16xf32>,
      %le3A_448 = arith.cmpf ole, %get3A_447, %gather3A_341 : vector<16xf32>
      %min3A_449 = arith.constant 624 : i32
      %min3A_450 = arith.minsi %add3A_444, %min3A_449 : i32
      %add3A_451 = arith.constant 112 : i32
      %add3A_452 = vector.broadcast %add3A_451 : i32 to vector<16xi32>
      %add3A_453 = arith.addi %iota3A, %add3A_452 : vector<16xi32>
      %swap3A_454 = arith.index_cast %min3A_450 : i32 to index
      %swap3A_455 = tpu.vector_load %arg9[%swap3A_454] masked %le3A_448 {strides = array<i32>} : memref<640xi32, #tpu.memory_space<vmem>>, vector<16xi32>, vector<16xi1>
      tpu.vector_store %arg9[%swap3A_454], %add3A_453 masked %le3A_448 {strides = array<i32>} : memref<640xi32, #tpu.memory_space<vmem>>, vector<16xi32>, vector<16xi1>
      %all_reduce_population_count3A_456 = tpu.all_reduce %le3A_448 {dim = 0 : i64, kind = #tpu.reduction_kind<sum>} : vector<16xi1> -> vector<16xi32>
      %slice3A_457 = vector.extract_strided_slice %all_reduce_population_count3A_456 {offsets = [0], sizes = [1], strides = [1]} : vector<16xi32> to vector<1xi32>
      %squeeze3A_458 = vector.extract %slice3A_457[0] : i32 from vector<1xi32>
      %add3A_459 = arith.addi %add3A_444, %squeeze3A_458 : i32
      %get3A_460 = arith.index_cast %and3A_314 : i32 to index
      %get3A_461 = arith.constant 128 : index
      %get3A_462 = tpu.vector_load %arg7[%get3A_460, %get3A_461] {strides = array<i32>} : memref<2x800xf32, #tpu.memory_space<vmem>>, vector<16xf32>,
      %le3A_463 = arith.cmpf ole, %get3A_462, %gather3A_341 : vector<16xf32>
      %min3A_464 = arith.constant 624 : i32
      %min3A_465 = arith.minsi %add3A_459, %min3A_464 : i32
      %add3A_466 = arith.constant 128 : i32
      %add3A_467 = vector.broadcast %add3A_466 : i32 to vector<16xi32>
      %add3A_468 = arith.addi %iota3A, %add3A_467 : vector<16xi32>
      %swap3A_469 = arith.index_cast %min3A_465 : i32 to index
      %swap3A_470 = tpu.vector_load %arg9[%swap3A_469] masked %le3A_463 {strides = array<i32>} : memref<640xi32, #tpu.memory_space<vmem>>, vector<16xi32>, vector<16xi1>
      tpu.vector_store %arg9[%swap3A_469], %add3A_468 masked %le3A_463 {strides = array<i32>} : memref<640xi32, #tpu.memory_space<vmem>>, vector<16xi32>, vector<16xi1>
      %all_reduce_population_count3A_471 = tpu.all_reduce %le3A_463 {dim = 0 : i64, kind = #tpu.reduction_kind<sum>} : vector<16xi1> -> vector<16xi32>
      %slice3A_472 = vector.extract_strided_slice %all_reduce_population_count3A_471 {offsets = [0], sizes = [1], strides = [1]} : vector<16xi32> to vector<1xi32>
      %squeeze3A_473 = vector.extract %slice3A_472[0] : i32 from vector<1xi32>
      %add3A_474 = arith.addi %add3A_459, %squeeze3A_473 : i32
      %get3A_475 = arith.index_cast %and3A_314 : i32 to index
      %get3A_476 = arith.constant 144 : index
      %get3A_477 = tpu.vector_load %arg7[%get3A_475, %get3A_476] {strides = array<i32>} : memref<2x800xf32, #tpu.memory_space<vmem>>, vector<16xf32>,
      %le3A_478 = arith.cmpf ole, %get3A_477, %gather3A_341 : vector<16xf32>
      %min3A_479 = arith.constant 624 : i32
      %min3A_480 = arith.minsi %add3A_474, %min3A_479 : i32
      %add3A_481 = arith.constant 144 : i32
      %add3A_482 = vector.broadcast %add3A_481 : i32 to vector<16xi32>
      %add3A_483 = arith.addi %iota3A, %add3A_482 : vector<16xi32>
      %swap3A_484 = arith.index_cast %min3A_480 : i32 to index
      %swap3A_485 = tpu.vector_load %arg9[%swap3A_484] masked %le3A_478 {strides = array<i32>} : memref<640xi32, #tpu.memory_space<vmem>>, vector<16xi32>, vector<16xi1>
      tpu.vector_store %arg9[%swap3A_484], %add3A_483 masked %le3A_478 {strides = array<i32>} : memref<640xi32, #tpu.memory_space<vmem>>, vector<16xi32>, vector<16xi1>
      %all_reduce_population_count3A_486 = tpu.all_reduce %le3A_478 {dim = 0 : i64, kind = #tpu.reduction_kind<sum>} : vector<16xi1> -> vector<16xi32>
      %slice3A_487 = vector.extract_strided_slice %all_reduce_population_count3A_486 {offsets = [0], sizes = [1], strides = [1]} : vector<16xi32> to vector<1xi32>
      %squeeze3A_488 = vector.extract %slice3A_487[0] : i32 from vector<1xi32>
      %add3A_489 = arith.addi %add3A_474, %squeeze3A_488 : i32
      %get3A_490 = arith.index_cast %and3A_314 : i32 to index
      %get3A_491 = arith.constant 160 : index
      %get3A_492 = tpu.vector_load %arg7[%get3A_490, %get3A_491] {strides = array<i32>} : memref<2x800xf32, #tpu.memory_space<vmem>>, vector<16xf32>,
      %le3A_493 = arith.cmpf ole, %get3A_492, %gather3A_341 : vector<16xf32>
      %min3A_494 = arith.constant 624 : i32
      %min3A_495 = arith.minsi %add3A_489, %min3A_494 : i32
      %add3A_496 = arith.constant 160 : i32
      %add3A_497 = vector.broadcast %add3A_496 : i32 to vector<16xi32>
      %add3A_498 = arith.addi %iota3A, %add3A_497 : vector<16xi32>
      %swap3A_499 = arith.index_cast %min3A_495 : i32 to index
      %swap3A_500 = tpu.vector_load %arg9[%swap3A_499] masked %le3A_493 {strides = array<i32>} : memref<640xi32, #tpu.memory_space<vmem>>, vector<16xi32>, vector<16xi1>
      tpu.vector_store %arg9[%swap3A_499], %add3A_498 masked %le3A_493 {strides = array<i32>} : memref<640xi32, #tpu.memory_space<vmem>>, vector<16xi32>, vector<16xi1>
      %all_reduce_population_count3A_501 = tpu.all_reduce %le3A_493 {dim = 0 : i64, kind = #tpu.reduction_kind<sum>} : vector<16xi1> -> vector<16xi32>
      %slice3A_502 = vector.extract_strided_slice %all_reduce_population_count3A_501 {offsets = [0], sizes = [1], strides = [1]} : vector<16xi32> to vector<1xi32>
      %squeeze3A_503 = vector.extract %slice3A_502[0] : i32 from vector<1xi32>
      %add3A_504 = arith.addi %add3A_489, %squeeze3A_503 : i32
      %get3A_505 = arith.index_cast %and3A_314 : i32 to index
      %get3A_506 = arith.constant 176 : index
      %get3A_507 = tpu.vector_load %arg7[%get3A_505, %get3A_506] {strides = array<i32>} : memref<2x800xf32, #tpu.memory_space<vmem>>, vector<16xf32>,
      %le3A_508 = arith.cmpf ole, %get3A_507, %gather3A_341 : vector<16xf32>
      %min3A_509 = arith.constant 624 : i32
      %min3A_510 = arith.minsi %add3A_504, %min3A_509 : i32
      %add3A_511 = arith.constant 176 : i32
      %add3A_512 = vector.broadcast %add3A_511 : i32 to vector<16xi32>
      %add3A_513 = arith.addi %iota3A, %add3A_512 : vector<16xi32>
      %swap3A_514 = arith.index_cast %min3A_510 : i32 to index
      %swap3A_515 = tpu.vector_load %arg9[%swap3A_514] masked %le3A_508 {strides = array<i32>} : memref<640xi32, #tpu.memory_space<vmem>>, vector<16xi32>, vector<16xi1>
      tpu.vector_store %arg9[%swap3A_514], %add3A_513 masked %le3A_508 {strides = array<i32>} : memref<640xi32, #tpu.memory_space<vmem>>, vector<16xi32>, vector<16xi1>
      %all_reduce_population_count3A_516 = tpu.all_reduce %le3A_508 {dim = 0 : i64, kind = #tpu.reduction_kind<sum>} : vector<16xi1> -> vector<16xi32>
      %slice3A_517 = vector.extract_strided_slice %all_reduce_population_count3A_516 {offsets = [0], sizes = [1], strides = [1]} : vector<16xi32> to vector<1xi32>
      %squeeze3A_518 = vector.extract %slice3A_517[0] : i32 from vector<1xi32>
      %add3A_519 = arith.addi %add3A_504, %squeeze3A_518 : i32
      %get3A_520 = arith.index_cast %and3A_314 : i32 to index
      %get3A_521 = arith.constant 192 : index
      %get3A_522 = tpu.vector_load %arg7[%get3A_520, %get3A_521] {strides = array<i32>} : memref<2x800xf32, #tpu.memory_space<vmem>>, vector<16xf32>,
      %le3A_523 = arith.cmpf ole, %get3A_522, %gather3A_341 : vector<16xf32>
      %min3A_524 = arith.constant 624 : i32
      %min3A_525 = arith.minsi %add3A_519, %min3A_524 : i32
      %add3A_526 = arith.constant 192 : i32
      %add3A_527 = vector.broadcast %add3A_526 : i32 to vector<16xi32>
      %add3A_528 = arith.addi %iota3A, %add3A_527 : vector<16xi32>
      %swap3A_529 = arith.index_cast %min3A_525 : i32 to index
      %swap3A_530 = tpu.vector_load %arg9[%swap3A_529] masked %le3A_523 {strides = array<i32>} : memref<640xi32, #tpu.memory_space<vmem>>, vector<16xi32>, vector<16xi1>
      tpu.vector_store %arg9[%swap3A_529], %add3A_528 masked %le3A_523 {strides = array<i32>} : memref<640xi32, #tpu.memory_space<vmem>>, vector<16xi32>, vector<16xi1>
      %all_reduce_population_count3A_531 = tpu.all_reduce %le3A_523 {dim = 0 : i64, kind = #tpu.reduction_kind<sum>} : vector<16xi1> -> vector<16xi32>
      %slice3A_532 = vector.extract_strided_slice %all_reduce_population_count3A_531 {offsets = [0], sizes = [1], strides = [1]} : vector<16xi32> to vector<1xi32>
      %squeeze3A_533 = vector.extract %slice3A_532[0] : i32 from vector<1xi32>
      %add3A_534 = arith.addi %add3A_519, %squeeze3A_533 : i32
      %get3A_535 = arith.index_cast %and3A_314 : i32 to index
      %get3A_536 = arith.constant 208 : index
      %get3A_537 = tpu.vector_load %arg7[%get3A_535, %get3A_536] {strides = array<i32>} : memref<2x800xf32, #tpu.memory_space<vmem>>, vector<16xf32>,
      %le3A_538 = arith.cmpf ole, %get3A_537, %gather3A_341 : vector<16xf32>
      %min3A_539 = arith.constant 624 : i32
      %min3A_540 = arith.minsi %add3A_534, %min3A_539 : i32
      %add3A_541 = arith.constant 208 : i32
      %add3A_542 = vector.broadcast %add3A_541 : i32 to vector<16xi32>
      %add3A_543 = arith.addi %iota3A, %add3A_542 : vector<16xi32>
      %swap3A_544 = arith.index_cast %min3A_540 : i32 to index
      %swap3A_545 = tpu.vector_load %arg9[%swap3A_544] masked %le3A_538 {strides = array<i32>} : memref<640xi32, #tpu.memory_space<vmem>>, vector<16xi32>, vector<16xi1>
      tpu.vector_store %arg9[%swap3A_544], %add3A_543 masked %le3A_538 {strides = array<i32>} : memref<640xi32, #tpu.memory_space<vmem>>, vector<16xi32>, vector<16xi1>
      %all_reduce_population_count3A_546 = tpu.all_reduce %le3A_538 {dim = 0 : i64, kind = #tpu.reduction_kind<sum>} : vector<16xi1> -> vector<16xi32>
      %slice3A_547 = vector.extract_strided_slice %all_reduce_population_count3A_546 {offsets = [0], sizes = [1], strides = [1]} : vector<16xi32> to vector<1xi32>
      %squeeze3A_548 = vector.extract %slice3A_547[0] : i32 from vector<1xi32>
      %add3A_549 = arith.addi %add3A_534, %squeeze3A_548 : i32
      %get3A_550 = arith.index_cast %and3A_314 : i32 to index
      %get3A_551 = arith.constant 224 : index
      %get3A_552 = tpu.vector_load %arg7[%get3A_550, %get3A_551] {strides = array<i32>} : memref<2x800xf32, #tpu.memory_space<vmem>>, vector<16xf32>,
      %le3A_553 = arith.cmpf ole, %get3A_552, %gather3A_341 : vector<16xf32>
      %min3A_554 = arith.constant 624 : i32
      %min3A_555 = arith.minsi %add3A_549, %min3A_554 : i32
      %add3A_556 = arith.constant 224 : i32
      %add3A_557 = vector.broadcast %add3A_556 : i32 to vector<16xi32>
      %add3A_558 = arith.addi %iota3A, %add3A_557 : vector<16xi32>
      %swap3A_559 = arith.index_cast %min3A_555 : i32 to index
      %swap3A_560 = tpu.vector_load %arg9[%swap3A_559] masked %le3A_553 {strides = array<i32>} : memref<640xi32, #tpu.memory_space<vmem>>, vector<16xi32>, vector<16xi1>
      tpu.vector_store %arg9[%swap3A_559], %add3A_558 masked %le3A_553 {strides = array<i32>} : memref<640xi32, #tpu.memory_space<vmem>>, vector<16xi32>, vector<16xi1>
      %all_reduce_population_count3A_561 = tpu.all_reduce %le3A_553 {dim = 0 : i64, kind = #tpu.reduction_kind<sum>} : vector<16xi1> -> vector<16xi32>
      %slice3A_562 = vector.extract_strided_slice %all_reduce_population_count3A_561 {offsets = [0], sizes = [1], strides = [1]} : vector<16xi32> to vector<1xi32>
      %squeeze3A_563 = vector.extract %slice3A_562[0] : i32 from vector<1xi32>
      %add3A_564 = arith.addi %add3A_549, %squeeze3A_563 : i32
      %get3A_565 = arith.index_cast %and3A_314 : i32 to index
      %get3A_566 = arith.constant 240 : index
      %get3A_567 = tpu.vector_load %arg7[%get3A_565, %get3A_566] {strides = array<i32>} : memref<2x800xf32, #tpu.memory_space<vmem>>, vector<16xf32>,
      %le3A_568 = arith.cmpf ole, %get3A_567, %gather3A_341 : vector<16xf32>
      %min3A_569 = arith.constant 624 : i32
      %min3A_570 = arith.minsi %add3A_564, %min3A_569 : i32
      %add3A_571 = arith.constant 240 : i32
      %add3A_572 = vector.broadcast %add3A_571 : i32 to vector<16xi32>
      %add3A_573 = arith.addi %iota3A, %add3A_572 : vector<16xi32>
      %swap3A_574 = arith.index_cast %min3A_570 : i32 to index
      %swap3A_575 = tpu.vector_load %arg9[%swap3A_574] masked %le3A_568 {strides = array<i32>} : memref<640xi32, #tpu.memory_space<vmem>>, vector<16xi32>, vector<16xi1>
      tpu.vector_store %arg9[%swap3A_574], %add3A_573 masked %le3A_568 {strides = array<i32>} : memref<640xi32, #tpu.memory_space<vmem>>, vector<16xi32>, vector<16xi1>
      %all_reduce_population_count3A_576 = tpu.all_reduce %le3A_568 {dim = 0 : i64, kind = #tpu.reduction_kind<sum>} : vector<16xi1> -> vector<16xi32>
      %slice3A_577 = vector.extract_strided_slice %all_reduce_population_count3A_576 {offsets = [0], sizes = [1], strides = [1]} : vector<16xi32> to vector<1xi32>
      %squeeze3A_578 = vector.extract %slice3A_577[0] : i32 from vector<1xi32>
      %add3A_579 = arith.addi %add3A_564, %squeeze3A_578 : i32
      %get3A_580 = arith.index_cast %and3A_314 : i32 to index
      %get3A_581 = arith.constant 256 : index
      %get3A_582 = tpu.vector_load %arg7[%get3A_580, %get3A_581] {strides = array<i32>} : memref<2x800xf32, #tpu.memory_space<vmem>>, vector<16xf32>,
      %le3A_583 = arith.cmpf ole, %get3A_582, %gather3A_341 : vector<16xf32>
      %min3A_584 = arith.constant 624 : i32
      %min3A_585 = arith.minsi %add3A_579, %min3A_584 : i32
      %add3A_586 = arith.constant 256 : i32
      %add3A_587 = vector.broadcast %add3A_586 : i32 to vector<16xi32>
      %add3A_588 = arith.addi %iota3A, %add3A_587 : vector<16xi32>
      %swap3A_589 = arith.index_cast %min3A_585 : i32 to index
      %swap3A_590 = tpu.vector_load %arg9[%swap3A_589] masked %le3A_583 {strides = array<i32>} : memref<640xi32, #tpu.memory_space<vmem>>, vector<16xi32>, vector<16xi1>
      tpu.vector_store %arg9[%swap3A_589], %add3A_588 masked %le3A_583 {strides = array<i32>} : memref<640xi32, #tpu.memory_space<vmem>>, vector<16xi32>, vector<16xi1>
      %all_reduce_population_count3A_591 = tpu.all_reduce %le3A_583 {dim = 0 : i64, kind = #tpu.reduction_kind<sum>} : vector<16xi1> -> vector<16xi32>
      %slice3A_592 = vector.extract_strided_slice %all_reduce_population_count3A_591 {offsets = [0], sizes = [1], strides = [1]} : vector<16xi32> to vector<1xi32>
      %squeeze3A_593 = vector.extract %slice3A_592[0] : i32 from vector<1xi32>
      %add3A_594 = arith.addi %add3A_579, %squeeze3A_593 : i32
      %get3A_595 = arith.index_cast %and3A_314 : i32 to index
      %get3A_596 = arith.constant 272 : index
      %get3A_597 = tpu.vector_load %arg7[%get3A_595, %get3A_596] {strides = array<i32>} : memref<2x800xf32, #tpu.memory_space<vmem>>, vector<16xf32>,
      %le3A_598 = arith.cmpf ole, %get3A_597, %gather3A_341 : vector<16xf32>
      %min3A_599 = arith.constant 624 : i32
      %min3A_600 = arith.minsi %add3A_594, %min3A_599 : i32
      %add3A_601 = arith.constant 272 : i32
      %add3A_602 = vector.broadcast %add3A_601 : i32 to vector<16xi32>
      %add3A_603 = arith.addi %iota3A, %add3A_602 : vector<16xi32>
      %swap3A_604 = arith.index_cast %min3A_600 : i32 to index
      %swap3A_605 = tpu.vector_load %arg9[%swap3A_604] masked %le3A_598 {strides = array<i32>} : memref<640xi32, #tpu.memory_space<vmem>>, vector<16xi32>, vector<16xi1>
      tpu.vector_store %arg9[%swap3A_604], %add3A_603 masked %le3A_598 {strides = array<i32>} : memref<640xi32, #tpu.memory_space<vmem>>, vector<16xi32>, vector<16xi1>
      %all_reduce_population_count3A_606 = tpu.all_reduce %le3A_598 {dim = 0 : i64, kind = #tpu.reduction_kind<sum>} : vector<16xi1> -> vector<16xi32>
      %slice3A_607 = vector.extract_strided_slice %all_reduce_population_count3A_606 {offsets = [0], sizes = [1], strides = [1]} : vector<16xi32> to vector<1xi32>
      %squeeze3A_608 = vector.extract %slice3A_607[0] : i32 from vector<1xi32>
      %add3A_609 = arith.addi %add3A_594, %squeeze3A_608 : i32
      %get3A_610 = arith.index_cast %and3A_314 : i32 to index
      %get3A_611 = arith.constant 288 : index
      %get3A_612 = tpu.vector_load %arg7[%get3A_610, %get3A_611] {strides = array<i32>} : memref<2x800xf32, #tpu.memory_space<vmem>>, vector<16xf32>,
      %le3A_613 = arith.cmpf ole, %get3A_612, %gather3A_341 : vector<16xf32>
      %min3A_614 = arith.constant 624 : i32
      %min3A_615 = arith.minsi %add3A_609, %min3A_614 : i32
      %add3A_616 = arith.constant 288 : i32
      %add3A_617 = vector.broadcast %add3A_616 : i32 to vector<16xi32>
      %add3A_618 = arith.addi %iota3A, %add3A_617 : vector<16xi32>
      %swap3A_619 = arith.index_cast %min3A_615 : i32 to index
      %swap3A_620 = tpu.vector_load %arg9[%swap3A_619] masked %le3A_613 {strides = array<i32>} : memref<640xi32, #tpu.memory_space<vmem>>, vector<16xi32>, vector<16xi1>
      tpu.vector_store %arg9[%swap3A_619], %add3A_618 masked %le3A_613 {strides = array<i32>} : memref<640xi32, #tpu.memory_space<vmem>>, vector<16xi32>, vector<16xi1>
      %all_reduce_population_count3A_621 = tpu.all_reduce %le3A_613 {dim = 0 : i64, kind = #tpu.reduction_kind<sum>} : vector<16xi1> -> vector<16xi32>
      %slice3A_622 = vector.extract_strided_slice %all_reduce_population_count3A_621 {offsets = [0], sizes = [1], strides = [1]} : vector<16xi32> to vector<1xi32>
      %squeeze3A_623 = vector.extract %slice3A_622[0] : i32 from vector<1xi32>
      %add3A_624 = arith.addi %add3A_609, %squeeze3A_623 : i32
      %get3A_625 = arith.index_cast %and3A_314 : i32 to index
      %get3A_626 = arith.constant 304 : index
      %get3A_627 = tpu.vector_load %arg7[%get3A_625, %get3A_626] {strides = array<i32>} : memref<2x800xf32, #tpu.memory_space<vmem>>, vector<16xf32>,
      %le3A_628 = arith.cmpf ole, %get3A_627, %gather3A_341 : vector<16xf32>
      %min3A_629 = arith.constant 624 : i32
      %min3A_630 = arith.minsi %add3A_624, %min3A_629 : i32
      %add3A_631 = arith.constant 304 : i32
      %add3A_632 = vector.broadcast %add3A_631 : i32 to vector<16xi32>
      %add3A_633 = arith.addi %iota3A, %add3A_632 : vector<16xi32>
      %swap3A_634 = arith.index_cast %min3A_630 : i32 to index
      %swap3A_635 = tpu.vector_load %arg9[%swap3A_634] masked %le3A_628 {strides = array<i32>} : memref<640xi32, #tpu.memory_space<vmem>>, vector<16xi32>, vector<16xi1>
      tpu.vector_store %arg9[%swap3A_634], %add3A_633 masked %le3A_628 {strides = array<i32>} : memref<640xi32, #tpu.memory_space<vmem>>, vector<16xi32>, vector<16xi1>
      %all_reduce_population_count3A_636 = tpu.all_reduce %le3A_628 {dim = 0 : i64, kind = #tpu.reduction_kind<sum>} : vector<16xi1> -> vector<16xi32>
      %slice3A_637 = vector.extract_strided_slice %all_reduce_population_count3A_636 {offsets = [0], sizes = [1], strides = [1]} : vector<16xi32> to vector<1xi32>
      %squeeze3A_638 = vector.extract %slice3A_637[0] : i32 from vector<1xi32>
      %add3A_639 = arith.addi %add3A_624, %squeeze3A_638 : i32
      %get3A_640 = arith.index_cast %and3A_314 : i32 to index
      %get3A_641 = arith.constant 320 : index
      %get3A_642 = tpu.vector_load %arg7[%get3A_640, %get3A_641] {strides = array<i32>} : memref<2x800xf32, #tpu.memory_space<vmem>>, vector<16xf32>,
      %le3A_643 = arith.cmpf ole, %get3A_642, %gather3A_341 : vector<16xf32>
      %min3A_644 = arith.constant 624 : i32
      %min3A_645 = arith.minsi %add3A_639, %min3A_644 : i32
      %add3A_646 = arith.constant 320 : i32
      %add3A_647 = vector.broadcast %add3A_646 : i32 to vector<16xi32>
      %add3A_648 = arith.addi %iota3A, %add3A_647 : vector<16xi32>
      %swap3A_649 = arith.index_cast %min3A_645 : i32 to index
      %swap3A_650 = tpu.vector_load %arg9[%swap3A_649] masked %le3A_643 {strides = array<i32>} : memref<640xi32, #tpu.memory_space<vmem>>, vector<16xi32>, vector<16xi1>
      tpu.vector_store %arg9[%swap3A_649], %add3A_648 masked %le3A_643 {strides = array<i32>} : memref<640xi32, #tpu.memory_space<vmem>>, vector<16xi32>, vector<16xi1>
      %all_reduce_population_count3A_651 = tpu.all_reduce %le3A_643 {dim = 0 : i64, kind = #tpu.reduction_kind<sum>} : vector<16xi1> -> vector<16xi32>
      %slice3A_652 = vector.extract_strided_slice %all_reduce_population_count3A_651 {offsets = [0], sizes = [1], strides = [1]} : vector<16xi32> to vector<1xi32>
      %squeeze3A_653 = vector.extract %slice3A_652[0] : i32 from vector<1xi32>
      %add3A_654 = arith.addi %add3A_639, %squeeze3A_653 : i32
      %get3A_655 = arith.index_cast %and3A_314 : i32 to index
      %get3A_656 = arith.constant 336 : index
      %get3A_657 = tpu.vector_load %arg7[%get3A_655, %get3A_656] {strides = array<i32>} : memref<2x800xf32, #tpu.memory_space<vmem>>, vector<16xf32>,
      %le3A_658 = arith.cmpf ole, %get3A_657, %gather3A_341 : vector<16xf32>
      %min3A_659 = arith.constant 624 : i32
      %min3A_660 = arith.minsi %add3A_654, %min3A_659 : i32
      %add3A_661 = arith.constant 336 : i32
      %add3A_662 = vector.broadcast %add3A_661 : i32 to vector<16xi32>
      %add3A_663 = arith.addi %iota3A, %add3A_662 : vector<16xi32>
      %swap3A_664 = arith.index_cast %min3A_660 : i32 to index
      %swap3A_665 = tpu.vector_load %arg9[%swap3A_664] masked %le3A_658 {strides = array<i32>} : memref<640xi32, #tpu.memory_space<vmem>>, vector<16xi32>, vector<16xi1>
      tpu.vector_store %arg9[%swap3A_664], %add3A_663 masked %le3A_658 {strides = array<i32>} : memref<640xi32, #tpu.memory_space<vmem>>, vector<16xi32>, vector<16xi1>
      %all_reduce_population_count3A_666 = tpu.all_reduce %le3A_658 {dim = 0 : i64, kind = #tpu.reduction_kind<sum>} : vector<16xi1> -> vector<16xi32>
      %slice3A_667 = vector.extract_strided_slice %all_reduce_population_count3A_666 {offsets = [0], sizes = [1], strides = [1]} : vector<16xi32> to vector<1xi32>
      %squeeze3A_668 = vector.extract %slice3A_667[0] : i32 from vector<1xi32>
      %add3A_669 = arith.addi %add3A_654, %squeeze3A_668 : i32
      %get3A_670 = arith.index_cast %and3A_314 : i32 to index
      %get3A_671 = arith.constant 352 : index
      %get3A_672 = tpu.vector_load %arg7[%get3A_670, %get3A_671] {strides = array<i32>} : memref<2x800xf32, #tpu.memory_space<vmem>>, vector<16xf32>,
      %le3A_673 = arith.cmpf ole, %get3A_672, %gather3A_341 : vector<16xf32>
      %min3A_674 = arith.constant 624 : i32
      %min3A_675 = arith.minsi %add3A_669, %min3A_674 : i32
      %add3A_676 = arith.constant 352 : i32
      %add3A_677 = vector.broadcast %add3A_676 : i32 to vector<16xi32>
      %add3A_678 = arith.addi %iota3A, %add3A_677 : vector<16xi32>
      %swap3A_679 = arith.index_cast %min3A_675 : i32 to index
      %swap3A_680 = tpu.vector_load %arg9[%swap3A_679] masked %le3A_673 {strides = array<i32>} : memref<640xi32, #tpu.memory_space<vmem>>, vector<16xi32>, vector<16xi1>
      tpu.vector_store %arg9[%swap3A_679], %add3A_678 masked %le3A_673 {strides = array<i32>} : memref<640xi32, #tpu.memory_space<vmem>>, vector<16xi32>, vector<16xi1>
      %all_reduce_population_count3A_681 = tpu.all_reduce %le3A_673 {dim = 0 : i64, kind = #tpu.reduction_kind<sum>} : vector<16xi1> -> vector<16xi32>
      %slice3A_682 = vector.extract_strided_slice %all_reduce_population_count3A_681 {offsets = [0], sizes = [1], strides = [1]} : vector<16xi32> to vector<1xi32>
      %squeeze3A_683 = vector.extract %slice3A_682[0] : i32 from vector<1xi32>
      %add3A_684 = arith.addi %add3A_669, %squeeze3A_683 : i32
      %get3A_685 = arith.index_cast %and3A_314 : i32 to index
      %get3A_686 = arith.constant 368 : index
      %get3A_687 = tpu.vector_load %arg7[%get3A_685, %get3A_686] {strides = array<i32>} : memref<2x800xf32, #tpu.memory_space<vmem>>, vector<16xf32>,
      %le3A_688 = arith.cmpf ole, %get3A_687, %gather3A_341 : vector<16xf32>
      %min3A_689 = arith.constant 624 : i32
      %min3A_690 = arith.minsi %add3A_684, %min3A_689 : i32
      %add3A_691 = arith.constant 368 : i32
      %add3A_692 = vector.broadcast %add3A_691 : i32 to vector<16xi32>
      %add3A_693 = arith.addi %iota3A, %add3A_692 : vector<16xi32>
      %swap3A_694 = arith.index_cast %min3A_690 : i32 to index
      %swap3A_695 = tpu.vector_load %arg9[%swap3A_694] masked %le3A_688 {strides = array<i32>} : memref<640xi32, #tpu.memory_space<vmem>>, vector<16xi32>, vector<16xi1>
      tpu.vector_store %arg9[%swap3A_694], %add3A_693 masked %le3A_688 {strides = array<i32>} : memref<640xi32, #tpu.memory_space<vmem>>, vector<16xi32>, vector<16xi1>
      %all_reduce_population_count3A_696 = tpu.all_reduce %le3A_688 {dim = 0 : i64, kind = #tpu.reduction_kind<sum>} : vector<16xi1> -> vector<16xi32>
      %slice3A_697 = vector.extract_strided_slice %all_reduce_population_count3A_696 {offsets = [0], sizes = [1], strides = [1]} : vector<16xi32> to vector<1xi32>
      %squeeze3A_698 = vector.extract %slice3A_697[0] : i32 from vector<1xi32>
      %add3A_699 = arith.addi %add3A_684, %squeeze3A_698 : i32
      %get3A_700 = arith.index_cast %and3A_314 : i32 to index
      %get3A_701 = arith.constant 384 : index
      %get3A_702 = tpu.vector_load %arg7[%get3A_700, %get3A_701] {strides = array<i32>} : memref<2x800xf32, #tpu.memory_space<vmem>>, vector<16xf32>,
      %le3A_703 = arith.cmpf ole, %get3A_702, %gather3A_341 : vector<16xf32>
      %min3A_704 = arith.constant 624 : i32
      %min3A_705 = arith.minsi %add3A_699, %min3A_704 : i32
      %add3A_706 = arith.constant 384 : i32
      %add3A_707 = vector.broadcast %add3A_706 : i32 to vector<16xi32>
      %add3A_708 = arith.addi %iota3A, %add3A_707 : vector<16xi32>
      %swap3A_709 = arith.index_cast %min3A_705 : i32 to index
      %swap3A_710 = tpu.vector_load %arg9[%swap3A_709] masked %le3A_703 {strides = array<i32>} : memref<640xi32, #tpu.memory_space<vmem>>, vector<16xi32>, vector<16xi1>
      tpu.vector_store %arg9[%swap3A_709], %add3A_708 masked %le3A_703 {strides = array<i32>} : memref<640xi32, #tpu.memory_space<vmem>>, vector<16xi32>, vector<16xi1>
      %all_reduce_population_count3A_711 = tpu.all_reduce %le3A_703 {dim = 0 : i64, kind = #tpu.reduction_kind<sum>} : vector<16xi1> -> vector<16xi32>
      %slice3A_712 = vector.extract_strided_slice %all_reduce_population_count3A_711 {offsets = [0], sizes = [1], strides = [1]} : vector<16xi32> to vector<1xi32>
      %squeeze3A_713 = vector.extract %slice3A_712[0] : i32 from vector<1xi32>
      %add3A_714 = arith.addi %add3A_699, %squeeze3A_713 : i32
      %get3A_715 = arith.index_cast %and3A_314 : i32 to index
      %get3A_716 = arith.constant 400 : index
      %get3A_717 = tpu.vector_load %arg7[%get3A_715, %get3A_716] {strides = array<i32>} : memref<2x800xf32, #tpu.memory_space<vmem>>, vector<16xf32>,
      %le3A_718 = arith.cmpf ole, %get3A_717, %gather3A_341 : vector<16xf32>
      %min3A_719 = arith.constant 624 : i32
      %min3A_720 = arith.minsi %add3A_714, %min3A_719 : i32
      %add3A_721 = arith.constant 400 : i32
      %add3A_722 = vector.broadcast %add3A_721 : i32 to vector<16xi32>
      %add3A_723 = arith.addi %iota3A, %add3A_722 : vector<16xi32>
      %swap3A_724 = arith.index_cast %min3A_720 : i32 to index
      %swap3A_725 = tpu.vector_load %arg9[%swap3A_724] masked %le3A_718 {strides = array<i32>} : memref<640xi32, #tpu.memory_space<vmem>>, vector<16xi32>, vector<16xi1>
      tpu.vector_store %arg9[%swap3A_724], %add3A_723 masked %le3A_718 {strides = array<i32>} : memref<640xi32, #tpu.memory_space<vmem>>, vector<16xi32>, vector<16xi1>
      %all_reduce_population_count3A_726 = tpu.all_reduce %le3A_718 {dim = 0 : i64, kind = #tpu.reduction_kind<sum>} : vector<16xi1> -> vector<16xi32>
      %slice3A_727 = vector.extract_strided_slice %all_reduce_population_count3A_726 {offsets = [0], sizes = [1], strides = [1]} : vector<16xi32> to vector<1xi32>
      %squeeze3A_728 = vector.extract %slice3A_727[0] : i32 from vector<1xi32>
      %add3A_729 = arith.addi %add3A_714, %squeeze3A_728 : i32
      %get3A_730 = arith.index_cast %and3A_314 : i32 to index
      %get3A_731 = arith.constant 416 : index
      %get3A_732 = tpu.vector_load %arg7[%get3A_730, %get3A_731] {strides = array<i32>} : memref<2x800xf32, #tpu.memory_space<vmem>>, vector<16xf32>,
      %le3A_733 = arith.cmpf ole, %get3A_732, %gather3A_341 : vector<16xf32>
      %min3A_734 = arith.constant 624 : i32
      %min3A_735 = arith.minsi %add3A_729, %min3A_734 : i32
      %add3A_736 = arith.constant 416 : i32
      %add3A_737 = vector.broadcast %add3A_736 : i32 to vector<16xi32>
      %add3A_738 = arith.addi %iota3A, %add3A_737 : vector<16xi32>
      %swap3A_739 = arith.index_cast %min3A_735 : i32 to index
      %swap3A_740 = tpu.vector_load %arg9[%swap3A_739] masked %le3A_733 {strides = array<i32>} : memref<640xi32, #tpu.memory_space<vmem>>, vector<16xi32>, vector<16xi1>
      tpu.vector_store %arg9[%swap3A_739], %add3A_738 masked %le3A_733 {strides = array<i32>} : memref<640xi32, #tpu.memory_space<vmem>>, vector<16xi32>, vector<16xi1>
      %all_reduce_population_count3A_741 = tpu.all_reduce %le3A_733 {dim = 0 : i64, kind = #tpu.reduction_kind<sum>} : vector<16xi1> -> vector<16xi32>
      %slice3A_742 = vector.extract_strided_slice %all_reduce_population_count3A_741 {offsets = [0], sizes = [1], strides = [1]} : vector<16xi32> to vector<1xi32>
      %squeeze3A_743 = vector.extract %slice3A_742[0] : i32 from vector<1xi32>
      %add3A_744 = arith.addi %add3A_729, %squeeze3A_743 : i32
      %get3A_745 = arith.index_cast %and3A_314 : i32 to index
      %get3A_746 = arith.constant 432 : index
      %get3A_747 = tpu.vector_load %arg7[%get3A_745, %get3A_746] {strides = array<i32>} : memref<2x800xf32, #tpu.memory_space<vmem>>, vector<16xf32>,
      %le3A_748 = arith.cmpf ole, %get3A_747, %gather3A_341 : vector<16xf32>
      %min3A_749 = arith.constant 624 : i32
      %min3A_750 = arith.minsi %add3A_744, %min3A_749 : i32
      %add3A_751 = arith.constant 432 : i32
      %add3A_752 = vector.broadcast %add3A_751 : i32 to vector<16xi32>
      %add3A_753 = arith.addi %iota3A, %add3A_752 : vector<16xi32>
      %swap3A_754 = arith.index_cast %min3A_750 : i32 to index
      %swap3A_755 = tpu.vector_load %arg9[%swap3A_754] masked %le3A_748 {strides = array<i32>} : memref<640xi32, #tpu.memory_space<vmem>>, vector<16xi32>, vector<16xi1>
      tpu.vector_store %arg9[%swap3A_754], %add3A_753 masked %le3A_748 {strides = array<i32>} : memref<640xi32, #tpu.memory_space<vmem>>, vector<16xi32>, vector<16xi1>
      %all_reduce_population_count3A_756 = tpu.all_reduce %le3A_748 {dim = 0 : i64, kind = #tpu.reduction_kind<sum>} : vector<16xi1> -> vector<16xi32>
      %slice3A_757 = vector.extract_strided_slice %all_reduce_population_count3A_756 {offsets = [0], sizes = [1], strides = [1]} : vector<16xi32> to vector<1xi32>
      %squeeze3A_758 = vector.extract %slice3A_757[0] : i32 from vector<1xi32>
      %add3A_759 = arith.addi %add3A_744, %squeeze3A_758 : i32
      %get3A_760 = arith.index_cast %and3A_314 : i32 to index
      %get3A_761 = arith.constant 448 : index
      %get3A_762 = tpu.vector_load %arg7[%get3A_760, %get3A_761] {strides = array<i32>} : memref<2x800xf32, #tpu.memory_space<vmem>>, vector<16xf32>,
      %le3A_763 = arith.cmpf ole, %get3A_762, %gather3A_341 : vector<16xf32>
      %min3A_764 = arith.constant 624 : i32
      %min3A_765 = arith.minsi %add3A_759, %min3A_764 : i32
      %add3A_766 = arith.constant 448 : i32
      %add3A_767 = vector.broadcast %add3A_766 : i32 to vector<16xi32>
      %add3A_768 = arith.addi %iota3A, %add3A_767 : vector<16xi32>
      %swap3A_769 = arith.index_cast %min3A_765 : i32 to index
      %swap3A_770 = tpu.vector_load %arg9[%swap3A_769] masked %le3A_763 {strides = array<i32>} : memref<640xi32, #tpu.memory_space<vmem>>, vector<16xi32>, vector<16xi1>
      tpu.vector_store %arg9[%swap3A_769], %add3A_768 masked %le3A_763 {strides = array<i32>} : memref<640xi32, #tpu.memory_space<vmem>>, vector<16xi32>, vector<16xi1>
      %all_reduce_population_count3A_771 = tpu.all_reduce %le3A_763 {dim = 0 : i64, kind = #tpu.reduction_kind<sum>} : vector<16xi1> -> vector<16xi32>
      %slice3A_772 = vector.extract_strided_slice %all_reduce_population_count3A_771 {offsets = [0], sizes = [1], strides = [1]} : vector<16xi32> to vector<1xi32>
      %squeeze3A_773 = vector.extract %slice3A_772[0] : i32 from vector<1xi32>
      %add3A_774 = arith.addi %add3A_759, %squeeze3A_773 : i32
      %get3A_775 = arith.index_cast %and3A_314 : i32 to index
      %get3A_776 = arith.constant 464 : index
      %get3A_777 = tpu.vector_load %arg7[%get3A_775, %get3A_776] {strides = array<i32>} : memref<2x800xf32, #tpu.memory_space<vmem>>, vector<16xf32>,
      %le3A_778 = arith.cmpf ole, %get3A_777, %gather3A_341 : vector<16xf32>
      %min3A_779 = arith.constant 624 : i32
      %min3A_780 = arith.minsi %add3A_774, %min3A_779 : i32
      %add3A_781 = arith.constant 464 : i32
      %add3A_782 = vector.broadcast %add3A_781 : i32 to vector<16xi32>
      %add3A_783 = arith.addi %iota3A, %add3A_782 : vector<16xi32>
      %swap3A_784 = arith.index_cast %min3A_780 : i32 to index
      %swap3A_785 = tpu.vector_load %arg9[%swap3A_784] masked %le3A_778 {strides = array<i32>} : memref<640xi32, #tpu.memory_space<vmem>>, vector<16xi32>, vector<16xi1>
      tpu.vector_store %arg9[%swap3A_784], %add3A_783 masked %le3A_778 {strides = array<i32>} : memref<640xi32, #tpu.memory_space<vmem>>, vector<16xi32>, vector<16xi1>
      %all_reduce_population_count3A_786 = tpu.all_reduce %le3A_778 {dim = 0 : i64, kind = #tpu.reduction_kind<sum>} : vector<16xi1> -> vector<16xi32>
      %slice3A_787 = vector.extract_strided_slice %all_reduce_population_count3A_786 {offsets = [0], sizes = [1], strides = [1]} : vector<16xi32> to vector<1xi32>
      %squeeze3A_788 = vector.extract %slice3A_787[0] : i32 from vector<1xi32>
      %add3A_789 = arith.addi %add3A_774, %squeeze3A_788 : i32
      %get3A_790 = arith.index_cast %and3A_314 : i32 to index
      %get3A_791 = arith.constant 480 : index
      %get3A_792 = tpu.vector_load %arg7[%get3A_790, %get3A_791] {strides = array<i32>} : memref<2x800xf32, #tpu.memory_space<vmem>>, vector<16xf32>,
      %le3A_793 = arith.cmpf ole, %get3A_792, %gather3A_341 : vector<16xf32>
      %min3A_794 = arith.constant 624 : i32
      %min3A_795 = arith.minsi %add3A_789, %min3A_794 : i32
      %add3A_796 = arith.constant 480 : i32
      %add3A_797 = vector.broadcast %add3A_796 : i32 to vector<16xi32>
      %add3A_798 = arith.addi %iota3A, %add3A_797 : vector<16xi32>
      %swap3A_799 = arith.index_cast %min3A_795 : i32 to index
      %swap3A_800 = tpu.vector_load %arg9[%swap3A_799] masked %le3A_793 {strides = array<i32>} : memref<640xi32, #tpu.memory_space<vmem>>, vector<16xi32>, vector<16xi1>
      tpu.vector_store %arg9[%swap3A_799], %add3A_798 masked %le3A_793 {strides = array<i32>} : memref<640xi32, #tpu.memory_space<vmem>>, vector<16xi32>, vector<16xi1>
      %all_reduce_population_count3A_801 = tpu.all_reduce %le3A_793 {dim = 0 : i64, kind = #tpu.reduction_kind<sum>} : vector<16xi1> -> vector<16xi32>
      %slice3A_802 = vector.extract_strided_slice %all_reduce_population_count3A_801 {offsets = [0], sizes = [1], strides = [1]} : vector<16xi32> to vector<1xi32>
      %squeeze3A_803 = vector.extract %slice3A_802[0] : i32 from vector<1xi32>
      %add3A_804 = arith.addi %add3A_789, %squeeze3A_803 : i32
      %get3A_805 = arith.index_cast %and3A_314 : i32 to index
      %get3A_806 = arith.constant 496 : index
      %get3A_807 = tpu.vector_load %arg7[%get3A_805, %get3A_806] {strides = array<i32>} : memref<2x800xf32, #tpu.memory_space<vmem>>, vector<16xf32>,
      %le3A_808 = arith.cmpf ole, %get3A_807, %gather3A_341 : vector<16xf32>
      %min3A_809 = arith.constant 624 : i32
      %min3A_810 = arith.minsi %add3A_804, %min3A_809 : i32
      %add3A_811 = arith.constant 496 : i32
      %add3A_812 = vector.broadcast %add3A_811 : i32 to vector<16xi32>
      %add3A_813 = arith.addi %iota3A, %add3A_812 : vector<16xi32>
      %swap3A_814 = arith.index_cast %min3A_810 : i32 to index
      %swap3A_815 = tpu.vector_load %arg9[%swap3A_814] masked %le3A_808 {strides = array<i32>} : memref<640xi32, #tpu.memory_space<vmem>>, vector<16xi32>, vector<16xi1>
      tpu.vector_store %arg9[%swap3A_814], %add3A_813 masked %le3A_808 {strides = array<i32>} : memref<640xi32, #tpu.memory_space<vmem>>, vector<16xi32>, vector<16xi1>
      %all_reduce_population_count3A_816 = tpu.all_reduce %le3A_808 {dim = 0 : i64, kind = #tpu.reduction_kind<sum>} : vector<16xi1> -> vector<16xi32>
      %slice3A_817 = vector.extract_strided_slice %all_reduce_population_count3A_816 {offsets = [0], sizes = [1], strides = [1]} : vector<16xi32> to vector<1xi32>
      %squeeze3A_818 = vector.extract %slice3A_817[0] : i32 from vector<1xi32>
      %add3A_819 = arith.addi %add3A_804, %squeeze3A_818 : i32
      %get3A_820 = arith.index_cast %and3A_314 : i32 to index
      %get3A_821 = arith.constant 512 : index
      %get3A_822 = tpu.vector_load %arg7[%get3A_820, %get3A_821] {strides = array<i32>} : memref<2x800xf32, #tpu.memory_space<vmem>>, vector<16xf32>,
      %le3A_823 = arith.cmpf ole, %get3A_822, %gather3A_341 : vector<16xf32>
      %min3A_824 = arith.constant 624 : i32
      %min3A_825 = arith.minsi %add3A_819, %min3A_824 : i32
      %add3A_826 = arith.constant 512 : i32
      %add3A_827 = vector.broadcast %add3A_826 : i32 to vector<16xi32>
      %add3A_828 = arith.addi %iota3A, %add3A_827 : vector<16xi32>
      %swap3A_829 = arith.index_cast %min3A_825 : i32 to index
      %swap3A_830 = tpu.vector_load %arg9[%swap3A_829] masked %le3A_823 {strides = array<i32>} : memref<640xi32, #tpu.memory_space<vmem>>, vector<16xi32>, vector<16xi1>
      tpu.vector_store %arg9[%swap3A_829], %add3A_828 masked %le3A_823 {strides = array<i32>} : memref<640xi32, #tpu.memory_space<vmem>>, vector<16xi32>, vector<16xi1>
      %all_reduce_population_count3A_831 = tpu.all_reduce %le3A_823 {dim = 0 : i64, kind = #tpu.reduction_kind<sum>} : vector<16xi1> -> vector<16xi32>
      %slice3A_832 = vector.extract_strided_slice %all_reduce_population_count3A_831 {offsets = [0], sizes = [1], strides = [1]} : vector<16xi32> to vector<1xi32>
      %squeeze3A_833 = vector.extract %slice3A_832[0] : i32 from vector<1xi32>
      %add3A_834 = arith.addi %add3A_819, %squeeze3A_833 : i32
      %get3A_835 = arith.index_cast %and3A_314 : i32 to index
      %get3A_836 = arith.constant 528 : index
      %get3A_837 = tpu.vector_load %arg7[%get3A_835, %get3A_836] {strides = array<i32>} : memref<2x800xf32, #tpu.memory_space<vmem>>, vector<16xf32>,
      %le3A_838 = arith.cmpf ole, %get3A_837, %gather3A_341 : vector<16xf32>
      %min3A_839 = arith.constant 624 : i32
      %min3A_840 = arith.minsi %add3A_834, %min3A_839 : i32
      %add3A_841 = arith.constant 528 : i32
      %add3A_842 = vector.broadcast %add3A_841 : i32 to vector<16xi32>
      %add3A_843 = arith.addi %iota3A, %add3A_842 : vector<16xi32>
      %swap3A_844 = arith.index_cast %min3A_840 : i32 to index
      %swap3A_845 = tpu.vector_load %arg9[%swap3A_844] masked %le3A_838 {strides = array<i32>} : memref<640xi32, #tpu.memory_space<vmem>>, vector<16xi32>, vector<16xi1>
      tpu.vector_store %arg9[%swap3A_844], %add3A_843 masked %le3A_838 {strides = array<i32>} : memref<640xi32, #tpu.memory_space<vmem>>, vector<16xi32>, vector<16xi1>
      %all_reduce_population_count3A_846 = tpu.all_reduce %le3A_838 {dim = 0 : i64, kind = #tpu.reduction_kind<sum>} : vector<16xi1> -> vector<16xi32>
      %slice3A_847 = vector.extract_strided_slice %all_reduce_population_count3A_846 {offsets = [0], sizes = [1], strides = [1]} : vector<16xi32> to vector<1xi32>
      %squeeze3A_848 = vector.extract %slice3A_847[0] : i32 from vector<1xi32>
      %add3A_849 = arith.addi %add3A_834, %squeeze3A_848 : i32
      %get3A_850 = arith.index_cast %and3A_314 : i32 to index
      %get3A_851 = arith.constant 544 : index
      %get3A_852 = tpu.vector_load %arg7[%get3A_850, %get3A_851] {strides = array<i32>} : memref<2x800xf32, #tpu.memory_space<vmem>>, vector<16xf32>,
      %le3A_853 = arith.cmpf ole, %get3A_852, %gather3A_341 : vector<16xf32>
      %min3A_854 = arith.constant 624 : i32
      %min3A_855 = arith.minsi %add3A_849, %min3A_854 : i32
      %add3A_856 = arith.constant 544 : i32
      %add3A_857 = vector.broadcast %add3A_856 : i32 to vector<16xi32>
      %add3A_858 = arith.addi %iota3A, %add3A_857 : vector<16xi32>
      %swap3A_859 = arith.index_cast %min3A_855 : i32 to index
      %swap3A_860 = tpu.vector_load %arg9[%swap3A_859] masked %le3A_853 {strides = array<i32>} : memref<640xi32, #tpu.memory_space<vmem>>, vector<16xi32>, vector<16xi1>
      tpu.vector_store %arg9[%swap3A_859], %add3A_858 masked %le3A_853 {strides = array<i32>} : memref<640xi32, #tpu.memory_space<vmem>>, vector<16xi32>, vector<16xi1>
      %all_reduce_population_count3A_861 = tpu.all_reduce %le3A_853 {dim = 0 : i64, kind = #tpu.reduction_kind<sum>} : vector<16xi1> -> vector<16xi32>
      %slice3A_862 = vector.extract_strided_slice %all_reduce_population_count3A_861 {offsets = [0], sizes = [1], strides = [1]} : vector<16xi32> to vector<1xi32>
      %squeeze3A_863 = vector.extract %slice3A_862[0] : i32 from vector<1xi32>
      %add3A_864 = arith.addi %add3A_849, %squeeze3A_863 : i32
      %get3A_865 = arith.index_cast %and3A_314 : i32 to index
      %get3A_866 = arith.constant 560 : index
      %get3A_867 = tpu.vector_load %arg7[%get3A_865, %get3A_866] {strides = array<i32>} : memref<2x800xf32, #tpu.memory_space<vmem>>, vector<16xf32>,
      %le3A_868 = arith.cmpf ole, %get3A_867, %gather3A_341 : vector<16xf32>
      %min3A_869 = arith.constant 624 : i32
      %min3A_870 = arith.minsi %add3A_864, %min3A_869 : i32
      %add3A_871 = arith.constant 560 : i32
      %add3A_872 = vector.broadcast %add3A_871 : i32 to vector<16xi32>
      %add3A_873 = arith.addi %iota3A, %add3A_872 : vector<16xi32>
      %swap3A_874 = arith.index_cast %min3A_870 : i32 to index
      %swap3A_875 = tpu.vector_load %arg9[%swap3A_874] masked %le3A_868 {strides = array<i32>} : memref<640xi32, #tpu.memory_space<vmem>>, vector<16xi32>, vector<16xi1>
      tpu.vector_store %arg9[%swap3A_874], %add3A_873 masked %le3A_868 {strides = array<i32>} : memref<640xi32, #tpu.memory_space<vmem>>, vector<16xi32>, vector<16xi1>
      %all_reduce_population_count3A_876 = tpu.all_reduce %le3A_868 {dim = 0 : i64, kind = #tpu.reduction_kind<sum>} : vector<16xi1> -> vector<16xi32>
      %slice3A_877 = vector.extract_strided_slice %all_reduce_population_count3A_876 {offsets = [0], sizes = [1], strides = [1]} : vector<16xi32> to vector<1xi32>
      %squeeze3A_878 = vector.extract %slice3A_877[0] : i32 from vector<1xi32>
      %add3A_879 = arith.addi %add3A_864, %squeeze3A_878 : i32
      %get3A_880 = arith.index_cast %and3A_314 : i32 to index
      %get3A_881 = arith.constant 576 : index
      %get3A_882 = tpu.vector_load %arg7[%get3A_880, %get3A_881] {strides = array<i32>} : memref<2x800xf32, #tpu.memory_space<vmem>>, vector<16xf32>,
      %le3A_883 = arith.cmpf ole, %get3A_882, %gather3A_341 : vector<16xf32>
      %min3A_884 = arith.constant 624 : i32
      %min3A_885 = arith.minsi %add3A_879, %min3A_884 : i32
      %add3A_886 = arith.constant 576 : i32
      %add3A_887 = vector.broadcast %add3A_886 : i32 to vector<16xi32>
      %add3A_888 = arith.addi %iota3A, %add3A_887 : vector<16xi32>
      %swap3A_889 = arith.index_cast %min3A_885 : i32 to index
      %swap3A_890 = tpu.vector_load %arg9[%swap3A_889] masked %le3A_883 {strides = array<i32>} : memref<640xi32, #tpu.memory_space<vmem>>, vector<16xi32>, vector<16xi1>
      tpu.vector_store %arg9[%swap3A_889], %add3A_888 masked %le3A_883 {strides = array<i32>} : memref<640xi32, #tpu.memory_space<vmem>>, vector<16xi32>, vector<16xi1>
      %all_reduce_population_count3A_891 = tpu.all_reduce %le3A_883 {dim = 0 : i64, kind = #tpu.reduction_kind<sum>} : vector<16xi1> -> vector<16xi32>
      %slice3A_892 = vector.extract_strided_slice %all_reduce_population_count3A_891 {offsets = [0], sizes = [1], strides = [1]} : vector<16xi32> to vector<1xi32>
      %squeeze3A_893 = vector.extract %slice3A_892[0] : i32 from vector<1xi32>
      %add3A_894 = arith.addi %add3A_879, %squeeze3A_893 : i32
      %get3A_895 = arith.index_cast %and3A_314 : i32 to index
      %get3A_896 = arith.constant 592 : index
      %get3A_897 = tpu.vector_load %arg7[%get3A_895, %get3A_896] {strides = array<i32>} : memref<2x800xf32, #tpu.memory_space<vmem>>, vector<16xf32>,
      %le3A_898 = arith.cmpf ole, %get3A_897, %gather3A_341 : vector<16xf32>
      %min3A_899 = arith.constant 624 : i32
      %min3A_900 = arith.minsi %add3A_894, %min3A_899 : i32
      %add3A_901 = arith.constant 592 : i32
      %add3A_902 = vector.broadcast %add3A_901 : i32 to vector<16xi32>
      %add3A_903 = arith.addi %iota3A, %add3A_902 : vector<16xi32>
      %swap3A_904 = arith.index_cast %min3A_900 : i32 to index
      %swap3A_905 = tpu.vector_load %arg9[%swap3A_904] masked %le3A_898 {strides = array<i32>} : memref<640xi32, #tpu.memory_space<vmem>>, vector<16xi32>, vector<16xi1>
      tpu.vector_store %arg9[%swap3A_904], %add3A_903 masked %le3A_898 {strides = array<i32>} : memref<640xi32, #tpu.memory_space<vmem>>, vector<16xi32>, vector<16xi1>
      %all_reduce_population_count3A_906 = tpu.all_reduce %le3A_898 {dim = 0 : i64, kind = #tpu.reduction_kind<sum>} : vector<16xi1> -> vector<16xi32>
      %slice3A_907 = vector.extract_strided_slice %all_reduce_population_count3A_906 {offsets = [0], sizes = [1], strides = [1]} : vector<16xi32> to vector<1xi32>
      %squeeze3A_908 = vector.extract %slice3A_907[0] : i32 from vector<1xi32>
      %add3A_909 = arith.addi %add3A_894, %squeeze3A_908 : i32
      %get3A_910 = arith.index_cast %and3A_314 : i32 to index
      %get3A_911 = arith.constant 608 : index
      %get3A_912 = tpu.vector_load %arg7[%get3A_910, %get3A_911] {strides = array<i32>} : memref<2x800xf32, #tpu.memory_space<vmem>>, vector<16xf32>,
      %le3A_913 = arith.cmpf ole, %get3A_912, %gather3A_341 : vector<16xf32>
      %min3A_914 = arith.constant 624 : i32
      %min3A_915 = arith.minsi %add3A_909, %min3A_914 : i32
      %add3A_916 = arith.constant 608 : i32
      %add3A_917 = vector.broadcast %add3A_916 : i32 to vector<16xi32>
      %add3A_918 = arith.addi %iota3A, %add3A_917 : vector<16xi32>
      %swap3A_919 = arith.index_cast %min3A_915 : i32 to index
      %swap3A_920 = tpu.vector_load %arg9[%swap3A_919] masked %le3A_913 {strides = array<i32>} : memref<640xi32, #tpu.memory_space<vmem>>, vector<16xi32>, vector<16xi1>
      tpu.vector_store %arg9[%swap3A_919], %add3A_918 masked %le3A_913 {strides = array<i32>} : memref<640xi32, #tpu.memory_space<vmem>>, vector<16xi32>, vector<16xi1>
      %all_reduce_population_count3A_921 = tpu.all_reduce %le3A_913 {dim = 0 : i64, kind = #tpu.reduction_kind<sum>} : vector<16xi1> -> vector<16xi32>
      %slice3A_922 = vector.extract_strided_slice %all_reduce_population_count3A_921 {offsets = [0], sizes = [1], strides = [1]} : vector<16xi32> to vector<1xi32>
      %squeeze3A_923 = vector.extract %slice3A_922[0] : i32 from vector<1xi32>
      %add3A_924 = arith.addi %add3A_909, %squeeze3A_923 : i32
      %get3A_925 = arith.index_cast %and3A_314 : i32 to index
      %get3A_926 = arith.constant 624 : index
      %get3A_927 = tpu.vector_load %arg7[%get3A_925, %get3A_926] {strides = array<i32>} : memref<2x800xf32, #tpu.memory_space<vmem>>, vector<16xf32>,
      %le3A_928 = arith.cmpf ole, %get3A_927, %gather3A_341 : vector<16xf32>
      %min3A_929 = arith.constant 624 : i32
      %min3A_930 = arith.minsi %add3A_924, %min3A_929 : i32
      %add3A_931 = arith.constant 624 : i32
      %add3A_932 = vector.broadcast %add3A_931 : i32 to vector<16xi32>
      %add3A_933 = arith.addi %iota3A, %add3A_932 : vector<16xi32>
      %swap3A_934 = arith.index_cast %min3A_930 : i32 to index
      %swap3A_935 = tpu.vector_load %arg9[%swap3A_934] masked %le3A_928 {strides = array<i32>} : memref<640xi32, #tpu.memory_space<vmem>>, vector<16xi32>, vector<16xi1>
      tpu.vector_store %arg9[%swap3A_934], %add3A_933 masked %le3A_928 {strides = array<i32>} : memref<640xi32, #tpu.memory_space<vmem>>, vector<16xi32>, vector<16xi1>
      %all_reduce_population_count3A_936 = tpu.all_reduce %le3A_928 {dim = 0 : i64, kind = #tpu.reduction_kind<sum>} : vector<16xi1> -> vector<16xi32>
      %slice3A_937 = vector.extract_strided_slice %all_reduce_population_count3A_936 {offsets = [0], sizes = [1], strides = [1]} : vector<16xi32> to vector<1xi32>
      %squeeze3A_938 = vector.extract %slice3A_937[0] : i32 from vector<1xi32>
      %add3A_939 = arith.addi %add3A_924, %squeeze3A_938 : i32
      %get3A_940 = arith.index_cast %and3A_314 : i32 to index
      %get3A_941 = arith.constant 640 : index
      %get3A_942 = tpu.vector_load %arg7[%get3A_940, %get3A_941] {strides = array<i32>} : memref<2x800xf32, #tpu.memory_space<vmem>>, vector<16xf32>,
      %le3A_943 = arith.cmpf ole, %get3A_942, %gather3A_341 : vector<16xf32>
      %min3A_944 = arith.constant 624 : i32
      %min3A_945 = arith.minsi %add3A_939, %min3A_944 : i32
      %add3A_946 = arith.constant 640 : i32
      %add3A_947 = vector.broadcast %add3A_946 : i32 to vector<16xi32>
      %add3A_948 = arith.addi %iota3A, %add3A_947 : vector<16xi32>
      %swap3A_949 = arith.index_cast %min3A_945 : i32 to index
      %swap3A_950 = tpu.vector_load %arg9[%swap3A_949] masked %le3A_943 {strides = array<i32>} : memref<640xi32, #tpu.memory_space<vmem>>, vector<16xi32>, vector<16xi1>
      tpu.vector_store %arg9[%swap3A_949], %add3A_948 masked %le3A_943 {strides = array<i32>} : memref<640xi32, #tpu.memory_space<vmem>>, vector<16xi32>, vector<16xi1>
      %all_reduce_population_count3A_951 = tpu.all_reduce %le3A_943 {dim = 0 : i64, kind = #tpu.reduction_kind<sum>} : vector<16xi1> -> vector<16xi32>
      %slice3A_952 = vector.extract_strided_slice %all_reduce_population_count3A_951 {offsets = [0], sizes = [1], strides = [1]} : vector<16xi32> to vector<1xi32>
      %squeeze3A_953 = vector.extract %slice3A_952[0] : i32 from vector<1xi32>
      %add3A_954 = arith.addi %add3A_939, %squeeze3A_953 : i32
      %get3A_955 = arith.index_cast %and3A_314 : i32 to index
      %get3A_956 = arith.constant 656 : index
      %get3A_957 = tpu.vector_load %arg7[%get3A_955, %get3A_956] {strides = array<i32>} : memref<2x800xf32, #tpu.memory_space<vmem>>, vector<16xf32>,
      %le3A_958 = arith.cmpf ole, %get3A_957, %gather3A_341 : vector<16xf32>
      %min3A_959 = arith.constant 624 : i32
      %min3A_960 = arith.minsi %add3A_954, %min3A_959 : i32
      %add3A_961 = arith.constant 656 : i32
      %add3A_962 = vector.broadcast %add3A_961 : i32 to vector<16xi32>
      %add3A_963 = arith.addi %iota3A, %add3A_962 : vector<16xi32>
      %swap3A_964 = arith.index_cast %min3A_960 : i32 to index
      %swap3A_965 = tpu.vector_load %arg9[%swap3A_964] masked %le3A_958 {strides = array<i32>} : memref<640xi32, #tpu.memory_space<vmem>>, vector<16xi32>, vector<16xi1>
      tpu.vector_store %arg9[%swap3A_964], %add3A_963 masked %le3A_958 {strides = array<i32>} : memref<640xi32, #tpu.memory_space<vmem>>, vector<16xi32>, vector<16xi1>
      %all_reduce_population_count3A_966 = tpu.all_reduce %le3A_958 {dim = 0 : i64, kind = #tpu.reduction_kind<sum>} : vector<16xi1> -> vector<16xi32>
      %slice3A_967 = vector.extract_strided_slice %all_reduce_population_count3A_966 {offsets = [0], sizes = [1], strides = [1]} : vector<16xi32> to vector<1xi32>
      %squeeze3A_968 = vector.extract %slice3A_967[0] : i32 from vector<1xi32>
      %add3A_969 = arith.addi %add3A_954, %squeeze3A_968 : i32
      %get3A_970 = arith.index_cast %and3A_314 : i32 to index
      %get3A_971 = arith.constant 672 : index
      %get3A_972 = tpu.vector_load %arg7[%get3A_970, %get3A_971] {strides = array<i32>} : memref<2x800xf32, #tpu.memory_space<vmem>>, vector<16xf32>,
      %le3A_973 = arith.cmpf ole, %get3A_972, %gather3A_341 : vector<16xf32>
      %min3A_974 = arith.constant 624 : i32
      %min3A_975 = arith.minsi %add3A_969, %min3A_974 : i32
      %add3A_976 = arith.constant 672 : i32
      %add3A_977 = vector.broadcast %add3A_976 : i32 to vector<16xi32>
      %add3A_978 = arith.addi %iota3A, %add3A_977 : vector<16xi32>
      %swap3A_979 = arith.index_cast %min3A_975 : i32 to index
      %swap3A_980 = tpu.vector_load %arg9[%swap3A_979] masked %le3A_973 {strides = array<i32>} : memref<640xi32, #tpu.memory_space<vmem>>, vector<16xi32>, vector<16xi1>
      tpu.vector_store %arg9[%swap3A_979], %add3A_978 masked %le3A_973 {strides = array<i32>} : memref<640xi32, #tpu.memory_space<vmem>>, vector<16xi32>, vector<16xi1>
      %all_reduce_population_count3A_981 = tpu.all_reduce %le3A_973 {dim = 0 : i64, kind = #tpu.reduction_kind<sum>} : vector<16xi1> -> vector<16xi32>
      %slice3A_982 = vector.extract_strided_slice %all_reduce_population_count3A_981 {offsets = [0], sizes = [1], strides = [1]} : vector<16xi32> to vector<1xi32>
      %squeeze3A_983 = vector.extract %slice3A_982[0] : i32 from vector<1xi32>
      %add3A_984 = arith.addi %add3A_969, %squeeze3A_983 : i32
      %get3A_985 = arith.index_cast %and3A_314 : i32 to index
      %get3A_986 = arith.constant 688 : index
      %get3A_987 = tpu.vector_load %arg7[%get3A_985, %get3A_986] {strides = array<i32>} : memref<2x800xf32, #tpu.memory_space<vmem>>, vector<16xf32>,
      %le3A_988 = arith.cmpf ole, %get3A_987, %gather3A_341 : vector<16xf32>
      %min3A_989 = arith.constant 624 : i32
      %min3A_990 = arith.minsi %add3A_984, %min3A_989 : i32
      %add3A_991 = arith.constant 688 : i32
      %add3A_992 = vector.broadcast %add3A_991 : i32 to vector<16xi32>
      %add3A_993 = arith.addi %iota3A, %add3A_992 : vector<16xi32>
      %swap3A_994 = arith.index_cast %min3A_990 : i32 to index
      %swap3A_995 = tpu.vector_load %arg9[%swap3A_994] masked %le3A_988 {strides = array<i32>} : memref<640xi32, #tpu.memory_space<vmem>>, vector<16xi32>, vector<16xi1>
      tpu.vector_store %arg9[%swap3A_994], %add3A_993 masked %le3A_988 {strides = array<i32>} : memref<640xi32, #tpu.memory_space<vmem>>, vector<16xi32>, vector<16xi1>
      %all_reduce_population_count3A_996 = tpu.all_reduce %le3A_988 {dim = 0 : i64, kind = #tpu.reduction_kind<sum>} : vector<16xi1> -> vector<16xi32>
      %slice3A_997 = vector.extract_strided_slice %all_reduce_population_count3A_996 {offsets = [0], sizes = [1], strides = [1]} : vector<16xi32> to vector<1xi32>
      %squeeze3A_998 = vector.extract %slice3A_997[0] : i32 from vector<1xi32>
      %add3A_999 = arith.addi %add3A_984, %squeeze3A_998 : i32
      %get3A_1000 = arith.index_cast %and3A_314 : i32 to index
      %get3A_1001 = arith.constant 704 : index
      %get3A_1002 = tpu.vector_load %arg7[%get3A_1000, %get3A_1001] {strides = array<i32>} : memref<2x800xf32, #tpu.memory_space<vmem>>, vector<16xf32>,
      %le3A_1003 = arith.cmpf ole, %get3A_1002, %gather3A_341 : vector<16xf32>
      %min3A_1004 = arith.constant 624 : i32
      %min3A_1005 = arith.minsi %add3A_999, %min3A_1004 : i32
      %add3A_1006 = arith.constant 704 : i32
      %add3A_1007 = vector.broadcast %add3A_1006 : i32 to vector<16xi32>
      %add3A_1008 = arith.addi %iota3A, %add3A_1007 : vector<16xi32>
      %swap3A_1009 = arith.index_cast %min3A_1005 : i32 to index
      %swap3A_1010 = tpu.vector_load %arg9[%swap3A_1009] masked %le3A_1003 {strides = array<i32>} : memref<640xi32, #tpu.memory_space<vmem>>, vector<16xi32>, vector<16xi1>
      tpu.vector_store %arg9[%swap3A_1009], %add3A_1008 masked %le3A_1003 {strides = array<i32>} : memref<640xi32, #tpu.memory_space<vmem>>, vector<16xi32>, vector<16xi1>
      %all_reduce_population_count3A_1011 = tpu.all_reduce %le3A_1003 {dim = 0 : i64, kind = #tpu.reduction_kind<sum>} : vector<16xi1> -> vector<16xi32>
      %slice3A_1012 = vector.extract_strided_slice %all_reduce_population_count3A_1011 {offsets = [0], sizes = [1], strides = [1]} : vector<16xi32> to vector<1xi32>
      %squeeze3A_1013 = vector.extract %slice3A_1012[0] : i32 from vector<1xi32>
      %add3A_1014 = arith.addi %add3A_999, %squeeze3A_1013 : i32
      %get3A_1015 = arith.index_cast %and3A_314 : i32 to index
      %get3A_1016 = arith.constant 720 : index
      %get3A_1017 = tpu.vector_load %arg7[%get3A_1015, %get3A_1016] {strides = array<i32>} : memref<2x800xf32, #tpu.memory_space<vmem>>, vector<16xf32>,
      %le3A_1018 = arith.cmpf ole, %get3A_1017, %gather3A_341 : vector<16xf32>
      %min3A_1019 = arith.constant 624 : i32
      %min3A_1020 = arith.minsi %add3A_1014, %min3A_1019 : i32
      %add3A_1021 = arith.constant 720 : i32
      %add3A_1022 = vector.broadcast %add3A_1021 : i32 to vector<16xi32>
      %add3A_1023 = arith.addi %iota3A, %add3A_1022 : vector<16xi32>
      %swap3A_1024 = arith.index_cast %min3A_1020 : i32 to index
      %swap3A_1025 = tpu.vector_load %arg9[%swap3A_1024] masked %le3A_1018 {strides = array<i32>} : memref<640xi32, #tpu.memory_space<vmem>>, vector<16xi32>, vector<16xi1>
      tpu.vector_store %arg9[%swap3A_1024], %add3A_1023 masked %le3A_1018 {strides = array<i32>} : memref<640xi32, #tpu.memory_space<vmem>>, vector<16xi32>, vector<16xi1>
      %all_reduce_population_count3A_1026 = tpu.all_reduce %le3A_1018 {dim = 0 : i64, kind = #tpu.reduction_kind<sum>} : vector<16xi1> -> vector<16xi32>
      %slice3A_1027 = vector.extract_strided_slice %all_reduce_population_count3A_1026 {offsets = [0], sizes = [1], strides = [1]} : vector<16xi32> to vector<1xi32>
      %squeeze3A_1028 = vector.extract %slice3A_1027[0] : i32 from vector<1xi32>
      %add3A_1029 = arith.addi %add3A_1014, %squeeze3A_1028 : i32
      %get3A_1030 = arith.index_cast %and3A_314 : i32 to index
      %get3A_1031 = arith.constant 736 : index
      %get3A_1032 = tpu.vector_load %arg7[%get3A_1030, %get3A_1031] {strides = array<i32>} : memref<2x800xf32, #tpu.memory_space<vmem>>, vector<16xf32>,
      %le3A_1033 = arith.cmpf ole, %get3A_1032, %gather3A_341 : vector<16xf32>
      %min3A_1034 = arith.constant 624 : i32
      %min3A_1035 = arith.minsi %add3A_1029, %min3A_1034 : i32
      %add3A_1036 = arith.constant 736 : i32
      %add3A_1037 = vector.broadcast %add3A_1036 : i32 to vector<16xi32>
      %add3A_1038 = arith.addi %iota3A, %add3A_1037 : vector<16xi32>
      %swap3A_1039 = arith.index_cast %min3A_1035 : i32 to index
      %swap3A_1040 = tpu.vector_load %arg9[%swap3A_1039] masked %le3A_1033 {strides = array<i32>} : memref<640xi32, #tpu.memory_space<vmem>>, vector<16xi32>, vector<16xi1>
      tpu.vector_store %arg9[%swap3A_1039], %add3A_1038 masked %le3A_1033 {strides = array<i32>} : memref<640xi32, #tpu.memory_space<vmem>>, vector<16xi32>, vector<16xi1>
      %all_reduce_population_count3A_1041 = tpu.all_reduce %le3A_1033 {dim = 0 : i64, kind = #tpu.reduction_kind<sum>} : vector<16xi1> -> vector<16xi32>
      %slice3A_1042 = vector.extract_strided_slice %all_reduce_population_count3A_1041 {offsets = [0], sizes = [1], strides = [1]} : vector<16xi32> to vector<1xi32>
      %squeeze3A_1043 = vector.extract %slice3A_1042[0] : i32 from vector<1xi32>
      %add3A_1044 = arith.addi %add3A_1029, %squeeze3A_1043 : i32
      %get3A_1045 = arith.index_cast %and3A_314 : i32 to index
      %get3A_1046 = arith.constant 752 : index
      %get3A_1047 = tpu.vector_load %arg7[%get3A_1045, %get3A_1046] {strides = array<i32>} : memref<2x800xf32, #tpu.memory_space<vmem>>, vector<16xf32>,
      %le3A_1048 = arith.cmpf ole, %get3A_1047, %gather3A_341 : vector<16xf32>
      %min3A_1049 = arith.constant 624 : i32
      %min3A_1050 = arith.minsi %add3A_1044, %min3A_1049 : i32
      %add3A_1051 = arith.constant 752 : i32
      %add3A_1052 = vector.broadcast %add3A_1051 : i32 to vector<16xi32>
      %add3A_1053 = arith.addi %iota3A, %add3A_1052 : vector<16xi32>
      %swap3A_1054 = arith.index_cast %min3A_1050 : i32 to index
      %swap3A_1055 = tpu.vector_load %arg9[%swap3A_1054] masked %le3A_1048 {strides = array<i32>} : memref<640xi32, #tpu.memory_space<vmem>>, vector<16xi32>, vector<16xi1>
      tpu.vector_store %arg9[%swap3A_1054], %add3A_1053 masked %le3A_1048 {strides = array<i32>} : memref<640xi32, #tpu.memory_space<vmem>>, vector<16xi32>, vector<16xi1>
      %all_reduce_population_count3A_1056 = tpu.all_reduce %le3A_1048 {dim = 0 : i64, kind = #tpu.reduction_kind<sum>} : vector<16xi1> -> vector<16xi32>
      %slice3A_1057 = vector.extract_strided_slice %all_reduce_population_count3A_1056 {offsets = [0], sizes = [1], strides = [1]} : vector<16xi32> to vector<1xi32>
      %squeeze3A_1058 = vector.extract %slice3A_1057[0] : i32 from vector<1xi32>
      %add3A_1059 = arith.addi %add3A_1044, %squeeze3A_1058 : i32
      %get3A_1060 = arith.index_cast %and3A_314 : i32 to index
      %get3A_1061 = arith.constant 768 : index
      %get3A_1062 = tpu.vector_load %arg7[%get3A_1060, %get3A_1061] {strides = array<i32>} : memref<2x800xf32, #tpu.memory_space<vmem>>, vector<16xf32>,
      %le3A_1063 = arith.cmpf ole, %get3A_1062, %gather3A_341 : vector<16xf32>
      %min3A_1064 = arith.constant 624 : i32
      %min3A_1065 = arith.minsi %add3A_1059, %min3A_1064 : i32
      %add3A_1066 = arith.constant 768 : i32
      %add3A_1067 = vector.broadcast %add3A_1066 : i32 to vector<16xi32>
      %add3A_1068 = arith.addi %iota3A, %add3A_1067 : vector<16xi32>
      %swap3A_1069 = arith.index_cast %min3A_1065 : i32 to index
      %swap3A_1070 = tpu.vector_load %arg9[%swap3A_1069] masked %le3A_1063 {strides = array<i32>} : memref<640xi32, #tpu.memory_space<vmem>>, vector<16xi32>, vector<16xi1>
      tpu.vector_store %arg9[%swap3A_1069], %add3A_1068 masked %le3A_1063 {strides = array<i32>} : memref<640xi32, #tpu.memory_space<vmem>>, vector<16xi32>, vector<16xi1>
      %all_reduce_population_count3A_1071 = tpu.all_reduce %le3A_1063 {dim = 0 : i64, kind = #tpu.reduction_kind<sum>} : vector<16xi1> -> vector<16xi32>
      %slice3A_1072 = vector.extract_strided_slice %all_reduce_population_count3A_1071 {offsets = [0], sizes = [1], strides = [1]} : vector<16xi32> to vector<1xi32>
      %squeeze3A_1073 = vector.extract %slice3A_1072[0] : i32 from vector<1xi32>
      %add3A_1074 = arith.addi %add3A_1059, %squeeze3A_1073 : i32
      %get3A_1075 = arith.index_cast %and3A_314 : i32 to index
      %get3A_1076 = arith.constant 784 : index
      %get3A_1077 = tpu.vector_load %arg7[%get3A_1075, %get3A_1076] {strides = array<i32>} : memref<2x800xf32, #tpu.memory_space<vmem>>, vector<16xf32>,
      %le3A_1078 = arith.cmpf ole, %get3A_1077, %gather3A_341 : vector<16xf32>
      %min3A_1079 = arith.constant 624 : i32
      %min3A_1080 = arith.minsi %add3A_1074, %min3A_1079 : i32
      %add3A_1081 = arith.constant 784 : i32
      %add3A_1082 = vector.broadcast %add3A_1081 : i32 to vector<16xi32>
      %add3A_1083 = arith.addi %iota3A, %add3A_1082 : vector<16xi32>
      %swap3A_1084 = arith.index_cast %min3A_1080 : i32 to index
      %swap3A_1085 = tpu.vector_load %arg9[%swap3A_1084] masked %le3A_1078 {strides = array<i32>} : memref<640xi32, #tpu.memory_space<vmem>>, vector<16xi32>, vector<16xi1>
      tpu.vector_store %arg9[%swap3A_1084], %add3A_1083 masked %le3A_1078 {strides = array<i32>} : memref<640xi32, #tpu.memory_space<vmem>>, vector<16xi32>, vector<16xi1>
      %all_reduce_population_count3A_1086 = tpu.all_reduce %le3A_1078 {dim = 0 : i64, kind = #tpu.reduction_kind<sum>} : vector<16xi1> -> vector<16xi32>
      %slice3A_1087 = vector.extract_strided_slice %all_reduce_population_count3A_1086 {offsets = [0], sizes = [1], strides = [1]} : vector<16xi32> to vector<1xi32>
      %squeeze3A_1088 = vector.extract %slice3A_1087[0] : i32 from vector<1xi32>
      %add3A_1089 = arith.addi %add3A_1074, %squeeze3A_1088 : i32
      %min3A_1090 = arith.constant 640 : i32
      %min3A_1091 = arith.minsi %add3A_1089, %min3A_1090 : i32
      %swap3A_1092 = arith.constant 0 : index
      %swap3A_1093 = tpu.vector_load %arg12[%swap3A_1092] {strides = array<i32>} : memref<544xf32, #tpu.memory_space<vmem>>, vector<16xf32>,
      tpu.vector_store %arg12[%swap3A_1092], %broadcast_in_dim3A_3 {strides = array<i32>} : memref<544xf32, #tpu.memory_space<vmem>>, vector<16xf32>,
      %swap3A_1094 = arith.constant 16 : index
      %swap3A_1095 = tpu.vector_load %arg12[%swap3A_1094] {strides = array<i32>} : memref<544xf32, #tpu.memory_space<vmem>>, vector<16xf32>,
      tpu.vector_store %arg12[%swap3A_1094], %broadcast_in_dim3A_3 {strides = array<i32>} : memref<544xf32, #tpu.memory_space<vmem>>, vector<16xf32>,
      %swap3A_1096 = arith.constant 32 : index
      %swap3A_1097 = tpu.vector_load %arg12[%swap3A_1096] {strides = array<i32>} : memref<544xf32, #tpu.memory_space<vmem>>, vector<16xf32>,
      tpu.vector_store %arg12[%swap3A_1096], %broadcast_in_dim3A_3 {strides = array<i32>} : memref<544xf32, #tpu.memory_space<vmem>>, vector<16xf32>,
      %swap3A_1098 = arith.constant 48 : index
      %swap3A_1099 = tpu.vector_load %arg12[%swap3A_1098] {strides = array<i32>} : memref<544xf32, #tpu.memory_space<vmem>>, vector<16xf32>,
      tpu.vector_store %arg12[%swap3A_1098], %broadcast_in_dim3A_3 {strides = array<i32>} : memref<544xf32, #tpu.memory_space<vmem>>, vector<16xf32>,
      %swap3A_1100 = arith.constant 64 : index
      %swap3A_1101 = tpu.vector_load %arg12[%swap3A_1100] {strides = array<i32>} : memref<544xf32, #tpu.memory_space<vmem>>, vector<16xf32>,
      tpu.vector_store %arg12[%swap3A_1100], %broadcast_in_dim3A_3 {strides = array<i32>} : memref<544xf32, #tpu.memory_space<vmem>>, vector<16xf32>,
      %swap3A_1102 = arith.constant 80 : index
      %swap3A_1103 = tpu.vector_load %arg12[%swap3A_1102] {strides = array<i32>} : memref<544xf32, #tpu.memory_space<vmem>>, vector<16xf32>,
      tpu.vector_store %arg12[%swap3A_1102], %broadcast_in_dim3A_3 {strides = array<i32>} : memref<544xf32, #tpu.memory_space<vmem>>, vector<16xf32>,
      %swap3A_1104 = arith.constant 96 : index
      %swap3A_1105 = tpu.vector_load %arg12[%swap3A_1104] {strides = array<i32>} : memref<544xf32, #tpu.memory_space<vmem>>, vector<16xf32>,
      tpu.vector_store %arg12[%swap3A_1104], %broadcast_in_dim3A_3 {strides = array<i32>} : memref<544xf32, #tpu.memory_space<vmem>>, vector<16xf32>,
      %swap3A_1106 = arith.constant 112 : index
      %swap3A_1107 = tpu.vector_load %arg12[%swap3A_1106] {strides = array<i32>} : memref<544xf32, #tpu.memory_space<vmem>>, vector<16xf32>,
      tpu.vector_store %arg12[%swap3A_1106], %broadcast_in_dim3A_3 {strides = array<i32>} : memref<544xf32, #tpu.memory_space<vmem>>, vector<16xf32>,
      %swap3A_1108 = arith.constant 128 : index
      %swap3A_1109 = tpu.vector_load %arg12[%swap3A_1108] {strides = array<i32>} : memref<544xf32, #tpu.memory_space<vmem>>, vector<16xf32>,
      tpu.vector_store %arg12[%swap3A_1108], %broadcast_in_dim3A_3 {strides = array<i32>} : memref<544xf32, #tpu.memory_space<vmem>>, vector<16xf32>,
      %swap3A_1110 = arith.constant 144 : index
      %swap3A_1111 = tpu.vector_load %arg12[%swap3A_1110] {strides = array<i32>} : memref<544xf32, #tpu.memory_space<vmem>>, vector<16xf32>,
      tpu.vector_store %arg12[%swap3A_1110], %broadcast_in_dim3A_3 {strides = array<i32>} : memref<544xf32, #tpu.memory_space<vmem>>, vector<16xf32>,
      %swap3A_1112 = arith.constant 160 : index
      %swap3A_1113 = tpu.vector_load %arg12[%swap3A_1112] {strides = array<i32>} : memref<544xf32, #tpu.memory_space<vmem>>, vector<16xf32>,
      tpu.vector_store %arg12[%swap3A_1112], %broadcast_in_dim3A_3 {strides = array<i32>} : memref<544xf32, #tpu.memory_space<vmem>>, vector<16xf32>,
      %swap3A_1114 = arith.constant 176 : index
      %swap3A_1115 = tpu.vector_load %arg12[%swap3A_1114] {strides = array<i32>} : memref<544xf32, #tpu.memory_space<vmem>>, vector<16xf32>,
      tpu.vector_store %arg12[%swap3A_1114], %broadcast_in_dim3A_3 {strides = array<i32>} : memref<544xf32, #tpu.memory_space<vmem>>, vector<16xf32>,
      %swap3A_1116 = arith.constant 192 : index
      %swap3A_1117 = tpu.vector_load %arg12[%swap3A_1116] {strides = array<i32>} : memref<544xf32, #tpu.memory_space<vmem>>, vector<16xf32>,
      tpu.vector_store %arg12[%swap3A_1116], %broadcast_in_dim3A_3 {strides = array<i32>} : memref<544xf32, #tpu.memory_space<vmem>>, vector<16xf32>,
      %swap3A_1118 = arith.constant 208 : index
      %swap3A_1119 = tpu.vector_load %arg12[%swap3A_1118] {strides = array<i32>} : memref<544xf32, #tpu.memory_space<vmem>>, vector<16xf32>,
      tpu.vector_store %arg12[%swap3A_1118], %broadcast_in_dim3A_3 {strides = array<i32>} : memref<544xf32, #tpu.memory_space<vmem>>, vector<16xf32>,
      %swap3A_1120 = arith.constant 224 : index
      %swap3A_1121 = tpu.vector_load %arg12[%swap3A_1120] {strides = array<i32>} : memref<544xf32, #tpu.memory_space<vmem>>, vector<16xf32>,
      tpu.vector_store %arg12[%swap3A_1120], %broadcast_in_dim3A_3 {strides = array<i32>} : memref<544xf32, #tpu.memory_space<vmem>>, vector<16xf32>,
      %swap3A_1122 = arith.constant 240 : index
      %swap3A_1123 = tpu.vector_load %arg12[%swap3A_1122] {strides = array<i32>} : memref<544xf32, #tpu.memory_space<vmem>>, vector<16xf32>,
      tpu.vector_store %arg12[%swap3A_1122], %broadcast_in_dim3A_3 {strides = array<i32>} : memref<544xf32, #tpu.memory_space<vmem>>, vector<16xf32>,
      %swap3A_1124 = arith.constant 256 : index
      %swap3A_1125 = tpu.vector_load %arg12[%swap3A_1124] {strides = array<i32>} : memref<544xf32, #tpu.memory_space<vmem>>, vector<16xf32>,
      tpu.vector_store %arg12[%swap3A_1124], %broadcast_in_dim3A_3 {strides = array<i32>} : memref<544xf32, #tpu.memory_space<vmem>>, vector<16xf32>,
      %swap3A_1126 = arith.constant 272 : index
      %swap3A_1127 = tpu.vector_load %arg12[%swap3A_1126] {strides = array<i32>} : memref<544xf32, #tpu.memory_space<vmem>>, vector<16xf32>,
      tpu.vector_store %arg12[%swap3A_1126], %broadcast_in_dim3A_3 {strides = array<i32>} : memref<544xf32, #tpu.memory_space<vmem>>, vector<16xf32>,
      %swap3A_1128 = arith.constant 288 : index
      %swap3A_1129 = tpu.vector_load %arg12[%swap3A_1128] {strides = array<i32>} : memref<544xf32, #tpu.memory_space<vmem>>, vector<16xf32>,
      tpu.vector_store %arg12[%swap3A_1128], %broadcast_in_dim3A_3 {strides = array<i32>} : memref<544xf32, #tpu.memory_space<vmem>>, vector<16xf32>,
      %swap3A_1130 = arith.constant 304 : index
      %swap3A_1131 = tpu.vector_load %arg12[%swap3A_1130] {strides = array<i32>} : memref<544xf32, #tpu.memory_space<vmem>>, vector<16xf32>,
      tpu.vector_store %arg12[%swap3A_1130], %broadcast_in_dim3A_3 {strides = array<i32>} : memref<544xf32, #tpu.memory_space<vmem>>, vector<16xf32>,
      %swap3A_1132 = arith.constant 320 : index
      %swap3A_1133 = tpu.vector_load %arg12[%swap3A_1132] {strides = array<i32>} : memref<544xf32, #tpu.memory_space<vmem>>, vector<16xf32>,
      tpu.vector_store %arg12[%swap3A_1132], %broadcast_in_dim3A_3 {strides = array<i32>} : memref<544xf32, #tpu.memory_space<vmem>>, vector<16xf32>,
      %swap3A_1134 = arith.constant 336 : index
      %swap3A_1135 = tpu.vector_load %arg12[%swap3A_1134] {strides = array<i32>} : memref<544xf32, #tpu.memory_space<vmem>>, vector<16xf32>,
      tpu.vector_store %arg12[%swap3A_1134], %broadcast_in_dim3A_3 {strides = array<i32>} : memref<544xf32, #tpu.memory_space<vmem>>, vector<16xf32>,
      %swap3A_1136 = arith.constant 352 : index
      %swap3A_1137 = tpu.vector_load %arg12[%swap3A_1136] {strides = array<i32>} : memref<544xf32, #tpu.memory_space<vmem>>, vector<16xf32>,
      tpu.vector_store %arg12[%swap3A_1136], %broadcast_in_dim3A_3 {strides = array<i32>} : memref<544xf32, #tpu.memory_space<vmem>>, vector<16xf32>,
      %swap3A_1138 = arith.constant 368 : index
      %swap3A_1139 = tpu.vector_load %arg12[%swap3A_1138] {strides = array<i32>} : memref<544xf32, #tpu.memory_space<vmem>>, vector<16xf32>,
      tpu.vector_store %arg12[%swap3A_1138], %broadcast_in_dim3A_3 {strides = array<i32>} : memref<544xf32, #tpu.memory_space<vmem>>, vector<16xf32>,
      %swap3A_1140 = arith.constant 384 : index
      %swap3A_1141 = tpu.vector_load %arg12[%swap3A_1140] {strides = array<i32>} : memref<544xf32, #tpu.memory_space<vmem>>, vector<16xf32>,
      tpu.vector_store %arg12[%swap3A_1140], %broadcast_in_dim3A_3 {strides = array<i32>} : memref<544xf32, #tpu.memory_space<vmem>>, vector<16xf32>,
      %swap3A_1142 = arith.constant 400 : index
      %swap3A_1143 = tpu.vector_load %arg12[%swap3A_1142] {strides = array<i32>} : memref<544xf32, #tpu.memory_space<vmem>>, vector<16xf32>,
      tpu.vector_store %arg12[%swap3A_1142], %broadcast_in_dim3A_3 {strides = array<i32>} : memref<544xf32, #tpu.memory_space<vmem>>, vector<16xf32>,
      %swap3A_1144 = arith.constant 416 : index
      %swap3A_1145 = tpu.vector_load %arg12[%swap3A_1144] {strides = array<i32>} : memref<544xf32, #tpu.memory_space<vmem>>, vector<16xf32>,
      tpu.vector_store %arg12[%swap3A_1144], %broadcast_in_dim3A_3 {strides = array<i32>} : memref<544xf32, #tpu.memory_space<vmem>>, vector<16xf32>,
      %swap3A_1146 = arith.constant 432 : index
      %swap3A_1147 = tpu.vector_load %arg12[%swap3A_1146] {strides = array<i32>} : memref<544xf32, #tpu.memory_space<vmem>>, vector<16xf32>,
      tpu.vector_store %arg12[%swap3A_1146], %broadcast_in_dim3A_3 {strides = array<i32>} : memref<544xf32, #tpu.memory_space<vmem>>, vector<16xf32>,
      %swap3A_1148 = arith.constant 448 : index
      %swap3A_1149 = tpu.vector_load %arg12[%swap3A_1148] {strides = array<i32>} : memref<544xf32, #tpu.memory_space<vmem>>, vector<16xf32>,
      tpu.vector_store %arg12[%swap3A_1148], %broadcast_in_dim3A_3 {strides = array<i32>} : memref<544xf32, #tpu.memory_space<vmem>>, vector<16xf32>,
      %swap3A_1150 = arith.constant 464 : index
      %swap3A_1151 = tpu.vector_load %arg12[%swap3A_1150] {strides = array<i32>} : memref<544xf32, #tpu.memory_space<vmem>>, vector<16xf32>,
      tpu.vector_store %arg12[%swap3A_1150], %broadcast_in_dim3A_3 {strides = array<i32>} : memref<544xf32, #tpu.memory_space<vmem>>, vector<16xf32>,
      %swap3A_1152 = arith.constant 480 : index
      %swap3A_1153 = tpu.vector_load %arg12[%swap3A_1152] {strides = array<i32>} : memref<544xf32, #tpu.memory_space<vmem>>, vector<16xf32>,
      tpu.vector_store %arg12[%swap3A_1152], %broadcast_in_dim3A_3 {strides = array<i32>} : memref<544xf32, #tpu.memory_space<vmem>>, vector<16xf32>,
      %swap3A_1154 = arith.constant 496 : index
      %swap3A_1155 = tpu.vector_load %arg12[%swap3A_1154] {strides = array<i32>} : memref<544xf32, #tpu.memory_space<vmem>>, vector<16xf32>,
      tpu.vector_store %arg12[%swap3A_1154], %broadcast_in_dim3A_3 {strides = array<i32>} : memref<544xf32, #tpu.memory_space<vmem>>, vector<16xf32>,
      %swap3A_1156 = arith.constant 512 : index
      %swap3A_1157 = tpu.vector_load %arg12[%swap3A_1156] {strides = array<i32>} : memref<544xf32, #tpu.memory_space<vmem>>, vector<16xf32>,
      tpu.vector_store %arg12[%swap3A_1156], %broadcast_in_dim3A_3 {strides = array<i32>} : memref<544xf32, #tpu.memory_space<vmem>>, vector<16xf32>,
      %swap3A_1158 = arith.constant 528 : index
      %swap3A_1159 = tpu.vector_load %arg12[%swap3A_1158] {strides = array<i32>} : memref<544xf32, #tpu.memory_space<vmem>>, vector<16xf32>,
      tpu.vector_store %arg12[%swap3A_1158], %broadcast_in_dim3A_3 {strides = array<i32>} : memref<544xf32, #tpu.memory_space<vmem>>, vector<16xf32>,
      %add3A_1160 = arith.constant 127 : i32
      %add3A_1161 = arith.addi %min3A_1091, %add3A_1160 : i32
      %div3A = arith.constant 128 : i32
      %div3A_1162 = arith.divsi %add3A_1161, %div3A : i32
      %mul3A_1163 = arith.constant 800 : i32
      %mul3A_1164 = arith.muli %add3A_313, %mul3A_1163 : i32
      %broadcast_in_dim3A_1165 = vector.broadcast %mul3A_1164 : i32 to vector<16xi32>
      %while3A = arith.constant 0 : i32
      %while3A_1166 = arith.constant 0 : i32
      %while3A_1167 = arith.subi %div3A_1162, %while3A : i32
      %while3A_1168 = arith.addi %while3A, %while3A_1167 : i32
      %while3A_1169 = arith.constant 1 : i32
      %while3A_1170 = arith.divsi %while3A_1167, %while3A_1169 : i32
      %while3A_1171 = arith.muli %while3A_1170, %while3A_1169 : i32
      %while3A_1172 = arith.addi %while3A, %while3A_1171 : i32
      %while3A_1173 = arith.constant 1 : i32
      %while3A_1174 = scf.for %while3A_1261 = %while3A to %while3A_1172 step %while3A_1173 iter_args(%while3A_1262 = %while3A_1166) -> (i32)  : i32 {
        %mul3A_1263 = arith.constant 128 : i32
        %mul3A_1264 = arith.muli %while3A_1261, %mul3A_1263 : i32
        %add3A_1265 = arith.constant 0 : i32
        %add3A_1266 = arith.addi %mul3A_1264, %add3A_1265 : i32
        %get3A_1267 = arith.index_cast %add3A_1266 : i32 to index
        %get3A_1268 = tpu.vector_load %arg9[%get3A_1267] {strides = array<i32>} : memref<640xi32, #tpu.memory_space<vmem>>, vector<16xi32>,
        %add3A_1269 = arith.addi %get3A_1268, %broadcast_in_dim3A_1165 : vector<16xi32>
        %swap3A_1270 = arith.constant 0 : index
        %swap3A_1271 = tpu.vector_load %arg10[%swap3A_1270] {strides = array<i32>} : memref<128xi32, #tpu.memory_space<vmem>>, vector<16xi32>,
        tpu.vector_store %arg10[%swap3A_1270], %add3A_1269 {strides = array<i32>} : memref<128xi32, #tpu.memory_space<vmem>>, vector<16xi32>,
        %add3A_1272 = arith.constant 16 : i32
        %add3A_1273 = arith.addi %mul3A_1264, %add3A_1272 : i32
        %get3A_1274 = arith.index_cast %add3A_1273 : i32 to index
        %get3A_1275 = tpu.vector_load %arg9[%get3A_1274] {strides = array<i32>} : memref<640xi32, #tpu.memory_space<vmem>>, vector<16xi32>,
        %add3A_1276 = arith.addi %get3A_1275, %broadcast_in_dim3A_1165 : vector<16xi32>
        %swap3A_1277 = arith.constant 16 : index
        %swap3A_1278 = tpu.vector_load %arg10[%swap3A_1277] {strides = array<i32>} : memref<128xi32, #tpu.memory_space<vmem>>, vector<16xi32>,
        tpu.vector_store %arg10[%swap3A_1277], %add3A_1276 {strides = array<i32>} : memref<128xi32, #tpu.memory_space<vmem>>, vector<16xi32>,
        %add3A_1279 = arith.constant 32 : i32
        %add3A_1280 = arith.addi %mul3A_1264, %add3A_1279 : i32
        %get3A_1281 = arith.index_cast %add3A_1280 : i32 to index
        %get3A_1282 = tpu.vector_load %arg9[%get3A_1281] {strides = array<i32>} : memref<640xi32, #tpu.memory_space<vmem>>, vector<16xi32>,
        %add3A_1283 = arith.addi %get3A_1282, %broadcast_in_dim3A_1165 : vector<16xi32>
        %swap3A_1284 = arith.constant 32 : index
        %swap3A_1285 = tpu.vector_load %arg10[%swap3A_1284] {strides = array<i32>} : memref<128xi32, #tpu.memory_space<vmem>>, vector<16xi32>,
        tpu.vector_store %arg10[%swap3A_1284], %add3A_1283 {strides = array<i32>} : memref<128xi32, #tpu.memory_space<vmem>>, vector<16xi32>,
        %add3A_1286 = arith.constant 48 : i32
        %add3A_1287 = arith.addi %mul3A_1264, %add3A_1286 : i32
        %get3A_1288 = arith.index_cast %add3A_1287 : i32 to index
        %get3A_1289 = tpu.vector_load %arg9[%get3A_1288] {strides = array<i32>} : memref<640xi32, #tpu.memory_space<vmem>>, vector<16xi32>,
        %add3A_1290 = arith.addi %get3A_1289, %broadcast_in_dim3A_1165 : vector<16xi32>
        %swap3A_1291 = arith.constant 48 : index
        %swap3A_1292 = tpu.vector_load %arg10[%swap3A_1291] {strides = array<i32>} : memref<128xi32, #tpu.memory_space<vmem>>, vector<16xi32>,
        tpu.vector_store %arg10[%swap3A_1291], %add3A_1290 {strides = array<i32>} : memref<128xi32, #tpu.memory_space<vmem>>, vector<16xi32>,
        %add3A_1293 = arith.constant 64 : i32
        %add3A_1294 = arith.addi %mul3A_1264, %add3A_1293 : i32
        %get3A_1295 = arith.index_cast %add3A_1294 : i32 to index
        %get3A_1296 = tpu.vector_load %arg9[%get3A_1295] {strides = array<i32>} : memref<640xi32, #tpu.memory_space<vmem>>, vector<16xi32>,
        %add3A_1297 = arith.addi %get3A_1296, %broadcast_in_dim3A_1165 : vector<16xi32>
        %swap3A_1298 = arith.constant 64 : index
        %swap3A_1299 = tpu.vector_load %arg10[%swap3A_1298] {strides = array<i32>} : memref<128xi32, #tpu.memory_space<vmem>>, vector<16xi32>,
        tpu.vector_store %arg10[%swap3A_1298], %add3A_1297 {strides = array<i32>} : memref<128xi32, #tpu.memory_space<vmem>>, vector<16xi32>,
        %add3A_1300 = arith.constant 80 : i32
        %add3A_1301 = arith.addi %mul3A_1264, %add3A_1300 : i32
        %get3A_1302 = arith.index_cast %add3A_1301 : i32 to index
        %get3A_1303 = tpu.vector_load %arg9[%get3A_1302] {strides = array<i32>} : memref<640xi32, #tpu.memory_space<vmem>>, vector<16xi32>,
        %add3A_1304 = arith.addi %get3A_1303, %broadcast_in_dim3A_1165 : vector<16xi32>
        %swap3A_1305 = arith.constant 80 : index
        %swap3A_1306 = tpu.vector_load %arg10[%swap3A_1305] {strides = array<i32>} : memref<128xi32, #tpu.memory_space<vmem>>, vector<16xi32>,
        tpu.vector_store %arg10[%swap3A_1305], %add3A_1304 {strides = array<i32>} : memref<128xi32, #tpu.memory_space<vmem>>, vector<16xi32>,
        %add3A_1307 = arith.constant 96 : i32
        %add3A_1308 = arith.addi %mul3A_1264, %add3A_1307 : i32
        %get3A_1309 = arith.index_cast %add3A_1308 : i32 to index
        %get3A_1310 = tpu.vector_load %arg9[%get3A_1309] {strides = array<i32>} : memref<640xi32, #tpu.memory_space<vmem>>, vector<16xi32>,
        %add3A_1311 = arith.addi %get3A_1310, %broadcast_in_dim3A_1165 : vector<16xi32>
        %swap3A_1312 = arith.constant 96 : index
        %swap3A_1313 = tpu.vector_load %arg10[%swap3A_1312] {strides = array<i32>} : memref<128xi32, #tpu.memory_space<vmem>>, vector<16xi32>,
        tpu.vector_store %arg10[%swap3A_1312], %add3A_1311 {strides = array<i32>} : memref<128xi32, #tpu.memory_space<vmem>>, vector<16xi32>,
        %add3A_1314 = arith.constant 112 : i32
        %add3A_1315 = arith.addi %mul3A_1264, %add3A_1314 : i32
        %get3A_1316 = arith.index_cast %add3A_1315 : i32 to index
        %get3A_1317 = tpu.vector_load %arg9[%get3A_1316] {strides = array<i32>} : memref<640xi32, #tpu.memory_space<vmem>>, vector<16xi32>,
        %add3A_1318 = arith.addi %get3A_1317, %broadcast_in_dim3A_1165 : vector<16xi32>
        %swap3A_1319 = arith.constant 112 : index
        %swap3A_1320 = tpu.vector_load %arg10[%swap3A_1319] {strides = array<i32>} : memref<128xi32, #tpu.memory_space<vmem>>, vector<16xi32>,
        tpu.vector_store %arg10[%swap3A_1319], %add3A_1318 {strides = array<i32>} : memref<128xi32, #tpu.memory_space<vmem>>, vector<16xi32>,
        %dma_start3A_1321 = arith.constant 0 : i32
        %dma_start3A_1322 = arith.constant 0 : i32
        %dma_start3A_1323 = tpu.memref_slice %arg2[%dma_start3A_1321, %dma_start3A_1322] : memref<819200x128xf32, #tpu.memory_space<hbm>> -> memref<819200x128xf32, #tpu.memory_space<hbm>>
        tpu.enqueue_indirect_dma source(%dma_start3A_1323 : memref<819200x128xf32, #tpu.memory_space<hbm>>) target(%arg11 : memref<128x128xf32, #tpu.memory_space<vmem>>) offsets(%arg10 : memref<128xi32, #tpu.memory_space<vmem>>) semaphore(%arg16 : memref<!tpu.dma_semaphore, #tpu.memory_space<semaphore_mem>>)
        %dma_wait3A_1324 = arith.constant 0 : i32
        %dma_wait3A_1325 = arith.constant 0 : i32
        %dma_wait3A_1326 = tpu.memref_slice %arg2[%dma_wait3A_1324, %dma_wait3A_1325] : memref<819200x128xf32, #tpu.memory_space<hbm>> -> memref<819200x128xf32, #tpu.memory_space<hbm>>
        tpu.wait_indirect_dma semaphore(%arg16 : memref<!tpu.dma_semaphore, #tpu.memory_space<semaphore_mem>>) src(%dma_wait3A_1326 : memref<819200x128xf32, #tpu.memory_space<hbm>>) dst(%arg11 : memref<128x128xf32, #tpu.memory_space<vmem>>)
        %sub3A_1327 = arith.subi %min3A_1091, %mul3A_1264 : i32
        %min3A_1328 = arith.constant 128 : i32
        %min3A_1329 = arith.minsi %sub3A_1327, %min3A_1328 : i32
        %while3A_1330 = arith.constant 0 : i32
        %while3A_1331 = arith.subi %min3A_1329, %while3A_1330 : i32
        %while3A_1332 = arith.addi %while3A_1330, %while3A_1331 : i32
        %while3A_1333 = arith.constant 1 : i32
        %while3A_1334 = arith.divsi %while3A_1331, %while3A_1333 : i32
        %while3A_1335 = arith.muli %while3A_1334, %while3A_1333 : i32
        %while3A_1336 = arith.addi %while3A_1330, %while3A_1335 : i32
        %while3A_1337 = arith.constant 1 : i32
        %while3A_1338 = scf.for %while3A_1341 = %while3A_1330 to %while3A_1336 step %while3A_1337 iter_args(%while3A_1342 = %while3A_1262) -> (i32)  : i32 {
          %and3A_1343 = arith.constant -16 : i32
          %and3A_1344 = arith.andi %while3A_1341, %and3A_1343 : i32
          %add3A_1345 = arith.addi %mul3A_1264, %and3A_1344 : i32
          %get3A_1346 = arith.index_cast %add3A_1345 : i32 to index
          %get3A_1347 = tpu.vector_load %arg9[%get3A_1346] {strides = array<i32>} : memref<640xi32, #tpu.memory_space<vmem>>, vector<16xi32>,
          %and3A_1348 = arith.constant 15 : i32
          %and3A_1349 = arith.andi %while3A_1341, %and3A_1348 : i32
          %broadcast_in_dim3A_1350 = vector.broadcast %and3A_1349 : i32 to vector<16xi32>
          %broadcast_in_dim3A_1351 = vector.shape_cast %broadcast_in_dim3A_1350 : vector<16xi32> to vector<16x1xi32>
          %gather3A_1352 = vector.shape_cast %broadcast_in_dim3A_1351 : vector<16x1xi32> to vector<16xi32>
          %gather3A_1353 = tpu.dynamic_gather %get3A_1347[%gather3A_1352] in [0] : vector<16xi32>, vector<16xi32> -> vector<16xi32>
          %mul3A_1354 = arith.constant 128 : i32
          %mul3A_1355 = vector.broadcast %mul3A_1354 : i32 to vector<16xi32>
          %mul3A_1356 = arith.muli %gather3A_1353, %mul3A_1355 : vector<16xi32>
          %get3A_1357 = arith.index_cast %while3A_1341 : i32 to index
          %get3A_1358 = arith.constant 0 : index
          %get3A_1359 = tpu.vector_load %arg11[%get3A_1357, %get3A_1358] {strides = array<i32>} : memref<128x128xf32, #tpu.memory_space<vmem>>, vector<16xf32>,
          %le3A_1360 = arith.cmpf ole, %get3A_1359, %gather3A_341 : vector<16xf32>
          %add3A_1361 = arith.constant 0 : i32
          %add3A_1362 = vector.broadcast %add3A_1361 : i32 to vector<16xi32>
          %add3A_1363 = arith.addi %iota3A, %add3A_1362 : vector<16xi32>
          %add3A_1364 = arith.addi %mul3A_1356, %add3A_1363 : vector<16xi32>
          %min3A_1365 = arith.constant 512 : i32
          %min3A_1366 = arith.minsi %while3A_1342, %min3A_1365 : i32
          %swap3A_1367 = arith.index_cast %min3A_1366 : i32 to index
          %swap3A_1368 = tpu.vector_load %arg12[%swap3A_1367] masked %le3A_1360 {strides = array<i32>} : memref<544xf32, #tpu.memory_space<vmem>>, vector<16xf32>, vector<16xi1>
          tpu.vector_store %arg12[%swap3A_1367], %get3A_1359 masked %le3A_1360 {strides = array<i32>} : memref<544xf32, #tpu.memory_space<vmem>>, vector<16xf32>, vector<16xi1>
          %swap3A_1369 = arith.index_cast %min3A_1366 : i32 to index
          %swap3A_1370 = tpu.vector_load %arg13[%swap3A_1369] masked %le3A_1360 {strides = array<i32>} : memref<544xi32, #tpu.memory_space<vmem>>, vector<16xi32>, vector<16xi1>
          tpu.vector_store %arg13[%swap3A_1369], %add3A_1364 masked %le3A_1360 {strides = array<i32>} : memref<544xi32, #tpu.memory_space<vmem>>, vector<16xi32>, vector<16xi1>
          %all_reduce_population_count3A_1371 = tpu.all_reduce %le3A_1360 {dim = 0 : i64, kind = #tpu.reduction_kind<sum>} : vector<16xi1> -> vector<16xi32>
          %slice3A_1372 = vector.extract_strided_slice %all_reduce_population_count3A_1371 {offsets = [0], sizes = [1], strides = [1]} : vector<16xi32> to vector<1xi32>
          %squeeze3A_1373 = vector.extract %slice3A_1372[0] : i32 from vector<1xi32>
          %add3A_1374 = arith.addi %while3A_1342, %squeeze3A_1373 : i32
          %get3A_1375 = arith.index_cast %while3A_1341 : i32 to index
          %get3A_1376 = arith.constant 16 : index
          %get3A_1377 = tpu.vector_load %arg11[%get3A_1375, %get3A_1376] {strides = array<i32>} : memref<128x128xf32, #tpu.memory_space<vmem>>, vector<16xf32>,
          %le3A_1378 = arith.cmpf ole, %get3A_1377, %gather3A_341 : vector<16xf32>
          %add3A_1379 = arith.constant 16 : i32
          %add3A_1380 = vector.broadcast %add3A_1379 : i32 to vector<16xi32>
          %add3A_1381 = arith.addi %iota3A, %add3A_1380 : vector<16xi32>
          %add3A_1382 = arith.addi %mul3A_1356, %add3A_1381 : vector<16xi32>
          %min3A_1383 = arith.constant 512 : i32
          %min3A_1384 = arith.minsi %add3A_1374, %min3A_1383 : i32
          %swap3A_1385 = arith.index_cast %min3A_1384 : i32 to index
          %swap3A_1386 = tpu.vector_load %arg12[%swap3A_1385] masked %le3A_1378 {strides = array<i32>} : memref<544xf32, #tpu.memory_space<vmem>>, vector<16xf32>, vector<16xi1>
          tpu.vector_store %arg12[%swap3A_1385], %get3A_1377 masked %le3A_1378 {strides = array<i32>} : memref<544xf32, #tpu.memory_space<vmem>>, vector<16xf32>, vector<16xi1>
          %swap3A_1387 = arith.index_cast %min3A_1384 : i32 to index
          %swap3A_1388 = tpu.vector_load %arg13[%swap3A_1387] masked %le3A_1378 {strides = array<i32>} : memref<544xi32, #tpu.memory_space<vmem>>, vector<16xi32>, vector<16xi1>
          tpu.vector_store %arg13[%swap3A_1387], %add3A_1382 masked %le3A_1378 {strides = array<i32>} : memref<544xi32, #tpu.memory_space<vmem>>, vector<16xi32>, vector<16xi1>
          %all_reduce_population_count3A_1389 = tpu.all_reduce %le3A_1378 {dim = 0 : i64, kind = #tpu.reduction_kind<sum>} : vector<16xi1> -> vector<16xi32>
          %slice3A_1390 = vector.extract_strided_slice %all_reduce_population_count3A_1389 {offsets = [0], sizes = [1], strides = [1]} : vector<16xi32> to vector<1xi32>
          %squeeze3A_1391 = vector.extract %slice3A_1390[0] : i32 from vector<1xi32>
          %add3A_1392 = arith.addi %add3A_1374, %squeeze3A_1391 : i32
          %get3A_1393 = arith.index_cast %while3A_1341 : i32 to index
          %get3A_1394 = arith.constant 32 : index
          %get3A_1395 = tpu.vector_load %arg11[%get3A_1393, %get3A_1394] {strides = array<i32>} : memref<128x128xf32, #tpu.memory_space<vmem>>, vector<16xf32>,
          %le3A_1396 = arith.cmpf ole, %get3A_1395, %gather3A_341 : vector<16xf32>
          %add3A_1397 = arith.constant 32 : i32
          %add3A_1398 = vector.broadcast %add3A_1397 : i32 to vector<16xi32>
          %add3A_1399 = arith.addi %iota3A, %add3A_1398 : vector<16xi32>
          %add3A_1400 = arith.addi %mul3A_1356, %add3A_1399 : vector<16xi32>
          %min3A_1401 = arith.constant 512 : i32
          %min3A_1402 = arith.minsi %add3A_1392, %min3A_1401 : i32
          %swap3A_1403 = arith.index_cast %min3A_1402 : i32 to index
          %swap3A_1404 = tpu.vector_load %arg12[%swap3A_1403] masked %le3A_1396 {strides = array<i32>} : memref<544xf32, #tpu.memory_space<vmem>>, vector<16xf32>, vector<16xi1>
          tpu.vector_store %arg12[%swap3A_1403], %get3A_1395 masked %le3A_1396 {strides = array<i32>} : memref<544xf32, #tpu.memory_space<vmem>>, vector<16xf32>, vector<16xi1>
          %swap3A_1405 = arith.index_cast %min3A_1402 : i32 to index
          %swap3A_1406 = tpu.vector_load %arg13[%swap3A_1405] masked %le3A_1396 {strides = array<i32>} : memref<544xi32, #tpu.memory_space<vmem>>, vector<16xi32>, vector<16xi1>
          tpu.vector_store %arg13[%swap3A_1405], %add3A_1400 masked %le3A_1396 {strides = array<i32>} : memref<544xi32, #tpu.memory_space<vmem>>, vector<16xi32>, vector<16xi1>
          %all_reduce_population_count3A_1407 = tpu.all_reduce %le3A_1396 {dim = 0 : i64, kind = #tpu.reduction_kind<sum>} : vector<16xi1> -> vector<16xi32>
          %slice3A_1408 = vector.extract_strided_slice %all_reduce_population_count3A_1407 {offsets = [0], sizes = [1], strides = [1]} : vector<16xi32> to vector<1xi32>
          %squeeze3A_1409 = vector.extract %slice3A_1408[0] : i32 from vector<1xi32>
          %add3A_1410 = arith.addi %add3A_1392, %squeeze3A_1409 : i32
          %get3A_1411 = arith.index_cast %while3A_1341 : i32 to index
          %get3A_1412 = arith.constant 48 : index
          %get3A_1413 = tpu.vector_load %arg11[%get3A_1411, %get3A_1412] {strides = array<i32>} : memref<128x128xf32, #tpu.memory_space<vmem>>, vector<16xf32>,
          %le3A_1414 = arith.cmpf ole, %get3A_1413, %gather3A_341 : vector<16xf32>
          %add3A_1415 = arith.constant 48 : i32
          %add3A_1416 = vector.broadcast %add3A_1415 : i32 to vector<16xi32>
          %add3A_1417 = arith.addi %iota3A, %add3A_1416 : vector<16xi32>
          %add3A_1418 = arith.addi %mul3A_1356, %add3A_1417 : vector<16xi32>
          %min3A_1419 = arith.constant 512 : i32
          %min3A_1420 = arith.minsi %add3A_1410, %min3A_1419 : i32
          %swap3A_1421 = arith.index_cast %min3A_1420 : i32 to index
          %swap3A_1422 = tpu.vector_load %arg12[%swap3A_1421] masked %le3A_1414 {strides = array<i32>} : memref<544xf32, #tpu.memory_space<vmem>>, vector<16xf32>, vector<16xi1>
          tpu.vector_store %arg12[%swap3A_1421], %get3A_1413 masked %le3A_1414 {strides = array<i32>} : memref<544xf32, #tpu.memory_space<vmem>>, vector<16xf32>, vector<16xi1>
          %swap3A_1423 = arith.index_cast %min3A_1420 : i32 to index
          %swap3A_1424 = tpu.vector_load %arg13[%swap3A_1423] masked %le3A_1414 {strides = array<i32>} : memref<544xi32, #tpu.memory_space<vmem>>, vector<16xi32>, vector<16xi1>
          tpu.vector_store %arg13[%swap3A_1423], %add3A_1418 masked %le3A_1414 {strides = array<i32>} : memref<544xi32, #tpu.memory_space<vmem>>, vector<16xi32>, vector<16xi1>
          %all_reduce_population_count3A_1425 = tpu.all_reduce %le3A_1414 {dim = 0 : i64, kind = #tpu.reduction_kind<sum>} : vector<16xi1> -> vector<16xi32>
          %slice3A_1426 = vector.extract_strided_slice %all_reduce_population_count3A_1425 {offsets = [0], sizes = [1], strides = [1]} : vector<16xi32> to vector<1xi32>
          %squeeze3A_1427 = vector.extract %slice3A_1426[0] : i32 from vector<1xi32>
          %add3A_1428 = arith.addi %add3A_1410, %squeeze3A_1427 : i32
          %get3A_1429 = arith.index_cast %while3A_1341 : i32 to index
          %get3A_1430 = arith.constant 64 : index
          %get3A_1431 = tpu.vector_load %arg11[%get3A_1429, %get3A_1430] {strides = array<i32>} : memref<128x128xf32, #tpu.memory_space<vmem>>, vector<16xf32>,
          %le3A_1432 = arith.cmpf ole, %get3A_1431, %gather3A_341 : vector<16xf32>
          %add3A_1433 = arith.constant 64 : i32
          %add3A_1434 = vector.broadcast %add3A_1433 : i32 to vector<16xi32>
          %add3A_1435 = arith.addi %iota3A, %add3A_1434 : vector<16xi32>
          %add3A_1436 = arith.addi %mul3A_1356, %add3A_1435 : vector<16xi32>
          %min3A_1437 = arith.constant 512 : i32
          %min3A_1438 = arith.minsi %add3A_1428, %min3A_1437 : i32
          %swap3A_1439 = arith.index_cast %min3A_1438 : i32 to index
          %swap3A_1440 = tpu.vector_load %arg12[%swap3A_1439] masked %le3A_1432 {strides = array<i32>} : memref<544xf32, #tpu.memory_space<vmem>>, vector<16xf32>, vector<16xi1>
          tpu.vector_store %arg12[%swap3A_1439], %get3A_1431 masked %le3A_1432 {strides = array<i32>} : memref<544xf32, #tpu.memory_space<vmem>>, vector<16xf32>, vector<16xi1>
          %swap3A_1441 = arith.index_cast %min3A_1438 : i32 to index
          %swap3A_1442 = tpu.vector_load %arg13[%swap3A_1441] masked %le3A_1432 {strides = array<i32>} : memref<544xi32, #tpu.memory_space<vmem>>, vector<16xi32>, vector<16xi1>
          tpu.vector_store %arg13[%swap3A_1441], %add3A_1436 masked %le3A_1432 {strides = array<i32>} : memref<544xi32, #tpu.memory_space<vmem>>, vector<16xi32>, vector<16xi1>
          %all_reduce_population_count3A_1443 = tpu.all_reduce %le3A_1432 {dim = 0 : i64, kind = #tpu.reduction_kind<sum>} : vector<16xi1> -> vector<16xi32>
          %slice3A_1444 = vector.extract_strided_slice %all_reduce_population_count3A_1443 {offsets = [0], sizes = [1], strides = [1]} : vector<16xi32> to vector<1xi32>
          %squeeze3A_1445 = vector.extract %slice3A_1444[0] : i32 from vector<1xi32>
          %add3A_1446 = arith.addi %add3A_1428, %squeeze3A_1445 : i32
          %get3A_1447 = arith.index_cast %while3A_1341 : i32 to index
          %get3A_1448 = arith.constant 80 : index
          %get3A_1449 = tpu.vector_load %arg11[%get3A_1447, %get3A_1448] {strides = array<i32>} : memref<128x128xf32, #tpu.memory_space<vmem>>, vector<16xf32>,
          %le3A_1450 = arith.cmpf ole, %get3A_1449, %gather3A_341 : vector<16xf32>
          %add3A_1451 = arith.constant 80 : i32
          %add3A_1452 = vector.broadcast %add3A_1451 : i32 to vector<16xi32>
          %add3A_1453 = arith.addi %iota3A, %add3A_1452 : vector<16xi32>
          %add3A_1454 = arith.addi %mul3A_1356, %add3A_1453 : vector<16xi32>
          %min3A_1455 = arith.constant 512 : i32
          %min3A_1456 = arith.minsi %add3A_1446, %min3A_1455 : i32
          %swap3A_1457 = arith.index_cast %min3A_1456 : i32 to index
          %swap3A_1458 = tpu.vector_load %arg12[%swap3A_1457] masked %le3A_1450 {strides = array<i32>} : memref<544xf32, #tpu.memory_space<vmem>>, vector<16xf32>, vector<16xi1>
          tpu.vector_store %arg12[%swap3A_1457], %get3A_1449 masked %le3A_1450 {strides = array<i32>} : memref<544xf32, #tpu.memory_space<vmem>>, vector<16xf32>, vector<16xi1>
          %swap3A_1459 = arith.index_cast %min3A_1456 : i32 to index
          %swap3A_1460 = tpu.vector_load %arg13[%swap3A_1459] masked %le3A_1450 {strides = array<i32>} : memref<544xi32, #tpu.memory_space<vmem>>, vector<16xi32>, vector<16xi1>
          tpu.vector_store %arg13[%swap3A_1459], %add3A_1454 masked %le3A_1450 {strides = array<i32>} : memref<544xi32, #tpu.memory_space<vmem>>, vector<16xi32>, vector<16xi1>
          %all_reduce_population_count3A_1461 = tpu.all_reduce %le3A_1450 {dim = 0 : i64, kind = #tpu.reduction_kind<sum>} : vector<16xi1> -> vector<16xi32>
          %slice3A_1462 = vector.extract_strided_slice %all_reduce_population_count3A_1461 {offsets = [0], sizes = [1], strides = [1]} : vector<16xi32> to vector<1xi32>
          %squeeze3A_1463 = vector.extract %slice3A_1462[0] : i32 from vector<1xi32>
          %add3A_1464 = arith.addi %add3A_1446, %squeeze3A_1463 : i32
          %get3A_1465 = arith.index_cast %while3A_1341 : i32 to index
          %get3A_1466 = arith.constant 96 : index
          %get3A_1467 = tpu.vector_load %arg11[%get3A_1465, %get3A_1466] {strides = array<i32>} : memref<128x128xf32, #tpu.memory_space<vmem>>, vector<16xf32>,
          %le3A_1468 = arith.cmpf ole, %get3A_1467, %gather3A_341 : vector<16xf32>
          %add3A_1469 = arith.constant 96 : i32
          %add3A_1470 = vector.broadcast %add3A_1469 : i32 to vector<16xi32>
          %add3A_1471 = arith.addi %iota3A, %add3A_1470 : vector<16xi32>
          %add3A_1472 = arith.addi %mul3A_1356, %add3A_1471 : vector<16xi32>
          %min3A_1473 = arith.constant 512 : i32
          %min3A_1474 = arith.minsi %add3A_1464, %min3A_1473 : i32
          %swap3A_1475 = arith.index_cast %min3A_1474 : i32 to index
          %swap3A_1476 = tpu.vector_load %arg12[%swap3A_1475] masked %le3A_1468 {strides = array<i32>} : memref<544xf32, #tpu.memory_space<vmem>>, vector<16xf32>, vector<16xi1>
          tpu.vector_store %arg12[%swap3A_1475], %get3A_1467 masked %le3A_1468 {strides = array<i32>} : memref<544xf32, #tpu.memory_space<vmem>>, vector<16xf32>, vector<16xi1>
          %swap3A_1477 = arith.index_cast %min3A_1474 : i32 to index
          %swap3A_1478 = tpu.vector_load %arg13[%swap3A_1477] masked %le3A_1468 {strides = array<i32>} : memref<544xi32, #tpu.memory_space<vmem>>, vector<16xi32>, vector<16xi1>
          tpu.vector_store %arg13[%swap3A_1477], %add3A_1472 masked %le3A_1468 {strides = array<i32>} : memref<544xi32, #tpu.memory_space<vmem>>, vector<16xi32>, vector<16xi1>
          %all_reduce_population_count3A_1479 = tpu.all_reduce %le3A_1468 {dim = 0 : i64, kind = #tpu.reduction_kind<sum>} : vector<16xi1> -> vector<16xi32>
          %slice3A_1480 = vector.extract_strided_slice %all_reduce_population_count3A_1479 {offsets = [0], sizes = [1], strides = [1]} : vector<16xi32> to vector<1xi32>
          %squeeze3A_1481 = vector.extract %slice3A_1480[0] : i32 from vector<1xi32>
          %add3A_1482 = arith.addi %add3A_1464, %squeeze3A_1481 : i32
          %get3A_1483 = arith.index_cast %while3A_1341 : i32 to index
          %get3A_1484 = arith.constant 112 : index
          %get3A_1485 = tpu.vector_load %arg11[%get3A_1483, %get3A_1484] {strides = array<i32>} : memref<128x128xf32, #tpu.memory_space<vmem>>, vector<16xf32>,
          %le3A_1486 = arith.cmpf ole, %get3A_1485, %gather3A_341 : vector<16xf32>
          %add3A_1487 = arith.constant 112 : i32
          %add3A_1488 = vector.broadcast %add3A_1487 : i32 to vector<16xi32>
          %add3A_1489 = arith.addi %iota3A, %add3A_1488 : vector<16xi32>
          %add3A_1490 = arith.addi %mul3A_1356, %add3A_1489 : vector<16xi32>
          %min3A_1491 = arith.constant 512 : i32
          %min3A_1492 = arith.minsi %add3A_1482, %min3A_1491 : i32
          %swap3A_1493 = arith.index_cast %min3A_1492 : i32 to index
          %swap3A_1494 = tpu.vector_load %arg12[%swap3A_1493] masked %le3A_1486 {strides = array<i32>} : memref<544xf32, #tpu.memory_space<vmem>>, vector<16xf32>, vector<16xi1>
          tpu.vector_store %arg12[%swap3A_1493], %get3A_1485 masked %le3A_1486 {strides = array<i32>} : memref<544xf32, #tpu.memory_space<vmem>>, vector<16xf32>, vector<16xi1>
          %swap3A_1495 = arith.index_cast %min3A_1492 : i32 to index
          %swap3A_1496 = tpu.vector_load %arg13[%swap3A_1495] masked %le3A_1486 {strides = array<i32>} : memref<544xi32, #tpu.memory_space<vmem>>, vector<16xi32>, vector<16xi1>
          tpu.vector_store %arg13[%swap3A_1495], %add3A_1490 masked %le3A_1486 {strides = array<i32>} : memref<544xi32, #tpu.memory_space<vmem>>, vector<16xi32>, vector<16xi1>
          %all_reduce_population_count3A_1497 = tpu.all_reduce %le3A_1486 {dim = 0 : i64, kind = #tpu.reduction_kind<sum>} : vector<16xi1> -> vector<16xi32>
          %slice3A_1498 = vector.extract_strided_slice %all_reduce_population_count3A_1497 {offsets = [0], sizes = [1], strides = [1]} : vector<16xi32> to vector<1xi32>
          %squeeze3A_1499 = vector.extract %slice3A_1498[0] : i32 from vector<1xi32>
          %add3A_1500 = arith.addi %add3A_1482, %squeeze3A_1499 : i32
          scf.yield %add3A_1500 : i32
        }
        %while3A_1339 = arith.constant 1 : i32
        %while3A_1340 = scf.for %while3A_1341 = %while3A_1336 to %while3A_1332 step %while3A_1339 iter_args(%while3A_1342 = %while3A_1338) -> (i32)  : i32 {
          %and3A_1343 = arith.constant -16 : i32
          %and3A_1344 = arith.andi %while3A_1341, %and3A_1343 : i32
          %add3A_1345 = arith.addi %mul3A_1264, %and3A_1344 : i32
          %get3A_1346 = arith.index_cast %add3A_1345 : i32 to index
          %get3A_1347 = tpu.vector_load %arg9[%get3A_1346] {strides = array<i32>} : memref<640xi32, #tpu.memory_space<vmem>>, vector<16xi32>,
          %and3A_1348 = arith.constant 15 : i32
          %and3A_1349 = arith.andi %while3A_1341, %and3A_1348 : i32
          %broadcast_in_dim3A_1350 = vector.broadcast %and3A_1349 : i32 to vector<16xi32>
          %broadcast_in_dim3A_1351 = vector.shape_cast %broadcast_in_dim3A_1350 : vector<16xi32> to vector<16x1xi32>
          %gather3A_1352 = vector.shape_cast %broadcast_in_dim3A_1351 : vector<16x1xi32> to vector<16xi32>
          %gather3A_1353 = tpu.dynamic_gather %get3A_1347[%gather3A_1352] in [0] : vector<16xi32>, vector<16xi32> -> vector<16xi32>
          %mul3A_1354 = arith.constant 128 : i32
          %mul3A_1355 = vector.broadcast %mul3A_1354 : i32 to vector<16xi32>
          %mul3A_1356 = arith.muli %gather3A_1353, %mul3A_1355 : vector<16xi32>
          %get3A_1357 = arith.index_cast %while3A_1341 : i32 to index
          %get3A_1358 = arith.constant 0 : index
          %get3A_1359 = tpu.vector_load %arg11[%get3A_1357, %get3A_1358] {strides = array<i32>} : memref<128x128xf32, #tpu.memory_space<vmem>>, vector<16xf32>,
          %le3A_1360 = arith.cmpf ole, %get3A_1359, %gather3A_341 : vector<16xf32>
          %add3A_1361 = arith.constant 0 : i32
          %add3A_1362 = vector.broadcast %add3A_1361 : i32 to vector<16xi32>
          %add3A_1363 = arith.addi %iota3A, %add3A_1362 : vector<16xi32>
          %add3A_1364 = arith.addi %mul3A_1356, %add3A_1363 : vector<16xi32>
          %min3A_1365 = arith.constant 512 : i32
          %min3A_1366 = arith.minsi %while3A_1342, %min3A_1365 : i32
          %swap3A_1367 = arith.index_cast %min3A_1366 : i32 to index
          %swap3A_1368 = tpu.vector_load %arg12[%swap3A_1367] masked %le3A_1360 {strides = array<i32>} : memref<544xf32, #tpu.memory_space<vmem>>, vector<16xf32>, vector<16xi1>
          tpu.vector_store %arg12[%swap3A_1367], %get3A_1359 masked %le3A_1360 {strides = array<i32>} : memref<544xf32, #tpu.memory_space<vmem>>, vector<16xf32>, vector<16xi1>
          %swap3A_1369 = arith.index_cast %min3A_1366 : i32 to index
          %swap3A_1370 = tpu.vector_load %arg13[%swap3A_1369] masked %le3A_1360 {strides = array<i32>} : memref<544xi32, #tpu.memory_space<vmem>>, vector<16xi32>, vector<16xi1>
          tpu.vector_store %arg13[%swap3A_1369], %add3A_1364 masked %le3A_1360 {strides = array<i32>} : memref<544xi32, #tpu.memory_space<vmem>>, vector<16xi32>, vector<16xi1>
          %all_reduce_population_count3A_1371 = tpu.all_reduce %le3A_1360 {dim = 0 : i64, kind = #tpu.reduction_kind<sum>} : vector<16xi1> -> vector<16xi32>
          %slice3A_1372 = vector.extract_strided_slice %all_reduce_population_count3A_1371 {offsets = [0], sizes = [1], strides = [1]} : vector<16xi32> to vector<1xi32>
          %squeeze3A_1373 = vector.extract %slice3A_1372[0] : i32 from vector<1xi32>
          %add3A_1374 = arith.addi %while3A_1342, %squeeze3A_1373 : i32
          %get3A_1375 = arith.index_cast %while3A_1341 : i32 to index
          %get3A_1376 = arith.constant 16 : index
          %get3A_1377 = tpu.vector_load %arg11[%get3A_1375, %get3A_1376] {strides = array<i32>} : memref<128x128xf32, #tpu.memory_space<vmem>>, vector<16xf32>,
          %le3A_1378 = arith.cmpf ole, %get3A_1377, %gather3A_341 : vector<16xf32>
          %add3A_1379 = arith.constant 16 : i32
          %add3A_1380 = vector.broadcast %add3A_1379 : i32 to vector<16xi32>
          %add3A_1381 = arith.addi %iota3A, %add3A_1380 : vector<16xi32>
          %add3A_1382 = arith.addi %mul3A_1356, %add3A_1381 : vector<16xi32>
          %min3A_1383 = arith.constant 512 : i32
          %min3A_1384 = arith.minsi %add3A_1374, %min3A_1383 : i32
          %swap3A_1385 = arith.index_cast %min3A_1384 : i32 to index
          %swap3A_1386 = tpu.vector_load %arg12[%swap3A_1385] masked %le3A_1378 {strides = array<i32>} : memref<544xf32, #tpu.memory_space<vmem>>, vector<16xf32>, vector<16xi1>
          tpu.vector_store %arg12[%swap3A_1385], %get3A_1377 masked %le3A_1378 {strides = array<i32>} : memref<544xf32, #tpu.memory_space<vmem>>, vector<16xf32>, vector<16xi1>
          %swap3A_1387 = arith.index_cast %min3A_1384 : i32 to index
          %swap3A_1388 = tpu.vector_load %arg13[%swap3A_1387] masked %le3A_1378 {strides = array<i32>} : memref<544xi32, #tpu.memory_space<vmem>>, vector<16xi32>, vector<16xi1>
          tpu.vector_store %arg13[%swap3A_1387], %add3A_1382 masked %le3A_1378 {strides = array<i32>} : memref<544xi32, #tpu.memory_space<vmem>>, vector<16xi32>, vector<16xi1>
          %all_reduce_population_count3A_1389 = tpu.all_reduce %le3A_1378 {dim = 0 : i64, kind = #tpu.reduction_kind<sum>} : vector<16xi1> -> vector<16xi32>
          %slice3A_1390 = vector.extract_strided_slice %all_reduce_population_count3A_1389 {offsets = [0], sizes = [1], strides = [1]} : vector<16xi32> to vector<1xi32>
          %squeeze3A_1391 = vector.extract %slice3A_1390[0] : i32 from vector<1xi32>
          %add3A_1392 = arith.addi %add3A_1374, %squeeze3A_1391 : i32
          %get3A_1393 = arith.index_cast %while3A_1341 : i32 to index
          %get3A_1394 = arith.constant 32 : index
          %get3A_1395 = tpu.vector_load %arg11[%get3A_1393, %get3A_1394] {strides = array<i32>} : memref<128x128xf32, #tpu.memory_space<vmem>>, vector<16xf32>,
          %le3A_1396 = arith.cmpf ole, %get3A_1395, %gather3A_341 : vector<16xf32>
          %add3A_1397 = arith.constant 32 : i32
          %add3A_1398 = vector.broadcast %add3A_1397 : i32 to vector<16xi32>
          %add3A_1399 = arith.addi %iota3A, %add3A_1398 : vector<16xi32>
          %add3A_1400 = arith.addi %mul3A_1356, %add3A_1399 : vector<16xi32>
          %min3A_1401 = arith.constant 512 : i32
          %min3A_1402 = arith.minsi %add3A_1392, %min3A_1401 : i32
          %swap3A_1403 = arith.index_cast %min3A_1402 : i32 to index
          %swap3A_1404 = tpu.vector_load %arg12[%swap3A_1403] masked %le3A_1396 {strides = array<i32>} : memref<544xf32, #tpu.memory_space<vmem>>, vector<16xf32>, vector<16xi1>
          tpu.vector_store %arg12[%swap3A_1403], %get3A_1395 masked %le3A_1396 {strides = array<i32>} : memref<544xf32, #tpu.memory_space<vmem>>, vector<16xf32>, vector<16xi1>
          %swap3A_1405 = arith.index_cast %min3A_1402 : i32 to index
          %swap3A_1406 = tpu.vector_load %arg13[%swap3A_1405] masked %le3A_1396 {strides = array<i32>} : memref<544xi32, #tpu.memory_space<vmem>>, vector<16xi32>, vector<16xi1>
          tpu.vector_store %arg13[%swap3A_1405], %add3A_1400 masked %le3A_1396 {strides = array<i32>} : memref<544xi32, #tpu.memory_space<vmem>>, vector<16xi32>, vector<16xi1>
          %all_reduce_population_count3A_1407 = tpu.all_reduce %le3A_1396 {dim = 0 : i64, kind = #tpu.reduction_kind<sum>} : vector<16xi1> -> vector<16xi32>
          %slice3A_1408 = vector.extract_strided_slice %all_reduce_population_count3A_1407 {offsets = [0], sizes = [1], strides = [1]} : vector<16xi32> to vector<1xi32>
          %squeeze3A_1409 = vector.extract %slice3A_1408[0] : i32 from vector<1xi32>
          %add3A_1410 = arith.addi %add3A_1392, %squeeze3A_1409 : i32
          %get3A_1411 = arith.index_cast %while3A_1341 : i32 to index
          %get3A_1412 = arith.constant 48 : index
          %get3A_1413 = tpu.vector_load %arg11[%get3A_1411, %get3A_1412] {strides = array<i32>} : memref<128x128xf32, #tpu.memory_space<vmem>>, vector<16xf32>,
          %le3A_1414 = arith.cmpf ole, %get3A_1413, %gather3A_341 : vector<16xf32>
          %add3A_1415 = arith.constant 48 : i32
          %add3A_1416 = vector.broadcast %add3A_1415 : i32 to vector<16xi32>
          %add3A_1417 = arith.addi %iota3A, %add3A_1416 : vector<16xi32>
          %add3A_1418 = arith.addi %mul3A_1356, %add3A_1417 : vector<16xi32>
          %min3A_1419 = arith.constant 512 : i32
          %min3A_1420 = arith.minsi %add3A_1410, %min3A_1419 : i32
          %swap3A_1421 = arith.index_cast %min3A_1420 : i32 to index
          %swap3A_1422 = tpu.vector_load %arg12[%swap3A_1421] masked %le3A_1414 {strides = array<i32>} : memref<544xf32, #tpu.memory_space<vmem>>, vector<16xf32>, vector<16xi1>
          tpu.vector_store %arg12[%swap3A_1421], %get3A_1413 masked %le3A_1414 {strides = array<i32>} : memref<544xf32, #tpu.memory_space<vmem>>, vector<16xf32>, vector<16xi1>
          %swap3A_1423 = arith.index_cast %min3A_1420 : i32 to index
          %swap3A_1424 = tpu.vector_load %arg13[%swap3A_1423] masked %le3A_1414 {strides = array<i32>} : memref<544xi32, #tpu.memory_space<vmem>>, vector<16xi32>, vector<16xi1>
          tpu.vector_store %arg13[%swap3A_1423], %add3A_1418 masked %le3A_1414 {strides = array<i32>} : memref<544xi32, #tpu.memory_space<vmem>>, vector<16xi32>, vector<16xi1>
          %all_reduce_population_count3A_1425 = tpu.all_reduce %le3A_1414 {dim = 0 : i64, kind = #tpu.reduction_kind<sum>} : vector<16xi1> -> vector<16xi32>
          %slice3A_1426 = vector.extract_strided_slice %all_reduce_population_count3A_1425 {offsets = [0], sizes = [1], strides = [1]} : vector<16xi32> to vector<1xi32>
          %squeeze3A_1427 = vector.extract %slice3A_1426[0] : i32 from vector<1xi32>
          %add3A_1428 = arith.addi %add3A_1410, %squeeze3A_1427 : i32
          %get3A_1429 = arith.index_cast %while3A_1341 : i32 to index
          %get3A_1430 = arith.constant 64 : index
          %get3A_1431 = tpu.vector_load %arg11[%get3A_1429, %get3A_1430] {strides = array<i32>} : memref<128x128xf32, #tpu.memory_space<vmem>>, vector<16xf32>,
          %le3A_1432 = arith.cmpf ole, %get3A_1431, %gather3A_341 : vector<16xf32>
          %add3A_1433 = arith.constant 64 : i32
          %add3A_1434 = vector.broadcast %add3A_1433 : i32 to vector<16xi32>
          %add3A_1435 = arith.addi %iota3A, %add3A_1434 : vector<16xi32>
          %add3A_1436 = arith.addi %mul3A_1356, %add3A_1435 : vector<16xi32>
          %min3A_1437 = arith.constant 512 : i32
          %min3A_1438 = arith.minsi %add3A_1428, %min3A_1437 : i32
          %swap3A_1439 = arith.index_cast %min3A_1438 : i32 to index
          %swap3A_1440 = tpu.vector_load %arg12[%swap3A_1439] masked %le3A_1432 {strides = array<i32>} : memref<544xf32, #tpu.memory_space<vmem>>, vector<16xf32>, vector<16xi1>
          tpu.vector_store %arg12[%swap3A_1439], %get3A_1431 masked %le3A_1432 {strides = array<i32>} : memref<544xf32, #tpu.memory_space<vmem>>, vector<16xf32>, vector<16xi1>
          %swap3A_1441 = arith.index_cast %min3A_1438 : i32 to index
          %swap3A_1442 = tpu.vector_load %arg13[%swap3A_1441] masked %le3A_1432 {strides = array<i32>} : memref<544xi32, #tpu.memory_space<vmem>>, vector<16xi32>, vector<16xi1>
          tpu.vector_store %arg13[%swap3A_1441], %add3A_1436 masked %le3A_1432 {strides = array<i32>} : memref<544xi32, #tpu.memory_space<vmem>>, vector<16xi32>, vector<16xi1>
          %all_reduce_population_count3A_1443 = tpu.all_reduce %le3A_1432 {dim = 0 : i64, kind = #tpu.reduction_kind<sum>} : vector<16xi1> -> vector<16xi32>
          %slice3A_1444 = vector.extract_strided_slice %all_reduce_population_count3A_1443 {offsets = [0], sizes = [1], strides = [1]} : vector<16xi32> to vector<1xi32>
          %squeeze3A_1445 = vector.extract %slice3A_1444[0] : i32 from vector<1xi32>
          %add3A_1446 = arith.addi %add3A_1428, %squeeze3A_1445 : i32
          %get3A_1447 = arith.index_cast %while3A_1341 : i32 to index
          %get3A_1448 = arith.constant 80 : index
          %get3A_1449 = tpu.vector_load %arg11[%get3A_1447, %get3A_1448] {strides = array<i32>} : memref<128x128xf32, #tpu.memory_space<vmem>>, vector<16xf32>,
          %le3A_1450 = arith.cmpf ole, %get3A_1449, %gather3A_341 : vector<16xf32>
          %add3A_1451 = arith.constant 80 : i32
          %add3A_1452 = vector.broadcast %add3A_1451 : i32 to vector<16xi32>
          %add3A_1453 = arith.addi %iota3A, %add3A_1452 : vector<16xi32>
          %add3A_1454 = arith.addi %mul3A_1356, %add3A_1453 : vector<16xi32>
          %min3A_1455 = arith.constant 512 : i32
          %min3A_1456 = arith.minsi %add3A_1446, %min3A_1455 : i32
          %swap3A_1457 = arith.index_cast %min3A_1456 : i32 to index
          %swap3A_1458 = tpu.vector_load %arg12[%swap3A_1457] masked %le3A_1450 {strides = array<i32>} : memref<544xf32, #tpu.memory_space<vmem>>, vector<16xf32>, vector<16xi1>
          tpu.vector_store %arg12[%swap3A_1457], %get3A_1449 masked %le3A_1450 {strides = array<i32>} : memref<544xf32, #tpu.memory_space<vmem>>, vector<16xf32>, vector<16xi1>
          %swap3A_1459 = arith.index_cast %min3A_1456 : i32 to index
          %swap3A_1460 = tpu.vector_load %arg13[%swap3A_1459] masked %le3A_1450 {strides = array<i32>} : memref<544xi32, #tpu.memory_space<vmem>>, vector<16xi32>, vector<16xi1>
          tpu.vector_store %arg13[%swap3A_1459], %add3A_1454 masked %le3A_1450 {strides = array<i32>} : memref<544xi32, #tpu.memory_space<vmem>>, vector<16xi32>, vector<16xi1>
          %all_reduce_population_count3A_1461 = tpu.all_reduce %le3A_1450 {dim = 0 : i64, kind = #tpu.reduction_kind<sum>} : vector<16xi1> -> vector<16xi32>
          %slice3A_1462 = vector.extract_strided_slice %all_reduce_population_count3A_1461 {offsets = [0], sizes = [1], strides = [1]} : vector<16xi32> to vector<1xi32>
          %squeeze3A_1463 = vector.extract %slice3A_1462[0] : i32 from vector<1xi32>
          %add3A_1464 = arith.addi %add3A_1446, %squeeze3A_1463 : i32
          %get3A_1465 = arith.index_cast %while3A_1341 : i32 to index
          %get3A_1466 = arith.constant 96 : index
          %get3A_1467 = tpu.vector_load %arg11[%get3A_1465, %get3A_1466] {strides = array<i32>} : memref<128x128xf32, #tpu.memory_space<vmem>>, vector<16xf32>,
          %le3A_1468 = arith.cmpf ole, %get3A_1467, %gather3A_341 : vector<16xf32>
          %add3A_1469 = arith.constant 96 : i32
          %add3A_1470 = vector.broadcast %add3A_1469 : i32 to vector<16xi32>
          %add3A_1471 = arith.addi %iota3A, %add3A_1470 : vector<16xi32>
          %add3A_1472 = arith.addi %mul3A_1356, %add3A_1471 : vector<16xi32>
          %min3A_1473 = arith.constant 512 : i32
          %min3A_1474 = arith.minsi %add3A_1464, %min3A_1473 : i32
          %swap3A_1475 = arith.index_cast %min3A_1474 : i32 to index
          %swap3A_1476 = tpu.vector_load %arg12[%swap3A_1475] masked %le3A_1468 {strides = array<i32>} : memref<544xf32, #tpu.memory_space<vmem>>, vector<16xf32>, vector<16xi1>
          tpu.vector_store %arg12[%swap3A_1475], %get3A_1467 masked %le3A_1468 {strides = array<i32>} : memref<544xf32, #tpu.memory_space<vmem>>, vector<16xf32>, vector<16xi1>
          %swap3A_1477 = arith.index_cast %min3A_1474 : i32 to index
          %swap3A_1478 = tpu.vector_load %arg13[%swap3A_1477] masked %le3A_1468 {strides = array<i32>} : memref<544xi32, #tpu.memory_space<vmem>>, vector<16xi32>, vector<16xi1>
          tpu.vector_store %arg13[%swap3A_1477], %add3A_1472 masked %le3A_1468 {strides = array<i32>} : memref<544xi32, #tpu.memory_space<vmem>>, vector<16xi32>, vector<16xi1>
          %all_reduce_population_count3A_1479 = tpu.all_reduce %le3A_1468 {dim = 0 : i64, kind = #tpu.reduction_kind<sum>} : vector<16xi1> -> vector<16xi32>
          %slice3A_1480 = vector.extract_strided_slice %all_reduce_population_count3A_1479 {offsets = [0], sizes = [1], strides = [1]} : vector<16xi32> to vector<1xi32>
          %squeeze3A_1481 = vector.extract %slice3A_1480[0] : i32 from vector<1xi32>
          %add3A_1482 = arith.addi %add3A_1464, %squeeze3A_1481 : i32
          %get3A_1483 = arith.index_cast %while3A_1341 : i32 to index
          %get3A_1484 = arith.constant 112 : index
          %get3A_1485 = tpu.vector_load %arg11[%get3A_1483, %get3A_1484] {strides = array<i32>} : memref<128x128xf32, #tpu.memory_space<vmem>>, vector<16xf32>,
          %le3A_1486 = arith.cmpf ole, %get3A_1485, %gather3A_341 : vector<16xf32>
          %add3A_1487 = arith.constant 112 : i32
          %add3A_1488 = vector.broadcast %add3A_1487 : i32 to vector<16xi32>
          %add3A_1489 = arith.addi %iota3A, %add3A_1488 : vector<16xi32>
          %add3A_1490 = arith.addi %mul3A_1356, %add3A_1489 : vector<16xi32>
          %min3A_1491 = arith.constant 512 : i32
          %min3A_1492 = arith.minsi %add3A_1482, %min3A_1491 : i32
          %swap3A_1493 = arith.index_cast %min3A_1492 : i32 to index
          %swap3A_1494 = tpu.vector_load %arg12[%swap3A_1493] masked %le3A_1486 {strides = array<i32>} : memref<544xf32, #tpu.memory_space<vmem>>, vector<16xf32>, vector<16xi1>
          tpu.vector_store %arg12[%swap3A_1493], %get3A_1485 masked %le3A_1486 {strides = array<i32>} : memref<544xf32, #tpu.memory_space<vmem>>, vector<16xf32>, vector<16xi1>
          %swap3A_1495 = arith.index_cast %min3A_1492 : i32 to index
          %swap3A_1496 = tpu.vector_load %arg13[%swap3A_1495] masked %le3A_1486 {strides = array<i32>} : memref<544xi32, #tpu.memory_space<vmem>>, vector<16xi32>, vector<16xi1>
          tpu.vector_store %arg13[%swap3A_1495], %add3A_1490 masked %le3A_1486 {strides = array<i32>} : memref<544xi32, #tpu.memory_space<vmem>>, vector<16xi32>, vector<16xi1>
          %all_reduce_population_count3A_1497 = tpu.all_reduce %le3A_1486 {dim = 0 : i64, kind = #tpu.reduction_kind<sum>} : vector<16xi1> -> vector<16xi32>
          %slice3A_1498 = vector.extract_strided_slice %all_reduce_population_count3A_1497 {offsets = [0], sizes = [1], strides = [1]} : vector<16xi32> to vector<1xi32>
          %squeeze3A_1499 = vector.extract %slice3A_1498[0] : i32 from vector<1xi32>
          %add3A_1500 = arith.addi %add3A_1482, %squeeze3A_1499 : i32
          scf.yield %add3A_1500 : i32
        }
        scf.yield %while3A_1340 : i32
      }
      %while3A_1175 = arith.constant 1 : i32
      %while3A_1176 = scf.for %while3A_1261 = %while3A_1172 to %while3A_1168 step %while3A_1175 iter_args(%while3A_1262 = %while3A_1174) -> (i32)  : i32 {
        %mul3A_1263 = arith.constant 128 : i32
        %mul3A_1264 = arith.muli %while3A_1261, %mul3A_1263 : i32
        %add3A_1265 = arith.constant 0 : i32
        %add3A_1266 = arith.addi %mul3A_1264, %add3A_1265 : i32
        %get3A_1267 = arith.index_cast %add3A_1266 : i32 to index
        %get3A_1268 = tpu.vector_load %arg9[%get3A_1267] {strides = array<i32>} : memref<640xi32, #tpu.memory_space<vmem>>, vector<16xi32>,
        %add3A_1269 = arith.addi %get3A_1268, %broadcast_in_dim3A_1165 : vector<16xi32>
        %swap3A_1270 = arith.constant 0 : index
        %swap3A_1271 = tpu.vector_load %arg10[%swap3A_1270] {strides = array<i32>} : memref<128xi32, #tpu.memory_space<vmem>>, vector<16xi32>,
        tpu.vector_store %arg10[%swap3A_1270], %add3A_1269 {strides = array<i32>} : memref<128xi32, #tpu.memory_space<vmem>>, vector<16xi32>,
        %add3A_1272 = arith.constant 16 : i32
        %add3A_1273 = arith.addi %mul3A_1264, %add3A_1272 : i32
        %get3A_1274 = arith.index_cast %add3A_1273 : i32 to index
        %get3A_1275 = tpu.vector_load %arg9[%get3A_1274] {strides = array<i32>} : memref<640xi32, #tpu.memory_space<vmem>>, vector<16xi32>,
        %add3A_1276 = arith.addi %get3A_1275, %broadcast_in_dim3A_1165 : vector<16xi32>
        %swap3A_1277 = arith.constant 16 : index
        %swap3A_1278 = tpu.vector_load %arg10[%swap3A_1277] {strides = array<i32>} : memref<128xi32, #tpu.memory_space<vmem>>, vector<16xi32>,
        tpu.vector_store %arg10[%swap3A_1277], %add3A_1276 {strides = array<i32>} : memref<128xi32, #tpu.memory_space<vmem>>, vector<16xi32>,
        %add3A_1279 = arith.constant 32 : i32
        %add3A_1280 = arith.addi %mul3A_1264, %add3A_1279 : i32
        %get3A_1281 = arith.index_cast %add3A_1280 : i32 to index
        %get3A_1282 = tpu.vector_load %arg9[%get3A_1281] {strides = array<i32>} : memref<640xi32, #tpu.memory_space<vmem>>, vector<16xi32>,
        %add3A_1283 = arith.addi %get3A_1282, %broadcast_in_dim3A_1165 : vector<16xi32>
        %swap3A_1284 = arith.constant 32 : index
        %swap3A_1285 = tpu.vector_load %arg10[%swap3A_1284] {strides = array<i32>} : memref<128xi32, #tpu.memory_space<vmem>>, vector<16xi32>,
        tpu.vector_store %arg10[%swap3A_1284], %add3A_1283 {strides = array<i32>} : memref<128xi32, #tpu.memory_space<vmem>>, vector<16xi32>,
        %add3A_1286 = arith.constant 48 : i32
        %add3A_1287 = arith.addi %mul3A_1264, %add3A_1286 : i32
        %get3A_1288 = arith.index_cast %add3A_1287 : i32 to index
        %get3A_1289 = tpu.vector_load %arg9[%get3A_1288] {strides = array<i32>} : memref<640xi32, #tpu.memory_space<vmem>>, vector<16xi32>,
        %add3A_1290 = arith.addi %get3A_1289, %broadcast_in_dim3A_1165 : vector<16xi32>
        %swap3A_1291 = arith.constant 48 : index
        %swap3A_1292 = tpu.vector_load %arg10[%swap3A_1291] {strides = array<i32>} : memref<128xi32, #tpu.memory_space<vmem>>, vector<16xi32>,
        tpu.vector_store %arg10[%swap3A_1291], %add3A_1290 {strides = array<i32>} : memref<128xi32, #tpu.memory_space<vmem>>, vector<16xi32>,
        %add3A_1293 = arith.constant 64 : i32
        %add3A_1294 = arith.addi %mul3A_1264, %add3A_1293 : i32
        %get3A_1295 = arith.index_cast %add3A_1294 : i32 to index
        %get3A_1296 = tpu.vector_load %arg9[%get3A_1295] {strides = array<i32>} : memref<640xi32, #tpu.memory_space<vmem>>, vector<16xi32>,
        %add3A_1297 = arith.addi %get3A_1296, %broadcast_in_dim3A_1165 : vector<16xi32>
        %swap3A_1298 = arith.constant 64 : index
        %swap3A_1299 = tpu.vector_load %arg10[%swap3A_1298] {strides = array<i32>} : memref<128xi32, #tpu.memory_space<vmem>>, vector<16xi32>,
        tpu.vector_store %arg10[%swap3A_1298], %add3A_1297 {strides = array<i32>} : memref<128xi32, #tpu.memory_space<vmem>>, vector<16xi32>,
        %add3A_1300 = arith.constant 80 : i32
        %add3A_1301 = arith.addi %mul3A_1264, %add3A_1300 : i32
        %get3A_1302 = arith.index_cast %add3A_1301 : i32 to index
        %get3A_1303 = tpu.vector_load %arg9[%get3A_1302] {strides = array<i32>} : memref<640xi32, #tpu.memory_space<vmem>>, vector<16xi32>,
        %add3A_1304 = arith.addi %get3A_1303, %broadcast_in_dim3A_1165 : vector<16xi32>
        %swap3A_1305 = arith.constant 80 : index
        %swap3A_1306 = tpu.vector_load %arg10[%swap3A_1305] {strides = array<i32>} : memref<128xi32, #tpu.memory_space<vmem>>, vector<16xi32>,
        tpu.vector_store %arg10[%swap3A_1305], %add3A_1304 {strides = array<i32>} : memref<128xi32, #tpu.memory_space<vmem>>, vector<16xi32>,
        %add3A_1307 = arith.constant 96 : i32
        %add3A_1308 = arith.addi %mul3A_1264, %add3A_1307 : i32
        %get3A_1309 = arith.index_cast %add3A_1308 : i32 to index
        %get3A_1310 = tpu.vector_load %arg9[%get3A_1309] {strides = array<i32>} : memref<640xi32, #tpu.memory_space<vmem>>, vector<16xi32>,
        %add3A_1311 = arith.addi %get3A_1310, %broadcast_in_dim3A_1165 : vector<16xi32>
        %swap3A_1312 = arith.constant 96 : index
        %swap3A_1313 = tpu.vector_load %arg10[%swap3A_1312] {strides = array<i32>} : memref<128xi32, #tpu.memory_space<vmem>>, vector<16xi32>,
        tpu.vector_store %arg10[%swap3A_1312], %add3A_1311 {strides = array<i32>} : memref<128xi32, #tpu.memory_space<vmem>>, vector<16xi32>,
        %add3A_1314 = arith.constant 112 : i32
        %add3A_1315 = arith.addi %mul3A_1264, %add3A_1314 : i32
        %get3A_1316 = arith.index_cast %add3A_1315 : i32 to index
        %get3A_1317 = tpu.vector_load %arg9[%get3A_1316] {strides = array<i32>} : memref<640xi32, #tpu.memory_space<vmem>>, vector<16xi32>,
        %add3A_1318 = arith.addi %get3A_1317, %broadcast_in_dim3A_1165 : vector<16xi32>
        %swap3A_1319 = arith.constant 112 : index
        %swap3A_1320 = tpu.vector_load %arg10[%swap3A_1319] {strides = array<i32>} : memref<128xi32, #tpu.memory_space<vmem>>, vector<16xi32>,
        tpu.vector_store %arg10[%swap3A_1319], %add3A_1318 {strides = array<i32>} : memref<128xi32, #tpu.memory_space<vmem>>, vector<16xi32>,
        %dma_start3A_1321 = arith.constant 0 : i32
        %dma_start3A_1322 = arith.constant 0 : i32
        %dma_start3A_1323 = tpu.memref_slice %arg2[%dma_start3A_1321, %dma_start3A_1322] : memref<819200x128xf32, #tpu.memory_space<hbm>> -> memref<819200x128xf32, #tpu.memory_space<hbm>>
        tpu.enqueue_indirect_dma source(%dma_start3A_1323 : memref<819200x128xf32, #tpu.memory_space<hbm>>) target(%arg11 : memref<128x128xf32, #tpu.memory_space<vmem>>) offsets(%arg10 : memref<128xi32, #tpu.memory_space<vmem>>) semaphore(%arg16 : memref<!tpu.dma_semaphore, #tpu.memory_space<semaphore_mem>>)
        %dma_wait3A_1324 = arith.constant 0 : i32
        %dma_wait3A_1325 = arith.constant 0 : i32
        %dma_wait3A_1326 = tpu.memref_slice %arg2[%dma_wait3A_1324, %dma_wait3A_1325] : memref<819200x128xf32, #tpu.memory_space<hbm>> -> memref<819200x128xf32, #tpu.memory_space<hbm>>
        tpu.wait_indirect_dma semaphore(%arg16 : memref<!tpu.dma_semaphore, #tpu.memory_space<semaphore_mem>>) src(%dma_wait3A_1326 : memref<819200x128xf32, #tpu.memory_space<hbm>>) dst(%arg11 : memref<128x128xf32, #tpu.memory_space<vmem>>)
        %sub3A_1327 = arith.subi %min3A_1091, %mul3A_1264 : i32
        %min3A_1328 = arith.constant 128 : i32
        %min3A_1329 = arith.minsi %sub3A_1327, %min3A_1328 : i32
        %while3A_1330 = arith.constant 0 : i32
        %while3A_1331 = arith.subi %min3A_1329, %while3A_1330 : i32
        %while3A_1332 = arith.addi %while3A_1330, %while3A_1331 : i32
        %while3A_1333 = arith.constant 1 : i32
        %while3A_1334 = arith.divsi %while3A_1331, %while3A_1333 : i32
        %while3A_1335 = arith.muli %while3A_1334, %while3A_1333 : i32
        %while3A_1336 = arith.addi %while3A_1330, %while3A_1335 : i32
        %while3A_1337 = arith.constant 1 : i32
        %while3A_1338 = scf.for %while3A_1341 = %while3A_1330 to %while3A_1336 step %while3A_1337 iter_args(%while3A_1342 = %while3A_1262) -> (i32)  : i32 {
          %and3A_1343 = arith.constant -16 : i32
          %and3A_1344 = arith.andi %while3A_1341, %and3A_1343 : i32
          %add3A_1345 = arith.addi %mul3A_1264, %and3A_1344 : i32
          %get3A_1346 = arith.index_cast %add3A_1345 : i32 to index
          %get3A_1347 = tpu.vector_load %arg9[%get3A_1346] {strides = array<i32>} : memref<640xi32, #tpu.memory_space<vmem>>, vector<16xi32>,
          %and3A_1348 = arith.constant 15 : i32
          %and3A_1349 = arith.andi %while3A_1341, %and3A_1348 : i32
          %broadcast_in_dim3A_1350 = vector.broadcast %and3A_1349 : i32 to vector<16xi32>
          %broadcast_in_dim3A_1351 = vector.shape_cast %broadcast_in_dim3A_1350 : vector<16xi32> to vector<16x1xi32>
          %gather3A_1352 = vector.shape_cast %broadcast_in_dim3A_1351 : vector<16x1xi32> to vector<16xi32>
          %gather3A_1353 = tpu.dynamic_gather %get3A_1347[%gather3A_1352] in [0] : vector<16xi32>, vector<16xi32> -> vector<16xi32>
          %mul3A_1354 = arith.constant 128 : i32
          %mul3A_1355 = vector.broadcast %mul3A_1354 : i32 to vector<16xi32>
          %mul3A_1356 = arith.muli %gather3A_1353, %mul3A_1355 : vector<16xi32>
          %get3A_1357 = arith.index_cast %while3A_1341 : i32 to index
          %get3A_1358 = arith.constant 0 : index
          %get3A_1359 = tpu.vector_load %arg11[%get3A_1357, %get3A_1358] {strides = array<i32>} : memref<128x128xf32, #tpu.memory_space<vmem>>, vector<16xf32>,
          %le3A_1360 = arith.cmpf ole, %get3A_1359, %gather3A_341 : vector<16xf32>
          %add3A_1361 = arith.constant 0 : i32
          %add3A_1362 = vector.broadcast %add3A_1361 : i32 to vector<16xi32>
          %add3A_1363 = arith.addi %iota3A, %add3A_1362 : vector<16xi32>
          %add3A_1364 = arith.addi %mul3A_1356, %add3A_1363 : vector<16xi32>
          %min3A_1365 = arith.constant 512 : i32
          %min3A_1366 = arith.minsi %while3A_1342, %min3A_1365 : i32
          %swap3A_1367 = arith.index_cast %min3A_1366 : i32 to index
          %swap3A_1368 = tpu.vector_load %arg12[%swap3A_1367] masked %le3A_1360 {strides = array<i32>} : memref<544xf32, #tpu.memory_space<vmem>>, vector<16xf32>, vector<16xi1>
          tpu.vector_store %arg12[%swap3A_1367], %get3A_1359 masked %le3A_1360 {strides = array<i32>} : memref<544xf32, #tpu.memory_space<vmem>>, vector<16xf32>, vector<16xi1>
          %swap3A_1369 = arith.index_cast %min3A_1366 : i32 to index
          %swap3A_1370 = tpu.vector_load %arg13[%swap3A_1369] masked %le3A_1360 {strides = array<i32>} : memref<544xi32, #tpu.memory_space<vmem>>, vector<16xi32>, vector<16xi1>
          tpu.vector_store %arg13[%swap3A_1369], %add3A_1364 masked %le3A_1360 {strides = array<i32>} : memref<544xi32, #tpu.memory_space<vmem>>, vector<16xi32>, vector<16xi1>
          %all_reduce_population_count3A_1371 = tpu.all_reduce %le3A_1360 {dim = 0 : i64, kind = #tpu.reduction_kind<sum>} : vector<16xi1> -> vector<16xi32>
          %slice3A_1372 = vector.extract_strided_slice %all_reduce_population_count3A_1371 {offsets = [0], sizes = [1], strides = [1]} : vector<16xi32> to vector<1xi32>
          %squeeze3A_1373 = vector.extract %slice3A_1372[0] : i32 from vector<1xi32>
          %add3A_1374 = arith.addi %while3A_1342, %squeeze3A_1373 : i32
          %get3A_1375 = arith.index_cast %while3A_1341 : i32 to index
          %get3A_1376 = arith.constant 16 : index
          %get3A_1377 = tpu.vector_load %arg11[%get3A_1375, %get3A_1376] {strides = array<i32>} : memref<128x128xf32, #tpu.memory_space<vmem>>, vector<16xf32>,
          %le3A_1378 = arith.cmpf ole, %get3A_1377, %gather3A_341 : vector<16xf32>
          %add3A_1379 = arith.constant 16 : i32
          %add3A_1380 = vector.broadcast %add3A_1379 : i32 to vector<16xi32>
          %add3A_1381 = arith.addi %iota3A, %add3A_1380 : vector<16xi32>
          %add3A_1382 = arith.addi %mul3A_1356, %add3A_1381 : vector<16xi32>
          %min3A_1383 = arith.constant 512 : i32
          %min3A_1384 = arith.minsi %add3A_1374, %min3A_1383 : i32
          %swap3A_1385 = arith.index_cast %min3A_1384 : i32 to index
          %swap3A_1386 = tpu.vector_load %arg12[%swap3A_1385] masked %le3A_1378 {strides = array<i32>} : memref<544xf32, #tpu.memory_space<vmem>>, vector<16xf32>, vector<16xi1>
          tpu.vector_store %arg12[%swap3A_1385], %get3A_1377 masked %le3A_1378 {strides = array<i32>} : memref<544xf32, #tpu.memory_space<vmem>>, vector<16xf32>, vector<16xi1>
          %swap3A_1387 = arith.index_cast %min3A_1384 : i32 to index
          %swap3A_1388 = tpu.vector_load %arg13[%swap3A_1387] masked %le3A_1378 {strides = array<i32>} : memref<544xi32, #tpu.memory_space<vmem>>, vector<16xi32>, vector<16xi1>
          tpu.vector_store %arg13[%swap3A_1387], %add3A_1382 masked %le3A_1378 {strides = array<i32>} : memref<544xi32, #tpu.memory_space<vmem>>, vector<16xi32>, vector<16xi1>
          %all_reduce_population_count3A_1389 = tpu.all_reduce %le3A_1378 {dim = 0 : i64, kind = #tpu.reduction_kind<sum>} : vector<16xi1> -> vector<16xi32>
          %slice3A_1390 = vector.extract_strided_slice %all_reduce_population_count3A_1389 {offsets = [0], sizes = [1], strides = [1]} : vector<16xi32> to vector<1xi32>
          %squeeze3A_1391 = vector.extract %slice3A_1390[0] : i32 from vector<1xi32>
          %add3A_1392 = arith.addi %add3A_1374, %squeeze3A_1391 : i32
          %get3A_1393 = arith.index_cast %while3A_1341 : i32 to index
          %get3A_1394 = arith.constant 32 : index
          %get3A_1395 = tpu.vector_load %arg11[%get3A_1393, %get3A_1394] {strides = array<i32>} : memref<128x128xf32, #tpu.memory_space<vmem>>, vector<16xf32>,
          %le3A_1396 = arith.cmpf ole, %get3A_1395, %gather3A_341 : vector<16xf32>
          %add3A_1397 = arith.constant 32 : i32
          %add3A_1398 = vector.broadcast %add3A_1397 : i32 to vector<16xi32>
          %add3A_1399 = arith.addi %iota3A, %add3A_1398 : vector<16xi32>
          %add3A_1400 = arith.addi %mul3A_1356, %add3A_1399 : vector<16xi32>
          %min3A_1401 = arith.constant 512 : i32
          %min3A_1402 = arith.minsi %add3A_1392, %min3A_1401 : i32
          %swap3A_1403 = arith.index_cast %min3A_1402 : i32 to index
          %swap3A_1404 = tpu.vector_load %arg12[%swap3A_1403] masked %le3A_1396 {strides = array<i32>} : memref<544xf32, #tpu.memory_space<vmem>>, vector<16xf32>, vector<16xi1>
          tpu.vector_store %arg12[%swap3A_1403], %get3A_1395 masked %le3A_1396 {strides = array<i32>} : memref<544xf32, #tpu.memory_space<vmem>>, vector<16xf32>, vector<16xi1>
          %swap3A_1405 = arith.index_cast %min3A_1402 : i32 to index
          %swap3A_1406 = tpu.vector_load %arg13[%swap3A_1405] masked %le3A_1396 {strides = array<i32>} : memref<544xi32, #tpu.memory_space<vmem>>, vector<16xi32>, vector<16xi1>
          tpu.vector_store %arg13[%swap3A_1405], %add3A_1400 masked %le3A_1396 {strides = array<i32>} : memref<544xi32, #tpu.memory_space<vmem>>, vector<16xi32>, vector<16xi1>
          %all_reduce_population_count3A_1407 = tpu.all_reduce %le3A_1396 {dim = 0 : i64, kind = #tpu.reduction_kind<sum>} : vector<16xi1> -> vector<16xi32>
          %slice3A_1408 = vector.extract_strided_slice %all_reduce_population_count3A_1407 {offsets = [0], sizes = [1], strides = [1]} : vector<16xi32> to vector<1xi32>
          %squeeze3A_1409 = vector.extract %slice3A_1408[0] : i32 from vector<1xi32>
          %add3A_1410 = arith.addi %add3A_1392, %squeeze3A_1409 : i32
          %get3A_1411 = arith.index_cast %while3A_1341 : i32 to index
          %get3A_1412 = arith.constant 48 : index
          %get3A_1413 = tpu.vector_load %arg11[%get3A_1411, %get3A_1412] {strides = array<i32>} : memref<128x128xf32, #tpu.memory_space<vmem>>, vector<16xf32>,
          %le3A_1414 = arith.cmpf ole, %get3A_1413, %gather3A_341 : vector<16xf32>
          %add3A_1415 = arith.constant 48 : i32
          %add3A_1416 = vector.broadcast %add3A_1415 : i32 to vector<16xi32>
          %add3A_1417 = arith.addi %iota3A, %add3A_1416 : vector<16xi32>
          %add3A_1418 = arith.addi %mul3A_1356, %add3A_1417 : vector<16xi32>
          %min3A_1419 = arith.constant 512 : i32
          %min3A_1420 = arith.minsi %add3A_1410, %min3A_1419 : i32
          %swap3A_1421 = arith.index_cast %min3A_1420 : i32 to index
          %swap3A_1422 = tpu.vector_load %arg12[%swap3A_1421] masked %le3A_1414 {strides = array<i32>} : memref<544xf32, #tpu.memory_space<vmem>>, vector<16xf32>, vector<16xi1>
          tpu.vector_store %arg12[%swap3A_1421], %get3A_1413 masked %le3A_1414 {strides = array<i32>} : memref<544xf32, #tpu.memory_space<vmem>>, vector<16xf32>, vector<16xi1>
          %swap3A_1423 = arith.index_cast %min3A_1420 : i32 to index
          %swap3A_1424 = tpu.vector_load %arg13[%swap3A_1423] masked %le3A_1414 {strides = array<i32>} : memref<544xi32, #tpu.memory_space<vmem>>, vector<16xi32>, vector<16xi1>
          tpu.vector_store %arg13[%swap3A_1423], %add3A_1418 masked %le3A_1414 {strides = array<i32>} : memref<544xi32, #tpu.memory_space<vmem>>, vector<16xi32>, vector<16xi1>
          %all_reduce_population_count3A_1425 = tpu.all_reduce %le3A_1414 {dim = 0 : i64, kind = #tpu.reduction_kind<sum>} : vector<16xi1> -> vector<16xi32>
          %slice3A_1426 = vector.extract_strided_slice %all_reduce_population_count3A_1425 {offsets = [0], sizes = [1], strides = [1]} : vector<16xi32> to vector<1xi32>
          %squeeze3A_1427 = vector.extract %slice3A_1426[0] : i32 from vector<1xi32>
          %add3A_1428 = arith.addi %add3A_1410, %squeeze3A_1427 : i32
          %get3A_1429 = arith.index_cast %while3A_1341 : i32 to index
          %get3A_1430 = arith.constant 64 : index
          %get3A_1431 = tpu.vector_load %arg11[%get3A_1429, %get3A_1430] {strides = array<i32>} : memref<128x128xf32, #tpu.memory_space<vmem>>, vector<16xf32>,
          %le3A_1432 = arith.cmpf ole, %get3A_1431, %gather3A_341 : vector<16xf32>
          %add3A_1433 = arith.constant 64 : i32
          %add3A_1434 = vector.broadcast %add3A_1433 : i32 to vector<16xi32>
          %add3A_1435 = arith.addi %iota3A, %add3A_1434 : vector<16xi32>
          %add3A_1436 = arith.addi %mul3A_1356, %add3A_1435 : vector<16xi32>
          %min3A_1437 = arith.constant 512 : i32
          %min3A_1438 = arith.minsi %add3A_1428, %min3A_1437 : i32
          %swap3A_1439 = arith.index_cast %min3A_1438 : i32 to index
          %swap3A_1440 = tpu.vector_load %arg12[%swap3A_1439] masked %le3A_1432 {strides = array<i32>} : memref<544xf32, #tpu.memory_space<vmem>>, vector<16xf32>, vector<16xi1>
          tpu.vector_store %arg12[%swap3A_1439], %get3A_1431 masked %le3A_1432 {strides = array<i32>} : memref<544xf32, #tpu.memory_space<vmem>>, vector<16xf32>, vector<16xi1>
          %swap3A_1441 = arith.index_cast %min3A_1438 : i32 to index
          %swap3A_1442 = tpu.vector_load %arg13[%swap3A_1441] masked %le3A_1432 {strides = array<i32>} : memref<544xi32, #tpu.memory_space<vmem>>, vector<16xi32>, vector<16xi1>
          tpu.vector_store %arg13[%swap3A_1441], %add3A_1436 masked %le3A_1432 {strides = array<i32>} : memref<544xi32, #tpu.memory_space<vmem>>, vector<16xi32>, vector<16xi1>
          %all_reduce_population_count3A_1443 = tpu.all_reduce %le3A_1432 {dim = 0 : i64, kind = #tpu.reduction_kind<sum>} : vector<16xi1> -> vector<16xi32>
          %slice3A_1444 = vector.extract_strided_slice %all_reduce_population_count3A_1443 {offsets = [0], sizes = [1], strides = [1]} : vector<16xi32> to vector<1xi32>
          %squeeze3A_1445 = vector.extract %slice3A_1444[0] : i32 from vector<1xi32>
          %add3A_1446 = arith.addi %add3A_1428, %squeeze3A_1445 : i32
          %get3A_1447 = arith.index_cast %while3A_1341 : i32 to index
          %get3A_1448 = arith.constant 80 : index
          %get3A_1449 = tpu.vector_load %arg11[%get3A_1447, %get3A_1448] {strides = array<i32>} : memref<128x128xf32, #tpu.memory_space<vmem>>, vector<16xf32>,
          %le3A_1450 = arith.cmpf ole, %get3A_1449, %gather3A_341 : vector<16xf32>
          %add3A_1451 = arith.constant 80 : i32
          %add3A_1452 = vector.broadcast %add3A_1451 : i32 to vector<16xi32>
          %add3A_1453 = arith.addi %iota3A, %add3A_1452 : vector<16xi32>
          %add3A_1454 = arith.addi %mul3A_1356, %add3A_1453 : vector<16xi32>
          %min3A_1455 = arith.constant 512 : i32
          %min3A_1456 = arith.minsi %add3A_1446, %min3A_1455 : i32
          %swap3A_1457 = arith.index_cast %min3A_1456 : i32 to index
          %swap3A_1458 = tpu.vector_load %arg12[%swap3A_1457] masked %le3A_1450 {strides = array<i32>} : memref<544xf32, #tpu.memory_space<vmem>>, vector<16xf32>, vector<16xi1>
          tpu.vector_store %arg12[%swap3A_1457], %get3A_1449 masked %le3A_1450 {strides = array<i32>} : memref<544xf32, #tpu.memory_space<vmem>>, vector<16xf32>, vector<16xi1>
          %swap3A_1459 = arith.index_cast %min3A_1456 : i32 to index
          %swap3A_1460 = tpu.vector_load %arg13[%swap3A_1459] masked %le3A_1450 {strides = array<i32>} : memref<544xi32, #tpu.memory_space<vmem>>, vector<16xi32>, vector<16xi1>
          tpu.vector_store %arg13[%swap3A_1459], %add3A_1454 masked %le3A_1450 {strides = array<i32>} : memref<544xi32, #tpu.memory_space<vmem>>, vector<16xi32>, vector<16xi1>
          %all_reduce_population_count3A_1461 = tpu.all_reduce %le3A_1450 {dim = 0 : i64, kind = #tpu.reduction_kind<sum>} : vector<16xi1> -> vector<16xi32>
          %slice3A_1462 = vector.extract_strided_slice %all_reduce_population_count3A_1461 {offsets = [0], sizes = [1], strides = [1]} : vector<16xi32> to vector<1xi32>
          %squeeze3A_1463 = vector.extract %slice3A_1462[0] : i32 from vector<1xi32>
          %add3A_1464 = arith.addi %add3A_1446, %squeeze3A_1463 : i32
          %get3A_1465 = arith.index_cast %while3A_1341 : i32 to index
          %get3A_1466 = arith.constant 96 : index
          %get3A_1467 = tpu.vector_load %arg11[%get3A_1465, %get3A_1466] {strides = array<i32>} : memref<128x128xf32, #tpu.memory_space<vmem>>, vector<16xf32>,
          %le3A_1468 = arith.cmpf ole, %get3A_1467, %gather3A_341 : vector<16xf32>
          %add3A_1469 = arith.constant 96 : i32
          %add3A_1470 = vector.broadcast %add3A_1469 : i32 to vector<16xi32>
          %add3A_1471 = arith.addi %iota3A, %add3A_1470 : vector<16xi32>
          %add3A_1472 = arith.addi %mul3A_1356, %add3A_1471 : vector<16xi32>
          %min3A_1473 = arith.constant 512 : i32
          %min3A_1474 = arith.minsi %add3A_1464, %min3A_1473 : i32
          %swap3A_1475 = arith.index_cast %min3A_1474 : i32 to index
          %swap3A_1476 = tpu.vector_load %arg12[%swap3A_1475] masked %le3A_1468 {strides = array<i32>} : memref<544xf32, #tpu.memory_space<vmem>>, vector<16xf32>, vector<16xi1>
          tpu.vector_store %arg12[%swap3A_1475], %get3A_1467 masked %le3A_1468 {strides = array<i32>} : memref<544xf32, #tpu.memory_space<vmem>>, vector<16xf32>, vector<16xi1>
          %swap3A_1477 = arith.index_cast %min3A_1474 : i32 to index
          %swap3A_1478 = tpu.vector_load %arg13[%swap3A_1477] masked %le3A_1468 {strides = array<i32>} : memref<544xi32, #tpu.memory_space<vmem>>, vector<16xi32>, vector<16xi1>
          tpu.vector_store %arg13[%swap3A_1477], %add3A_1472 masked %le3A_1468 {strides = array<i32>} : memref<544xi32, #tpu.memory_space<vmem>>, vector<16xi32>, vector<16xi1>
          %all_reduce_population_count3A_1479 = tpu.all_reduce %le3A_1468 {dim = 0 : i64, kind = #tpu.reduction_kind<sum>} : vector<16xi1> -> vector<16xi32>
          %slice3A_1480 = vector.extract_strided_slice %all_reduce_population_count3A_1479 {offsets = [0], sizes = [1], strides = [1]} : vector<16xi32> to vector<1xi32>
          %squeeze3A_1481 = vector.extract %slice3A_1480[0] : i32 from vector<1xi32>
          %add3A_1482 = arith.addi %add3A_1464, %squeeze3A_1481 : i32
          %get3A_1483 = arith.index_cast %while3A_1341 : i32 to index
          %get3A_1484 = arith.constant 112 : index
          %get3A_1485 = tpu.vector_load %arg11[%get3A_1483, %get3A_1484] {strides = array<i32>} : memref<128x128xf32, #tpu.memory_space<vmem>>, vector<16xf32>,
          %le3A_1486 = arith.cmpf ole, %get3A_1485, %gather3A_341 : vector<16xf32>
          %add3A_1487 = arith.constant 112 : i32
          %add3A_1488 = vector.broadcast %add3A_1487 : i32 to vector<16xi32>
          %add3A_1489 = arith.addi %iota3A, %add3A_1488 : vector<16xi32>
          %add3A_1490 = arith.addi %mul3A_1356, %add3A_1489 : vector<16xi32>
          %min3A_1491 = arith.constant 512 : i32
          %min3A_1492 = arith.minsi %add3A_1482, %min3A_1491 : i32
          %swap3A_1493 = arith.index_cast %min3A_1492 : i32 to index
          %swap3A_1494 = tpu.vector_load %arg12[%swap3A_1493] masked %le3A_1486 {strides = array<i32>} : memref<544xf32, #tpu.memory_space<vmem>>, vector<16xf32>, vector<16xi1>
          tpu.vector_store %arg12[%swap3A_1493], %get3A_1485 masked %le3A_1486 {strides = array<i32>} : memref<544xf32, #tpu.memory_space<vmem>>, vector<16xf32>, vector<16xi1>
          %swap3A_1495 = arith.index_cast %min3A_1492 : i32 to index
          %swap3A_1496 = tpu.vector_load %arg13[%swap3A_1495] masked %le3A_1486 {strides = array<i32>} : memref<544xi32, #tpu.memory_space<vmem>>, vector<16xi32>, vector<16xi1>
          tpu.vector_store %arg13[%swap3A_1495], %add3A_1490 masked %le3A_1486 {strides = array<i32>} : memref<544xi32, #tpu.memory_space<vmem>>, vector<16xi32>, vector<16xi1>
          %all_reduce_population_count3A_1497 = tpu.all_reduce %le3A_1486 {dim = 0 : i64, kind = #tpu.reduction_kind<sum>} : vector<16xi1> -> vector<16xi32>
          %slice3A_1498 = vector.extract_strided_slice %all_reduce_population_count3A_1497 {offsets = [0], sizes = [1], strides = [1]} : vector<16xi32> to vector<1xi32>
          %squeeze3A_1499 = vector.extract %slice3A_1498[0] : i32 from vector<1xi32>
          %add3A_1500 = arith.addi %add3A_1482, %squeeze3A_1499 : i32
          scf.yield %add3A_1500 : i32
        }
        %while3A_1339 = arith.constant 1 : i32
        %while3A_1340 = scf.for %while3A_1341 = %while3A_1336 to %while3A_1332 step %while3A_1339 iter_args(%while3A_1342 = %while3A_1338) -> (i32)  : i32 {
          %and3A_1343 = arith.constant -16 : i32
          %and3A_1344 = arith.andi %while3A_1341, %and3A_1343 : i32
          %add3A_1345 = arith.addi %mul3A_1264, %and3A_1344 : i32
          %get3A_1346 = arith.index_cast %add3A_1345 : i32 to index
          %get3A_1347 = tpu.vector_load %arg9[%get3A_1346] {strides = array<i32>} : memref<640xi32, #tpu.memory_space<vmem>>, vector<16xi32>,
          %and3A_1348 = arith.constant 15 : i32
          %and3A_1349 = arith.andi %while3A_1341, %and3A_1348 : i32
          %broadcast_in_dim3A_1350 = vector.broadcast %and3A_1349 : i32 to vector<16xi32>
          %broadcast_in_dim3A_1351 = vector.shape_cast %broadcast_in_dim3A_1350 : vector<16xi32> to vector<16x1xi32>
          %gather3A_1352 = vector.shape_cast %broadcast_in_dim3A_1351 : vector<16x1xi32> to vector<16xi32>
          %gather3A_1353 = tpu.dynamic_gather %get3A_1347[%gather3A_1352] in [0] : vector<16xi32>, vector<16xi32> -> vector<16xi32>
          %mul3A_1354 = arith.constant 128 : i32
          %mul3A_1355 = vector.broadcast %mul3A_1354 : i32 to vector<16xi32>
          %mul3A_1356 = arith.muli %gather3A_1353, %mul3A_1355 : vector<16xi32>
          %get3A_1357 = arith.index_cast %while3A_1341 : i32 to index
          %get3A_1358 = arith.constant 0 : index
          %get3A_1359 = tpu.vector_load %arg11[%get3A_1357, %get3A_1358] {strides = array<i32>} : memref<128x128xf32, #tpu.memory_space<vmem>>, vector<16xf32>,
          %le3A_1360 = arith.cmpf ole, %get3A_1359, %gather3A_341 : vector<16xf32>
          %add3A_1361 = arith.constant 0 : i32
          %add3A_1362 = vector.broadcast %add3A_1361 : i32 to vector<16xi32>
          %add3A_1363 = arith.addi %iota3A, %add3A_1362 : vector<16xi32>
          %add3A_1364 = arith.addi %mul3A_1356, %add3A_1363 : vector<16xi32>
          %min3A_1365 = arith.constant 512 : i32
          %min3A_1366 = arith.minsi %while3A_1342, %min3A_1365 : i32
          %swap3A_1367 = arith.index_cast %min3A_1366 : i32 to index
          %swap3A_1368 = tpu.vector_load %arg12[%swap3A_1367] masked %le3A_1360 {strides = array<i32>} : memref<544xf32, #tpu.memory_space<vmem>>, vector<16xf32>, vector<16xi1>
          tpu.vector_store %arg12[%swap3A_1367], %get3A_1359 masked %le3A_1360 {strides = array<i32>} : memref<544xf32, #tpu.memory_space<vmem>>, vector<16xf32>, vector<16xi1>
          %swap3A_1369 = arith.index_cast %min3A_1366 : i32 to index
          %swap3A_1370 = tpu.vector_load %arg13[%swap3A_1369] masked %le3A_1360 {strides = array<i32>} : memref<544xi32, #tpu.memory_space<vmem>>, vector<16xi32>, vector<16xi1>
          tpu.vector_store %arg13[%swap3A_1369], %add3A_1364 masked %le3A_1360 {strides = array<i32>} : memref<544xi32, #tpu.memory_space<vmem>>, vector<16xi32>, vector<16xi1>
          %all_reduce_population_count3A_1371 = tpu.all_reduce %le3A_1360 {dim = 0 : i64, kind = #tpu.reduction_kind<sum>} : vector<16xi1> -> vector<16xi32>
          %slice3A_1372 = vector.extract_strided_slice %all_reduce_population_count3A_1371 {offsets = [0], sizes = [1], strides = [1]} : vector<16xi32> to vector<1xi32>
          %squeeze3A_1373 = vector.extract %slice3A_1372[0] : i32 from vector<1xi32>
          %add3A_1374 = arith.addi %while3A_1342, %squeeze3A_1373 : i32
          %get3A_1375 = arith.index_cast %while3A_1341 : i32 to index
          %get3A_1376 = arith.constant 16 : index
          %get3A_1377 = tpu.vector_load %arg11[%get3A_1375, %get3A_1376] {strides = array<i32>} : memref<128x128xf32, #tpu.memory_space<vmem>>, vector<16xf32>,
          %le3A_1378 = arith.cmpf ole, %get3A_1377, %gather3A_341 : vector<16xf32>
          %add3A_1379 = arith.constant 16 : i32
          %add3A_1380 = vector.broadcast %add3A_1379 : i32 to vector<16xi32>
          %add3A_1381 = arith.addi %iota3A, %add3A_1380 : vector<16xi32>
          %add3A_1382 = arith.addi %mul3A_1356, %add3A_1381 : vector<16xi32>
          %min3A_1383 = arith.constant 512 : i32
          %min3A_1384 = arith.minsi %add3A_1374, %min3A_1383 : i32
          %swap3A_1385 = arith.index_cast %min3A_1384 : i32 to index
          %swap3A_1386 = tpu.vector_load %arg12[%swap3A_1385] masked %le3A_1378 {strides = array<i32>} : memref<544xf32, #tpu.memory_space<vmem>>, vector<16xf32>, vector<16xi1>
          tpu.vector_store %arg12[%swap3A_1385], %get3A_1377 masked %le3A_1378 {strides = array<i32>} : memref<544xf32, #tpu.memory_space<vmem>>, vector<16xf32>, vector<16xi1>
          %swap3A_1387 = arith.index_cast %min3A_1384 : i32 to index
          %swap3A_1388 = tpu.vector_load %arg13[%swap3A_1387] masked %le3A_1378 {strides = array<i32>} : memref<544xi32, #tpu.memory_space<vmem>>, vector<16xi32>, vector<16xi1>
          tpu.vector_store %arg13[%swap3A_1387], %add3A_1382 masked %le3A_1378 {strides = array<i32>} : memref<544xi32, #tpu.memory_space<vmem>>, vector<16xi32>, vector<16xi1>
          %all_reduce_population_count3A_1389 = tpu.all_reduce %le3A_1378 {dim = 0 : i64, kind = #tpu.reduction_kind<sum>} : vector<16xi1> -> vector<16xi32>
          %slice3A_1390 = vector.extract_strided_slice %all_reduce_population_count3A_1389 {offsets = [0], sizes = [1], strides = [1]} : vector<16xi32> to vector<1xi32>
          %squeeze3A_1391 = vector.extract %slice3A_1390[0] : i32 from vector<1xi32>
          %add3A_1392 = arith.addi %add3A_1374, %squeeze3A_1391 : i32
          %get3A_1393 = arith.index_cast %while3A_1341 : i32 to index
          %get3A_1394 = arith.constant 32 : index
          %get3A_1395 = tpu.vector_load %arg11[%get3A_1393, %get3A_1394] {strides = array<i32>} : memref<128x128xf32, #tpu.memory_space<vmem>>, vector<16xf32>,
          %le3A_1396 = arith.cmpf ole, %get3A_1395, %gather3A_341 : vector<16xf32>
          %add3A_1397 = arith.constant 32 : i32
          %add3A_1398 = vector.broadcast %add3A_1397 : i32 to vector<16xi32>
          %add3A_1399 = arith.addi %iota3A, %add3A_1398 : vector<16xi32>
          %add3A_1400 = arith.addi %mul3A_1356, %add3A_1399 : vector<16xi32>
          %min3A_1401 = arith.constant 512 : i32
          %min3A_1402 = arith.minsi %add3A_1392, %min3A_1401 : i32
          %swap3A_1403 = arith.index_cast %min3A_1402 : i32 to index
          %swap3A_1404 = tpu.vector_load %arg12[%swap3A_1403] masked %le3A_1396 {strides = array<i32>} : memref<544xf32, #tpu.memory_space<vmem>>, vector<16xf32>, vector<16xi1>
          tpu.vector_store %arg12[%swap3A_1403], %get3A_1395 masked %le3A_1396 {strides = array<i32>} : memref<544xf32, #tpu.memory_space<vmem>>, vector<16xf32>, vector<16xi1>
          %swap3A_1405 = arith.index_cast %min3A_1402 : i32 to index
          %swap3A_1406 = tpu.vector_load %arg13[%swap3A_1405] masked %le3A_1396 {strides = array<i32>} : memref<544xi32, #tpu.memory_space<vmem>>, vector<16xi32>, vector<16xi1>
          tpu.vector_store %arg13[%swap3A_1405], %add3A_1400 masked %le3A_1396 {strides = array<i32>} : memref<544xi32, #tpu.memory_space<vmem>>, vector<16xi32>, vector<16xi1>
          %all_reduce_population_count3A_1407 = tpu.all_reduce %le3A_1396 {dim = 0 : i64, kind = #tpu.reduction_kind<sum>} : vector<16xi1> -> vector<16xi32>
          %slice3A_1408 = vector.extract_strided_slice %all_reduce_population_count3A_1407 {offsets = [0], sizes = [1], strides = [1]} : vector<16xi32> to vector<1xi32>
          %squeeze3A_1409 = vector.extract %slice3A_1408[0] : i32 from vector<1xi32>
          %add3A_1410 = arith.addi %add3A_1392, %squeeze3A_1409 : i32
          %get3A_1411 = arith.index_cast %while3A_1341 : i32 to index
          %get3A_1412 = arith.constant 48 : index
          %get3A_1413 = tpu.vector_load %arg11[%get3A_1411, %get3A_1412] {strides = array<i32>} : memref<128x128xf32, #tpu.memory_space<vmem>>, vector<16xf32>,
          %le3A_1414 = arith.cmpf ole, %get3A_1413, %gather3A_341 : vector<16xf32>
          %add3A_1415 = arith.constant 48 : i32
          %add3A_1416 = vector.broadcast %add3A_1415 : i32 to vector<16xi32>
          %add3A_1417 = arith.addi %iota3A, %add3A_1416 : vector<16xi32>
          %add3A_1418 = arith.addi %mul3A_1356, %add3A_1417 : vector<16xi32>
          %min3A_1419 = arith.constant 512 : i32
          %min3A_1420 = arith.minsi %add3A_1410, %min3A_1419 : i32
          %swap3A_1421 = arith.index_cast %min3A_1420 : i32 to index
          %swap3A_1422 = tpu.vector_load %arg12[%swap3A_1421] masked %le3A_1414 {strides = array<i32>} : memref<544xf32, #tpu.memory_space<vmem>>, vector<16xf32>, vector<16xi1>
          tpu.vector_store %arg12[%swap3A_1421], %get3A_1413 masked %le3A_1414 {strides = array<i32>} : memref<544xf32, #tpu.memory_space<vmem>>, vector<16xf32>, vector<16xi1>
          %swap3A_1423 = arith.index_cast %min3A_1420 : i32 to index
          %swap3A_1424 = tpu.vector_load %arg13[%swap3A_1423] masked %le3A_1414 {strides = array<i32>} : memref<544xi32, #tpu.memory_space<vmem>>, vector<16xi32>, vector<16xi1>
          tpu.vector_store %arg13[%swap3A_1423], %add3A_1418 masked %le3A_1414 {strides = array<i32>} : memref<544xi32, #tpu.memory_space<vmem>>, vector<16xi32>, vector<16xi1>
          %all_reduce_population_count3A_1425 = tpu.all_reduce %le3A_1414 {dim = 0 : i64, kind = #tpu.reduction_kind<sum>} : vector<16xi1> -> vector<16xi32>
          %slice3A_1426 = vector.extract_strided_slice %all_reduce_population_count3A_1425 {offsets = [0], sizes = [1], strides = [1]} : vector<16xi32> to vector<1xi32>
          %squeeze3A_1427 = vector.extract %slice3A_1426[0] : i32 from vector<1xi32>
          %add3A_1428 = arith.addi %add3A_1410, %squeeze3A_1427 : i32
          %get3A_1429 = arith.index_cast %while3A_1341 : i32 to index
          %get3A_1430 = arith.constant 64 : index
          %get3A_1431 = tpu.vector_load %arg11[%get3A_1429, %get3A_1430] {strides = array<i32>} : memref<128x128xf32, #tpu.memory_space<vmem>>, vector<16xf32>,
          %le3A_1432 = arith.cmpf ole, %get3A_1431, %gather3A_341 : vector<16xf32>
          %add3A_1433 = arith.constant 64 : i32
          %add3A_1434 = vector.broadcast %add3A_1433 : i32 to vector<16xi32>
          %add3A_1435 = arith.addi %iota3A, %add3A_1434 : vector<16xi32>
          %add3A_1436 = arith.addi %mul3A_1356, %add3A_1435 : vector<16xi32>
          %min3A_1437 = arith.constant 512 : i32
          %min3A_1438 = arith.minsi %add3A_1428, %min3A_1437 : i32
          %swap3A_1439 = arith.index_cast %min3A_1438 : i32 to index
          %swap3A_1440 = tpu.vector_load %arg12[%swap3A_1439] masked %le3A_1432 {strides = array<i32>} : memref<544xf32, #tpu.memory_space<vmem>>, vector<16xf32>, vector<16xi1>
          tpu.vector_store %arg12[%swap3A_1439], %get3A_1431 masked %le3A_1432 {strides = array<i32>} : memref<544xf32, #tpu.memory_space<vmem>>, vector<16xf32>, vector<16xi1>
          %swap3A_1441 = arith.index_cast %min3A_1438 : i32 to index
          %swap3A_1442 = tpu.vector_load %arg13[%swap3A_1441] masked %le3A_1432 {strides = array<i32>} : memref<544xi32, #tpu.memory_space<vmem>>, vector<16xi32>, vector<16xi1>
          tpu.vector_store %arg13[%swap3A_1441], %add3A_1436 masked %le3A_1432 {strides = array<i32>} : memref<544xi32, #tpu.memory_space<vmem>>, vector<16xi32>, vector<16xi1>
          %all_reduce_population_count3A_1443 = tpu.all_reduce %le3A_1432 {dim = 0 : i64, kind = #tpu.reduction_kind<sum>} : vector<16xi1> -> vector<16xi32>
          %slice3A_1444 = vector.extract_strided_slice %all_reduce_population_count3A_1443 {offsets = [0], sizes = [1], strides = [1]} : vector<16xi32> to vector<1xi32>
          %squeeze3A_1445 = vector.extract %slice3A_1444[0] : i32 from vector<1xi32>
          %add3A_1446 = arith.addi %add3A_1428, %squeeze3A_1445 : i32
          %get3A_1447 = arith.index_cast %while3A_1341 : i32 to index
          %get3A_1448 = arith.constant 80 : index
          %get3A_1449 = tpu.vector_load %arg11[%get3A_1447, %get3A_1448] {strides = array<i32>} : memref<128x128xf32, #tpu.memory_space<vmem>>, vector<16xf32>,
          %le3A_1450 = arith.cmpf ole, %get3A_1449, %gather3A_341 : vector<16xf32>
          %add3A_1451 = arith.constant 80 : i32
          %add3A_1452 = vector.broadcast %add3A_1451 : i32 to vector<16xi32>
          %add3A_1453 = arith.addi %iota3A, %add3A_1452 : vector<16xi32>
          %add3A_1454 = arith.addi %mul3A_1356, %add3A_1453 : vector<16xi32>
          %min3A_1455 = arith.constant 512 : i32
          %min3A_1456 = arith.minsi %add3A_1446, %min3A_1455 : i32
          %swap3A_1457 = arith.index_cast %min3A_1456 : i32 to index
          %swap3A_1458 = tpu.vector_load %arg12[%swap3A_1457] masked %le3A_1450 {strides = array<i32>} : memref<544xf32, #tpu.memory_space<vmem>>, vector<16xf32>, vector<16xi1>
          tpu.vector_store %arg12[%swap3A_1457], %get3A_1449 masked %le3A_1450 {strides = array<i32>} : memref<544xf32, #tpu.memory_space<vmem>>, vector<16xf32>, vector<16xi1>
          %swap3A_1459 = arith.index_cast %min3A_1456 : i32 to index
          %swap3A_1460 = tpu.vector_load %arg13[%swap3A_1459] masked %le3A_1450 {strides = array<i32>} : memref<544xi32, #tpu.memory_space<vmem>>, vector<16xi32>, vector<16xi1>
          tpu.vector_store %arg13[%swap3A_1459], %add3A_1454 masked %le3A_1450 {strides = array<i32>} : memref<544xi32, #tpu.memory_space<vmem>>, vector<16xi32>, vector<16xi1>
          %all_reduce_population_count3A_1461 = tpu.all_reduce %le3A_1450 {dim = 0 : i64, kind = #tpu.reduction_kind<sum>} : vector<16xi1> -> vector<16xi32>
          %slice3A_1462 = vector.extract_strided_slice %all_reduce_population_count3A_1461 {offsets = [0], sizes = [1], strides = [1]} : vector<16xi32> to vector<1xi32>
          %squeeze3A_1463 = vector.extract %slice3A_1462[0] : i32 from vector<1xi32>
          %add3A_1464 = arith.addi %add3A_1446, %squeeze3A_1463 : i32
          %get3A_1465 = arith.index_cast %while3A_1341 : i32 to index
          %get3A_1466 = arith.constant 96 : index
          %get3A_1467 = tpu.vector_load %arg11[%get3A_1465, %get3A_1466] {strides = array<i32>} : memref<128x128xf32, #tpu.memory_space<vmem>>, vector<16xf32>,
          %le3A_1468 = arith.cmpf ole, %get3A_1467, %gather3A_341 : vector<16xf32>
          %add3A_1469 = arith.constant 96 : i32
          %add3A_1470 = vector.broadcast %add3A_1469 : i32 to vector<16xi32>
          %add3A_1471 = arith.addi %iota3A, %add3A_1470 : vector<16xi32>
          %add3A_1472 = arith.addi %mul3A_1356, %add3A_1471 : vector<16xi32>
          %min3A_1473 = arith.constant 512 : i32
          %min3A_1474 = arith.minsi %add3A_1464, %min3A_1473 : i32
          %swap3A_1475 = arith.index_cast %min3A_1474 : i32 to index
          %swap3A_1476 = tpu.vector_load %arg12[%swap3A_1475] masked %le3A_1468 {strides = array<i32>} : memref<544xf32, #tpu.memory_space<vmem>>, vector<16xf32>, vector<16xi1>
          tpu.vector_store %arg12[%swap3A_1475], %get3A_1467 masked %le3A_1468 {strides = array<i32>} : memref<544xf32, #tpu.memory_space<vmem>>, vector<16xf32>, vector<16xi1>
          %swap3A_1477 = arith.index_cast %min3A_1474 : i32 to index
          %swap3A_1478 = tpu.vector_load %arg13[%swap3A_1477] masked %le3A_1468 {strides = array<i32>} : memref<544xi32, #tpu.memory_space<vmem>>, vector<16xi32>, vector<16xi1>
          tpu.vector_store %arg13[%swap3A_1477], %add3A_1472 masked %le3A_1468 {strides = array<i32>} : memref<544xi32, #tpu.memory_space<vmem>>, vector<16xi32>, vector<16xi1>
          %all_reduce_population_count3A_1479 = tpu.all_reduce %le3A_1468 {dim = 0 : i64, kind = #tpu.reduction_kind<sum>} : vector<16xi1> -> vector<16xi32>
          %slice3A_1480 = vector.extract_strided_slice %all_reduce_population_count3A_1479 {offsets = [0], sizes = [1], strides = [1]} : vector<16xi32> to vector<1xi32>
          %squeeze3A_1481 = vector.extract %slice3A_1480[0] : i32 from vector<1xi32>
          %add3A_1482 = arith.addi %add3A_1464, %squeeze3A_1481 : i32
          %get3A_1483 = arith.index_cast %while3A_1341 : i32 to index
          %get3A_1484 = arith.constant 112 : index
          %get3A_1485 = tpu.vector_load %arg11[%get3A_1483, %get3A_1484] {strides = array<i32>} : memref<128x128xf32, #tpu.memory_space<vmem>>, vector<16xf32>,
          %le3A_1486 = arith.cmpf ole, %get3A_1485, %gather3A_341 : vector<16xf32>
          %add3A_1487 = arith.constant 112 : i32
          %add3A_1488 = vector.broadcast %add3A_1487 : i32 to vector<16xi32>
          %add3A_1489 = arith.addi %iota3A, %add3A_1488 : vector<16xi32>
          %add3A_1490 = arith.addi %mul3A_1356, %add3A_1489 : vector<16xi32>
          %min3A_1491 = arith.constant 512 : i32
          %min3A_1492 = arith.minsi %add3A_1482, %min3A_1491 : i32
          %swap3A_1493 = arith.index_cast %min3A_1492 : i32 to index
          %swap3A_1494 = tpu.vector_load %arg12[%swap3A_1493] masked %le3A_1486 {strides = array<i32>} : memref<544xf32, #tpu.memory_space<vmem>>, vector<16xf32>, vector<16xi1>
          tpu.vector_store %arg12[%swap3A_1493], %get3A_1485 masked %le3A_1486 {strides = array<i32>} : memref<544xf32, #tpu.memory_space<vmem>>, vector<16xf32>, vector<16xi1>
          %swap3A_1495 = arith.index_cast %min3A_1492 : i32 to index
          %swap3A_1496 = tpu.vector_load %arg13[%swap3A_1495] masked %le3A_1486 {strides = array<i32>} : memref<544xi32, #tpu.memory_space<vmem>>, vector<16xi32>, vector<16xi1>
          tpu.vector_store %arg13[%swap3A_1495], %add3A_1490 masked %le3A_1486 {strides = array<i32>} : memref<544xi32, #tpu.memory_space<vmem>>, vector<16xi32>, vector<16xi1>
          %all_reduce_population_count3A_1497 = tpu.all_reduce %le3A_1486 {dim = 0 : i64, kind = #tpu.reduction_kind<sum>} : vector<16xi1> -> vector<16xi32>
          %slice3A_1498 = vector.extract_strided_slice %all_reduce_population_count3A_1497 {offsets = [0], sizes = [1], strides = [1]} : vector<16xi32> to vector<1xi32>
          %squeeze3A_1499 = vector.extract %slice3A_1498[0] : i32 from vector<1xi32>
          %add3A_1500 = arith.addi %add3A_1482, %squeeze3A_1499 : i32
          scf.yield %add3A_1500 : i32
        }
        scf.yield %while3A_1340 : i32
      }
      %min3A_1177 = arith.constant 512 : i32
      %min3A_1178 = arith.minsi %while3A_1176, %min3A_1177 : i32
      %add3A_1179 = arith.constant 15 : i32
      %add3A_1180 = arith.addi %min3A_1178, %add3A_1179 : i32
      %div3A_1181 = arith.constant 16 : i32
      %div3A_1182 = arith.divsi %add3A_1180, %div3A_1181 : i32
      %while3A_1183 = arith.constant 0 : i32
      %while3A_1184 = arith.constant 0 : i32
      %while3A_1185 = arith.subi %div3A_1182, %while3A_1183 : i32
      %while3A_1186 = arith.addi %while3A_1183, %while3A_1185 : i32
      %while3A_1187 = arith.constant 1 : i32
      %while3A_1188 = arith.divsi %while3A_1185, %while3A_1187 : i32
      %while3A_1189 = arith.muli %while3A_1188, %while3A_1187 : i32
      %while3A_1190 = arith.addi %while3A_1183, %while3A_1189 : i32
      %while3A_1191 = arith.constant 1 : i32
      %while3A_1192 = scf.for %while3A_1261 = %while3A_1183 to %while3A_1190 step %while3A_1191 iter_args(%while3A_1262 = %while3A_1184) -> (i32)  : i32 {
        %mul3A_1263 = arith.constant 16 : i32
        %mul3A_1264 = arith.muli %while3A_1261, %mul3A_1263 : i32
        %mul3A_1265 = arith.constant 16 : i32
        %mul3A_1266 = arith.muli %while3A_1261, %mul3A_1265 : i32
        %dma_start3A_1267 = tpu.memref_slice %arg14[%mul3A_1266] : memref<544xf32, #tpu.memory_space<vmem>> -> memref<16xf32, #tpu.memory_space<vmem>>
        %dma_start3A_1268 = tpu.memref_slice %arg13[%mul3A_1264] : memref<544xi32, #tpu.memory_space<vmem>> -> memref<16xi32, #tpu.memory_space<vmem>>
        %dma_start3A_1269 = arith.constant 0 : i32
        %dma_start3A_1270 = tpu.memref_slice %arg5[%dma_start3A_1269] : memref<102400xf32, #tpu.memory_space<hbm>> -> memref<102400xf32, #tpu.memory_space<hbm>>
        tpu.enqueue_indirect_dma source(%dma_start3A_1270 : memref<102400xf32, #tpu.memory_space<hbm>>) target(%dma_start3A_1267 : memref<16xf32, #tpu.memory_space<vmem>>) offsets(%dma_start3A_1268 : memref<16xi32, #tpu.memory_space<vmem>>) semaphore(%arg17 : memref<!tpu.dma_semaphore, #tpu.memory_space<semaphore_mem>>)
        %while3A_1271 = arith.constant 0 : i32
        scf.yield %while3A_1271 : i32
      }
      %while3A_1193 = arith.constant 1 : i32
      %while3A_1194 = scf.for %while3A_1261 = %while3A_1190 to %while3A_1186 step %while3A_1193 iter_args(%while3A_1262 = %while3A_1192) -> (i32)  : i32 {
        %mul3A_1263 = arith.constant 16 : i32
        %mul3A_1264 = arith.muli %while3A_1261, %mul3A_1263 : i32
        %mul3A_1265 = arith.constant 16 : i32
        %mul3A_1266 = arith.muli %while3A_1261, %mul3A_1265 : i32
        %dma_start3A_1267 = tpu.memref_slice %arg14[%mul3A_1266] : memref<544xf32, #tpu.memory_space<vmem>> -> memref<16xf32, #tpu.memory_space<vmem>>
        %dma_start3A_1268 = tpu.memref_slice %arg13[%mul3A_1264] : memref<544xi32, #tpu.memory_space<vmem>> -> memref<16xi32, #tpu.memory_space<vmem>>
        %dma_start3A_1269 = arith.constant 0 : i32
        %dma_start3A_1270 = tpu.memref_slice %arg5[%dma_start3A_1269] : memref<102400xf32, #tpu.memory_space<hbm>> -> memref<102400xf32, #tpu.memory_space<hbm>>
        tpu.enqueue_indirect_dma source(%dma_start3A_1270 : memref<102400xf32, #tpu.memory_space<hbm>>) target(%dma_start3A_1267 : memref<16xf32, #tpu.memory_space<vmem>>) offsets(%dma_start3A_1268 : memref<16xi32, #tpu.memory_space<vmem>>) semaphore(%arg17 : memref<!tpu.dma_semaphore, #tpu.memory_space<semaphore_mem>>)
        %while3A_1271 = arith.constant 0 : i32
        scf.yield %while3A_1271 : i32
      }
      %sub3A_1195 = arith.constant 32 : i32
      %sub3A_1196 = arith.subi %min3A_1178, %sub3A_1195 : i32
      %while3A_1197 = arith.constant 0 : i32
      %while3A_1198 = arith.constant -1 : i32
      %while3A_1199 = arith.subi %sub3A_1196, %while3A_1197 : i32
      %while3A_1200 = arith.addi %while3A_1197, %while3A_1199 : i32
      %while3A_1201 = arith.constant 1 : i32
      %while3A_1202 = arith.divsi %while3A_1199, %while3A_1201 : i32
      %while3A_1203 = arith.muli %while3A_1202, %while3A_1201 : i32
      %while3A_1204 = arith.addi %while3A_1197, %while3A_1203 : i32
      %while3A_1205 = arith.constant 1 : i32
      %while3A_1206 = scf.for %while3A_1261 = %while3A_1197 to %while3A_1204 step %while3A_1205 iter_args(%while3A_1262 = %while3A_1198) -> (i32)  : i32 {
        %broadcast_in_dim3A_1263 = vector.broadcast %while3A_1262 : i32 to vector<16xi32>
        %broadcast_in_dim3A_1264 = arith.constant -1.000000e+00 : f32
        %broadcast_in_dim3A_1265 = vector.broadcast %broadcast_in_dim3A_1264 : f32 to vector<16xf32>
        %while3A_1266 = arith.constant 0 : i32
        %while3A_1267 = arith.subi %div3A_1182, %while3A_1266 : i32
        %while3A_1268 = arith.addi %while3A_1266, %while3A_1267 : i32
        %while3A_1269 = arith.constant 1 : i32
        %while3A_1270 = arith.divsi %while3A_1267, %while3A_1269 : i32
        %while3A_1271 = arith.muli %while3A_1270, %while3A_1269 : i32
        %while3A_1272 = arith.addi %while3A_1266, %while3A_1271 : i32
        %while3A_1273 = arith.constant 1 : i32
        %while3A_1274 = scf.for %while3A_1302 = %while3A_1266 to %while3A_1272 step %while3A_1273 iter_args(%while3A_1303 = %broadcast_in_dim3A_1265) -> (vector<16xf32>)  : i32 {
          %mul3A_1304 = arith.constant 16 : i32
          %mul3A_1305 = arith.muli %while3A_1302, %mul3A_1304 : i32
          %get3A_1306 = arith.index_cast %mul3A_1305 : i32 to index
          %get3A_1307 = tpu.vector_load %arg12[%get3A_1306] {strides = array<i32>} : memref<544xf32, #tpu.memory_space<vmem>>, vector<16xf32>,
          %mul3A_1308 = arith.constant 16 : i32
          %mul3A_1309 = arith.muli %while3A_1302, %mul3A_1308 : i32
          %get3A_1310 = arith.index_cast %mul3A_1309 : i32 to index
          %get3A_1311 = tpu.vector_load %arg13[%get3A_1310] {strides = array<i32>} : memref<544xi32, #tpu.memory_space<vmem>>, vector<16xi32>,
          %eq3A_1312 = arith.cmpi eq, %get3A_1311, %broadcast_in_dim3A_1263 : vector<16xi32>
          %lt3A_1313 = arith.constant 1.000000e+30 : f32
          %lt3A_1314 = vector.broadcast %lt3A_1313 : f32 to vector<16xf32>
          %lt3A_1315 = arith.cmpf olt, %get3A_1307, %lt3A_1314 : vector<16xf32>
          %and3A_1316 = arith.andi %eq3A_1312, %lt3A_1315 : vector<16xi1>
          %jit3A = arith.constant -1.000000e+00 : f32
          %broadcast_in_dim3A_1317 = vector.broadcast %jit3A : f32 to vector<16xf32>
          %select_n3A_1318 = arith.select %and3A_1316, %broadcast_in_dim3A_1317, %get3A_1307 : vector<16xi1>, vector<16xf32>
          %mul3A_1319 = arith.constant 16 : i32
          %mul3A_1320 = arith.muli %while3A_1302, %mul3A_1319 : i32
          %swap3A_1321 = arith.index_cast %mul3A_1320 : i32 to index
          %swap3A_1322 = tpu.vector_load %arg12[%swap3A_1321] {strides = array<i32>} : memref<544xf32, #tpu.memory_space<vmem>>, vector<16xf32>,
          tpu.vector_store %arg12[%swap3A_1321], %select_n3A_1318 {strides = array<i32>} : memref<544xf32, #tpu.memory_space<vmem>>, vector<16xf32>,
          %lt3A_1323 = arith.constant 1.000000e+30 : f32
          %lt3A_1324 = vector.broadcast %lt3A_1323 : f32 to vector<16xf32>
          %lt3A_1325 = arith.cmpf olt, %select_n3A_1318, %lt3A_1324 : vector<16xf32>
          %jit3A_1326 = arith.constant -1.000000e+00 : f32
          %broadcast_in_dim3A_1327 = vector.broadcast %jit3A_1326 : f32 to vector<16xf32>
          %select_n3A_1328 = arith.select %lt3A_1325, %select_n3A_1318, %broadcast_in_dim3A_1327 : vector<16xi1>, vector<16xf32>
          %max3A = arith.maximumf %while3A_1303, %select_n3A_1328 : vector<16xf32>
          scf.yield %max3A : vector<16xf32>
        }
        %while3A_1275 = arith.constant 1 : i32
        %while3A_1276 = scf.for %while3A_1302 = %while3A_1272 to %while3A_1268 step %while3A_1275 iter_args(%while3A_1303 = %while3A_1274) -> (vector<16xf32>)  : i32 {
          %mul3A_1304 = arith.constant 16 : i32
          %mul3A_1305 = arith.muli %while3A_1302, %mul3A_1304 : i32
          %get3A_1306 = arith.index_cast %mul3A_1305 : i32 to index
          %get3A_1307 = tpu.vector_load %arg12[%get3A_1306] {strides = array<i32>} : memref<544xf32, #tpu.memory_space<vmem>>, vector<16xf32>,
          %mul3A_1308 = arith.constant 16 : i32
          %mul3A_1309 = arith.muli %while3A_1302, %mul3A_1308 : i32
          %get3A_1310 = arith.index_cast %mul3A_1309 : i32 to index
          %get3A_1311 = tpu.vector_load %arg13[%get3A_1310] {strides = array<i32>} : memref<544xi32, #tpu.memory_space<vmem>>, vector<16xi32>,
          %eq3A_1312 = arith.cmpi eq, %get3A_1311, %broadcast_in_dim3A_1263 : vector<16xi32>
          %lt3A_1313 = arith.constant 1.000000e+30 : f32
          %lt3A_1314 = vector.broadcast %lt3A_1313 : f32 to vector<16xf32>
          %lt3A_1315 = arith.cmpf olt, %get3A_1307, %lt3A_1314 : vector<16xf32>
          %and3A_1316 = arith.andi %eq3A_1312, %lt3A_1315 : vector<16xi1>
          %jit3A = arith.constant -1.000000e+00 : f32
          %broadcast_in_dim3A_1317 = vector.broadcast %jit3A : f32 to vector<16xf32>
          %select_n3A_1318 = arith.select %and3A_1316, %broadcast_in_dim3A_1317, %get3A_1307 : vector<16xi1>, vector<16xf32>
          %mul3A_1319 = arith.constant 16 : i32
          %mul3A_1320 = arith.muli %while3A_1302, %mul3A_1319 : i32
          %swap3A_1321 = arith.index_cast %mul3A_1320 : i32 to index
          %swap3A_1322 = tpu.vector_load %arg12[%swap3A_1321] {strides = array<i32>} : memref<544xf32, #tpu.memory_space<vmem>>, vector<16xf32>,
          tpu.vector_store %arg12[%swap3A_1321], %select_n3A_1318 {strides = array<i32>} : memref<544xf32, #tpu.memory_space<vmem>>, vector<16xf32>,
          %lt3A_1323 = arith.constant 1.000000e+30 : f32
          %lt3A_1324 = vector.broadcast %lt3A_1323 : f32 to vector<16xf32>
          %lt3A_1325 = arith.cmpf olt, %select_n3A_1318, %lt3A_1324 : vector<16xf32>
          %jit3A_1326 = arith.constant -1.000000e+00 : f32
          %broadcast_in_dim3A_1327 = vector.broadcast %jit3A_1326 : f32 to vector<16xf32>
          %select_n3A_1328 = arith.select %lt3A_1325, %select_n3A_1318, %broadcast_in_dim3A_1327 : vector<16xi1>, vector<16xf32>
          %max3A = arith.maximumf %while3A_1303, %select_n3A_1328 : vector<16xf32>
          scf.yield %max3A : vector<16xf32>
        }
        %reduce_max3A = arith.constant true
        %reduce_max3A_1277 = vector.broadcast %reduce_max3A : i1 to vector<16xi1>
        %reduce_max3A_1278 = tpu.scan <max>, %while3A_1276 masked %reduce_max3A_1277 : vector<16xf32>, vector<16xi1> -> vector<16xf32>
        %reduce_max3A_1279 = vector.extract %reduce_max3A_1278[15] : f32 from vector<16xf32>
        %broadcast_in_dim3A_1280 = vector.broadcast %reduce_max3A_1279 : f32 to vector<16xf32>
        %broadcast_in_dim3A_1281 = arith.constant -1 : i32
        %broadcast_in_dim3A_1282 = vector.broadcast %broadcast_in_dim3A_1281 : i32 to vector<16xi32>
        %while3A_1283 = arith.constant 0 : i32
        %while3A_1284 = arith.subi %div3A_1182, %while3A_1283 : i32
        %while3A_1285 = arith.addi %while3A_1283, %while3A_1284 : i32
        %while3A_1286 = arith.constant 1 : i32
        %while3A_1287 = arith.divsi %while3A_1284, %while3A_1286 : i32
        %while3A_1288 = arith.muli %while3A_1287, %while3A_1286 : i32
        %while3A_1289 = arith.addi %while3A_1283, %while3A_1288 : i32
        %while3A_1290 = arith.constant 1 : i32
        %while3A_1291 = scf.for %while3A_1302 = %while3A_1283 to %while3A_1289 step %while3A_1290 iter_args(%while3A_1303 = %broadcast_in_dim3A_1282) -> (vector<16xi32>)  : i32 {
          %mul3A_1304 = arith.constant 16 : i32
          %mul3A_1305 = arith.muli %while3A_1302, %mul3A_1304 : i32
          %get3A_1306 = arith.index_cast %mul3A_1305 : i32 to index
          %get3A_1307 = tpu.vector_load %arg12[%get3A_1306] {strides = array<i32>} : memref<544xf32, #tpu.memory_space<vmem>>, vector<16xf32>,
          %mul3A_1308 = arith.constant 16 : i32
          %mul3A_1309 = arith.muli %while3A_1302, %mul3A_1308 : i32
          %get3A_1310 = arith.index_cast %mul3A_1309 : i32 to index
          %get3A_1311 = tpu.vector_load %arg13[%get3A_1310] {strides = array<i32>} : memref<544xi32, #tpu.memory_space<vmem>>, vector<16xi32>,
          %eq3A_1312 = arith.cmpf oeq, %get3A_1307, %broadcast_in_dim3A_1280 : vector<16xf32>
          %lt3A_1313 = arith.constant 1.000000e+30 : f32
          %lt3A_1314 = vector.broadcast %lt3A_1313 : f32 to vector<16xf32>
          %lt3A_1315 = arith.cmpf olt, %get3A_1307, %lt3A_1314 : vector<16xf32>
          %and3A_1316 = arith.andi %eq3A_1312, %lt3A_1315 : vector<16xi1>
          %jit3A = arith.constant -1 : i32
          %broadcast_in_dim3A_1317 = vector.broadcast %jit3A : i32 to vector<16xi32>
          %select_n3A_1318 = arith.select %and3A_1316, %get3A_1311, %broadcast_in_dim3A_1317 : vector<16xi1>, vector<16xi32>
          %max3A = arith.maxsi %while3A_1303, %select_n3A_1318 : vector<16xi32>
          scf.yield %max3A : vector<16xi32>
        }
        %while3A_1292 = arith.constant 1 : i32
        %while3A_1293 = scf.for %while3A_1302 = %while3A_1289 to %while3A_1285 step %while3A_1292 iter_args(%while3A_1303 = %while3A_1291) -> (vector<16xi32>)  : i32 {
          %mul3A_1304 = arith.constant 16 : i32
          %mul3A_1305 = arith.muli %while3A_1302, %mul3A_1304 : i32
          %get3A_1306 = arith.index_cast %mul3A_1305 : i32 to index
          %get3A_1307 = tpu.vector_load %arg12[%get3A_1306] {strides = array<i32>} : memref<544xf32, #tpu.memory_space<vmem>>, vector<16xf32>,
          %mul3A_1308 = arith.constant 16 : i32
          %mul3A_1309 = arith.muli %while3A_1302, %mul3A_1308 : i32
          %get3A_1310 = arith.index_cast %mul3A_1309 : i32 to index
          %get3A_1311 = tpu.vector_load %arg13[%get3A_1310] {strides = array<i32>} : memref<544xi32, #tpu.memory_space<vmem>>, vector<16xi32>,
          %eq3A_1312 = arith.cmpf oeq, %get3A_1307, %broadcast_in_dim3A_1280 : vector<16xf32>
          %lt3A_1313 = arith.constant 1.000000e+30 : f32
          %lt3A_1314 = vector.broadcast %lt3A_1313 : f32 to vector<16xf32>
          %lt3A_1315 = arith.cmpf olt, %get3A_1307, %lt3A_1314 : vector<16xf32>
          %and3A_1316 = arith.andi %eq3A_1312, %lt3A_1315 : vector<16xi1>
          %jit3A = arith.constant -1 : i32
          %broadcast_in_dim3A_1317 = vector.broadcast %jit3A : i32 to vector<16xi32>
          %select_n3A_1318 = arith.select %and3A_1316, %get3A_1311, %broadcast_in_dim3A_1317 : vector<16xi1>, vector<16xi32>
          %max3A = arith.maxsi %while3A_1303, %select_n3A_1318 : vector<16xi32>
          scf.yield %max3A : vector<16xi32>
        }
        %reduce_max3A_1294 = arith.constant true
        %reduce_max3A_1295 = vector.broadcast %reduce_max3A_1294 : i1 to vector<16xi1>
        %reduce_max3A_1296 = arith.constant -2147483648 : i32
        %reduce_max3A_1297 = vector.broadcast %reduce_max3A_1296 : i32 to vector<16xi32>
        %reduce_max3A_1298 = arith.xori %while3A_1293, %reduce_max3A_1297 : vector<16xi32>
        %reduce_max3A_1299 = tpu.scan <max>, %reduce_max3A_1298 masked %reduce_max3A_1295 : vector<16xi32>, vector<16xi1> -> vector<16xi32>
        %reduce_max3A_1300 = arith.xori %reduce_max3A_1299, %reduce_max3A_1297 : vector<16xi32>
        %reduce_max3A_1301 = vector.extract %reduce_max3A_1300[15] : i32 from vector<16xi32>
        scf.yield %reduce_max3A_1301 : i32
      }
      %while3A_1207 = arith.constant 1 : i32
      %while3A_1208 = scf.for %while3A_1261 = %while3A_1204 to %while3A_1200 step %while3A_1207 iter_args(%while3A_1262 = %while3A_1206) -> (i32)  : i32 {
        %broadcast_in_dim3A_1263 = vector.broadcast %while3A_1262 : i32 to vector<16xi32>
        %broadcast_in_dim3A_1264 = arith.constant -1.000000e+00 : f32
        %broadcast_in_dim3A_1265 = vector.broadcast %broadcast_in_dim3A_1264 : f32 to vector<16xf32>
        %while3A_1266 = arith.constant 0 : i32
        %while3A_1267 = arith.subi %div3A_1182, %while3A_1266 : i32
        %while3A_1268 = arith.addi %while3A_1266, %while3A_1267 : i32
        %while3A_1269 = arith.constant 1 : i32
        %while3A_1270 = arith.divsi %while3A_1267, %while3A_1269 : i32
        %while3A_1271 = arith.muli %while3A_1270, %while3A_1269 : i32
        %while3A_1272 = arith.addi %while3A_1266, %while3A_1271 : i32
        %while3A_1273 = arith.constant 1 : i32
        %while3A_1274 = scf.for %while3A_1302 = %while3A_1266 to %while3A_1272 step %while3A_1273 iter_args(%while3A_1303 = %broadcast_in_dim3A_1265) -> (vector<16xf32>)  : i32 {
          %mul3A_1304 = arith.constant 16 : i32
          %mul3A_1305 = arith.muli %while3A_1302, %mul3A_1304 : i32
          %get3A_1306 = arith.index_cast %mul3A_1305 : i32 to index
          %get3A_1307 = tpu.vector_load %arg12[%get3A_1306] {strides = array<i32>} : memref<544xf32, #tpu.memory_space<vmem>>, vector<16xf32>,
          %mul3A_1308 = arith.constant 16 : i32
          %mul3A_1309 = arith.muli %while3A_1302, %mul3A_1308 : i32
          %get3A_1310 = arith.index_cast %mul3A_1309 : i32 to index
          %get3A_1311 = tpu.vector_load %arg13[%get3A_1310] {strides = array<i32>} : memref<544xi32, #tpu.memory_space<vmem>>, vector<16xi32>,
          %eq3A_1312 = arith.cmpi eq, %get3A_1311, %broadcast_in_dim3A_1263 : vector<16xi32>
          %lt3A_1313 = arith.constant 1.000000e+30 : f32
          %lt3A_1314 = vector.broadcast %lt3A_1313 : f32 to vector<16xf32>
          %lt3A_1315 = arith.cmpf olt, %get3A_1307, %lt3A_1314 : vector<16xf32>
          %and3A_1316 = arith.andi %eq3A_1312, %lt3A_1315 : vector<16xi1>
          %jit3A = arith.constant -1.000000e+00 : f32
          %broadcast_in_dim3A_1317 = vector.broadcast %jit3A : f32 to vector<16xf32>
          %select_n3A_1318 = arith.select %and3A_1316, %broadcast_in_dim3A_1317, %get3A_1307 : vector<16xi1>, vector<16xf32>
          %mul3A_1319 = arith.constant 16 : i32
          %mul3A_1320 = arith.muli %while3A_1302, %mul3A_1319 : i32
          %swap3A_1321 = arith.index_cast %mul3A_1320 : i32 to index
          %swap3A_1322 = tpu.vector_load %arg12[%swap3A_1321] {strides = array<i32>} : memref<544xf32, #tpu.memory_space<vmem>>, vector<16xf32>,
          tpu.vector_store %arg12[%swap3A_1321], %select_n3A_1318 {strides = array<i32>} : memref<544xf32, #tpu.memory_space<vmem>>, vector<16xf32>,
          %lt3A_1323 = arith.constant 1.000000e+30 : f32
          %lt3A_1324 = vector.broadcast %lt3A_1323 : f32 to vector<16xf32>
          %lt3A_1325 = arith.cmpf olt, %select_n3A_1318, %lt3A_1324 : vector<16xf32>
          %jit3A_1326 = arith.constant -1.000000e+00 : f32
          %broadcast_in_dim3A_1327 = vector.broadcast %jit3A_1326 : f32 to vector<16xf32>
          %select_n3A_1328 = arith.select %lt3A_1325, %select_n3A_1318, %broadcast_in_dim3A_1327 : vector<16xi1>, vector<16xf32>
          %max3A = arith.maximumf %while3A_1303, %select_n3A_1328 : vector<16xf32>
          scf.yield %max3A : vector<16xf32>
        }
        %while3A_1275 = arith.constant 1 : i32
        %while3A_1276 = scf.for %while3A_1302 = %while3A_1272 to %while3A_1268 step %while3A_1275 iter_args(%while3A_1303 = %while3A_1274) -> (vector<16xf32>)  : i32 {
          %mul3A_1304 = arith.constant 16 : i32
          %mul3A_1305 = arith.muli %while3A_1302, %mul3A_1304 : i32
          %get3A_1306 = arith.index_cast %mul3A_1305 : i32 to index
          %get3A_1307 = tpu.vector_load %arg12[%get3A_1306] {strides = array<i32>} : memref<544xf32, #tpu.memory_space<vmem>>, vector<16xf32>,
          %mul3A_1308 = arith.constant 16 : i32
          %mul3A_1309 = arith.muli %while3A_1302, %mul3A_1308 : i32
          %get3A_1310 = arith.index_cast %mul3A_1309 : i32 to index
          %get3A_1311 = tpu.vector_load %arg13[%get3A_1310] {strides = array<i32>} : memref<544xi32, #tpu.memory_space<vmem>>, vector<16xi32>,
          %eq3A_1312 = arith.cmpi eq, %get3A_1311, %broadcast_in_dim3A_1263 : vector<16xi32>
          %lt3A_1313 = arith.constant 1.000000e+30 : f32
          %lt3A_1314 = vector.broadcast %lt3A_1313 : f32 to vector<16xf32>
          %lt3A_1315 = arith.cmpf olt, %get3A_1307, %lt3A_1314 : vector<16xf32>
          %and3A_1316 = arith.andi %eq3A_1312, %lt3A_1315 : vector<16xi1>
          %jit3A = arith.constant -1.000000e+00 : f32
          %broadcast_in_dim3A_1317 = vector.broadcast %jit3A : f32 to vector<16xf32>
          %select_n3A_1318 = arith.select %and3A_1316, %broadcast_in_dim3A_1317, %get3A_1307 : vector<16xi1>, vector<16xf32>
          %mul3A_1319 = arith.constant 16 : i32
          %mul3A_1320 = arith.muli %while3A_1302, %mul3A_1319 : i32
          %swap3A_1321 = arith.index_cast %mul3A_1320 : i32 to index
          %swap3A_1322 = tpu.vector_load %arg12[%swap3A_1321] {strides = array<i32>} : memref<544xf32, #tpu.memory_space<vmem>>, vector<16xf32>,
          tpu.vector_store %arg12[%swap3A_1321], %select_n3A_1318 {strides = array<i32>} : memref<544xf32, #tpu.memory_space<vmem>>, vector<16xf32>,
          %lt3A_1323 = arith.constant 1.000000e+30 : f32
          %lt3A_1324 = vector.broadcast %lt3A_1323 : f32 to vector<16xf32>
          %lt3A_1325 = arith.cmpf olt, %select_n3A_1318, %lt3A_1324 : vector<16xf32>
          %jit3A_1326 = arith.constant -1.000000e+00 : f32
          %broadcast_in_dim3A_1327 = vector.broadcast %jit3A_1326 : f32 to vector<16xf32>
          %select_n3A_1328 = arith.select %lt3A_1325, %select_n3A_1318, %broadcast_in_dim3A_1327 : vector<16xi1>, vector<16xf32>
          %max3A = arith.maximumf %while3A_1303, %select_n3A_1328 : vector<16xf32>
          scf.yield %max3A : vector<16xf32>
        }
        %reduce_max3A = arith.constant true
        %reduce_max3A_1277 = vector.broadcast %reduce_max3A : i1 to vector<16xi1>
        %reduce_max3A_1278 = tpu.scan <max>, %while3A_1276 masked %reduce_max3A_1277 : vector<16xf32>, vector<16xi1> -> vector<16xf32>
        %reduce_max3A_1279 = vector.extract %reduce_max3A_1278[15] : f32 from vector<16xf32>
        %broadcast_in_dim3A_1280 = vector.broadcast %reduce_max3A_1279 : f32 to vector<16xf32>
        %broadcast_in_dim3A_1281 = arith.constant -1 : i32
        %broadcast_in_dim3A_1282 = vector.broadcast %broadcast_in_dim3A_1281 : i32 to vector<16xi32>
        %while3A_1283 = arith.constant 0 : i32
        %while3A_1284 = arith.subi %div3A_1182, %while3A_1283 : i32
        %while3A_1285 = arith.addi %while3A_1283, %while3A_1284 : i32
        %while3A_1286 = arith.constant 1 : i32
        %while3A_1287 = arith.divsi %while3A_1284, %while3A_1286 : i32
        %while3A_1288 = arith.muli %while3A_1287, %while3A_1286 : i32
        %while3A_1289 = arith.addi %while3A_1283, %while3A_1288 : i32
        %while3A_1290 = arith.constant 1 : i32
        %while3A_1291 = scf.for %while3A_1302 = %while3A_1283 to %while3A_1289 step %while3A_1290 iter_args(%while3A_1303 = %broadcast_in_dim3A_1282) -> (vector<16xi32>)  : i32 {
          %mul3A_1304 = arith.constant 16 : i32
          %mul3A_1305 = arith.muli %while3A_1302, %mul3A_1304 : i32
          %get3A_1306 = arith.index_cast %mul3A_1305 : i32 to index
          %get3A_1307 = tpu.vector_load %arg12[%get3A_1306] {strides = array<i32>} : memref<544xf32, #tpu.memory_space<vmem>>, vector<16xf32>,
          %mul3A_1308 = arith.constant 16 : i32
          %mul3A_1309 = arith.muli %while3A_1302, %mul3A_1308 : i32
          %get3A_1310 = arith.index_cast %mul3A_1309 : i32 to index
          %get3A_1311 = tpu.vector_load %arg13[%get3A_1310] {strides = array<i32>} : memref<544xi32, #tpu.memory_space<vmem>>, vector<16xi32>,
          %eq3A_1312 = arith.cmpf oeq, %get3A_1307, %broadcast_in_dim3A_1280 : vector<16xf32>
          %lt3A_1313 = arith.constant 1.000000e+30 : f32
          %lt3A_1314 = vector.broadcast %lt3A_1313 : f32 to vector<16xf32>
          %lt3A_1315 = arith.cmpf olt, %get3A_1307, %lt3A_1314 : vector<16xf32>
          %and3A_1316 = arith.andi %eq3A_1312, %lt3A_1315 : vector<16xi1>
          %jit3A = arith.constant -1 : i32
          %broadcast_in_dim3A_1317 = vector.broadcast %jit3A : i32 to vector<16xi32>
          %select_n3A_1318 = arith.select %and3A_1316, %get3A_1311, %broadcast_in_dim3A_1317 : vector<16xi1>, vector<16xi32>
          %max3A = arith.maxsi %while3A_1303, %select_n3A_1318 : vector<16xi32>
          scf.yield %max3A : vector<16xi32>
        }
        %while3A_1292 = arith.constant 1 : i32
        %while3A_1293 = scf.for %while3A_1302 = %while3A_1289 to %while3A_1285 step %while3A_1292 iter_args(%while3A_1303 = %while3A_1291) -> (vector<16xi32>)  : i32 {
          %mul3A_1304 = arith.constant 16 : i32
          %mul3A_1305 = arith.muli %while3A_1302, %mul3A_1304 : i32
          %get3A_1306 = arith.index_cast %mul3A_1305 : i32 to index
          %get3A_1307 = tpu.vector_load %arg12[%get3A_1306] {strides = array<i32>} : memref<544xf32, #tpu.memory_space<vmem>>, vector<16xf32>,
          %mul3A_1308 = arith.constant 16 : i32
          %mul3A_1309 = arith.muli %while3A_1302, %mul3A_1308 : i32
          %get3A_1310 = arith.index_cast %mul3A_1309 : i32 to index
          %get3A_1311 = tpu.vector_load %arg13[%get3A_1310] {strides = array<i32>} : memref<544xi32, #tpu.memory_space<vmem>>, vector<16xi32>,
          %eq3A_1312 = arith.cmpf oeq, %get3A_1307, %broadcast_in_dim3A_1280 : vector<16xf32>
          %lt3A_1313 = arith.constant 1.000000e+30 : f32
          %lt3A_1314 = vector.broadcast %lt3A_1313 : f32 to vector<16xf32>
          %lt3A_1315 = arith.cmpf olt, %get3A_1307, %lt3A_1314 : vector<16xf32>
          %and3A_1316 = arith.andi %eq3A_1312, %lt3A_1315 : vector<16xi1>
          %jit3A = arith.constant -1 : i32
          %broadcast_in_dim3A_1317 = vector.broadcast %jit3A : i32 to vector<16xi32>
          %select_n3A_1318 = arith.select %and3A_1316, %get3A_1311, %broadcast_in_dim3A_1317 : vector<16xi1>, vector<16xi32>
          %max3A = arith.maxsi %while3A_1303, %select_n3A_1318 : vector<16xi32>
          scf.yield %max3A : vector<16xi32>
        }
        %reduce_max3A_1294 = arith.constant true
        %reduce_max3A_1295 = vector.broadcast %reduce_max3A_1294 : i1 to vector<16xi1>
        %reduce_max3A_1296 = arith.constant -2147483648 : i32
        %reduce_max3A_1297 = vector.broadcast %reduce_max3A_1296 : i32 to vector<16xi32>
        %reduce_max3A_1298 = arith.xori %while3A_1293, %reduce_max3A_1297 : vector<16xi32>
        %reduce_max3A_1299 = tpu.scan <max>, %reduce_max3A_1298 masked %reduce_max3A_1295 : vector<16xi32>, vector<16xi1> -> vector<16xi32>
        %reduce_max3A_1300 = arith.xori %reduce_max3A_1299, %reduce_max3A_1297 : vector<16xi32>
        %reduce_max3A_1301 = vector.extract %reduce_max3A_1300[15] : i32 from vector<16xi32>
        scf.yield %reduce_max3A_1301 : i32
      }
      %broadcast_in_dim3A_1209 = vector.broadcast %while3A_1208 : i32 to vector<16xi32>
      %while3A_1210 = arith.constant 0 : i32
      %while3A_1211 = arith.constant 0 : i32
      %while3A_1212 = arith.subi %div3A_1182, %while3A_1210 : i32
      %while3A_1213 = arith.addi %while3A_1210, %while3A_1212 : i32
      %while3A_1214 = arith.constant 1 : i32
      %while3A_1215 = arith.divsi %while3A_1212, %while3A_1214 : i32
      %while3A_1216 = arith.muli %while3A_1215, %while3A_1214 : i32
      %while3A_1217 = arith.addi %while3A_1210, %while3A_1216 : i32
      %while3A_1218 = arith.constant 1 : i32
      %while3A_1219 = scf.for %while3A_1261 = %while3A_1210 to %while3A_1217 step %while3A_1218 iter_args(%while3A_1262 = %while3A_1211) -> (i32)  : i32 {
        %mul3A_1263 = arith.constant 16 : i32
        %mul3A_1264 = arith.muli %while3A_1261, %mul3A_1263 : i32
        %mul3A_1265 = arith.constant 16 : i32
        %mul3A_1266 = arith.muli %while3A_1261, %mul3A_1265 : i32
        %dma_wait3A_1267 = tpu.memref_slice %arg14[%mul3A_1266] : memref<544xf32, #tpu.memory_space<vmem>> -> memref<16xf32, #tpu.memory_space<vmem>>
        %dma_wait3A_1268 = tpu.memref_slice %arg13[%mul3A_1264] : memref<544xi32, #tpu.memory_space<vmem>> -> memref<16xi32, #tpu.memory_space<vmem>>
        %dma_wait3A_1269 = arith.constant 0 : i32
        %dma_wait3A_1270 = tpu.memref_slice %arg5[%dma_wait3A_1269] : memref<102400xf32, #tpu.memory_space<hbm>> -> memref<102400xf32, #tpu.memory_space<hbm>>
        tpu.wait_indirect_dma semaphore(%arg17 : memref<!tpu.dma_semaphore, #tpu.memory_space<semaphore_mem>>) src(%dma_wait3A_1270 : memref<102400xf32, #tpu.memory_space<hbm>>) dst(%dma_wait3A_1267 : memref<16xf32, #tpu.memory_space<vmem>>)
        %while3A_1271 = arith.constant 0 : i32
        scf.yield %while3A_1271 : i32
      }
      %while3A_1220 = arith.constant 1 : i32
      %while3A_1221 = scf.for %while3A_1261 = %while3A_1217 to %while3A_1213 step %while3A_1220 iter_args(%while3A_1262 = %while3A_1219) -> (i32)  : i32 {
        %mul3A_1263 = arith.constant 16 : i32
        %mul3A_1264 = arith.muli %while3A_1261, %mul3A_1263 : i32
        %mul3A_1265 = arith.constant 16 : i32
        %mul3A_1266 = arith.muli %while3A_1261, %mul3A_1265 : i32
        %dma_wait3A_1267 = tpu.memref_slice %arg14[%mul3A_1266] : memref<544xf32, #tpu.memory_space<vmem>> -> memref<16xf32, #tpu.memory_space<vmem>>
        %dma_wait3A_1268 = tpu.memref_slice %arg13[%mul3A_1264] : memref<544xi32, #tpu.memory_space<vmem>> -> memref<16xi32, #tpu.memory_space<vmem>>
        %dma_wait3A_1269 = arith.constant 0 : i32
        %dma_wait3A_1270 = tpu.memref_slice %arg5[%dma_wait3A_1269] : memref<102400xf32, #tpu.memory_space<hbm>> -> memref<102400xf32, #tpu.memory_space<hbm>>
        tpu.wait_indirect_dma semaphore(%arg17 : memref<!tpu.dma_semaphore, #tpu.memory_space<semaphore_mem>>) src(%dma_wait3A_1270 : memref<102400xf32, #tpu.memory_space<hbm>>) dst(%dma_wait3A_1267 : memref<16xf32, #tpu.memory_space<vmem>>)
        %while3A_1271 = arith.constant 0 : i32
        scf.yield %while3A_1271 : i32
      }
      %broadcast_in_dim3A_1222 = arith.constant 0.000000e+00 : f32
      %broadcast_in_dim3A_1223 = vector.broadcast %broadcast_in_dim3A_1222 : f32 to vector<16xf32>
      %while3A_1224 = arith.constant 0 : i32
      %while3A_1225 = arith.subi %div3A_1182, %while3A_1224 : i32
      %while3A_1226 = arith.addi %while3A_1224, %while3A_1225 : i32
      %while3A_1227 = arith.constant 1 : i32
      %while3A_1228 = arith.divsi %while3A_1225, %while3A_1227 : i32
      %while3A_1229 = arith.muli %while3A_1228, %while3A_1227 : i32
      %while3A_1230 = arith.addi %while3A_1224, %while3A_1229 : i32
      %while3A_1231 = arith.constant 1 : i32
      %while3A_1232 = scf.for %while3A_1261 = %while3A_1224 to %while3A_1230 step %while3A_1231 iter_args(%while3A_1262 = %broadcast_in_dim3A_1223) -> (vector<16xf32>)  : i32 {
        %mul3A_1263 = arith.constant 16 : i32
        %mul3A_1264 = arith.muli %while3A_1261, %mul3A_1263 : i32
        %get3A_1265 = arith.index_cast %mul3A_1264 : i32 to index
        %get3A_1266 = tpu.vector_load %arg12[%get3A_1265] {strides = array<i32>} : memref<544xf32, #tpu.memory_space<vmem>>, vector<16xf32>,
        %mul3A_1267 = arith.constant 16 : i32
        %mul3A_1268 = arith.muli %while3A_1261, %mul3A_1267 : i32
        %get3A_1269 = arith.index_cast %mul3A_1268 : i32 to index
        %get3A_1270 = tpu.vector_load %arg13[%get3A_1269] {strides = array<i32>} : memref<544xi32, #tpu.memory_space<vmem>>, vector<16xi32>,
        %mul3A_1271 = arith.constant 16 : i32
        %mul3A_1272 = arith.muli %while3A_1261, %mul3A_1271 : i32
        %get3A_1273 = arith.index_cast %mul3A_1272 : i32 to index
        %get3A_1274 = tpu.vector_load %arg14[%get3A_1273] {strides = array<i32>} : memref<544xf32, #tpu.memory_space<vmem>>, vector<16xf32>,
        %eq3A_1275 = arith.cmpi eq, %get3A_1270, %broadcast_in_dim3A_1209 : vector<16xi32>
        %jit3A = arith.constant -1.000000e+00 : f32
        %broadcast_in_dim3A_1276 = vector.broadcast %jit3A : f32 to vector<16xf32>
        %select_n3A_1277 = arith.select %eq3A_1275, %broadcast_in_dim3A_1276, %get3A_1266 : vector<16xi1>, vector<16xf32>
        %ge3A = arith.constant 0.000000e+00 : f32
        %ge3A_1278 = vector.broadcast %ge3A : f32 to vector<16xf32>
        %ge3A_1279 = arith.cmpf oge, %select_n3A_1277, %ge3A_1278 : vector<16xf32>
        %lt3A_1280 = arith.constant 1.000000e+30 : f32
        %lt3A_1281 = vector.broadcast %lt3A_1280 : f32 to vector<16xf32>
        %lt3A_1282 = arith.cmpf olt, %select_n3A_1277, %lt3A_1281 : vector<16xf32>
        %and3A_1283 = arith.andi %ge3A_1279, %lt3A_1282 : vector<16xi1>
        %jit3A_1284 = arith.constant 1.000000e+00 : f32
        %broadcast_in_dim3A_1285 = vector.broadcast %jit3A_1284 : f32 to vector<16xf32>
        %select_n3A_1286 = arith.select %and3A_1283, %select_n3A_1277, %broadcast_in_dim3A_1285 : vector<16xi1>, vector<16xf32>
        %bitcast3A = vector.bitcast %select_n3A_1286 : vector<16xf32> to vector<16xi32>
        %shift_right_arithmetic3A = arith.constant 1 : i32
        %shift_right_arithmetic3A_1287 = vector.broadcast %shift_right_arithmetic3A : i32 to vector<16xi32>
        %shift_right_arithmetic3A_1288 = arith.shrsi %bitcast3A, %shift_right_arithmetic3A_1287 : vector<16xi32>
        %sub3A_1289 = arith.constant 1597463007 : i32
        %sub3A_1290 = vector.broadcast %sub3A_1289 : i32 to vector<16xi32>
        %sub3A_1291 = arith.subi %sub3A_1290, %shift_right_arithmetic3A_1288 : vector<16xi32>
        %bitcast3A_1292 = vector.bitcast %sub3A_1291 : vector<16xi32> to vector<16xf32>
        %mul3A_1293 = arith.constant 5.000000e-01 : f32
        %mul3A_1294 = vector.broadcast %mul3A_1293 : f32 to vector<16xf32>
        %mul3A_1295 = arith.mulf %mul3A_1294, %select_n3A_1286 : vector<16xf32>
        %mul3A_1296 = arith.mulf %mul3A_1295, %bitcast3A_1292 : vector<16xf32>
        %mul3A_1297 = arith.mulf %mul3A_1296, %bitcast3A_1292 : vector<16xf32>
        %sub3A_1298 = arith.constant 1.500000e+00 : f32
        %sub3A_1299 = vector.broadcast %sub3A_1298 : f32 to vector<16xf32>
        %sub3A_1300 = arith.subf %sub3A_1299, %mul3A_1297 : vector<16xf32>
        %mul3A_1301 = arith.mulf %bitcast3A_1292, %sub3A_1300 : vector<16xf32>
        %mul3A_1302 = arith.constant 5.000000e-01 : f32
        %mul3A_1303 = vector.broadcast %mul3A_1302 : f32 to vector<16xf32>
        %mul3A_1304 = arith.mulf %mul3A_1303, %select_n3A_1286 : vector<16xf32>
        %mul3A_1305 = arith.mulf %mul3A_1304, %mul3A_1301 : vector<16xf32>
        %mul3A_1306 = arith.mulf %mul3A_1305, %mul3A_1301 : vector<16xf32>
        %sub3A_1307 = arith.constant 1.500000e+00 : f32
        %sub3A_1308 = vector.broadcast %sub3A_1307 : f32 to vector<16xf32>
        %sub3A_1309 = arith.subf %sub3A_1308, %mul3A_1306 : vector<16xf32>
        %mul3A_1310 = arith.mulf %mul3A_1301, %sub3A_1309 : vector<16xf32>
        %mul3A_1311 = arith.constant 5.000000e-01 : f32
        %mul3A_1312 = vector.broadcast %mul3A_1311 : f32 to vector<16xf32>
        %mul3A_1313 = arith.mulf %mul3A_1312, %select_n3A_1286 : vector<16xf32>
        %mul3A_1314 = arith.mulf %mul3A_1313, %mul3A_1310 : vector<16xf32>
        %mul3A_1315 = arith.mulf %mul3A_1314, %mul3A_1310 : vector<16xf32>
        %sub3A_1316 = arith.constant 1.500000e+00 : f32
        %sub3A_1317 = vector.broadcast %sub3A_1316 : f32 to vector<16xf32>
        %sub3A_1318 = arith.subf %sub3A_1317, %mul3A_1315 : vector<16xf32>
        %mul3A_1319 = arith.mulf %mul3A_1310, %sub3A_1318 : vector<16xf32>
        %mul3A_1320 = arith.mulf %select_n3A_1286, %mul3A_1319 : vector<16xf32>
        %add3A_1321 = arith.constant 9.99999993E-9 : f32
        %add3A_1322 = vector.broadcast %add3A_1321 : f32 to vector<16xf32>
        %add3A_1323 = arith.addf %mul3A_1320, %add3A_1322 : vector<16xf32>
        %div3A_1324 = arith.divf %mul3A_1320, %add3A_1323 : vector<16xf32>
        %mul3A_1325 = arith.mulf %div3A_1324, %get3A_1274 : vector<16xf32>
        %jit3A_1326 = arith.constant 0.000000e+00 : f32
        %broadcast_in_dim3A_1327 = vector.broadcast %jit3A_1326 : f32 to vector<16xf32>
        %select_n3A_1328 = arith.select %and3A_1283, %mul3A_1325, %broadcast_in_dim3A_1327 : vector<16xi1>, vector<16xf32>
        %add3A_1329 = arith.addf %while3A_1262, %select_n3A_1328 : vector<16xf32>
        scf.yield %add3A_1329 : vector<16xf32>
      }
      %while3A_1233 = arith.constant 1 : i32
      %while3A_1234 = scf.for %while3A_1261 = %while3A_1230 to %while3A_1226 step %while3A_1233 iter_args(%while3A_1262 = %while3A_1232) -> (vector<16xf32>)  : i32 {
        %mul3A_1263 = arith.constant 16 : i32
        %mul3A_1264 = arith.muli %while3A_1261, %mul3A_1263 : i32
        %get3A_1265 = arith.index_cast %mul3A_1264 : i32 to index
        %get3A_1266 = tpu.vector_load %arg12[%get3A_1265] {strides = array<i32>} : memref<544xf32, #tpu.memory_space<vmem>>, vector<16xf32>,
        %mul3A_1267 = arith.constant 16 : i32
        %mul3A_1268 = arith.muli %while3A_1261, %mul3A_1267 : i32
        %get3A_1269 = arith.index_cast %mul3A_1268 : i32 to index
        %get3A_1270 = tpu.vector_load %arg13[%get3A_1269] {strides = array<i32>} : memref<544xi32, #tpu.memory_space<vmem>>, vector<16xi32>,
        %mul3A_1271 = arith.constant 16 : i32
        %mul3A_1272 = arith.muli %while3A_1261, %mul3A_1271 : i32
        %get3A_1273 = arith.index_cast %mul3A_1272 : i32 to index
        %get3A_1274 = tpu.vector_load %arg14[%get3A_1273] {strides = array<i32>} : memref<544xf32, #tpu.memory_space<vmem>>, vector<16xf32>,
        %eq3A_1275 = arith.cmpi eq, %get3A_1270, %broadcast_in_dim3A_1209 : vector<16xi32>
        %jit3A = arith.constant -1.000000e+00 : f32
        %broadcast_in_dim3A_1276 = vector.broadcast %jit3A : f32 to vector<16xf32>
        %select_n3A_1277 = arith.select %eq3A_1275, %broadcast_in_dim3A_1276, %get3A_1266 : vector<16xi1>, vector<16xf32>
        %ge3A = arith.constant 0.000000e+00 : f32
        %ge3A_1278 = vector.broadcast %ge3A : f32 to vector<16xf32>
        %ge3A_1279 = arith.cmpf oge, %select_n3A_1277, %ge3A_1278 : vector<16xf32>
        %lt3A_1280 = arith.constant 1.000000e+30 : f32
        %lt3A_1281 = vector.broadcast %lt3A_1280 : f32 to vector<16xf32>
        %lt3A_1282 = arith.cmpf olt, %select_n3A_1277, %lt3A_1281 : vector<16xf32>
        %and3A_1283 = arith.andi %ge3A_1279, %lt3A_1282 : vector<16xi1>
        %jit3A_1284 = arith.constant 1.000000e+00 : f32
        %broadcast_in_dim3A_1285 = vector.broadcast %jit3A_1284 : f32 to vector<16xf32>
        %select_n3A_1286 = arith.select %and3A_1283, %select_n3A_1277, %broadcast_in_dim3A_1285 : vector<16xi1>, vector<16xf32>
        %bitcast3A = vector.bitcast %select_n3A_1286 : vector<16xf32> to vector<16xi32>
        %shift_right_arithmetic3A = arith.constant 1 : i32
        %shift_right_arithmetic3A_1287 = vector.broadcast %shift_right_arithmetic3A : i32 to vector<16xi32>
        %shift_right_arithmetic3A_1288 = arith.shrsi %bitcast3A, %shift_right_arithmetic3A_1287 : vector<16xi32>
        %sub3A_1289 = arith.constant 1597463007 : i32
        %sub3A_1290 = vector.broadcast %sub3A_1289 : i32 to vector<16xi32>
        %sub3A_1291 = arith.subi %sub3A_1290, %shift_right_arithmetic3A_1288 : vector<16xi32>
        %bitcast3A_1292 = vector.bitcast %sub3A_1291 : vector<16xi32> to vector<16xf32>
        %mul3A_1293 = arith.constant 5.000000e-01 : f32
        %mul3A_1294 = vector.broadcast %mul3A_1293 : f32 to vector<16xf32>
        %mul3A_1295 = arith.mulf %mul3A_1294, %select_n3A_1286 : vector<16xf32>
        %mul3A_1296 = arith.mulf %mul3A_1295, %bitcast3A_1292 : vector<16xf32>
        %mul3A_1297 = arith.mulf %mul3A_1296, %bitcast3A_1292 : vector<16xf32>
        %sub3A_1298 = arith.constant 1.500000e+00 : f32
        %sub3A_1299 = vector.broadcast %sub3A_1298 : f32 to vector<16xf32>
        %sub3A_1300 = arith.subf %sub3A_1299, %mul3A_1297 : vector<16xf32>
        %mul3A_1301 = arith.mulf %bitcast3A_1292, %sub3A_1300 : vector<16xf32>
        %mul3A_1302 = arith.constant 5.000000e-01 : f32
        %mul3A_1303 = vector.broadcast %mul3A_1302 : f32 to vector<16xf32>
        %mul3A_1304 = arith.mulf %mul3A_1303, %select_n3A_1286 : vector<16xf32>
        %mul3A_1305 = arith.mulf %mul3A_1304, %mul3A_1301 : vector<16xf32>
        %mul3A_1306 = arith.mulf %mul3A_1305, %mul3A_1301 : vector<16xf32>
        %sub3A_1307 = arith.constant 1.500000e+00 : f32
        %sub3A_1308 = vector.broadcast %sub3A_1307 : f32 to vector<16xf32>
        %sub3A_1309 = arith.subf %sub3A_1308, %mul3A_1306 : vector<16xf32>
        %mul3A_1310 = arith.mulf %mul3A_1301, %sub3A_1309 : vector<16xf32>
        %mul3A_1311 = arith.constant 5.000000e-01 : f32
        %mul3A_1312 = vector.broadcast %mul3A_1311 : f32 to vector<16xf32>
        %mul3A_1313 = arith.mulf %mul3A_1312, %select_n3A_1286 : vector<16xf32>
        %mul3A_1314 = arith.mulf %mul3A_1313, %mul3A_1310 : vector<16xf32>
        %mul3A_1315 = arith.mulf %mul3A_1314, %mul3A_1310 : vector<16xf32>
        %sub3A_1316 = arith.constant 1.500000e+00 : f32
        %sub3A_1317 = vector.broadcast %sub3A_1316 : f32 to vector<16xf32>
        %sub3A_1318 = arith.subf %sub3A_1317, %mul3A_1315 : vector<16xf32>
        %mul3A_1319 = arith.mulf %mul3A_1310, %sub3A_1318 : vector<16xf32>
        %mul3A_1320 = arith.mulf %select_n3A_1286, %mul3A_1319 : vector<16xf32>
        %add3A_1321 = arith.constant 9.99999993E-9 : f32
        %add3A_1322 = vector.broadcast %add3A_1321 : f32 to vector<16xf32>
        %add3A_1323 = arith.addf %mul3A_1320, %add3A_1322 : vector<16xf32>
        %div3A_1324 = arith.divf %mul3A_1320, %add3A_1323 : vector<16xf32>
        %mul3A_1325 = arith.mulf %div3A_1324, %get3A_1274 : vector<16xf32>
        %jit3A_1326 = arith.constant 0.000000e+00 : f32
        %broadcast_in_dim3A_1327 = vector.broadcast %jit3A_1326 : f32 to vector<16xf32>
        %select_n3A_1328 = arith.select %and3A_1283, %mul3A_1325, %broadcast_in_dim3A_1327 : vector<16xi1>, vector<16xf32>
        %add3A_1329 = arith.addf %while3A_1262, %select_n3A_1328 : vector<16xf32>
        scf.yield %add3A_1329 : vector<16xf32>
      }
      %reduce_sum3A = arith.constant true
      %reduce_sum3A_1235 = vector.broadcast %reduce_sum3A : i1 to vector<16xi1>
      %reduce_sum3A_1236 = tpu.scan <sum>, %while3A_1234 masked %reduce_sum3A_1235 : vector<16xf32>, vector<16xi1> -> vector<16xf32>
      %reduce_sum3A_1237 = vector.extract %reduce_sum3A_1236[15] : f32 from vector<16xf32>
      %mul3A_1238 = arith.constant 3.125000e-02 : f32
      %mul3A_1239 = arith.mulf %reduce_sum3A_1237, %mul3A_1238 : f32
      %add3A_1240 = arith.addi %mul3A_2, %min3A_317 : i32
      %sub3A_1241 = arith.constant 1 : i32
      %sub3A_1242 = arith.subi %sub3A_1241, %and3A_314 : i32
      %dma_wait3A = arith.constant 0 : i32
      %dma_wait3A_1243 = tpu.memref_slice %arg7[%sub3A_1242, %dma_wait3A] : memref<2x800xf32, #tpu.memory_space<vmem>> -> memref<1x800xf32, #tpu.memory_space<vmem>>
      %dma_wait3A_1244 = tpu.memref_squeeze %dma_wait3A_1243 : memref<1x800xf32, #tpu.memory_space<vmem>> -> memref<800xf32, #tpu.memory_space<vmem>>
      %dma_wait3A_1245 = arith.constant 0 : i32
      %dma_wait3A_1246 = tpu.memref_slice %arg3[%add3A_1240, %dma_wait3A_1245] : memref<1024x800xf32, #tpu.memory_space<hbm>> -> memref<1x800xf32, #tpu.memory_space<hbm>>
      %dma_wait3A_1247 = tpu.memref_squeeze %dma_wait3A_1246 : memref<1x800xf32, #tpu.memory_space<hbm>> -> memref<800xf32, #tpu.memory_space<hbm>>
      %dma_wait3A_1248 = arith.constant 0 : i32
      %dma_wait3A_1249 = tpu.memref_slice %arg7[%sub3A_1242, %dma_wait3A_1248] : memref<2x800xf32, #tpu.memory_space<vmem>> -> memref<1x800xf32, #tpu.memory_space<vmem>>
      %dma_wait3A_1250 = tpu.memref_squeeze %dma_wait3A_1249 : memref<1x800xf32, #tpu.memory_space<vmem>> -> memref<800xf32, #tpu.memory_space<vmem>>
      %dma_wait3A_1251 = arith.constant 0 : i32
      %dma_wait3A_1252 = tpu.memref_slice %arg3[%add3A_1240, %dma_wait3A_1251] : memref<1024x800xf32, #tpu.memory_space<hbm>> -> memref<1x800xf32, #tpu.memory_space<hbm>>
      %dma_wait3A_1253 = tpu.memref_squeeze %dma_wait3A_1252 : memref<1x800xf32, #tpu.memory_space<hbm>> -> memref<800xf32, #tpu.memory_space<hbm>>
      tpu.wait_dma2 semaphore(%arg18 : memref<!tpu.dma_semaphore, #tpu.memory_space<semaphore_mem>>) src(%dma_wait3A_1253 : memref<800xf32, #tpu.memory_space<hbm>>) dst(%dma_wait3A_1250 : memref<800xf32, #tpu.memory_space<vmem>>)
      %broadcast_in_dim3A_1254 = vector.broadcast %mul3A_1239 : f32 to vector<16xf32>
      %eq3A = arith.cmpi eq, %iota3A, %broadcast_in_dim3A_334 : vector<16xi32>
      %select_n3A_1255 = arith.select %eq3A, %broadcast_in_dim3A_1254, %scan3A_311 : vector<16xi1>, vector<16xf32>
      %sub3A_1256 = arith.constant 16 : i32
      %sub3A_1257 = vector.broadcast %sub3A_1256 : i32 to vector<16xi32>
      %sub3A_1258 = arith.subi %broadcast_in_dim3A_334, %sub3A_1257 : vector<16xi32>
      %eq3A_1259 = arith.cmpi eq, %iota3A, %sub3A_1258 : vector<16xi32>
      %select_n3A_1260 = arith.select %eq3A_1259, %broadcast_in_dim3A_1254, %scan3A_312 : vector<16xi1>, vector<16xf32>
      scf.yield %select_n3A_1255, %select_n3A_1260 : vector<16xf32>, vector<16xf32>
    }
    %scan3A_305 = arith.constant 32 : i32
    %swap3A_306 = arith.constant 0 : index
    %swap3A_307 = tpu.vector_load %arg15[%swap3A_306] {strides = array<i32>} : memref<32xf32, #tpu.memory_space<vmem>>, vector<16xf32>,
    tpu.vector_store %arg15[%swap3A_306], %scan3A_304#0 {strides = array<i32>} : memref<32xf32, #tpu.memory_space<vmem>>, vector<16xf32>,
    %swap3A_308 = arith.constant 16 : index
    %swap3A_309 = tpu.vector_load %arg15[%swap3A_308] {strides = array<i32>} : memref<32xf32, #tpu.memory_space<vmem>>, vector<16xf32>,
    tpu.vector_store %arg15[%swap3A_308], %scan3A_304#1 {strides = array<i32>} : memref<32xf32, #tpu.memory_space<vmem>>, vector<16xf32>,
    "tpu.region"() ({
      %run_scoped3A_310 = tpu.sem_alloc : memref<!tpu.dma_semaphore, #tpu.memory_space<semaphore_mem>>
      %dma_start3A = tpu.memref_slice %arg6[%mul3A_2] : memref<1024xf32, #tpu.memory_space<hbm>> -> memref<32xf32, #tpu.memory_space<hbm>>
      %dma_start3A_311 = tpu.memref_slice %arg6[%mul3A_2] : memref<1024xf32, #tpu.memory_space<hbm>> -> memref<32xf32, #tpu.memory_space<hbm>>
      tpu.enqueue_dma source(%arg15 : memref<32xf32, #tpu.memory_space<vmem>>) target(%dma_start3A_311 : memref<32xf32, #tpu.memory_space<hbm>>) target_semaphore(%run_scoped3A_310 : memref<!tpu.dma_semaphore, #tpu.memory_space<semaphore_mem>>)
      %dma_wait3A = tpu.memref_slice %arg6[%mul3A_2] : memref<1024xf32, #tpu.memory_space<hbm>> -> memref<32xf32, #tpu.memory_space<hbm>>
      %dma_wait3A_312 = tpu.memref_slice %arg6[%mul3A_2] : memref<1024xf32, #tpu.memory_space<hbm>> -> memref<32xf32, #tpu.memory_space<hbm>>
      tpu.wait_dma2 semaphore(%run_scoped3A_310 : memref<!tpu.dma_semaphore, #tpu.memory_space<semaphore_mem>>) src(%arg15 : memref<32xf32, #tpu.memory_space<vmem>>) dst(%dma_wait3A_312 : memref<32xf32, #tpu.memory_space<hbm>>)
      tpu.yield
    }) : () -> ()
    return
  }
}

module attributes {stable_mosaic.version = 14 : i64} {
  func.func @_dist_kernel(%arg0: i32, %arg1: i32, %arg2: memref<128x64xf32, #tpu.memory_space<vmem>>, %arg3: memref<4096x64xf32, #tpu.memory_space<vmem>>, %arg4: memref<128x1xf32, #tpu.memory_space<vmem>>, %arg5: memref<1x4096xf32, #tpu.memory_space<vmem>>, %arg6: memref<128x4096xf32, #tpu.memory_space<vmem>>, %arg7: memref<1x128x32xf32, #tpu.memory_space<vmem>>) attributes {dimension_semantics = [#tpu.dimension_semantics<arbitrary>, #tpu.dimension_semantics<arbitrary>], iteration_bounds = array<i64: 8, 25>, scalar_prefetch = 0 : i64, scratch_operands = 0 : i64, tpu.core_type = #tpu.core_type<tc>, window_params = [{transform_indices = @transform_0, window_bounds = array<i64: 128, 64>}, {transform_indices = @transform_1, window_bounds = array<i64: 4096, 64>}, {transform_indices = @transform_2, window_bounds = array<i64: 128, 1>}, {transform_indices = @transform_3, window_bounds = array<i64: 1, 4096>}, {transform_indices = @transform_4, window_bounds = array<i64: 128, 4096>}, {transform_indices = @transform_5, window_bounds = array<i64: 1, 128, 32>}]} {
    %get3A = arith.constant 0 : index
    %get3A_0 = arith.constant 0 : index
    %get3A_1 = vector.load %arg2[%get3A, %get3A_0] : memref<128x64xf32, #tpu.memory_space<vmem>>, vector<128x64xf32>
    %get3A_2 = arith.constant 0 : index
    %get3A_3 = arith.constant 0 : index
    %get3A_4 = vector.load %arg3[%get3A_2, %get3A_3] : memref<4096x64xf32, #tpu.memory_space<vmem>>, vector<4096x64xf32>
    %get3A_5 = arith.constant 0 : index
    %get3A_6 = arith.constant 0 : index
    %get3A_7 = vector.load %arg4[%get3A_5, %get3A_6] : memref<128x1xf32, #tpu.memory_space<vmem>>, vector<128x1xf32>
    %get3A_8 = arith.constant 0 : index
    %get3A_9 = arith.constant 0 : index
    %get3A_10 = vector.load %arg5[%get3A_8, %get3A_9] : memref<1x4096xf32, #tpu.memory_space<vmem>>, vector<1x4096xf32>
    %add3A = vector.broadcast %get3A_7 : vector<128x1xf32> to vector<128x4096xf32>
    %add3A_11 = vector.broadcast %get3A_10 : vector<1x4096xf32> to vector<128x4096xf32>
    %add3A_12 = arith.addf %add3A, %add3A_11 : vector<128x4096xf32>
    %dot_general3A = arith.constant dense<0.000000e+00> : vector<128x4096xf32>
    %dot_general3A_13 = tpu.matmul %get3A_1, %get3A_4, %dot_general3A {dimension_numbers = #tpu.dot_dimension_numbers<[1], [1], [0], [0], [0, 0, 1, 0], [], []>, transpose_lhs_hint = false} : vector<128x64xf32>, vector<4096x64xf32>, vector<128x4096xf32> -> vector<128x4096xf32>
    %mul3A = arith.constant 2.000000e+00 : f32
    %mul3A_14 = vector.broadcast %mul3A : f32 to vector<128x4096xf32>
    %mul3A_15 = arith.mulf %mul3A_14, %dot_general3A_13 : vector<128x4096xf32>
    %sub3A = arith.subf %add3A_12, %mul3A_15 : vector<128x4096xf32>
    %max3A = arith.constant 9.99999996E-13 : f32
    %max3A_16 = vector.broadcast %max3A : f32 to vector<128x4096xf32>
    %max3A_17 = arith.maximumf %sub3A, %max3A_16 : vector<128x4096xf32>
    %swap3A = arith.constant 0 : index
    %swap3A_18 = arith.constant 0 : index
    %swap3A_19 = vector.load %arg6[%swap3A, %swap3A_18] : memref<128x4096xf32, #tpu.memory_space<vmem>>, vector<128x4096xf32>
    tpu.vector_store %arg6[%swap3A, %swap3A_18], %max3A_17 {strides = array<i32>} : memref<128x4096xf32, #tpu.memory_space<vmem>>, vector<128x4096xf32>,
    %reshape3A = vector.shape_cast %max3A_17 : vector<128x4096xf32> to vector<128x32x128xf32>
    %reduce_min3A = arith.constant dense<0x7F800000> : vector<128x32xf32>
    %reduce_min3A_20 = vector.multi_reduction <minimumf>, %reshape3A, %reduce_min3A [2] : vector<128x32x128xf32> to vector<128x32xf32>
    %swap3A_21 = arith.constant 0 : index
    %swap3A_22 = arith.constant 0 : index
    %swap3A_23 = arith.constant 0 : index
    %swap3A_24 = vector.load %arg7[%swap3A_21, %swap3A_22, %swap3A_23] : memref<1x128x32xf32, #tpu.memory_space<vmem>>, vector<1x128x32xf32>
    %swap3A_25 = vector.shape_cast %swap3A_24 : vector<1x128x32xf32> to vector<128x32xf32>
    %swap3A_26 = vector.shape_cast %reduce_min3A_20 : vector<128x32xf32> to vector<1x128x32xf32>
    tpu.vector_store %arg7[%swap3A_21, %swap3A_22, %swap3A_23], %swap3A_26 {strides = array<i32>} : memref<1x128x32xf32, #tpu.memory_space<vmem>>, vector<1x128x32xf32>,
    return
  }
  func.func @transform_0(%arg0: i32, %arg1: i32) -> (i32, i32) {
    %c0_i32 = arith.constant 0 : i32
    %c0_i32_0 = arith.constant 0 : i32
    return %arg0, %c0_i32 : i32, i32
  }
  func.func @transform_1(%arg0: i32, %arg1: i32) -> (i32, i32) {
    %c0_i32 = arith.constant 0 : i32
    %c0_i32_0 = arith.constant 0 : i32
    return %arg1, %c0_i32 : i32, i32
  }
  func.func @transform_2(%arg0: i32, %arg1: i32) -> (i32, i32) {
    %c0_i32 = arith.constant 0 : i32
    %c0_i32_0 = arith.constant 0 : i32
    return %arg0, %c0_i32 : i32, i32
  }
  func.func @transform_3(%arg0: i32, %arg1: i32) -> (i32, i32) {
    %c0_i32 = arith.constant 0 : i32
    %c0_i32_0 = arith.constant 0 : i32
    return %c0_i32, %arg1 : i32, i32
  }
  func.func @transform_4(%arg0: i32, %arg1: i32) -> (i32, i32) {
    %c0_i32 = arith.constant 0 : i32
    return %arg0, %arg1 : i32, i32
  }
  func.func @transform_5(%arg0: i32, %arg1: i32) -> (i32, i32, i32) {
    %c0_i32 = arith.constant 0 : i32
    %c0_i32_0 = arith.constant 0 : i32
    return %arg1, %arg0, %c0_i32 : i32, i32, i32
  }
}

module attributes {stable_mosaic.version = 14 : i64} {
  func.func @_t2_kernel(%arg0: i32, %arg1: memref<128x800xf32, #tpu.memory_space<vmem>>, %arg2: memref<128x1xf32, #tpu.memory_space<vmem>>) attributes {dimension_semantics = [#tpu.dimension_semantics<arbitrary>], iteration_bounds = array<i64: 8>, scalar_prefetch = 0 : i64, scratch_operands = 0 : i64, tpu.core_type = #tpu.core_type<tc>, window_params = [{transform_indices = @transform_0, window_bounds = array<i64: 128, 800>}, {transform_indices = @transform_1, window_bounds = array<i64: 128, 1>}]} {
    %get3A = arith.constant 0 : index
    %get3A_0 = arith.constant 0 : index
    %get3A_1 = vector.load %arg1[%get3A, %get3A_0] : memref<128x800xf32, #tpu.memory_space<vmem>>, vector<128x800xf32>
    %reduce_min3A = arith.constant dense<0x7F800000> : vector<128xf32>
    %reduce_min3A_2 = vector.multi_reduction <minimumf>, %get3A_1, %reduce_min3A [1] : vector<128x800xf32> to vector<128xf32>
    %broadcast_in_dim3A = vector.shape_cast %reduce_min3A_2 : vector<128xf32> to vector<128x1xf32>
    %eq3A = vector.broadcast %broadcast_in_dim3A : vector<128x1xf32> to vector<128x800xf32>
    %eq3A_3 = arith.cmpf oeq, %get3A_1, %eq3A : vector<128x800xf32>
    %jit3A = arith.constant 0x7F800000 : f32
    %broadcast_in_dim3A_4 = vector.broadcast %jit3A : f32 to vector<128x800xf32>
    %select_n3A = arith.select %eq3A_3, %broadcast_in_dim3A_4, %get3A_1 : vector<128x800xi1>, vector<128x800xf32>
    %reduce_min3A_5 = arith.constant dense<0x7F800000> : vector<128xf32>
    %reduce_min3A_6 = vector.multi_reduction <minimumf>, %select_n3A, %reduce_min3A_5 [1] : vector<128x800xf32> to vector<128xf32>
    %broadcast_in_dim3A_7 = vector.shape_cast %reduce_min3A_6 : vector<128xf32> to vector<128x1xf32>
    %eq3A_8 = vector.broadcast %broadcast_in_dim3A_7 : vector<128x1xf32> to vector<128x800xf32>
    %eq3A_9 = arith.cmpf oeq, %select_n3A, %eq3A_8 : vector<128x800xf32>
    %jit3A_10 = arith.constant 0x7F800000 : f32
    %broadcast_in_dim3A_11 = vector.broadcast %jit3A_10 : f32 to vector<128x800xf32>
    %select_n3A_12 = arith.select %eq3A_9, %broadcast_in_dim3A_11, %select_n3A : vector<128x800xi1>, vector<128x800xf32>
    %reduce_min3A_13 = arith.constant dense<0x7F800000> : vector<128xf32>
    %reduce_min3A_14 = vector.multi_reduction <minimumf>, %select_n3A_12, %reduce_min3A_13 [1] : vector<128x800xf32> to vector<128xf32>
    %broadcast_in_dim3A_15 = vector.shape_cast %reduce_min3A_14 : vector<128xf32> to vector<128x1xf32>
    %eq3A_16 = vector.broadcast %broadcast_in_dim3A_15 : vector<128x1xf32> to vector<128x800xf32>
    %eq3A_17 = arith.cmpf oeq, %select_n3A_12, %eq3A_16 : vector<128x800xf32>
    %jit3A_18 = arith.constant 0x7F800000 : f32
    %broadcast_in_dim3A_19 = vector.broadcast %jit3A_18 : f32 to vector<128x800xf32>
    %select_n3A_20 = arith.select %eq3A_17, %broadcast_in_dim3A_19, %select_n3A_12 : vector<128x800xi1>, vector<128x800xf32>
    %reduce_min3A_21 = arith.constant dense<0x7F800000> : vector<128xf32>
    %reduce_min3A_22 = vector.multi_reduction <minimumf>, %select_n3A_20, %reduce_min3A_21 [1] : vector<128x800xf32> to vector<128xf32>
    %broadcast_in_dim3A_23 = vector.shape_cast %reduce_min3A_22 : vector<128xf32> to vector<128x1xf32>
    %eq3A_24 = vector.broadcast %broadcast_in_dim3A_23 : vector<128x1xf32> to vector<128x800xf32>
    %eq3A_25 = arith.cmpf oeq, %select_n3A_20, %eq3A_24 : vector<128x800xf32>
    %jit3A_26 = arith.constant 0x7F800000 : f32
    %broadcast_in_dim3A_27 = vector.broadcast %jit3A_26 : f32 to vector<128x800xf32>
    %select_n3A_28 = arith.select %eq3A_25, %broadcast_in_dim3A_27, %select_n3A_20 : vector<128x800xi1>, vector<128x800xf32>
    %reduce_min3A_29 = arith.constant dense<0x7F800000> : vector<128xf32>
    %reduce_min3A_30 = vector.multi_reduction <minimumf>, %select_n3A_28, %reduce_min3A_29 [1] : vector<128x800xf32> to vector<128xf32>
    %broadcast_in_dim3A_31 = vector.shape_cast %reduce_min3A_30 : vector<128xf32> to vector<128x1xf32>
    %eq3A_32 = vector.broadcast %broadcast_in_dim3A_31 : vector<128x1xf32> to vector<128x800xf32>
    %eq3A_33 = arith.cmpf oeq, %select_n3A_28, %eq3A_32 : vector<128x800xf32>
    %jit3A_34 = arith.constant 0x7F800000 : f32
    %broadcast_in_dim3A_35 = vector.broadcast %jit3A_34 : f32 to vector<128x800xf32>
    %select_n3A_36 = arith.select %eq3A_33, %broadcast_in_dim3A_35, %select_n3A_28 : vector<128x800xi1>, vector<128x800xf32>
    %reduce_min3A_37 = arith.constant dense<0x7F800000> : vector<128xf32>
    %reduce_min3A_38 = vector.multi_reduction <minimumf>, %select_n3A_36, %reduce_min3A_37 [1] : vector<128x800xf32> to vector<128xf32>
    %broadcast_in_dim3A_39 = vector.shape_cast %reduce_min3A_38 : vector<128xf32> to vector<128x1xf32>
    %eq3A_40 = vector.broadcast %broadcast_in_dim3A_39 : vector<128x1xf32> to vector<128x800xf32>
    %eq3A_41 = arith.cmpf oeq, %select_n3A_36, %eq3A_40 : vector<128x800xf32>
    %jit3A_42 = arith.constant 0x7F800000 : f32
    %broadcast_in_dim3A_43 = vector.broadcast %jit3A_42 : f32 to vector<128x800xf32>
    %select_n3A_44 = arith.select %eq3A_41, %broadcast_in_dim3A_43, %select_n3A_36 : vector<128x800xi1>, vector<128x800xf32>
    %reduce_min3A_45 = arith.constant dense<0x7F800000> : vector<128xf32>
    %reduce_min3A_46 = vector.multi_reduction <minimumf>, %select_n3A_44, %reduce_min3A_45 [1] : vector<128x800xf32> to vector<128xf32>
    %broadcast_in_dim3A_47 = vector.shape_cast %reduce_min3A_46 : vector<128xf32> to vector<128x1xf32>
    %eq3A_48 = vector.broadcast %broadcast_in_dim3A_47 : vector<128x1xf32> to vector<128x800xf32>
    %eq3A_49 = arith.cmpf oeq, %select_n3A_44, %eq3A_48 : vector<128x800xf32>
    %jit3A_50 = arith.constant 0x7F800000 : f32
    %broadcast_in_dim3A_51 = vector.broadcast %jit3A_50 : f32 to vector<128x800xf32>
    %select_n3A_52 = arith.select %eq3A_49, %broadcast_in_dim3A_51, %select_n3A_44 : vector<128x800xi1>, vector<128x800xf32>
    %reduce_min3A_53 = arith.constant dense<0x7F800000> : vector<128xf32>
    %reduce_min3A_54 = vector.multi_reduction <minimumf>, %select_n3A_52, %reduce_min3A_53 [1] : vector<128x800xf32> to vector<128xf32>
    %broadcast_in_dim3A_55 = vector.shape_cast %reduce_min3A_54 : vector<128xf32> to vector<128x1xf32>
    %eq3A_56 = vector.broadcast %broadcast_in_dim3A_55 : vector<128x1xf32> to vector<128x800xf32>
    %eq3A_57 = arith.cmpf oeq, %select_n3A_52, %eq3A_56 : vector<128x800xf32>
    %jit3A_58 = arith.constant 0x7F800000 : f32
    %broadcast_in_dim3A_59 = vector.broadcast %jit3A_58 : f32 to vector<128x800xf32>
    %select_n3A_60 = arith.select %eq3A_57, %broadcast_in_dim3A_59, %select_n3A_52 : vector<128x800xi1>, vector<128x800xf32>
    %reduce_min3A_61 = arith.constant dense<0x7F800000> : vector<128xf32>
    %reduce_min3A_62 = vector.multi_reduction <minimumf>, %select_n3A_60, %reduce_min3A_61 [1] : vector<128x800xf32> to vector<128xf32>
    %broadcast_in_dim3A_63 = vector.shape_cast %reduce_min3A_62 : vector<128xf32> to vector<128x1xf32>
    %eq3A_64 = vector.broadcast %broadcast_in_dim3A_63 : vector<128x1xf32> to vector<128x800xf32>
    %eq3A_65 = arith.cmpf oeq, %select_n3A_60, %eq3A_64 : vector<128x800xf32>
    %jit3A_66 = arith.constant 0x7F800000 : f32
    %broadcast_in_dim3A_67 = vector.broadcast %jit3A_66 : f32 to vector<128x800xf32>
    %select_n3A_68 = arith.select %eq3A_65, %broadcast_in_dim3A_67, %select_n3A_60 : vector<128x800xi1>, vector<128x800xf32>
    %reduce_min3A_69 = arith.constant dense<0x7F800000> : vector<128xf32>
    %reduce_min3A_70 = vector.multi_reduction <minimumf>, %select_n3A_68, %reduce_min3A_69 [1] : vector<128x800xf32> to vector<128xf32>
    %broadcast_in_dim3A_71 = vector.shape_cast %reduce_min3A_70 : vector<128xf32> to vector<128x1xf32>
    %eq3A_72 = vector.broadcast %broadcast_in_dim3A_71 : vector<128x1xf32> to vector<128x800xf32>
    %eq3A_73 = arith.cmpf oeq, %select_n3A_68, %eq3A_72 : vector<128x800xf32>
    %jit3A_74 = arith.constant 0x7F800000 : f32
    %broadcast_in_dim3A_75 = vector.broadcast %jit3A_74 : f32 to vector<128x800xf32>
    %select_n3A_76 = arith.select %eq3A_73, %broadcast_in_dim3A_75, %select_n3A_68 : vector<128x800xi1>, vector<128x800xf32>
    %reduce_min3A_77 = arith.constant dense<0x7F800000> : vector<128xf32>
    %reduce_min3A_78 = vector.multi_reduction <minimumf>, %select_n3A_76, %reduce_min3A_77 [1] : vector<128x800xf32> to vector<128xf32>
    %broadcast_in_dim3A_79 = vector.shape_cast %reduce_min3A_78 : vector<128xf32> to vector<128x1xf32>
    %eq3A_80 = vector.broadcast %broadcast_in_dim3A_79 : vector<128x1xf32> to vector<128x800xf32>
    %eq3A_81 = arith.cmpf oeq, %select_n3A_76, %eq3A_80 : vector<128x800xf32>
    %jit3A_82 = arith.constant 0x7F800000 : f32
    %broadcast_in_dim3A_83 = vector.broadcast %jit3A_82 : f32 to vector<128x800xf32>
    %select_n3A_84 = arith.select %eq3A_81, %broadcast_in_dim3A_83, %select_n3A_76 : vector<128x800xi1>, vector<128x800xf32>
    %reduce_min3A_85 = arith.constant dense<0x7F800000> : vector<128xf32>
    %reduce_min3A_86 = vector.multi_reduction <minimumf>, %select_n3A_84, %reduce_min3A_85 [1] : vector<128x800xf32> to vector<128xf32>
    %broadcast_in_dim3A_87 = vector.shape_cast %reduce_min3A_86 : vector<128xf32> to vector<128x1xf32>
    %eq3A_88 = vector.broadcast %broadcast_in_dim3A_87 : vector<128x1xf32> to vector<128x800xf32>
    %eq3A_89 = arith.cmpf oeq, %select_n3A_84, %eq3A_88 : vector<128x800xf32>
    %jit3A_90 = arith.constant 0x7F800000 : f32
    %broadcast_in_dim3A_91 = vector.broadcast %jit3A_90 : f32 to vector<128x800xf32>
    %select_n3A_92 = arith.select %eq3A_89, %broadcast_in_dim3A_91, %select_n3A_84 : vector<128x800xi1>, vector<128x800xf32>
    %reduce_min3A_93 = arith.constant dense<0x7F800000> : vector<128xf32>
    %reduce_min3A_94 = vector.multi_reduction <minimumf>, %select_n3A_92, %reduce_min3A_93 [1] : vector<128x800xf32> to vector<128xf32>
    %broadcast_in_dim3A_95 = vector.shape_cast %reduce_min3A_94 : vector<128xf32> to vector<128x1xf32>
    %eq3A_96 = vector.broadcast %broadcast_in_dim3A_95 : vector<128x1xf32> to vector<128x800xf32>
    %eq3A_97 = arith.cmpf oeq, %select_n3A_92, %eq3A_96 : vector<128x800xf32>
    %jit3A_98 = arith.constant 0x7F800000 : f32
    %broadcast_in_dim3A_99 = vector.broadcast %jit3A_98 : f32 to vector<128x800xf32>
    %select_n3A_100 = arith.select %eq3A_97, %broadcast_in_dim3A_99, %select_n3A_92 : vector<128x800xi1>, vector<128x800xf32>
    %reduce_min3A_101 = arith.constant dense<0x7F800000> : vector<128xf32>
    %reduce_min3A_102 = vector.multi_reduction <minimumf>, %select_n3A_100, %reduce_min3A_101 [1] : vector<128x800xf32> to vector<128xf32>
    %broadcast_in_dim3A_103 = vector.shape_cast %reduce_min3A_102 : vector<128xf32> to vector<128x1xf32>
    %eq3A_104 = vector.broadcast %broadcast_in_dim3A_103 : vector<128x1xf32> to vector<128x800xf32>
    %eq3A_105 = arith.cmpf oeq, %select_n3A_100, %eq3A_104 : vector<128x800xf32>
    %jit3A_106 = arith.constant 0x7F800000 : f32
    %broadcast_in_dim3A_107 = vector.broadcast %jit3A_106 : f32 to vector<128x800xf32>
    %select_n3A_108 = arith.select %eq3A_105, %broadcast_in_dim3A_107, %select_n3A_100 : vector<128x800xi1>, vector<128x800xf32>
    %reduce_min3A_109 = arith.constant dense<0x7F800000> : vector<128xf32>
    %reduce_min3A_110 = vector.multi_reduction <minimumf>, %select_n3A_108, %reduce_min3A_109 [1] : vector<128x800xf32> to vector<128xf32>
    %broadcast_in_dim3A_111 = vector.shape_cast %reduce_min3A_110 : vector<128xf32> to vector<128x1xf32>
    %eq3A_112 = vector.broadcast %broadcast_in_dim3A_111 : vector<128x1xf32> to vector<128x800xf32>
    %eq3A_113 = arith.cmpf oeq, %select_n3A_108, %eq3A_112 : vector<128x800xf32>
    %jit3A_114 = arith.constant 0x7F800000 : f32
    %broadcast_in_dim3A_115 = vector.broadcast %jit3A_114 : f32 to vector<128x800xf32>
    %select_n3A_116 = arith.select %eq3A_113, %broadcast_in_dim3A_115, %select_n3A_108 : vector<128x800xi1>, vector<128x800xf32>
    %reduce_min3A_117 = arith.constant dense<0x7F800000> : vector<128xf32>
    %reduce_min3A_118 = vector.multi_reduction <minimumf>, %select_n3A_116, %reduce_min3A_117 [1] : vector<128x800xf32> to vector<128xf32>
    %broadcast_in_dim3A_119 = vector.shape_cast %reduce_min3A_118 : vector<128xf32> to vector<128x1xf32>
    %eq3A_120 = vector.broadcast %broadcast_in_dim3A_119 : vector<128x1xf32> to vector<128x800xf32>
    %eq3A_121 = arith.cmpf oeq, %select_n3A_116, %eq3A_120 : vector<128x800xf32>
    %jit3A_122 = arith.constant 0x7F800000 : f32
    %broadcast_in_dim3A_123 = vector.broadcast %jit3A_122 : f32 to vector<128x800xf32>
    %select_n3A_124 = arith.select %eq3A_121, %broadcast_in_dim3A_123, %select_n3A_116 : vector<128x800xi1>, vector<128x800xf32>
    %reduce_min3A_125 = arith.constant dense<0x7F800000> : vector<128xf32>
    %reduce_min3A_126 = vector.multi_reduction <minimumf>, %select_n3A_124, %reduce_min3A_125 [1] : vector<128x800xf32> to vector<128xf32>
    %broadcast_in_dim3A_127 = vector.shape_cast %reduce_min3A_126 : vector<128xf32> to vector<128x1xf32>
    %eq3A_128 = vector.broadcast %broadcast_in_dim3A_127 : vector<128x1xf32> to vector<128x800xf32>
    %eq3A_129 = arith.cmpf oeq, %select_n3A_124, %eq3A_128 : vector<128x800xf32>
    %jit3A_130 = arith.constant 0x7F800000 : f32
    %broadcast_in_dim3A_131 = vector.broadcast %jit3A_130 : f32 to vector<128x800xf32>
    %select_n3A_132 = arith.select %eq3A_129, %broadcast_in_dim3A_131, %select_n3A_124 : vector<128x800xi1>, vector<128x800xf32>
    %reduce_min3A_133 = arith.constant dense<0x7F800000> : vector<128xf32>
    %reduce_min3A_134 = vector.multi_reduction <minimumf>, %select_n3A_132, %reduce_min3A_133 [1] : vector<128x800xf32> to vector<128xf32>
    %broadcast_in_dim3A_135 = vector.shape_cast %reduce_min3A_134 : vector<128xf32> to vector<128x1xf32>
    %eq3A_136 = vector.broadcast %broadcast_in_dim3A_135 : vector<128x1xf32> to vector<128x800xf32>
    %eq3A_137 = arith.cmpf oeq, %select_n3A_132, %eq3A_136 : vector<128x800xf32>
    %jit3A_138 = arith.constant 0x7F800000 : f32
    %broadcast_in_dim3A_139 = vector.broadcast %jit3A_138 : f32 to vector<128x800xf32>
    %select_n3A_140 = arith.select %eq3A_137, %broadcast_in_dim3A_139, %select_n3A_132 : vector<128x800xi1>, vector<128x800xf32>
    %reduce_min3A_141 = arith.constant dense<0x7F800000> : vector<128xf32>
    %reduce_min3A_142 = vector.multi_reduction <minimumf>, %select_n3A_140, %reduce_min3A_141 [1] : vector<128x800xf32> to vector<128xf32>
    %broadcast_in_dim3A_143 = vector.shape_cast %reduce_min3A_142 : vector<128xf32> to vector<128x1xf32>
    %eq3A_144 = vector.broadcast %broadcast_in_dim3A_143 : vector<128x1xf32> to vector<128x800xf32>
    %eq3A_145 = arith.cmpf oeq, %select_n3A_140, %eq3A_144 : vector<128x800xf32>
    %jit3A_146 = arith.constant 0x7F800000 : f32
    %broadcast_in_dim3A_147 = vector.broadcast %jit3A_146 : f32 to vector<128x800xf32>
    %select_n3A_148 = arith.select %eq3A_145, %broadcast_in_dim3A_147, %select_n3A_140 : vector<128x800xi1>, vector<128x800xf32>
    %reduce_min3A_149 = arith.constant dense<0x7F800000> : vector<128xf32>
    %reduce_min3A_150 = vector.multi_reduction <minimumf>, %select_n3A_148, %reduce_min3A_149 [1] : vector<128x800xf32> to vector<128xf32>
    %broadcast_in_dim3A_151 = vector.shape_cast %reduce_min3A_150 : vector<128xf32> to vector<128x1xf32>
    %eq3A_152 = vector.broadcast %broadcast_in_dim3A_151 : vector<128x1xf32> to vector<128x800xf32>
    %eq3A_153 = arith.cmpf oeq, %select_n3A_148, %eq3A_152 : vector<128x800xf32>
    %jit3A_154 = arith.constant 0x7F800000 : f32
    %broadcast_in_dim3A_155 = vector.broadcast %jit3A_154 : f32 to vector<128x800xf32>
    %select_n3A_156 = arith.select %eq3A_153, %broadcast_in_dim3A_155, %select_n3A_148 : vector<128x800xi1>, vector<128x800xf32>
    %reduce_min3A_157 = arith.constant dense<0x7F800000> : vector<128xf32>
    %reduce_min3A_158 = vector.multi_reduction <minimumf>, %select_n3A_156, %reduce_min3A_157 [1] : vector<128x800xf32> to vector<128xf32>
    %broadcast_in_dim3A_159 = vector.shape_cast %reduce_min3A_158 : vector<128xf32> to vector<128x1xf32>
    %eq3A_160 = vector.broadcast %broadcast_in_dim3A_159 : vector<128x1xf32> to vector<128x800xf32>
    %eq3A_161 = arith.cmpf oeq, %select_n3A_156, %eq3A_160 : vector<128x800xf32>
    %jit3A_162 = arith.constant 0x7F800000 : f32
    %broadcast_in_dim3A_163 = vector.broadcast %jit3A_162 : f32 to vector<128x800xf32>
    %select_n3A_164 = arith.select %eq3A_161, %broadcast_in_dim3A_163, %select_n3A_156 : vector<128x800xi1>, vector<128x800xf32>
    %reduce_min3A_165 = arith.constant dense<0x7F800000> : vector<128xf32>
    %reduce_min3A_166 = vector.multi_reduction <minimumf>, %select_n3A_164, %reduce_min3A_165 [1] : vector<128x800xf32> to vector<128xf32>
    %broadcast_in_dim3A_167 = vector.shape_cast %reduce_min3A_166 : vector<128xf32> to vector<128x1xf32>
    %eq3A_168 = vector.broadcast %broadcast_in_dim3A_167 : vector<128x1xf32> to vector<128x800xf32>
    %eq3A_169 = arith.cmpf oeq, %select_n3A_164, %eq3A_168 : vector<128x800xf32>
    %jit3A_170 = arith.constant 0x7F800000 : f32
    %broadcast_in_dim3A_171 = vector.broadcast %jit3A_170 : f32 to vector<128x800xf32>
    %select_n3A_172 = arith.select %eq3A_169, %broadcast_in_dim3A_171, %select_n3A_164 : vector<128x800xi1>, vector<128x800xf32>
    %reduce_min3A_173 = arith.constant dense<0x7F800000> : vector<128xf32>
    %reduce_min3A_174 = vector.multi_reduction <minimumf>, %select_n3A_172, %reduce_min3A_173 [1] : vector<128x800xf32> to vector<128xf32>
    %broadcast_in_dim3A_175 = vector.shape_cast %reduce_min3A_174 : vector<128xf32> to vector<128x1xf32>
    %eq3A_176 = vector.broadcast %broadcast_in_dim3A_175 : vector<128x1xf32> to vector<128x800xf32>
    %eq3A_177 = arith.cmpf oeq, %select_n3A_172, %eq3A_176 : vector<128x800xf32>
    %jit3A_178 = arith.constant 0x7F800000 : f32
    %broadcast_in_dim3A_179 = vector.broadcast %jit3A_178 : f32 to vector<128x800xf32>
    %select_n3A_180 = arith.select %eq3A_177, %broadcast_in_dim3A_179, %select_n3A_172 : vector<128x800xi1>, vector<128x800xf32>
    %reduce_min3A_181 = arith.constant dense<0x7F800000> : vector<128xf32>
    %reduce_min3A_182 = vector.multi_reduction <minimumf>, %select_n3A_180, %reduce_min3A_181 [1] : vector<128x800xf32> to vector<128xf32>
    %broadcast_in_dim3A_183 = vector.shape_cast %reduce_min3A_182 : vector<128xf32> to vector<128x1xf32>
    %eq3A_184 = vector.broadcast %broadcast_in_dim3A_183 : vector<128x1xf32> to vector<128x800xf32>
    %eq3A_185 = arith.cmpf oeq, %select_n3A_180, %eq3A_184 : vector<128x800xf32>
    %jit3A_186 = arith.constant 0x7F800000 : f32
    %broadcast_in_dim3A_187 = vector.broadcast %jit3A_186 : f32 to vector<128x800xf32>
    %select_n3A_188 = arith.select %eq3A_185, %broadcast_in_dim3A_187, %select_n3A_180 : vector<128x800xi1>, vector<128x800xf32>
    %reduce_min3A_189 = arith.constant dense<0x7F800000> : vector<128xf32>
    %reduce_min3A_190 = vector.multi_reduction <minimumf>, %select_n3A_188, %reduce_min3A_189 [1] : vector<128x800xf32> to vector<128xf32>
    %broadcast_in_dim3A_191 = vector.shape_cast %reduce_min3A_190 : vector<128xf32> to vector<128x1xf32>
    %eq3A_192 = vector.broadcast %broadcast_in_dim3A_191 : vector<128x1xf32> to vector<128x800xf32>
    %eq3A_193 = arith.cmpf oeq, %select_n3A_188, %eq3A_192 : vector<128x800xf32>
    %jit3A_194 = arith.constant 0x7F800000 : f32
    %broadcast_in_dim3A_195 = vector.broadcast %jit3A_194 : f32 to vector<128x800xf32>
    %select_n3A_196 = arith.select %eq3A_193, %broadcast_in_dim3A_195, %select_n3A_188 : vector<128x800xi1>, vector<128x800xf32>
    %reduce_min3A_197 = arith.constant dense<0x7F800000> : vector<128xf32>
    %reduce_min3A_198 = vector.multi_reduction <minimumf>, %select_n3A_196, %reduce_min3A_197 [1] : vector<128x800xf32> to vector<128xf32>
    %broadcast_in_dim3A_199 = vector.shape_cast %reduce_min3A_198 : vector<128xf32> to vector<128x1xf32>
    %eq3A_200 = vector.broadcast %broadcast_in_dim3A_199 : vector<128x1xf32> to vector<128x800xf32>
    %eq3A_201 = arith.cmpf oeq, %select_n3A_196, %eq3A_200 : vector<128x800xf32>
    %jit3A_202 = arith.constant 0x7F800000 : f32
    %broadcast_in_dim3A_203 = vector.broadcast %jit3A_202 : f32 to vector<128x800xf32>
    %select_n3A_204 = arith.select %eq3A_201, %broadcast_in_dim3A_203, %select_n3A_196 : vector<128x800xi1>, vector<128x800xf32>
    %reduce_min3A_205 = arith.constant dense<0x7F800000> : vector<128xf32>
    %reduce_min3A_206 = vector.multi_reduction <minimumf>, %select_n3A_204, %reduce_min3A_205 [1] : vector<128x800xf32> to vector<128xf32>
    %broadcast_in_dim3A_207 = vector.shape_cast %reduce_min3A_206 : vector<128xf32> to vector<128x1xf32>
    %eq3A_208 = vector.broadcast %broadcast_in_dim3A_207 : vector<128x1xf32> to vector<128x800xf32>
    %eq3A_209 = arith.cmpf oeq, %select_n3A_204, %eq3A_208 : vector<128x800xf32>
    %jit3A_210 = arith.constant 0x7F800000 : f32
    %broadcast_in_dim3A_211 = vector.broadcast %jit3A_210 : f32 to vector<128x800xf32>
    %select_n3A_212 = arith.select %eq3A_209, %broadcast_in_dim3A_211, %select_n3A_204 : vector<128x800xi1>, vector<128x800xf32>
    %reduce_min3A_213 = arith.constant dense<0x7F800000> : vector<128xf32>
    %reduce_min3A_214 = vector.multi_reduction <minimumf>, %select_n3A_212, %reduce_min3A_213 [1] : vector<128x800xf32> to vector<128xf32>
    %broadcast_in_dim3A_215 = vector.shape_cast %reduce_min3A_214 : vector<128xf32> to vector<128x1xf32>
    %eq3A_216 = vector.broadcast %broadcast_in_dim3A_215 : vector<128x1xf32> to vector<128x800xf32>
    %eq3A_217 = arith.cmpf oeq, %select_n3A_212, %eq3A_216 : vector<128x800xf32>
    %jit3A_218 = arith.constant 0x7F800000 : f32
    %broadcast_in_dim3A_219 = vector.broadcast %jit3A_218 : f32 to vector<128x800xf32>
    %select_n3A_220 = arith.select %eq3A_217, %broadcast_in_dim3A_219, %select_n3A_212 : vector<128x800xi1>, vector<128x800xf32>
    %reduce_min3A_221 = arith.constant dense<0x7F800000> : vector<128xf32>
    %reduce_min3A_222 = vector.multi_reduction <minimumf>, %select_n3A_220, %reduce_min3A_221 [1] : vector<128x800xf32> to vector<128xf32>
    %broadcast_in_dim3A_223 = vector.shape_cast %reduce_min3A_222 : vector<128xf32> to vector<128x1xf32>
    %eq3A_224 = vector.broadcast %broadcast_in_dim3A_223 : vector<128x1xf32> to vector<128x800xf32>
    %eq3A_225 = arith.cmpf oeq, %select_n3A_220, %eq3A_224 : vector<128x800xf32>
    %jit3A_226 = arith.constant 0x7F800000 : f32
    %broadcast_in_dim3A_227 = vector.broadcast %jit3A_226 : f32 to vector<128x800xf32>
    %select_n3A_228 = arith.select %eq3A_225, %broadcast_in_dim3A_227, %select_n3A_220 : vector<128x800xi1>, vector<128x800xf32>
    %reduce_min3A_229 = arith.constant dense<0x7F800000> : vector<128xf32>
    %reduce_min3A_230 = vector.multi_reduction <minimumf>, %select_n3A_228, %reduce_min3A_229 [1] : vector<128x800xf32> to vector<128xf32>
    %broadcast_in_dim3A_231 = vector.shape_cast %reduce_min3A_230 : vector<128xf32> to vector<128x1xf32>
    %eq3A_232 = vector.broadcast %broadcast_in_dim3A_231 : vector<128x1xf32> to vector<128x800xf32>
    %eq3A_233 = arith.cmpf oeq, %select_n3A_228, %eq3A_232 : vector<128x800xf32>
    %jit3A_234 = arith.constant 0x7F800000 : f32
    %broadcast_in_dim3A_235 = vector.broadcast %jit3A_234 : f32 to vector<128x800xf32>
    %select_n3A_236 = arith.select %eq3A_233, %broadcast_in_dim3A_235, %select_n3A_228 : vector<128x800xi1>, vector<128x800xf32>
    %reduce_min3A_237 = arith.constant dense<0x7F800000> : vector<128xf32>
    %reduce_min3A_238 = vector.multi_reduction <minimumf>, %select_n3A_236, %reduce_min3A_237 [1] : vector<128x800xf32> to vector<128xf32>
    %broadcast_in_dim3A_239 = vector.shape_cast %reduce_min3A_238 : vector<128xf32> to vector<128x1xf32>
    %eq3A_240 = vector.broadcast %broadcast_in_dim3A_239 : vector<128x1xf32> to vector<128x800xf32>
    %eq3A_241 = arith.cmpf oeq, %select_n3A_236, %eq3A_240 : vector<128x800xf32>
    %jit3A_242 = arith.constant 0x7F800000 : f32
    %broadcast_in_dim3A_243 = vector.broadcast %jit3A_242 : f32 to vector<128x800xf32>
    %select_n3A_244 = arith.select %eq3A_241, %broadcast_in_dim3A_243, %select_n3A_236 : vector<128x800xi1>, vector<128x800xf32>
    %reduce_min3A_245 = arith.constant dense<0x7F800000> : vector<128xf32>
    %reduce_min3A_246 = vector.multi_reduction <minimumf>, %select_n3A_244, %reduce_min3A_245 [1] : vector<128x800xf32> to vector<128xf32>
    %broadcast_in_dim3A_247 = vector.shape_cast %reduce_min3A_246 : vector<128xf32> to vector<128x1xf32>
    %swap3A = arith.constant 0 : index
    %swap3A_248 = arith.constant 0 : index
    %swap3A_249 = vector.load %arg2[%swap3A, %swap3A_248] : memref<128x1xf32, #tpu.memory_space<vmem>>, vector<128x1xf32>
    tpu.vector_store %arg2[%swap3A, %swap3A_248], %broadcast_in_dim3A_247 {strides = array<i32>} : memref<128x1xf32, #tpu.memory_space<vmem>>, vector<128x1xf32>,
    return
  }
  func.func @transform_0(%arg0: i32) -> (i32, i32) {
    %c0_i32 = arith.constant 0 : i32
    %c0_i32_0 = arith.constant 0 : i32
    return %arg0, %c0_i32 : i32, i32
  }
  func.func @transform_1(%arg0: i32) -> (i32, i32) {
    %c0_i32 = arith.constant 0 : i32
    %c0_i32_0 = arith.constant 0 : i32
    return %arg0, %c0_i32 : i32, i32
  }
}

</mosaic_0001>

<sc_bundles>
// kernel: kernel.5.cloned.1.call-start
scs
__scs_entry_jumppad:
0x0: {  	(pc) =	sbr.rel $0x88, $3  }
0x1: {  	(tag) =	ssettag $0x0;
	lr =	simm.s32 $0x1  }
0x2: {  	[smem:$0x3F9E] =	sst lr;
	_ =	strace $0xD0000000  }
0x3: {  	_ = 	snop  }
0x4: {  	_ = 	snop  }
0x5: {  	_ = 	snop  }
0x6: {  	_ = 	snop  }
0x7: {  	_ = 	snop  }
__scs_overlays_trampoline_lowered:
0x8: {  	[smem:$0x3FAD] =	sst s0  }
0x9: {  	[smem:$0x3FAE] =	sst s1  }
0xa: {  	[smem:$0x3FAF] =	sst s2  }
0xb: {  	[smem:$0x3FB0] =	sst s3  }
0xc: {  	[smem:$0x3FB1] =	sst s4  }
0xd: {  	[smem:$0x3FB2] =	sst s5  }
0xe: {  	[smem:$0x3FB3] =	sst s6  }
0xf: {  	[smem:$0x3FB4] =	sst s7  }
0x10: {  	[smem:$0x3FB5] =	sst s8  }
0x11: {  	[smem:$0x3FB6] =	sst s9;
	s0 =	simm.s32 @!p0 $0x0  }
0x12: {  	s1 =	sld [smem:$0x3F9C];
	s0 =	simm.s32 @p0 $0x1  }
0x13: {  	[smem:$0x3FB7] =	sst s0;
	s0 =	simm.s32 @!p1 $0x0  }
0x14: {  	s2 =	sld [smem:$0x3F9B];
	s0 =	simm.s32 @p1 $0x1  }
0x15: {  	[smem:$0x3FB8] =	sst s0;
	s0 =	simm.s32 @!p2 $0x0  }
0x16: {  	s3 =	sld [smem:$0x3FDB];
	s0 =	simm.s32 @p2 $0x1  }
0x17: {  	s4 =	simm.s32 $0x1BF5;
	[smem:$0x3FBA] =	sst s0  }
0x18: {  	s0 =	sld [smem:$0x3F9D];
	_ =	swait.ge [sflag:s4], $0x0  }
0x19: {  	s7 =	sld [smem:$0x3F9E]  }
0x1a: {  	s8 =	sadd.s32 $0xFFFFE003, lr  }
0x1b: {  	s9 =	sadd.s32 $0xFFFFFEF7, lr;
	s5 =	simm.s32 $0xFFFFFFFF;
	p2 =	slt.u32 s8, $0xFFFFF086  }
0x1c: {  	p1 =	slt.u32 s9, $0xF7A;
	s5 =	simm.s32 @!p2 $0x0  }
0x1d: {  	s5 =	simm.s32 @p1 $0x1;
	p0 =	seq.s32 s7, s2  }
0x1e: {  	s7 =	smul.u32 @!p0 $0xF7A, s2;
	p2 =	seq.s32 @!p0 s5, $0x0  }
0x1f: {  	s9 =	smul.u32 $0xF7A, s1;
	s8 =	simm.s32 @!p0 $0x1BF5;
	p2 =	por !p2, p0  }
0x20: {  	[sflag:s8] =	ssyncset.s32 @!p0 $0xFFFFF086;
	s6 =	sadd.s32 @!p0 s3, s7;
	s7 =	simm.s32 @!p0 $0x108  }
0x21: {  	s3 =	sadd.s32 s3, s9;
	s6 =	sadd.s32 @!p0 $0x88, s6;
	s7 =	simm.s32 @p2 $0x1082  }
0x22: {  	[simem:s7], [sflag:s8] =	dma.local @!p0 [hbm:s6], $0xF7A  }
0x23: {  	s9 =	sor.u32 $0xD0000000, s2;
	s6 =	simm.s32 $0x108;
	_ =	swait.ge @!p0 [sflag:s8], $0x0  }
0x24: {  	s3 =	sadd.s32 $0x88, s3;
	s6 =	simm.s32 @!p1 $0x1082;
	[sflag:s4] =	ssyncset.s32 $0xFFFFF086  }
0x25: {  	[simem:s6], [sflag:s4] =	dma.local [hbm:s3], $0xF7A  }
0x26: {  	[smem:$0x3F9E] =	sst s1;
	(tag) =	ssettag s2;
	_ =	strace s9  }
0x27: {  	s1 =	sld [smem:$0x3FAE]  }
0x28: {  	s2 =	sld [smem:$0x3FAF]  }
0x29: {  	s4 =	sld [smem:$0x3FB1]  }
0x2a: {  	p0 =	seq.s32 s5, $0x0;
	s5 =	sld [smem:$0x3FB2]  }
0x2b: {  	s6 =	sld [smem:$0x3FB3]  }
0x2c: {  	s7 =	sld [smem:$0x3FB4]  }
0x2d: {  	s3 =	simm.s32 $0x108;
	s8 =	sld [smem:$0x3FB5]  }
0x2e: {  	s3 =	simm.s32 @!p0 $0x1082;
	s9 =	sld [smem:$0x3FB6]  }
0x2f: {  	lr =	sadd.s32 s0, s3;
	s0 =	sld [smem:$0x3FAD]  }
0x30: {  	s3 =	sld [smem:$0x3FB0]  }
0x31: {  	[smem:$0x3FB9] =	sst s10  }
0x32: {  	s10 =	sld [smem:$0x3FB7];
	_ =	sdelay $0x3  }
0x33: {  	p0 =	seq.s32 s10, $0x1;
	s10 =	sld [smem:$0x3FB9];
	_ =	sdelay $0x3  }
0x34: {  	[smem:$0x3FB9] =	sst s10  }
0x35: {  	s10 =	sld [smem:$0x3FB8];
	_ =	sdelay $0x3  }
0x36: {  	p1 =	seq.s32 s10, $0x1;
	s10 =	sld [smem:$0x3FB9];
	_ =	sdelay $0x3  }
0x37: {  	[smem:$0x3FB9] =	sst s10  }
0x38: {  	s10 =	sld [smem:$0x3FBA]  }
0x39: {  	_ = 	snop;
	(pc) =	sbr.ind lr, $3  }
0x3a: {  	_ = 	snop  }
0x3b: {  	_ = 	snop  }
0x3c: {  	p2 =	seq.s32 s10, $0x1;
	s10 =	sld [smem:$0x3FB9]  }
0x3d: {  	_ =	shalt  }
0x3e: {  	_ =	shalt  }
0x3f: {  	_ =	shalt  }
0x40: {  	_ =	shalt  }
0x41: {  	_ =	shalt  }
0x42: {  	_ =	shalt  }
0x43: {  	_ =	shalt  }
0x44: {  	_ =	shalt  }
0x45: {  	_ =	shalt  }
0x46: {  	_ =	shalt  }
0x47: {  	_ =	shalt  }
0x48: {  	_ =	shalt  }
0x49: {  	_ =	shalt  }
0x4a: {  	_ =	shalt  }
0x4b: {  	_ =	shalt  }
0x4c: {  	_ =	shalt  }
0x4d: {  	_ =	shalt  }
0x4e: {  	_ =	shalt  }
0x4f: {  	_ =	shalt  }
0x50: {  	_ =	shalt  }
0x51: {  	_ =	shalt  }
0x52: {  	_ =	shalt  }
0x53: {  	_ =	shalt  }
0x54: {  	_ =	shalt  }
0x55: {  	_ =	shalt  }
0x56: {  	_ =	shalt  }
0x57: {  	_ =	shalt  }
0x58: {  	_ =	shalt  }
0x59: {  	_ =	shalt  }
0x5a: {  	_ =	shalt  }
0x5b: {  	_ =	shalt  }
0x5c: {  	_ =	shalt  }
0x5d: {  	_ =	shalt  }
0x5e: {  	_ =	shalt  }
0x5f: {  	_ =	shalt  }
0x60: {  	_ =	shalt  }
0x61: {  	_ =	shalt  }
0x62: {  	_ =	shalt  }
0x63: {  	_ =	shalt  }
0x64: {  	_ =	shalt  }
0x65: {  	_ =	shalt  }
0x66: {  	_ =	shalt  }
0x67: {  	_ =	shalt  }
0x68: {  	_ =	shalt  }
0x69: {  	_ =	shalt  }
0x6a: {  	_ =	shalt  }
0x6b: {  	_ =	shalt  }
0x6c: {  	_ =	shalt  }
0x6d: {  	_ =	shalt  }
0x6e: {  	_ =	shalt  }
0x6f: {  	_ =	shalt  }
0x70: {  	_ =	shalt  }
0x71: {  	_ =	shalt  }
0x72: {  	_ =	shalt  }
0x73: {  	_ =	shalt  }
0x74: {  	_ =	shalt  }
0x75: {  	_ =	shalt  }
0x76: {  	_ =	shalt  }
0x77: {  	_ =	shalt  }
0x78: {  	_ =	shalt  }
0x79: {  	_ =	shalt  }
0x7a: {  	_ =	shalt  }
0x7b: {  	_ =	shalt  }
0x7c: {  	_ =	shalt  }
0x7d: {  	_ =	shalt  }
0x7e: {  	_ =	shalt  }
0x7f: {  	_ =	shalt  }
0x80: {  	_ =	shalt  }
0x81: {  	_ =	shalt  }
0x82: {  	_ =	shalt  }
0x83: {  	_ =	shalt  }
0x84: {  	_ =	shalt  }
0x85: {  	_ =	shalt  }
0x86: {  	_ =	shalt  }
0x87: {  	_ =	shalt  }
.Lfunc_end0:
.L_simem_size_0:
called_computation_lowered:
.L_overlay_start_0:
0x88: {  	s2 =	sld [smem:$0x3FD9]  }
0x89: {  	s3 =	sld [smem:$0x3FFE];
	_ =	sdelay $0x1  }
0x8a: {  	s1 =	srdreg.scid  }
0x8b: {  	s0 =	sand.u32 $0x1, s1  }
0x8c: {  	s17 =	sshll.u32 s0, $0xA;
	s2 =	sadd.s32 s3, s2  }
0x8d: {  	s2 =	sadd.s32 s2, s17  }
0x8e: {  	[smem:$0x3FC5] =	sst s2  }
0x8f: {  	_ = 	snop  }
0x90: {  	s2 =	sld [smem:$0x3FD0];
	(tm) =	ssettm $0x1  }
0x91: {  	s18 =	sld [smem:$0x3FFB];
	_ =	sdelay $0x3  }
0x92: {  	_ =	strace s18  }
0x93: {  	s3 =	sld [smem:$0x3FFC];
	_ =	sdelay $0x3  }
0x94: {  	_ =	strace s3  }
0x95: {  	s3 =	sld [smem:$0x3FFD];
	_ =	sdelay $0x3  }
0x96: {  	_ =	strace s3  }
0x97: {  	_ =	strace $0x8FFFFFFF  }
0x98: {  	s19 =	sld [smem:$0x3FDB];
	_ =	sdelay $0x1  }
0x99: {  	s4 =	simm.s32 $_scs_section_size  }
0x9a: {  	s5 =	simm.s32 $_size__tile_overlayer_lowered;
	s6 =	simm.s32 $_tile_overlayer_lowered  }
0x9b: {  	s22 =	simm.s32 $0x1BFF;
	s21 =	sshll.u32 s6, $0x1;
	s3 =	sadd.s32 s4, s19  }
0x9c: {  	s7 =	simm.s32 $0x0;
	s20 =	sshll.u32 s5, $0x1;
	s5 =	sadd.s32 s21, s3  }
0x9d: {  	[timem:s7], [sflag:s22] =	dma.local [hbm:s5], s20  }
0x9e: {  	_ =	swait.ge [sflag:s22], s20  }
0x9f: {  	s4 =	ssub.s32 $0x0, s20;
	[sflag:s22] =	ssyncset.done $0x0  }
0xa0: {  	[sflag:s22] =	ssyncadd.s32 s4;
	_ =	sdelay $0x1  }
0xa1: {  	s23 =	simm.s32 $0x1B8B  }
0xa2: {  	_ =	swait.ge [sflag:s23], $0x1  }
0xa3: {  	[sflag:s23] =	ssyncset.done $0x0  }
0xa4: {  	s25 =	simm.s32 $0x1B8E;
	s24 =	sld [smem:$0x3FFE];
	[sflag:s23] =	ssyncadd.s32 $0xFFFFFFFF  }
0xa5: {  	s26 =	simm.s32 $execute0_lowered;
	[smem:$0x3FD2] =	sst s25  }
0xa6: {  	s5 =	sshll.u32 s26, $0x1;
	_ =	strace $0x80000046;
	[dreg:$0x1] =	wrdreg $0xFFFFFFFF  }
0xa7: {  	s28 =	simm.s32 $_size_execute0_lowered;
	s3 =	sadd.s32 s3, s5;
	[dreg:$0x0] =	wrdreg $0x0  }
0xa8: {  	s5 =	sshll.u32 s28, $0x1;
	[dreg:$0x2] =	wrdreg s3  }
0xa9: {  	[dreg:$0x3] =	wrdreg s5  }
0xaa: {  	[dreg:$0x4] =	wrdreg $0xC0  }
0xab: {  	_ =	task [dreg:s7], $0x5FFFF  }
0xac: {  	[dreg:$0x1] =	wrdreg $0xFFFFFFFF  }
0xad: {  	[dreg:$0x0] =	wrdreg $0x60  }
0xae: {  	[dreg:$0x2] =	wrdreg s24  }
0xaf: {  	[dreg:$0x3] =	wrdreg s2  }
0xb0: {  	[dreg:$0x4] =	wrdreg $0x9  }
0xb1: {  	_ =	task.clear_ibuf [dreg:s7], $0x5FFFF;
	_ =	strace $0x90000046  }
0xb2: {  	s29 =	simm.s32 $0x9;
	_ =	strace $0x80000048  }
0xb3: {  	_ =	swait.ge [sflag:s29], $0x1  }
0xb4: {  	[sflag:s29] =	ssyncadd.s32 $0xFFFFFFFF  }
0xb5: {  	_ =	strace $0x90000048  }
0xb6: {  	_ =	sfence  }
0xb7: {  	s30 =	sld [smem:$0x0];
	_ =	sdelay $0x2  }
0xb8: {  	s31 =	sshll.u32 s1, $0xD;
	s1 =	sshrl.u32 s1, $0x2  }
0xb9: {  	s3 =	sand.u32 $0x4000, s31;
	s1 =	sadd.s32 s1, s30  }
0xba: {  	s0 =	sor.u32 s3, s0;
	s1 =	sshll.u32 s1, $0x11  }
0xbb: {  	s0 =	sor.u32 s1, s0  }
0xbc: {  	s0 =	sadd.s32 $0x8F2B, s0  }
0xbd: {  	[sflag:s0] =	ssyncadd.remote.s32 $0x1  }
0xbe: {  	_ =	sfence.sel $0xFFFF  }
0xbf: {  	[dreg:$0x0] =	wrdreg $0xFFFFFFFF;
	(pc) =	sbr.abs _section_cstart, $3  }
0xc0: {  	[dreg:$0x1] =	wrdreg $0xFFFFFFFF  }
0xc1: {  	_ =	task.clear_ibuf [dreg:s7], $0x2FFFF;
	_ =	strace $0x9FFFFFFF  }
0xc2: {  	(tm) =	ssettm $0x7FFFFFFF  }
0xc3: {  	_ =	shalt  }
tec
execute0_lowered:
.L_overlay_start_1:
0x0: {  	(tag) =	ssettag $0x1  }
0x1: {  	s1 =	rddreg [dreg:$0x0];
	v0 =	vlaneseq.u32;
	s3 =	simm.s32 $0x0  }
0x2: {  	v15 =	vor.u32 $0x80, v0;
	[smem:$0x7FF] =	sst s3  }
0x3: {  	s0 =	rddreg [dreg:$0x1];
	v16 =	vor.u32 $0x90, v0;
	_ =	strace $0x80000047;
	[tilespmem:$0x1FE90] =	vst v15  }
0x4: {  	v17 =	vor.u32 $0xA0, v0;
	[tilespmem:$0x1FEA0] =	vst v16  }
0x5: {  	v18 =	vor.u32 $0xB0, v0;
	[tilespmem:$0x1FEB0] =	vst v17  }
0x6: {  	v19 =	vor.u32 $0xC0, v0;
	[tilespmem:$0x1FEC0] =	vst v18  }
0x7: {  	v20 =	vor.u32 $0xD0, v0;
	[tilespmem:$0x1FED0] =	vst v19  }
0x8: {  	v21 =	vor.u32 $0xE0, v0;
	[tilespmem:$0x1FEE0] =	vst v20  }
0x9: {  	s2 =	srdreg.scid;
	v22 =	vor.u32 $0xF0, v0;
	[tilespmem:$0x1FEF0] =	vst v21  }
0xa: {  	s4 =	stileid.u32;
	s2 =	sand.u32 $0x1, s2;
	v23 =	vor.u32 $0x100, v0;
	[tilespmem:$0x1FF00] =	vst v22  }
0xb: {  	s4 =	sshll.u32 s4, $0x6;
	v24 =	vor.u32 $0x110, v0;
	s5 =	sshll.u32 s2, $0x5;
	[tilespmem:$0x1FF10] =	vst v23  }
0xc: {  	v51 =	vimm.f32 $+Inf;
	v25 =	vor.u32 $0x120, v0;
	s2 =	ssub.s32 $0x2, s2;
	[tilespmem:$0x1FF20] =	vst v24;
	s4 =	sor.u32 s5, s4  }
0xd: {  	s12 =	simm.s32 $0x4;
	v2 =	vor.u32 $0x10, v0;
	v3 =	vor.u32 $0x20, v0;
	v26 =	vor.u32 $0x130, v0;
	[tilespmem:$0x1FF30] =	vst v25;
	s9 =	sshrl.u32 s2, $0x1;
	s7 =	sshrl.u32 s4, $0x3  }
0xe: {  	v4 =	vor.u32 $0x30, v0;
	v5 =	vor.u32 $0x40, v0;
	v27 =	vor.u32 $0x140, v0;
	[tilespmem:$0x1FF40] =	vst v26;
	s2 =	ssub.s32 s2, s9;
	s8 =	sadd.s32 s7, s1;
	s0 =	sadd.s32 s0, s7  }
0xf: {  	v6 =	vor.u32 $0x50, v0;
	v7 =	vor.u32 $0x60, v0;
	v28 =	vor.u32 $0x150, v0;
	[tilespmem:$0x1FF50] =	vst v27;
	s10 =	smul.u32 $0x380, s7;
	s20 =	smax.u32 s2, $0x1;
	[dreg:$0x5] =	wrdreg s0  }
0x10: {  	s28 =	simm.s32 $0xA00;
	v8 =	vor.u32 $0x70, v0;
	v29 =	vor.u32 $0x160, v0;
	v30 =	vor.u32 $0x170, v0;
	[tilespmem:$0x1FF60] =	vst v28;
	s8 =	sadd.s32 $0x20000, s8;
	[dreg:$0x6] =	wrdreg s20  }
0x11: {  	s29 =	simm.s32 $0xA80;
	v31 =	vor.u32 $0x180, v0;
	v57 =	vor.u32 $0x190, v0;
	v58 =	vor.u32 $0x1A0, v0;
	[tilespmem:$0x1FF70] =	vst v29;
	[dreg:$0x3] =	wrdreg s8;
	s19 =	sadd.s32 s1, s10  }
0x12: {  	s30 =	simm.s32 $0x1;
	v59 =	vor.u32 $0x1B0, v0;
	v60 =	vor.u32 $0x1C0, v0;
	v61 =	vor.u32 $0x1D0, v0;
	[tilespmem:$0x1FF80] =	vst v30;
	s21 =	sadd.s32 $0x80, s19;
	[dreg:$0x4] =	wrdreg s19  }
0x13: {  	s31 =	simm.s32 $0x10;
	v62 =	vor.u32 $0x1E0, v0;
	v32 =	vor.u32 $0x1F0, v0;
	v33 =	vor.u32 $0x200, v0;
	[tilespmem:$0x1FF90] =	vst v31;
	s22 =	sadd.s32 $0x100, s19;
	[dreg:$0x7] =	wrdreg s21  }
0x14: {  	s14 =	simm.s32 $0x0;
	v34 =	vor.u32 $0x210, v0;
	v35 =	vor.u32 $0x220, v0;
	v36 =	vor.u32 $0x230, v0;
	[tilespmem:$0x1FFA0] =	vst v57;
	s23 =	sadd.s32 $0x180, s19;
	[dreg:$0x8] =	wrdreg s22  }
.Ltmp0:
0x15: {  	v37 =	vor.u32 $0x240, v0;
	v38 =	vor.u32 $0x250, v0;
	v39 =	vor.u32 $0x260, v0;
	[tilespmem:$0x1FFB0] =	vst v58;
	s24 =	sadd.s32 $0x200, s19;
	[dreg:$0x9] =	wrdreg s23;
	(pc) =	sbr.rel .LBB2_1-.Ltmp0, $4  }
0x16: {  	s6 =	sadd.s32 $0x1C000, s1;
	v40 =	vor.u32 $0x270, v0;
	v41 =	vor.u32 $0x280, v0;
	v42 =	vor.u32 $0x290, v0;
	[tilespmem:$0x1FFC0] =	vst v59;
	s25 =	sadd.s32 $0x280, s19;
	[dreg:$0xa] =	wrdreg s24  }
0x17: {  	v1 =	vimm.s32 $0x0;
	v43 =	vor.u32 $0x2A0, v0;
	v44 =	vor.u32 $0x2B0, v0;
	[tilespmem:$0x1FFD0] =	vst v60;
	s5 =	sadd.s32 $0xF96A00, s1;
	s26 =	sadd.s32 $0x300, s19;
	[dreg:$0xb] =	wrdreg s25  }
0x18: {  	v45 =	vor.u32 $0x2C0, v0;
	v46 =	vor.u32 $0x2D0, v0;
	v47 =	vor.u32 $0x2E0, v0;
	[tilespmem:$0x1FFE0] =	vst v61;
	s2 =	simm.s32 $0x3;
	s0 =	simm.s32 $0x2;
	[dreg:$0xc] =	wrdreg s26  }
0x19: {  	v48 =	vor.u32 $0x2F0, v0;
	v49 =	vor.u32 $0x300, v0;
	v50 =	vor.u32 $0x310, v0;
	[tilespmem:$0x1FFF0] =	vst v62;
	s25 =	simm.s32 $0x780;
	s26 =	simm.s32 $0x80;
	s22 =	simm.s32 $0x0  }
.LBB2_46:
0x1a: {  	[tilespmem:$0x5200] =	vst v53  }
0x1b: {  	[tilespmem:$0x5210] =	vst v52;
	s7 =	rddreg [dreg:$0x5];
	s8 =	simm.s32 $0x5200  }
0x1c: {  	[hbm4b:s7+s3] =	stream.linear.scatter [tilespmem:s8], [sflag:$0x4], $0x20, $0x38;
	[tilespmem:$0x5280] =	vst v63  }
0x1d: {  	_ =	swait.ge [sflag:s12], $0x20  }
0x1e: {  	s14 =	sadd.s32 $0x1, s14;
	s24 =	rddreg [dreg:$0x6]  }
0x1f: {  	p0 =	sne.s32 s14, s24  }
.Ltmp1:
0x20: {  	_ = 	snop;
	(pc) =	sbr.rel @!p0 .LBB2_47-.Ltmp1, $3  }
0x21: {  	_ =	sdelay $0x1  }
0x22: {  	[sflag:s12] =	ssyncset.done $0x0  }
0x23: {  	[sflag:s12] =	ssyncadd.s32 $0xFFFFFFE0  }
.LBB2_1:
0x24: {  	s7 =	rddreg [dreg:$0x3];
	s8 =	simm.s32 $0x700  }
0x25: {  	[tilespmem:s8], [sflag:$0x4] =	stream.linear.gather [hbm4b:s7+s3], $0x20, $0x38;
	[tilespmem:$0x5280] =	vst v63  }
0x26: {  	_ =	swait.ge [sflag:s12], $0x20  }
0x27: {  	[sflag:s12] =	ssyncset.done $0x0  }
0x28: {  	s9 =	rddreg [dreg:$0x4];
	[sflag:s12] =	ssyncadd.s32 $0xFFFFFFE0  }
0x29: {  	[tilespmem:s3], [sflag:$0x4] =	stream.linear.gather [hbm4b:s9+s3], $0x80, $0x38;
	[tilespmem:$0x5280] =	vst v63  }
0x2a: {  	s11 =	simm.s32 $0x100;
	s10 =	rddreg [dreg:$0x7]  }
0x2b: {  	[tilespmem:s11], [sflag:$0x4] =	stream.linear.gather [hbm4b:s10+s3], $0x80, $0x38;
	[tilespmem:$0x5280] =	vst v63  }
0x2c: {  	s15 =	simm.s32 $0x200;
	s13 =	rddreg [dreg:$0x8]  }
0x2d: {  	[tilespmem:s15], [sflag:$0x4] =	stream.linear.gather [hbm4b:s13+s3], $0x80, $0x38;
	[tilespmem:$0x5280] =	vst v63  }
0x2e: {  	s17 =	simm.s32 $0x300;
	s16 =	rddreg [dreg:$0x9]  }
0x2f: {  	[tilespmem:s17], [sflag:$0x4] =	stream.linear.gather [hbm4b:s16+s3], $0x80, $0x38;
	[tilespmem:$0x5280] =	vst v63  }
0x30: {  	s19 =	simm.s32 $0x400;
	s18 =	rddreg [dreg:$0xa]  }
0x31: {  	[tilespmem:s19], [sflag:$0x4] =	stream.linear.gather [hbm4b:s18+s3], $0x80, $0x38;
	[tilespmem:$0x5280] =	vst v63  }
0x32: {  	s21 =	simm.s32 $0x500;
	s20 =	rddreg [dreg:$0xb]  }
0x33: {  	[tilespmem:s21], [sflag:$0x4] =	stream.linear.gather [hbm4b:s20+s3], $0x80, $0x38;
	[tilespmem:$0x5280] =	vst v63  }
0x34: {  	s24 =	simm.s32 $0x600;
	s23 =	rddreg [dreg:$0xc]  }
0x35: {  	[tilespmem:s24], [sflag:$0x4] =	stream.linear.gather [hbm4b:s23+s3], $0x80, $0x38;
	[tilespmem:$0x5280] =	vst v63  }
0x36: {  	_ =	swait.ge [sflag:s12], $0x380  }
0x37: {  	[sflag:s12] =	ssyncset.done $0x0  }
0x38: {  	[sflag:s12] =	ssyncadd.s32 $0xFFFFFC80  }
0x39: {  	[tilespmem:$0x780] =	vst v1  }
0x3a: {  	[tilespmem:$0x790] =	vst v1  }
0x3b: {  	[tilespmem:$0x7A0] =	vst v1  }
0x3c: {  	[tilespmem:$0x7B0] =	vst v1  }
0x3d: {  	[tilespmem:$0x7C0] =	vst v1  }
0x3e: {  	[tilespmem:$0x7D0] =	vst v1  }
0x3f: {  	[tilespmem:$0x7E0] =	vst v1  }
0x40: {  	[tilespmem:$0x7F0] =	vst v1  }
0x41: {  	[tilespmem:$0x800] =	vst v1  }
0x42: {  	[tilespmem:$0x810] =	vst v1  }
0x43: {  	[tilespmem:$0x820] =	vst v1  }
0x44: {  	[tilespmem:$0x830] =	vst v1  }
0x45: {  	[tilespmem:$0x840] =	vst v1  }
0x46: {  	[tilespmem:$0x850] =	vst v1  }
0x47: {  	[tilespmem:$0x860] =	vst v1  }
0x48: {  	[tilespmem:$0x870] =	vst v1  }
0x49: {  	[tilespmem:$0x880] =	vst v1  }
0x4a: {  	[tilespmem:$0x890] =	vst v1  }
0x4b: {  	[tilespmem:$0x8A0] =	vst v1  }
0x4c: {  	[tilespmem:$0x8B0] =	vst v1  }
0x4d: {  	[tilespmem:$0x8C0] =	vst v1  }
0x4e: {  	[tilespmem:$0x8D0] =	vst v1  }
0x4f: {  	[tilespmem:$0x8E0] =	vst v1  }
0x50: {  	[tilespmem:$0x8F0] =	vst v1  }
0x51: {  	[tilespmem:$0x900] =	vst v1  }
0x52: {  	[tilespmem:$0x910] =	vst v1  }
0x53: {  	[tilespmem:$0x920] =	vst v1  }
0x54: {  	[tilespmem:$0x930] =	vst v1  }
0x55: {  	[tilespmem:$0x940] =	vst v1  }
0x56: {  	[tilespmem:$0x950] =	vst v1  }
0x57: {  	[tilespmem:$0x960] =	vst v1  }
0x58: {  	[tilespmem:$0x970] =	vst v1  }
0x59: {  	[tilespmem:$0x980] =	vst v1  }
0x5a: {  	[tilespmem:$0x990] =	vst v1  }
0x5b: {  	[tilespmem:$0x9A0] =	vst v1  }
0x5c: {  	[tilespmem:$0x9B0] =	vst v1  }
0x5d: {  	[tilespmem:$0x9C0] =	vst v1  }
0x5e: {  	[tilespmem:$0x9D0] =	vst v1  }
0x5f: {  	[tilespmem:$0x9E0] =	vst v1  }
0x60: {  	[tilespmem:$0x9F0] =	vst v1  }
0x61: {  	[tilespmem:$0x4D00] =	vst v1  }
0x62: {  	[tilespmem:$0x4D10] =	vst v1  }
0x63: {  	[tilespmem:$0x4D20] =	vst v1  }
0x64: {  	[tilespmem:$0x4D30] =	vst v1  }
0x65: {  	[tilespmem:$0x4D40] =	vst v1  }
0x66: {  	[tilespmem:$0x4D50] =	vst v1  }
0x67: {  	[tilespmem:$0x4D60] =	vst v1  }
0x68: {  	[tilespmem:$0x4D70] =	vst v1  }
0x69: {  	[tilespmem:$0x4D80] =	vst v1  }
0x6a: {  	[tilespmem:$0x4D90] =	vst v1  }
0x6b: {  	[tilespmem:$0x4DA0] =	vst v1  }
0x6c: {  	[tilespmem:$0x4DB0] =	vst v1  }
0x6d: {  	[tilespmem:$0x4DC0] =	vst v1  }
0x6e: {  	[tilespmem:$0x4DD0] =	vst v1  }
0x6f: {  	[tilespmem:$0x4DE0] =	vst v1  }
0x70: {  	[tilespmem:$0x4DF0] =	vst v1  }
0x71: {  	[tilespmem:$0x4E00] =	vst v1  }
0x72: {  	[tilespmem:$0x4E10] =	vst v1  }
0x73: {  	[tilespmem:$0x4E20] =	vst v1  }
0x74: {  	[tilespmem:$0x4E30] =	vst v1  }
0x75: {  	[tilespmem:$0x4E40] =	vst v1  }
0x76: {  	[tilespmem:$0x4E50] =	vst v1  }
0x77: {  	[tilespmem:$0x4E60] =	vst v1  }
0x78: {  	[tilespmem:$0x4E70] =	vst v1  }
0x79: {  	[tilespmem:$0x4E80] =	vst v1  }
0x7a: {  	[tilespmem:$0x4E90] =	vst v1  }
0x7b: {  	[tilespmem:$0x4EA0] =	vst v1  }
0x7c: {  	[tilespmem:$0x4EB0] =	vst v1  }
0x7d: {  	[tilespmem:$0x4EC0] =	vst v1  }
.Ltmp2:
0x7e: {  	[tilespmem:$0x4ED0] =	vst v1;
	(pc) =	sbr.rel .LBB2_2-.Ltmp2, $4  }
0x7f: {  	[tilespmem:$0x4EE0] =	vst v1  }
0x80: {  	[tilespmem:$0x4EF0] =	vst v1  }
0x81: {  	[tilespmem:$0x4F00] =	vst v1  }
0x82: {  	v52 =	vimm.f32 $0.0e+00;
	v53 =	vimm.f32 $0.0e+00;
	s18 =	simm.s32 $0x0;
	[tilespmem:$0x4F10] =	vst v1  }
.LBB2_31:
0x83: {  	s7 =	simm.s32 $0x4F80;
	v24 =	vimm.f32 $0.0e+00  }
.LBB2_44:
0x84: {  	vm9 =	veq.s32 v10, v56  }
0x85: {  	v10 =	vmul.f32 @p0 v60, v62;
	v13 =	vsel vm9, $0xBF800000, v13  }
0x86: {  	vm9 =	vge.f32 v13, $0.0e+00;
	vm10 =	vlt.f32 v13, $1.000000020e+30  }
0x87: {  	v10 =	vmul.f32 @p0 v60, v10;
	vm9 =	vmand vm9, vm10  }
0x88: {  	v13 =	vnsel vm9, $0x3F800000, v13  }
0x89: {  	v10 =	vsub.f32 @p0 $1.500000000e+00, v10;
	v30 =	vmul.f32 $5.000000000e-01, v13;
	v31 =	vshra.s32 v13, $0x1  }
0x8a: {  	v31 =	vsub.s32 $0x5F3759DF, v31  }
0x8b: {  	v10 =	vmul.f32 @p0 v60, v10;
	v56 =	vmul.f32 v31, v30  }
0x8c: {  	v22 =	vmul.f32 @p1 v22, v61;
	v58 =	vmov @p0 v62  }
0x8d: {  	v60 =	vmul.f32 @p0 v10, v58;
	v56 =	vmul.f32 v31, v56  }
0x8e: {  	v22 =	vsub.f32 @p1 $1.500000000e+00, v22  }
0x8f: {  	v10 =	vpsel p0, v10, v19;
	v19 =	vpsel p0, v60, v23;
	v23 =	vsub.f32 $1.500000000e+00, v56  }
0x90: {  	v19 =	vmul.f32 @p0 v19, v10  }
0x91: {  	v22 =	vmul.f32 @p1 v22, v61;
	v23 =	vmul.f32 v31, v23  }
0x92: {  	v11 =	vsub.f32 @p2 $1.500000000e+00, v11;
	v21 =	vmul.f32 @p4 v27, v21;
	v19 =	vsub.f32 @p0 $1.500000000e+00, v19  }
0x93: {  	v14 =	vmul.f32 @p1 v22, v14;
	v27 =	vmul.f32 v23, v30  }
0x94: {  	v11 =	vmul.f32 @p2 v11, v63;
	v10 =	vmul.f32 @p0 v19, v10  }
0x95: {  	v16 =	vpsel p0, v58, v16;
	v14 =	vmul.f32 @p1 v14, v22;
	v19 =	vmul.f32 v27, v23  }
0x96: {  	v9 =	vmul.f32 @p2 v11, v9;
	v11 =	vmul.f32 @p0 v10, v16  }
0x97: {  	v14 =	vpsel p1, v14, v20;
	v16 =	vsub.f32 $1.500000000e+00, v19  }
0x98: {  	v14 =	vsub.f32 @p1 $1.500000000e+00, v14;
	v11 =	vmul.f32 @p0 v11, v10  }
0x99: {  	v15 =	vpsel p1, v22, v15;
	v20 =	vmovc @p1 v29;
	v19 =	vadd.f32 @p2 $9.999999930e-09, v9;
	v16 =	vmul.f32 v16, v23  }
0x9a: {  	v20 =	vpsel p1, v20, v59;
	v14 =	vmul.f32 @p1 v14, v15;
	v11 =	vpsel p0, v11, v26  }
0x9b: {  	(erf) = vrcp.f32 @p2 v19;
	v11 =	vsub.f32 @p0 $1.500000000e+00, v11;
	v22 =	vmul.f32 v16, v30  }
0x9c: {  	s7 =	sadd.s32 @p4 $0x10, s7;
	s8 =	simm.s32 $0x4F80;
	v14 =	vmul.f32 @p1 v14, v20;
	v10 =	vpsel p0, v10, v17  }
0x9d: {  	s8 =	smov.u32 @p4 s7;
	v10 =	vmul.f32 @p0 v11, v10;
	v11 =	vmul.f32 v22, v16  }
0x9e: {  	vm2 =	vmmov @p1 vm2;
	vm1 =	vmmov @p0 vm1;
	v21 =	vnsel @p4 vm7, $0x0, v21;
	v15 =	vld @p3 [tilespmem:s8+$0x0];
	v17 =	vpop @p3 (erf)  }
0x9f: {  	v62 =	vld [tilespmem:$0x1FFF0];
	v12 =	vmul.f32 @p3 v17, v12;
	v17 =	vadd.f32 @p1 $9.999999930e-09, v14;
	v19 =	vmovc @p0 v28;
	v11 =	vsub.f32 $1.500000000e+00, v11  }
0xa0: {  	vm4 =	vmmov @p1 vm2;
	v21 =	vadd.f32 @p4 v21, v24;
	v24 =	vld [tilespmem:$0x1FF20];
	v19 =	vpsel p0, v19, v25  }
0xa1: {  	v61 =	vld [tilespmem:$0x1FFE0];
	(erf) = vrcp.f32 @p1 v17;
	v19 =	vpsel p0, v19, v57;
	v11 =	vmul.f32 v11, v16  }
0xa2: {  	vm3 =	vmmov @p0 vm1;
	vm10 =	vmmov @p2 vm6;
	v58 =	vld [tilespmem:$0x1FFB0];
	v10 =	vmul.f32 @p0 v10, v19  }
0xa3: {  	vm6 =	vmmov @p3 vm8;
	v29 =	vld [tilespmem:$0x1FF70];
	v15 =	vpsel p3, v15, v0;
	v11 =	vmul.f32 v11, v13  }
0xa4: {  	s7 =	sadd.s32 @p3 $0x10, s8;
	v60 =	vld [tilespmem:$0x1FFD0];
	s8 =	simm.s32 $0x4F80;
	v9 =	vpsel p2, v9, v18;
	v12 =	vpsel p3, v12, v0;
	v17 =	vadd.f32 @p0 $9.999999930e-09, v10;
	v13 =	vpop @p2 (erf)  }
0xa5: {  	v59 =	vld [tilespmem:$0x1FFC0];
	s8 =	smov.u32 @p3 s7;
	v12 =	vmul.f32 @p3 v12, v15;
	v9 =	vmul.f32 @p2 v13, v9;
	v13 =	vadd.f32 $9.999999930e-09, v11  }
0xa6: {  	vm2 =	vmmov @p1 vm4;
	vm1 =	vmmov @p3 vm6;
	s7 =	sadd.s32 @p2 $0x10, s8;
	v15 =	vld @p2 [tilespmem:s8+$0x0];
	s8 =	simm.s32 $0x4F80;
	(erf) = vrcp.f32 @p0 v17  }
0xa7: {  	vm3 =	vmmov @p0 vm3;
	v31 =	vld [tilespmem:$0x1FF90];
	s8 =	smov.u32 @p2 s7;
	v12 =	vnsel @p3 vm1, $0x0, v12;
	v16 =	vpsel p4, v21, v55  }
0xa8: {  	vm2 =	vmmov @p1 vm2;
	vm0 =	vmmov @p0 vm3;
	v12 =	vadd.f32 @p3 v12, v16;
	v16 =	vld @p1 [tilespmem:s8+$0x0]  }
0xa9: {  	vm7 =	vmmov @p2 vm10;
	vm2 =	vmmov @p1 vm2;
	v20 =	vld [tilespmem:$0x1FEE0];
	(erf) = vrcp.f32 v13;
	v13 =	vmovc @p1 v14  }
0xaa: {  	vm0 =	vmmov @p0 vm0;
	vm5 =	vmmov @p2 vm7;
	v27 =	vld [tilespmem:$0x1FF50];
	v14 =	vpop @p1 (erf);
	v13 =	vpsel p1, v13, v0  }
0xab: {  	v18 =	vld [tilespmem:$0x1FEC0];
	s7 =	sadd.s32 @p1 $0x10, s8;
	v15 =	vpsel p2, v15, v0;
	s8 =	simm.s32 $0x4F80;
	v9 =	vpsel p2, v9, v0;
	v13 =	vmul.f32 @p1 v14, v13  }
0xac: {  	vm4 =	vmmov @p2 vm5;
	v23 =	vld [tilespmem:$0x1FF10];
	s8 =	smov.u32 @p1 s7;
	v12 =	vpsel p3, v12, v55;
	v9 =	vmul.f32 @p2 v9, v15  }
0xad: {  	vm3 =	vmmov @p2 vm4;
	v15 =	vpsel p1, v16, v0;
	v14 =	vld @p0 [tilespmem:s8+$0x0];
	v13 =	vpsel p1, v13, v0  }
0xae: {  	vm2 =	vmmov @p1 vm2;
	v26 =	vld [tilespmem:$0x1FF40];
	v9 =	vnsel @p2 vm3, $0x0, v9;
	v13 =	vmul.f32 @p1 v13, v15  }
0xaf: {  	vm2 =	vmmov @p1 vm2;
	v28 =	vld [tilespmem:$0x1FF60];
	v10 =	vpsel p0, v10, v0;
	s7 =	sadd.s32 @p0 $0x10, s8;
	v9 =	vadd.f32 @p2 v9, v12;
	v12 =	vpop @p0 (erf)  }
0xb0: {  	vm0 =	vmmov @p0 vm0;
	v30 =	vld [tilespmem:$0x1FF80];
	s16 =	smov.u32 @p0 s7;
	v10 =	vmul.f32 @p0 v12, v10;
	v13 =	vnsel @p1 vm2, $0x0, v13  }
0xb1: {  	vm14 =	vmmov vm9;
	vm0 =	vmmov @p0 vm0;
	v12 =	vld [tilespmem:s16+$0x0]  }
0xb2: {  	v25 =	vld [tilespmem:$0x1FF30];
	v9 =	vpsel p2, v9, v55;
	v10 =	vpsel p0, v10, v0;
	v14 =	vpsel p0, v14, v0  }
0xb3: {  	vm0 =	vmmov @p0 vm0;
	v22 =	vld [tilespmem:$0x1FF00];
	v9 =	vadd.f32 @p1 v13, v9;
	v10 =	vmul.f32 @p0 v10, v14;
	v13 =	vpop (erf)  }
0xb4: {  	vm0 =	vmmov @p0 vm0;
	vm1 =	vmmov vm14;
	v57 =	vld [tilespmem:$0x1FFA0];
	v11 =	vmul.f32 v13, v11  }
0xb5: {  	vm1 =	vmmov vm1;
	v19 =	vld [tilespmem:$0x1FED0];
	v9 =	vpsel p1, v9, v55;
	v10 =	vnsel @p0 vm0, $0x0, v10  }
0xb6: {  	vm15 =	vmmov vm1;
	v21 =	vld [tilespmem:$0x1FEF0];
	v9 =	vadd.f32 @p0 v10, v9;
	v10 =	vmul.f32 v11, v12  }
0xb7: {  	v17 =	vld [tilespmem:$0x1FEB0];
	vm0 =	vmmov vm15  }
0xb8: {  	v16 =	vld [tilespmem:$0x1FEA0];
	v9 =	vpsel p0, v9, v55;
	v10 =	vnsel vm0, $0x0, v10  }
0xb9: {  	v15 =	vld [tilespmem:$0x1FE90];
	v9 =	vadd.f32 v10, v9  }
.LBB2_45:
0xba: {  	_ = 	snop  }
0xbb: {  	(xrf2) =	vadd.scan.msk.f32 $0xffff, v9;
	_ =	sdelay $0x9  }
0xbc: {  	v9, _, _ =	vpop (xrf2)  }
0xbd: {  	(v2sf) =	vpush v9, $0xF;
	_ =	sdelay $0xc  }
0xbe: {  	p0 =	sne.s32 s18, $0x20  }
.Ltmp3:
0xbf: {  	_ = 	snop;
	(pc) =	sbr.rel @!p0 .LBB2_46-.Ltmp3, $4  }
0xc0: {  	s7 =	spop (v2sf)  }
0xc1: {  	s7 =	smul.f32 $3.125000000e-02, s7;
	_ =	swait.ge [sflag:s2], $0x380  }
0xc2: {  	vm0 =	veq.s32 v54, v0;
	vm1 =	veq.s32 v54, v2;
	[sflag:s2] =	ssyncset.done $0x0  }
0xc3: {  	[sflag:s2] =	ssyncadd.s32 $0xFFFFFC80;
	v53 =	vsel vm0, s7, v53;
	v52 =	vsel vm1, s7, v52  }
.LBB2_2:
0xc4: {  	s16 =	smov.u32 s18;
	s18 =	sadd.s32 $0x1, s18  }
0xc5: {  	s7 =	smin.u32 s18, $0x1F  }
0xc6: {  	s9 =	sor.u32 s4, s7  }
0xc7: {  	s9 =	sshrl.u32 s9, $0x3  }
0xc8: {  	s7 =	sshll.u32 s7, $0x7;
	s9 =	smul.u32 $0x1C00, s9  }
0xc9: {  	s7 =	sand.u32 $0x380, s7  }
0xca: {  	s10 =	sshll.u32 s16, $0x7;
	s7 =	sor.u32 s7, s9  }
0xcb: {  	s20 =	sand.u32 $0x80, s10;
	s7 =	sshrl.u32 s7, $0x3  }
0xcc: {  	s9 =	sxor.u32 $0x80, s20;
	s7 =	sadd.s32 s1, s7  }
0xcd: {  	[tilespmem:s9], [sflag:$0x3] =	stream.linear.gather [hbm4b:s7+s3], $0x80, $0x38;
	[tilespmem:$0x5280] =	vst v63  }
0xce: {  	s11 =	sor.u32 $0x100, s9;
	s8 =	sadd.s32 $0x80, s7  }
0xcf: {  	[tilespmem:s11], [sflag:$0x3] =	stream.linear.gather [hbm4b:s8+s3], $0x80, $0x38;
	[tilespmem:$0x5280] =	vst v63  }
0xd0: {  	s13 =	sor.u32 $0x200, s9;
	s11 =	sadd.s32 $0x100, s7  }
0xd1: {  	[tilespmem:s13], [sflag:$0x3] =	stream.linear.gather [hbm4b:s11+s3], $0x80, $0x38;
	[tilespmem:$0x5280] =	vst v63  }
0xd2: {  	s17 =	sor.u32 $0x300, s9;
	s15 =	sadd.s32 $0x180, s7  }
0xd3: {  	[tilespmem:s17], [sflag:$0x3] =	stream.linear.gather [hbm4b:s15+s3], $0x80, $0x38;
	[tilespmem:$0x5280] =	vst v63  }
0xd4: {  	s21 =	sor.u32 $0x400, s9;
	s19 =	sadd.s32 $0x200, s7  }
0xd5: {  	[tilespmem:s21], [sflag:$0x3] =	stream.linear.gather [hbm4b:s19+s3], $0x80, $0x38;
	[tilespmem:$0x5280] =	vst v63  }
0xd6: {  	s24 =	sor.u32 $0x500, s9;
	s23 =	sadd.s32 $0x280, s7  }
0xd7: {  	[tilespmem:s24], [sflag:$0x3] =	stream.linear.gather [hbm4b:s23+s3], $0x80, $0x38;
	[tilespmem:$0x5280] =	vst v63  }
0xd8: {  	s9 =	sor.u32 $0x600, s9;
	s7 =	sadd.s32 $0x300, s7  }
0xd9: {  	[tilespmem:s9], [sflag:$0x3] =	stream.linear.gather [hbm4b:s7+s3], $0x80, $0x38;
	[tilespmem:$0x5280] =	vst v63  }
0xda: {  	v9 =	vld [tilespmem:$0x700]  }
0xdb: {  	v10 =	vld [tilespmem:$0x710];
	_ =	sdelay $0x2  }
0xdc: {  	v54 =	vmov s16;
	v11 =	vld [tilespmem:s20+$0x0]  }
0xdd: {  	vm0 =	vlt.u32 v54, $0x10  }
0xde: {  	v9 =	vsel vm0, v9, v10  }
0xdf: {  	v55 =	vperm.xlane v9, v54;
	_ =	sdelay $0x1  }
0xe0: {  	vm14 =	vle.f32 v11, v55  }
0xe1: {  	v9 =	vmpcnt.ones.xlane vm14;
	_ =	sdelay $0x1  }
0xe2: {  	(v2sf) =	vpush v9, $0x0;
	_ =	sdelay $0xa  }
0xe3: {  	[tilespmem:s25+$0x0] =	vst.msk vm14, v0  }
0xe4: {  	v9 =	vld [tilespmem:s20+$0x10];
	_ =	sdelay $0x2  }
0xe5: {  	s8 =	spop (v2sf)  }
0xe6: {  	p0 =	slt.s32 s8, $0x270;
	s9 =	smov.u32 s8  }
0xe7: {  	vm15 =	vle.f32 v9, v55;
	s9 =	simm.s32 @!p0 $0x270  }
0xe8: {  	v9 =	vmpcnt.ones.xlane vm15;
	[tilespmem:s9+$0x780] =	vst.msk vm15, v2  }
0xe9: {  	v10 =	vld [tilespmem:s20+$0x20]  }
0xea: {  	(v2sf) =	vpush v9, $0x0;
	_ =	sdelay $0x3  }
0xeb: {  	vm4 =	vle.f32 v10, v55  }
0xec: {  	v9 =	vmpcnt.ones.xlane vm4;
	_ =	sdelay $0x1  }
0xed: {  	(v2sf) =	vpush v9, $0x0;
	_ =	sdelay $0x7  }
0xee: {  	s10 =	spop (v2sf)  }
0xef: {  	s7 =	sadd.s32 s8, s10  }
0xf0: {  	p0 =	slt.s32 s7, $0x270;
	s9 =	smov.u32 s7  }
0xf1: {  	s9 =	simm.s32 @!p0 $0x270  }
0xf2: {  	[tilespmem:s9+$0x780] =	vst.msk vm4, v3  }
0xf3: {  	v9 =	vld [tilespmem:s20+$0x30];
	_ =	sdelay $0x1  }
0xf4: {  	s11 =	spop (v2sf)  }
0xf5: {  	s7 =	sadd.s32 s7, s11  }
0xf6: {  	p0 =	slt.s32 s7, $0x270;
	s9 =	smov.u32 s7  }
0xf7: {  	vm5 =	vle.f32 v9, v55;
	s9 =	simm.s32 @!p0 $0x270  }
0xf8: {  	v9 =	vmpcnt.ones.xlane vm5;
	[tilespmem:s9+$0x780] =	vst.msk vm5, v4  }
0xf9: {  	v10 =	vld [tilespmem:s20+$0x40]  }
0xfa: {  	(v2sf) =	vpush v9, $0x0;
	_ =	sdelay $0x3  }
0xfb: {  	vm6 =	vle.f32 v10, v55  }
0xfc: {  	v9 =	vmpcnt.ones.xlane vm6;
	_ =	sdelay $0x1  }
0xfd: {  	(v2sf) =	vpush v9, $0x0;
	_ =	sdelay $0x7  }
0xfe: {  	s13 =	spop (v2sf)  }
0xff: {  	s7 =	sadd.s32 s7, s13  }
0x100: {  	p0 =	slt.s32 s7, $0x270;
	s9 =	smov.u32 s7  }
0x101: {  	s9 =	simm.s32 @!p0 $0x270  }
0x102: {  	[tilespmem:s9+$0x780] =	vst.msk vm6, v5  }
0x103: {  	v9 =	vld [tilespmem:s20+$0x50];
	_ =	sdelay $0x1  }
0x104: {  	s15 =	spop (v2sf)  }
0x105: {  	s7 =	sadd.s32 s7, s15  }
0x106: {  	p0 =	slt.s32 s7, $0x270;
	s9 =	smov.u32 s7  }
0x107: {  	vm7 =	vle.f32 v9, v55;
	s9 =	simm.s32 @!p0 $0x270  }
0x108: {  	v9 =	vmpcnt.ones.xlane vm7;
	[tilespmem:s9+$0x780] =	vst.msk vm7, v6  }
0x109: {  	v10 =	vld [tilespmem:s20+$0x60]  }
0x10a: {  	(v2sf) =	vpush v9, $0x0;
	_ =	sdelay $0x3  }
0x10b: {  	vm8 =	vle.f32 v10, v55  }
0x10c: {  	v9 =	vmpcnt.ones.xlane vm8;
	_ =	sdelay $0x1  }
0x10d: {  	(v2sf) =	vpush v9, $0x0;
	_ =	sdelay $0x7  }
0x10e: {  	s17 =	spop (v2sf)  }
0x10f: {  	s7 =	sadd.s32 s7, s17  }
0x110: {  	p0 =	slt.s32 s7, $0x270;
	s9 =	smov.u32 s7  }
0x111: {  	s9 =	simm.s32 @!p0 $0x270  }
0x112: {  	[tilespmem:s9+$0x780] =	vst.msk vm8, v7  }
0x113: {  	v9 =	vld [tilespmem:s20+$0x70];
	_ =	sdelay $0x1  }
0x114: {  	s19 =	spop (v2sf)  }
0x115: {  	s7 =	sadd.s32 s7, s19  }
0x116: {  	p0 =	slt.s32 s7, $0x270;
	s9 =	smov.u32 s7  }
0x117: {  	vm9 =	vle.f32 v9, v55;
	s9 =	simm.s32 @!p0 $0x270  }
0x118: {  	v9 =	vmpcnt.ones.xlane vm9;
	[tilespmem:s9+$0x780] =	vst.msk vm9, v8  }
0x119: {  	v10 =	vld [tilespmem:s20+$0x100]  }
0x11a: {  	(v2sf) =	vpush v9, $0x0;
	_ =	sdelay $0x3  }
0x11b: {  	vm10 =	vle.f32 v10, v55  }
0x11c: {  	v9 =	vmpcnt.ones.xlane vm10;
	_ =	sdelay $0x1  }
0x11d: {  	(v2sf) =	vpush v9, $0x0;
	_ =	sdelay $0x7  }
0x11e: {  	s21 =	spop (v2sf)  }
0x11f: {  	s7 =	sadd.s32 s7, s21  }
0x120: {  	p0 =	slt.s32 s7, $0x270;
	s9 =	smov.u32 s7  }
0x121: {  	s9 =	simm.s32 @!p0 $0x270  }
0x122: {  	[tilespmem:s9+$0x780] =	vst.msk vm10, v15  }
0x123: {  	v9 =	vld [tilespmem:s20+$0x110];
	_ =	sdelay $0x1  }
0x124: {  	s23 =	spop (v2sf)  }
0x125: {  	s7 =	sadd.s32 s7, s23  }
0x126: {  	p0 =	slt.s32 s7, $0x270;
	s9 =	smov.u32 s7  }
0x127: {  	vm11 =	vle.f32 v9, v55;
	s9 =	simm.s32 @!p0 $0x270  }
0x128: {  	v9 =	vmpcnt.ones.xlane vm11;
	[tilespmem:s9+$0x780] =	vst.msk vm11, v16  }
0x129: {  	v10 =	vld [tilespmem:s20+$0x120]  }
0x12a: {  	(v2sf) =	vpush v9, $0x0;
	_ =	sdelay $0x3  }
0x12b: {  	vm12 =	vle.f32 v10, v55  }
0x12c: {  	v9 =	vmpcnt.ones.xlane vm12;
	_ =	sdelay $0x1  }
0x12d: {  	(v2sf) =	vpush v9, $0x0;
	_ =	sdelay $0x7  }
0x12e: {  	s24 =	spop (v2sf)  }
0x12f: {  	s7 =	sadd.s32 s7, s24  }
0x130: {  	p0 =	slt.s32 s7, $0x270;
	s9 =	smov.u32 s7  }
0x131: {  	s9 =	simm.s32 @!p0 $0x270  }
0x132: {  	[tilespmem:s9+$0x780] =	vst.msk vm12, v17  }
0x133: {  	v9 =	vld [tilespmem:s20+$0x130];
	_ =	sdelay $0x1  }
0x134: {  	s8 =	spop (v2sf)  }
0x135: {  	s7 =	sadd.s32 s7, s8  }
0x136: {  	p0 =	slt.s32 s7, $0x270;
	s9 =	smov.u32 s7  }
0x137: {  	vm13 =	vle.f32 v9, v55;
	s9 =	simm.s32 @!p0 $0x270  }
0x138: {  	v9 =	vmpcnt.ones.xlane vm13;
	[tilespmem:s9+$0x780] =	vst.msk vm13, v18  }
0x139: {  	v10 =	vld [tilespmem:s20+$0x140]  }
0x13a: {  	(v2sf) =	vpush v9, $0x0;
	_ =	sdelay $0x3  }
0x13b: {  	vm14 =	vle.f32 v10, v55  }
0x13c: {  	v9 =	vmpcnt.ones.xlane vm14;
	_ =	sdelay $0x1  }
0x13d: {  	(v2sf) =	vpush v9, $0x0;
	_ =	sdelay $0x7  }
0x13e: {  	s10 =	spop (v2sf)  }
0x13f: {  	s7 =	sadd.s32 s7, s10  }
0x140: {  	p0 =	slt.s32 s7, $0x270;
	s9 =	smov.u32 s7  }
0x141: {  	s9 =	simm.s32 @!p0 $0x270  }
0x142: {  	[tilespmem:s9+$0x780] =	vst.msk vm14, v19  }
0x143: {  	v9 =	vld [tilespmem:s20+$0x150];
	_ =	sdelay $0x1  }
0x144: {  	s11 =	spop (v2sf)  }
0x145: {  	s7 =	sadd.s32 s7, s11  }
0x146: {  	p0 =	slt.s32 s7, $0x270;
	s9 =	smov.u32 s7  }
0x147: {  	vm15 =	vle.f32 v9, v55;
	s9 =	simm.s32 @!p0 $0x270  }
0x148: {  	v9 =	vmpcnt.ones.xlane vm15;
	[tilespmem:s9+$0x780] =	vst.msk vm15, v20  }
0x149: {  	v10 =	vld [tilespmem:s20+$0x160]  }
0x14a: {  	(v2sf) =	vpush v9, $0x0;
	_ =	sdelay $0x3  }
0x14b: {  	vm4 =	vle.f32 v10, v55  }
0x14c: {  	v9 =	vmpcnt.ones.xlane vm4;
	_ =	sdelay $0x1  }
0x14d: {  	(v2sf) =	vpush v9, $0x0;
	_ =	sdelay $0x7  }
0x14e: {  	s13 =	spop (v2sf)  }
0x14f: {  	s7 =	sadd.s32 s7, s13  }
0x150: {  	p0 =	slt.s32 s7, $0x270;
	s9 =	smov.u32 s7  }
0x151: {  	s9 =	simm.s32 @!p0 $0x270  }
0x152: {  	[tilespmem:s9+$0x780] =	vst.msk vm4, v21  }
0x153: {  	v9 =	vld [tilespmem:s20+$0x170];
	_ =	sdelay $0x1  }
0x154: {  	s15 =	spop (v2sf)  }
0x155: {  	s7 =	sadd.s32 s7, s15  }
0x156: {  	p0 =	slt.s32 s7, $0x270;
	s9 =	smov.u32 s7  }
0x157: {  	vm5 =	vle.f32 v9, v55;
	s9 =	simm.s32 @!p0 $0x270  }
0x158: {  	v9 =	vmpcnt.ones.xlane vm5;
	[tilespmem:s9+$0x780] =	vst.msk vm5, v22  }
0x159: {  	v10 =	vld [tilespmem:s20+$0x200]  }
0x15a: {  	(v2sf) =	vpush v9, $0x0;
	_ =	sdelay $0x3  }
0x15b: {  	vm6 =	vle.f32 v10, v55  }
0x15c: {  	v9 =	vmpcnt.ones.xlane vm6;
	_ =	sdelay $0x1  }
0x15d: {  	(v2sf) =	vpush v9, $0x0;
	_ =	sdelay $0x7  }
0x15e: {  	s17 =	spop (v2sf)  }
0x15f: {  	s7 =	sadd.s32 s7, s17  }
0x160: {  	p0 =	slt.s32 s7, $0x270;
	s9 =	smov.u32 s7  }
0x161: {  	s9 =	simm.s32 @!p0 $0x270  }
0x162: {  	[tilespmem:s9+$0x780] =	vst.msk vm6, v23  }
0x163: {  	v9 =	vld [tilespmem:s20+$0x210];
	_ =	sdelay $0x1  }
0x164: {  	s19 =	spop (v2sf)  }
0x165: {  	s7 =	sadd.s32 s7, s19  }
0x166: {  	p0 =	slt.s32 s7, $0x270;
	s9 =	smov.u32 s7  }
0x167: {  	vm7 =	vle.f32 v9, v55;
	s9 =	simm.s32 @!p0 $0x270  }
0x168: {  	v9 =	vmpcnt.ones.xlane vm7;
	[tilespmem:s9+$0x780] =	vst.msk vm7, v24  }
0x169: {  	v10 =	vld [tilespmem:s20+$0x220]  }
0x16a: {  	(v2sf) =	vpush v9, $0x0;
	_ =	sdelay $0x3  }
0x16b: {  	vm8 =	vle.f32 v10, v55  }
0x16c: {  	v9 =	vmpcnt.ones.xlane vm8;
	_ =	sdelay $0x1  }
0x16d: {  	(v2sf) =	vpush v9, $0x0;
	_ =	sdelay $0x7  }
0x16e: {  	s21 =	spop (v2sf)  }
0x16f: {  	s7 =	sadd.s32 s7, s21  }
0x170: {  	p0 =	slt.s32 s7, $0x270;
	s9 =	smov.u32 s7  }
0x171: {  	s9 =	simm.s32 @!p0 $0x270  }
0x172: {  	[tilespmem:s9+$0x780] =	vst.msk vm8, v25  }
0x173: {  	v9 =	vld [tilespmem:s20+$0x230];
	_ =	sdelay $0x1  }
0x174: {  	s23 =	spop (v2sf)  }
0x175: {  	s7 =	sadd.s32 s7, s23  }
0x176: {  	p0 =	slt.s32 s7, $0x270;
	s9 =	smov.u32 s7  }
0x177: {  	vm9 =	vle.f32 v9, v55;
	s9 =	simm.s32 @!p0 $0x270  }
0x178: {  	v9 =	vmpcnt.ones.xlane vm9;
	[tilespmem:s9+$0x780] =	vst.msk vm9, v26  }
0x179: {  	v10 =	vld [tilespmem:s20+$0x240]  }
0x17a: {  	(v2sf) =	vpush v9, $0x0;
	_ =	sdelay $0x3  }
0x17b: {  	vm10 =	vle.f32 v10, v55  }
0x17c: {  	v9 =	vmpcnt.ones.xlane vm10;
	_ =	sdelay $0x1  }
0x17d: {  	(v2sf) =	vpush v9, $0x0;
	_ =	sdelay $0x7  }
0x17e: {  	s24 =	spop (v2sf)  }
0x17f: {  	s7 =	sadd.s32 s7, s24  }
0x180: {  	p0 =	slt.s32 s7, $0x270;
	s9 =	smov.u32 s7  }
0x181: {  	s9 =	simm.s32 @!p0 $0x270  }
0x182: {  	[tilespmem:s9+$0x780] =	vst.msk vm10, v27  }
0x183: {  	v9 =	vld [tilespmem:s20+$0x250];
	_ =	sdelay $0x1  }
0x184: {  	s8 =	spop (v2sf)  }
0x185: {  	s7 =	sadd.s32 s7, s8  }
0x186: {  	p0 =	slt.s32 s7, $0x270;
	s9 =	smov.u32 s7  }
0x187: {  	vm11 =	vle.f32 v9, v55;
	s9 =	simm.s32 @!p0 $0x270  }
0x188: {  	v9 =	vmpcnt.ones.xlane vm11;
	[tilespmem:s9+$0x780] =	vst.msk vm11, v28  }
0x189: {  	v10 =	vld [tilespmem:s20+$0x260]  }
0x18a: {  	(v2sf) =	vpush v9, $0x0;
	_ =	sdelay $0x3  }
0x18b: {  	vm12 =	vle.f32 v10, v55  }
0x18c: {  	v9 =	vmpcnt.ones.xlane vm12;
	_ =	sdelay $0x1  }
0x18d: {  	(v2sf) =	vpush v9, $0x0;
	_ =	sdelay $0x7  }
0x18e: {  	s10 =	spop (v2sf)  }
0x18f: {  	s7 =	sadd.s32 s7, s10  }
0x190: {  	p0 =	slt.s32 s7, $0x270;
	s9 =	smov.u32 s7  }
0x191: {  	s9 =	simm.s32 @!p0 $0x270  }
0x192: {  	[tilespmem:s9+$0x780] =	vst.msk vm12, v29  }
0x193: {  	v9 =	vld [tilespmem:s20+$0x270];
	_ =	sdelay $0x1  }
0x194: {  	s11 =	spop (v2sf)  }
0x195: {  	s7 =	sadd.s32 s7, s11  }
0x196: {  	p0 =	slt.s32 s7, $0x270;
	s9 =	smov.u32 s7  }
0x197: {  	vm13 =	vle.f32 v9, v55;
	s9 =	simm.s32 @!p0 $0x270  }
0x198: {  	v9 =	vmpcnt.ones.xlane vm13;
	[tilespmem:s9+$0x780] =	vst.msk vm13, v30  }
0x199: {  	v10 =	vld [tilespmem:s20+$0x300]  }
0x19a: {  	(v2sf) =	vpush v9, $0x0;
	_ =	sdelay $0x3  }
0x19b: {  	vm14 =	vle.f32 v10, v55  }
0x19c: {  	v9 =	vmpcnt.ones.xlane vm14;
	_ =	sdelay $0x1  }
0x19d: {  	(v2sf) =	vpush v9, $0x0;
	_ =	sdelay $0x7  }
0x19e: {  	s13 =	spop (v2sf)  }
0x19f: {  	s7 =	sadd.s32 s7, s13  }
0x1a0: {  	p0 =	slt.s32 s7, $0x270;
	s9 =	smov.u32 s7  }
0x1a1: {  	s9 =	simm.s32 @!p0 $0x270  }
0x1a2: {  	[tilespmem:s9+$0x780] =	vst.msk vm14, v31  }
0x1a3: {  	v9 =	vld [tilespmem:s20+$0x310];
	_ =	sdelay $0x1  }
0x1a4: {  	s15 =	spop (v2sf)  }
0x1a5: {  	s7 =	sadd.s32 s7, s15  }
0x1a6: {  	p0 =	slt.s32 s7, $0x270;
	s9 =	smov.u32 s7  }
0x1a7: {  	vm15 =	vle.f32 v9, v55;
	s9 =	simm.s32 @!p0 $0x270  }
0x1a8: {  	v9 =	vmpcnt.ones.xlane vm15;
	[tilespmem:s9+$0x780] =	vst.msk vm15, v57  }
0x1a9: {  	v10 =	vld [tilespmem:s20+$0x320]  }
0x1aa: {  	(v2sf) =	vpush v9, $0x0;
	_ =	sdelay $0x3  }
0x1ab: {  	vm4 =	vle.f32 v10, v55  }
0x1ac: {  	v9 =	vmpcnt.ones.xlane vm4;
	_ =	sdelay $0x1  }
0x1ad: {  	(v2sf) =	vpush v9, $0x0;
	_ =	sdelay $0x7  }
0x1ae: {  	s17 =	spop (v2sf)  }
0x1af: {  	s7 =	sadd.s32 s7, s17  }
0x1b0: {  	p0 =	slt.s32 s7, $0x270;
	s9 =	smov.u32 s7  }
0x1b1: {  	s9 =	simm.s32 @!p0 $0x270  }
0x1b2: {  	[tilespmem:s9+$0x780] =	vst.msk vm4, v58  }
0x1b3: {  	v9 =	vld [tilespmem:s20+$0x330];
	_ =	sdelay $0x1  }
0x1b4: {  	s19 =	spop (v2sf)  }
0x1b5: {  	s7 =	sadd.s32 s7, s19  }
0x1b6: {  	p0 =	slt.s32 s7, $0x270;
	s9 =	smov.u32 s7  }
0x1b7: {  	vm5 =	vle.f32 v9, v55;
	s9 =	simm.s32 @!p0 $0x270  }
0x1b8: {  	v9 =	vmpcnt.ones.xlane vm5;
	[tilespmem:s9+$0x780] =	vst.msk vm5, v59  }
0x1b9: {  	v10 =	vld [tilespmem:s20+$0x340]  }
0x1ba: {  	(v2sf) =	vpush v9, $0x0;
	_ =	sdelay $0x3  }
0x1bb: {  	vm6 =	vle.f32 v10, v55  }
0x1bc: {  	v9 =	vmpcnt.ones.xlane vm6;
	_ =	sdelay $0x1  }
0x1bd: {  	(v2sf) =	vpush v9, $0x0;
	_ =	sdelay $0x7  }
0x1be: {  	s21 =	spop (v2sf)  }
0x1bf: {  	s7 =	sadd.s32 s7, s21  }
0x1c0: {  	p0 =	slt.s32 s7, $0x270;
	s9 =	smov.u32 s7  }
0x1c1: {  	s9 =	simm.s32 @!p0 $0x270  }
0x1c2: {  	[tilespmem:s9+$0x780] =	vst.msk vm6, v60  }
0x1c3: {  	v9 =	vld [tilespmem:s20+$0x350];
	_ =	sdelay $0x1  }
0x1c4: {  	s23 =	spop (v2sf)  }
0x1c5: {  	s7 =	sadd.s32 s7, s23  }
0x1c6: {  	p0 =	slt.s32 s7, $0x270;
	s9 =	smov.u32 s7  }
0x1c7: {  	vm7 =	vle.f32 v9, v55;
	s9 =	simm.s32 @!p0 $0x270  }
0x1c8: {  	v9 =	vmpcnt.ones.xlane vm7;
	[tilespmem:s9+$0x780] =	vst.msk vm7, v61  }
0x1c9: {  	v10 =	vld [tilespmem:s20+$0x360]  }
0x1ca: {  	(v2sf) =	vpush v9, $0x0;
	_ =	sdelay $0x3  }
0x1cb: {  	vm8 =	vle.f32 v10, v55  }
0x1cc: {  	v9 =	vmpcnt.ones.xlane vm8;
	_ =	sdelay $0x1  }
0x1cd: {  	(v2sf) =	vpush v9, $0x0;
	_ =	sdelay $0x7  }
0x1ce: {  	s24 =	spop (v2sf)  }
0x1cf: {  	s7 =	sadd.s32 s7, s24  }
0x1d0: {  	p0 =	slt.s32 s7, $0x270;
	s9 =	smov.u32 s7  }
0x1d1: {  	s9 =	simm.s32 @!p0 $0x270  }
0x1d2: {  	[tilespmem:s9+$0x780] =	vst.msk vm8, v62  }
0x1d3: {  	v9 =	vld [tilespmem:s20+$0x370];
	_ =	sdelay $0x1  }
0x1d4: {  	s8 =	spop (v2sf)  }
0x1d5: {  	s7 =	sadd.s32 s7, s8  }
0x1d6: {  	p0 =	slt.s32 s7, $0x270;
	s9 =	smov.u32 s7  }
0x1d7: {  	vm9 =	vle.f32 v9, v55;
	s9 =	simm.s32 @!p0 $0x270  }
0x1d8: {  	v9 =	vmpcnt.ones.xlane vm9;
	[tilespmem:s9+$0x780] =	vst.msk vm9, v32  }
0x1d9: {  	v10 =	vld [tilespmem:s20+$0x400]  }
0x1da: {  	(v2sf) =	vpush v9, $0x0;
	_ =	sdelay $0x3  }
0x1db: {  	vm10 =	vle.f32 v10, v55  }
0x1dc: {  	v9 =	vmpcnt.ones.xlane vm10;
	_ =	sdelay $0x1  }
0x1dd: {  	(v2sf) =	vpush v9, $0x0;
	_ =	sdelay $0x7  }
0x1de: {  	s10 =	spop (v2sf)  }
0x1df: {  	s7 =	sadd.s32 s7, s10  }
0x1e0: {  	p0 =	slt.s32 s7, $0x270;
	s9 =	smov.u32 s7  }
0x1e1: {  	s9 =	simm.s32 @!p0 $0x270  }
0x1e2: {  	[tilespmem:s9+$0x780] =	vst.msk vm10, v33  }
0x1e3: {  	v9 =	vld [tilespmem:s20+$0x410];
	_ =	sdelay $0x1  }
0x1e4: {  	s11 =	spop (v2sf)  }
0x1e5: {  	s7 =	sadd.s32 s7, s11  }
0x1e6: {  	p0 =	slt.s32 s7, $0x270;
	s9 =	smov.u32 s7  }
0x1e7: {  	vm11 =	vle.f32 v9, v55;
	s9 =	simm.s32 @!p0 $0x270  }
0x1e8: {  	v9 =	vmpcnt.ones.xlane vm11;
	[tilespmem:s9+$0x780] =	vst.msk vm11, v34  }
0x1e9: {  	v10 =	vld [tilespmem:s20+$0x420]  }
0x1ea: {  	(v2sf) =	vpush v9, $0x0;
	_ =	sdelay $0x3  }
0x1eb: {  	vm12 =	vle.f32 v10, v55  }
0x1ec: {  	v9 =	vmpcnt.ones.xlane vm12;
	_ =	sdelay $0x1  }
0x1ed: {  	(v2sf) =	vpush v9, $0x0;
	_ =	sdelay $0x7  }
0x1ee: {  	s13 =	spop (v2sf)  }
0x1ef: {  	s7 =	sadd.s32 s7, s13  }
0x1f0: {  	p0 =	slt.s32 s7, $0x270;
	s9 =	smov.u32 s7  }
0x1f1: {  	s9 =	simm.s32 @!p0 $0x270  }
0x1f2: {  	[tilespmem:s9+$0x780] =	vst.msk vm12, v35  }
0x1f3: {  	v9 =	vld [tilespmem:s20+$0x430];
	_ =	sdelay $0x1  }
0x1f4: {  	s15 =	spop (v2sf)  }
0x1f5: {  	s7 =	sadd.s32 s7, s15  }
0x1f6: {  	p0 =	slt.s32 s7, $0x270;
	s9 =	smov.u32 s7  }
0x1f7: {  	vm13 =	vle.f32 v9, v55;
	s9 =	simm.s32 @!p0 $0x270  }
0x1f8: {  	v9 =	vmpcnt.ones.xlane vm13;
	[tilespmem:s9+$0x780] =	vst.msk vm13, v36  }
0x1f9: {  	v10 =	vld [tilespmem:s20+$0x440]  }
0x1fa: {  	(v2sf) =	vpush v9, $0x0;
	_ =	sdelay $0x3  }
0x1fb: {  	vm14 =	vle.f32 v10, v55  }
0x1fc: {  	v9 =	vmpcnt.ones.xlane vm14;
	_ =	sdelay $0x1  }
0x1fd: {  	(v2sf) =	vpush v9, $0x0;
	_ =	sdelay $0x7  }
0x1fe: {  	s17 =	spop (v2sf)  }
0x1ff: {  	s7 =	sadd.s32 s7, s17  }
0x200: {  	p0 =	slt.s32 s7, $0x270;
	s9 =	smov.u32 s7  }
0x201: {  	s9 =	simm.s32 @!p0 $0x270  }
0x202: {  	[tilespmem:s9+$0x780] =	vst.msk vm14, v37  }
0x203: {  	v9 =	vld [tilespmem:s20+$0x450];
	_ =	sdelay $0x1  }
0x204: {  	s19 =	spop (v2sf)  }
0x205: {  	s7 =	sadd.s32 s7, s19  }
0x206: {  	p0 =	slt.s32 s7, $0x270;
	s9 =	smov.u32 s7  }
0x207: {  	vm15 =	vle.f32 v9, v55;
	s9 =	simm.s32 @!p0 $0x270  }
0x208: {  	v9 =	vmpcnt.ones.xlane vm15;
	[tilespmem:s9+$0x780] =	vst.msk vm15, v38  }
0x209: {  	v10 =	vld [tilespmem:s20+$0x460]  }
0x20a: {  	(v2sf) =	vpush v9, $0x0;
	_ =	sdelay $0x3  }
0x20b: {  	vm4 =	vle.f32 v10, v55  }
0x20c: {  	v9 =	vmpcnt.ones.xlane vm4;
	_ =	sdelay $0x1  }
0x20d: {  	(v2sf) =	vpush v9, $0x0;
	_ =	sdelay $0x7  }
0x20e: {  	s21 =	spop (v2sf)  }
0x20f: {  	s7 =	sadd.s32 s7, s21  }
0x210: {  	p0 =	slt.s32 s7, $0x270;
	s9 =	smov.u32 s7  }
0x211: {  	s9 =	simm.s32 @!p0 $0x270  }
0x212: {  	[tilespmem:s9+$0x780] =	vst.msk vm4, v39  }
0x213: {  	v9 =	vld [tilespmem:s20+$0x470];
	_ =	sdelay $0x1  }
0x214: {  	s23 =	spop (v2sf)  }
0x215: {  	s7 =	sadd.s32 s7, s23  }
0x216: {  	p0 =	slt.s32 s7, $0x270;
	s9 =	smov.u32 s7  }
0x217: {  	vm5 =	vle.f32 v9, v55;
	s9 =	simm.s32 @!p0 $0x270  }
0x218: {  	v9 =	vmpcnt.ones.xlane vm5;
	[tilespmem:s9+$0x780] =	vst.msk vm5, v40  }
0x219: {  	v10 =	vld [tilespmem:s20+$0x500]  }
0x21a: {  	(v2sf) =	vpush v9, $0x0;
	_ =	sdelay $0x3  }
0x21b: {  	vm6 =	vle.f32 v10, v55  }
0x21c: {  	v9 =	vmpcnt.ones.xlane vm6;
	_ =	sdelay $0x1  }
0x21d: {  	(v2sf) =	vpush v9, $0x0;
	_ =	sdelay $0x7  }
0x21e: {  	s24 =	spop (v2sf)  }
0x21f: {  	s7 =	sadd.s32 s7, s24  }
0x220: {  	p0 =	slt.s32 s7, $0x270;
	s9 =	smov.u32 s7  }
0x221: {  	s9 =	simm.s32 @!p0 $0x270  }
0x222: {  	[tilespmem:s9+$0x780] =	vst.msk vm6, v41  }
0x223: {  	v9 =	vld [tilespmem:s20+$0x510];
	_ =	sdelay $0x1  }
0x224: {  	s8 =	spop (v2sf)  }
0x225: {  	s7 =	sadd.s32 s7, s8  }
0x226: {  	p0 =	slt.s32 s7, $0x270;
	s9 =	smov.u32 s7  }
0x227: {  	vm7 =	vle.f32 v9, v55;
	s9 =	simm.s32 @!p0 $0x270  }
0x228: {  	v9 =	vmpcnt.ones.xlane vm7;
	[tilespmem:s9+$0x780] =	vst.msk vm7, v42  }
0x229: {  	v10 =	vld [tilespmem:s20+$0x520]  }
0x22a: {  	(v2sf) =	vpush v9, $0x0;
	_ =	sdelay $0x3  }
0x22b: {  	vm8 =	vle.f32 v10, v55  }
0x22c: {  	v9 =	vmpcnt.ones.xlane vm8;
	_ =	sdelay $0x1  }
0x22d: {  	(v2sf) =	vpush v9, $0x0;
	_ =	sdelay $0x7  }
0x22e: {  	s10 =	spop (v2sf)  }
0x22f: {  	s7 =	sadd.s32 s7, s10  }
0x230: {  	p0 =	slt.s32 s7, $0x270;
	s9 =	smov.u32 s7  }
0x231: {  	s9 =	simm.s32 @!p0 $0x270  }
0x232: {  	[tilespmem:s9+$0x780] =	vst.msk vm8, v43  }
0x233: {  	v9 =	vld [tilespmem:s20+$0x530];
	_ =	sdelay $0x1  }
0x234: {  	s11 =	spop (v2sf)  }
0x235: {  	s7 =	sadd.s32 s7, s11  }
0x236: {  	p0 =	slt.s32 s7, $0x270;
	s9 =	smov.u32 s7  }
0x237: {  	vm9 =	vle.f32 v9, v55;
	s9 =	simm.s32 @!p0 $0x270  }
0x238: {  	v9 =	vmpcnt.ones.xlane vm9;
	[tilespmem:s9+$0x780] =	vst.msk vm9, v44  }
0x239: {  	v10 =	vld [tilespmem:s20+$0x540]  }
0x23a: {  	(v2sf) =	vpush v9, $0x0;
	_ =	sdelay $0x3  }
0x23b: {  	vm10 =	vle.f32 v10, v55  }
0x23c: {  	v9 =	vmpcnt.ones.xlane vm10;
	_ =	sdelay $0x1  }
0x23d: {  	(v2sf) =	vpush v9, $0x0;
	_ =	sdelay $0x7  }
0x23e: {  	s13 =	spop (v2sf)  }
0x23f: {  	s7 =	sadd.s32 s7, s13  }
0x240: {  	p0 =	slt.s32 s7, $0x270;
	s9 =	smov.u32 s7  }
0x241: {  	s9 =	simm.s32 @!p0 $0x270  }
0x242: {  	[tilespmem:s9+$0x780] =	vst.msk vm10, v45  }
0x243: {  	v9 =	vld [tilespmem:s20+$0x550];
	_ =	sdelay $0x1  }
0x244: {  	s15 =	spop (v2sf)  }
0x245: {  	s7 =	sadd.s32 s7, s15  }
0x246: {  	p0 =	slt.s32 s7, $0x270;
	s9 =	smov.u32 s7  }
0x247: {  	vm11 =	vle.f32 v9, v55;
	s9 =	simm.s32 @!p0 $0x270  }
0x248: {  	v9 =	vmpcnt.ones.xlane vm11;
	[tilespmem:s9+$0x780] =	vst.msk vm11, v46  }
0x249: {  	v10 =	vld [tilespmem:s20+$0x560]  }
0x24a: {  	(v2sf) =	vpush v9, $0x0;
	_ =	sdelay $0x3  }
0x24b: {  	vm12 =	vle.f32 v10, v55  }
0x24c: {  	v9 =	vmpcnt.ones.xlane vm12;
	_ =	sdelay $0x1  }
0x24d: {  	(v2sf) =	vpush v9, $0x0;
	_ =	sdelay $0x7  }
0x24e: {  	s17 =	spop (v2sf)  }
0x24f: {  	s7 =	sadd.s32 s7, s17  }
0x250: {  	p0 =	slt.s32 s7, $0x270;
	s9 =	smov.u32 s7  }
0x251: {  	s9 =	simm.s32 @!p0 $0x270  }
0x252: {  	[tilespmem:s9+$0x780] =	vst.msk vm12, v47  }
0x253: {  	v9 =	vld [tilespmem:s20+$0x570];
	_ =	sdelay $0x1  }
0x254: {  	s19 =	spop (v2sf)  }
0x255: {  	s7 =	sadd.s32 s7, s19  }
0x256: {  	p0 =	slt.s32 s7, $0x270;
	s9 =	smov.u32 s7  }
0x257: {  	vm13 =	vle.f32 v9, v55;
	s9 =	simm.s32 @!p0 $0x270  }
0x258: {  	v9 =	vmpcnt.ones.xlane vm13;
	[tilespmem:s9+$0x780] =	vst.msk vm13, v48  }
0x259: {  	v10 =	vld [tilespmem:s20+$0x600]  }
0x25a: {  	(v2sf) =	vpush v9, $0x0;
	_ =	sdelay $0x3  }
0x25b: {  	vm14 =	vle.f32 v10, v55  }
0x25c: {  	v9 =	vmpcnt.ones.xlane vm14;
	_ =	sdelay $0x1  }
0x25d: {  	(v2sf) =	vpush v9, $0x0;
	_ =	sdelay $0x7  }
0x25e: {  	s21 =	spop (v2sf)  }
0x25f: {  	s7 =	sadd.s32 s7, s21  }
0x260: {  	p0 =	slt.s32 s7, $0x270;
	s9 =	smov.u32 s7  }
0x261: {  	s9 =	simm.s32 @!p0 $0x270  }
0x262: {  	[tilespmem:s9+$0x780] =	vst.msk vm14, v49  }
0x263: {  	v9 =	vld [tilespmem:s20+$0x610];
	_ =	sdelay $0x1  }
0x264: {  	s23 =	spop (v2sf)  }
0x265: {  	s7 =	sadd.s32 s7, s23  }
0x266: {  	p0 =	slt.s32 s7, $0x270;
	s9 =	smov.u32 s7  }
0x267: {  	vm15 =	vle.f32 v9, v55;
	s9 =	simm.s32 @!p0 $0x270  }
0x268: {  	[tilespmem:s9+$0x780] =	vst.msk vm15, v50  }
0x269: {  	[tilespmem:$0x4A80] =	vst v51  }
0x26a: {  	[tilespmem:$0x4A90] =	vst v51  }
0x26b: {  	[tilespmem:$0x4AA0] =	vst v51  }
0x26c: {  	[tilespmem:$0x4AB0] =	vst v51  }
0x26d: {  	[tilespmem:$0x4AC0] =	vst v51  }
0x26e: {  	[tilespmem:$0x4AD0] =	vst v51  }
0x26f: {  	[tilespmem:$0x4AE0] =	vst v51  }
0x270: {  	[tilespmem:$0x4AF0] =	vst v51  }
0x271: {  	[tilespmem:$0x4B00] =	vst v51  }
0x272: {  	v9 =	vmpcnt.ones.xlane vm15;
	[tilespmem:$0x4B10] =	vst v51  }
0x273: {  	[tilespmem:$0x4B20] =	vst v51  }
0x274: {  	(v2sf) =	vpush v9, $0x0;
	[tilespmem:$0x4B30] =	vst v51  }
0x275: {  	[tilespmem:$0x4B40] =	vst v51  }
0x276: {  	[tilespmem:$0x4B50] =	vst v51  }
0x277: {  	[tilespmem:$0x4B60] =	vst v51  }
0x278: {  	[tilespmem:$0x4B70] =	vst v51  }
0x279: {  	[tilespmem:$0x4B80] =	vst v51  }
0x27a: {  	[tilespmem:$0x4B90] =	vst v51  }
0x27b: {  	[tilespmem:$0x4BA0] =	vst v51  }
0x27c: {  	[tilespmem:$0x4BB0] =	vst v51  }
0x27d: {  	[tilespmem:$0x4BC0] =	vst v51  }
0x27e: {  	[tilespmem:$0x4BD0] =	vst v51  }
0x27f: {  	[tilespmem:$0x4BE0] =	vst v51  }
0x280: {  	[tilespmem:$0x4BF0] =	vst v51  }
0x281: {  	[tilespmem:$0x4C00] =	vst v51  }
0x282: {  	[tilespmem:$0x4C10] =	vst v51  }
0x283: {  	[tilespmem:$0x4C20] =	vst v51;
	s24 =	spop (v2sf)  }
0x284: {  	[tilespmem:$0x4C30] =	vst v51;
	s11 =	sadd.s32 s7, s24  }
0x285: {  	[tilespmem:$0x4C40] =	vst v51;
	p0 =	slt.s32 s11, $0x1  }
.Ltmp4:
0x286: {  	[tilespmem:$0x4C50] =	vst v51;
	(pc) =	sbr.rel @p0 .LBB2_45-.Ltmp4, $4  }
0x287: {  	[tilespmem:$0x4C60] =	vst v51  }
0x288: {  	[tilespmem:$0x4C70] =	vst v51  }
0x289: {  	[tilespmem:$0x4C80] =	vst v51  }
0x28a: {  	v9 =	vimm.f32 $0.0e+00;
	[tilespmem:$0x4C90] =	vst v51  }
.Ltmp5:
0x28b: {  	p0 =	slt.s32 s11, $0x280;
	(pc) =	sbr.rel .LBB2_4-.Ltmp5, $4  }
0x28c: {  	s7 =	sadd.s32 s4, s16;
	s11 =	simm.s32 @!p0 $0x280  }
0x28d: {  	s7 =	smul.u32 $0x320, s7;
	s9 =	sadd.s32 $0x7F, s11  }
0x28e: {  	s24 =	simm.s32 $0x0;
	s20 =	smov.u32 s11;
	s9 =	sshrl.u32 s9, $0x7  }
0x28f: {  	v56 =	vmov s7;
	s7 =	simm.s32 $0x0;
	s16 =	smax.u32 s9, $0x1;
	s9 =	simm.s32 $0x0  }
.LBB2_6:
0x290: {  	_ = 	snop  }
.LBB2_9:
0x291: {  	s8 =	sadd.s32 @p0 s19, s17  }
0x292: {  	v9 =	vperm.xlane v9, v11;
	s9 =	smov.u32 @p0 s8  }
0x293: {  	p0 =	slt.s32 s9, $0x200;
	s8 =	smov.u32 s9  }
0x294: {  	v9 =	vshll.u32 v9, $0x7;
	s8 =	simm.s32 @!p0 $0x200  }
0x295: {  	v11 =	vmpcnt.ones.xlane vm0;
	[tilespmem:s8+$0x4A80] =	vst.msk vm0, v10;
	v10 =	vor.u32 v0, v9  }
0x296: {  	[tilespmem:s8+$0x4D00] =	vst.msk vm0, v10  }
0x297: {  	(v2sf) =	vpush v11, $0x0;
	v10 =	vld [tilespmem:s10+$0xFFFFFFD0];
	_ =	sdelay $0x4  }
0x298: {  	vm9 =	vle.f32 v10, v55  }
0x299: {  	v11 =	vmpcnt.ones.xlane vm9;
	_ =	sdelay $0x1  }
0x29a: {  	(v2sf) =	vpush v11, $0x0;
	_ =	sdelay $0x6  }
0x29b: {  	s21 =	spop (v2sf)  }
0x29c: {  	s8 =	sadd.s32 s9, s21  }
0x29d: {  	p0 =	slt.s32 s8, $0x200;
	s9 =	smov.u32 s8  }
0x29e: {  	s9 =	simm.s32 @!p0 $0x200  }
0x29f: {  	v11 =	vor.u32 v2, v9;
	[tilespmem:s9+$0x4A80] =	vst.msk vm9, v10  }
0x2a0: {  	[tilespmem:s9+$0x4D00] =	vst.msk vm9, v11  }
0x2a1: {  	v10 =	vld [tilespmem:s10+$0xFFFFFFE0];
	_ =	sdelay $0x1  }
0x2a2: {  	s23 =	spop (v2sf)  }
0x2a3: {  	s8 =	sadd.s32 s8, s23  }
0x2a4: {  	p0 =	slt.s32 s8, $0x200;
	s9 =	smov.u32 s8  }
0x2a5: {  	vm10 =	vle.f32 v10, v55;
	s9 =	simm.s32 @!p0 $0x200  }
0x2a6: {  	v11 =	vmpcnt.ones.xlane vm10;
	[tilespmem:s9+$0x4A80] =	vst.msk vm10, v10;
	v10 =	vor.u32 v3, v9  }
0x2a7: {  	[tilespmem:s9+$0x4D00] =	vst.msk vm10, v10  }
0x2a8: {  	(v2sf) =	vpush v11, $0x0;
	v10 =	vld [tilespmem:s10+$0xFFFFFFF0];
	_ =	sdelay $0x4  }
0x2a9: {  	vm11 =	vle.f32 v10, v55  }
0x2aa: {  	v11 =	vmpcnt.ones.xlane vm11;
	_ =	sdelay $0x1  }
0x2ab: {  	(v2sf) =	vpush v11, $0x0;
	_ =	sdelay $0x6  }
0x2ac: {  	s13 =	spop (v2sf)  }
0x2ad: {  	s8 =	sadd.s32 s8, s13  }
0x2ae: {  	p0 =	slt.s32 s8, $0x200;
	s9 =	smov.u32 s8  }
0x2af: {  	s9 =	simm.s32 @!p0 $0x200  }
0x2b0: {  	v11 =	vor.u32 v4, v9;
	[tilespmem:s9+$0x4A80] =	vst.msk vm11, v10  }
0x2b1: {  	[tilespmem:s9+$0x4D00] =	vst.msk vm11, v11  }
0x2b2: {  	v10 =	vld [tilespmem:s10+$0x0];
	_ =	sdelay $0x1  }
0x2b3: {  	s15 =	spop (v2sf)  }
0x2b4: {  	s8 =	sadd.s32 s8, s15  }
0x2b5: {  	p0 =	slt.s32 s8, $0x200;
	s9 =	smov.u32 s8  }
0x2b6: {  	vm12 =	vle.f32 v10, v55;
	s9 =	simm.s32 @!p0 $0x200  }
0x2b7: {  	v11 =	vmpcnt.ones.xlane vm12;
	[tilespmem:s9+$0x4A80] =	vst.msk vm12, v10;
	v10 =	vor.u32 v5, v9  }
0x2b8: {  	[tilespmem:s9+$0x4D00] =	vst.msk vm12, v10  }
0x2b9: {  	(v2sf) =	vpush v11, $0x0;
	v10 =	vld [tilespmem:s10+$0x10];
	_ =	sdelay $0x4  }
0x2ba: {  	vm13 =	vle.f32 v10, v55  }
0x2bb: {  	v11 =	vmpcnt.ones.xlane vm13;
	_ =	sdelay $0x1  }
0x2bc: {  	(v2sf) =	vpush v11, $0x0;
	_ =	sdelay $0x6  }
0x2bd: {  	s17 =	spop (v2sf)  }
0x2be: {  	s8 =	sadd.s32 s8, s17  }
0x2bf: {  	p0 =	slt.s32 s8, $0x200;
	s9 =	smov.u32 s8  }
0x2c0: {  	s9 =	simm.s32 @!p0 $0x200  }
0x2c1: {  	v11 =	vor.u32 v6, v9;
	[tilespmem:s9+$0x4A80] =	vst.msk vm13, v10  }
0x2c2: {  	[tilespmem:s9+$0x4D00] =	vst.msk vm13, v11  }
0x2c3: {  	v10 =	vld [tilespmem:s10+$0x20];
	_ =	sdelay $0x1  }
0x2c4: {  	s19 =	spop (v2sf)  }
0x2c5: {  	s8 =	sadd.s32 s8, s19  }
0x2c6: {  	p0 =	slt.s32 s8, $0x200;
	s9 =	smov.u32 s8  }
0x2c7: {  	vm14 =	vle.f32 v10, v55;
	s9 =	simm.s32 @!p0 $0x200  }
0x2c8: {  	v11 =	vor.u32 v7, v9;
	[tilespmem:s9+$0x4A80] =	vst.msk vm14, v10  }
0x2c9: {  	[tilespmem:s9+$0x4D00] =	vst.msk vm14, v11  }
0x2ca: {  	v10 =	vld [tilespmem:s10+$0x30];
	_ =	sdelay $0x1  }
0x2cb: {  	v11 =	vmpcnt.ones.xlane vm14;
	_ =	sdelay $0x1  }
0x2cc: {  	(v2sf) =	vpush v11, $0x0  }
0x2cd: {  	vm15 =	vle.f32 v10, v55  }
0x2ce: {  	v11 =	vmpcnt.ones.xlane vm15;
	_ =	sdelay $0x1  }
0x2cf: {  	(v2sf) =	vpush v11, $0x0;
	_ =	sdelay $0xa  }
0x2d0: {  	s21 =	spop (v2sf)  }
0x2d1: {  	s8 =	sadd.s32 s8, s21  }
0x2d2: {  	p0 =	slt.s32 s8, $0x200;
	s9 =	smov.u32 s8  }
0x2d3: {  	s9 =	simm.s32 @!p0 $0x200  }
0x2d4: {  	v9 =	vor.u32 v8, v9;
	[tilespmem:s9+$0x4A80] =	vst.msk vm15, v10;
	s23 =	spop (v2sf)  }
0x2d5: {  	[tilespmem:s9+$0x4D00] =	vst.msk vm15, v9;
	s9 =	sadd.s32 s8, s23  }
.LBB2_10:
0x2d6: {  	s7 =	sadd.s32 $0x1, s7  }
0x2d7: {  	p0 =	sne.s32 s7, s16  }
.Ltmp6:
0x2d8: {  	_ = 	snop;
	(pc) =	sbr.rel @!p0 .LBB2_11-.Ltmp6, $2  }
0x2d9: {  	_ =	sdelay $0x2  }
0x2da: {  	s20 =	sadd.s32 $0xFFFFFF80, s20;
	s24 =	sadd.s32 $0x80, s24  }
.LBB2_4:
0x2db: {  	s10 =	sshll.u32 s7, $0x9  }
0x2dc: {  	s10 =	sshra.s32 s10, $0x2  }
0x2dd: {  	v9 =	vld [tilespmem:s10+$0x780];
	_ =	sdelay $0x4  }
0x2de: {  	v9 =	vadd.s32 v56, v9  }
0x2df: {  	[tilespmem:$0xA00] =	vst v9  }
0x2e0: {  	v9 =	vld [tilespmem:s10+$0x790];
	_ =	sdelay $0x4  }
0x2e1: {  	v9 =	vadd.s32 v56, v9  }
0x2e2: {  	[tilespmem:$0xA10] =	vst v9  }
0x2e3: {  	v9 =	vld [tilespmem:s10+$0x7A0];
	_ =	sdelay $0x4  }
0x2e4: {  	v9 =	vadd.s32 v56, v9  }
0x2e5: {  	[tilespmem:$0xA20] =	vst v9  }
0x2e6: {  	v9 =	vld [tilespmem:s10+$0x7B0];
	_ =	sdelay $0x4  }
0x2e7: {  	v9 =	vadd.s32 v56, v9  }
0x2e8: {  	[tilespmem:$0xA30] =	vst v9  }
0x2e9: {  	v9 =	vld [tilespmem:s10+$0x7C0];
	_ =	sdelay $0x4  }
0x2ea: {  	v9 =	vadd.s32 v56, v9  }
0x2eb: {  	[tilespmem:$0xA40] =	vst v9  }
0x2ec: {  	v9 =	vld [tilespmem:s10+$0x7D0];
	_ =	sdelay $0x4  }
0x2ed: {  	v9 =	vadd.s32 v56, v9  }
0x2ee: {  	[tilespmem:$0xA50] =	vst v9  }
0x2ef: {  	v9 =	vld [tilespmem:s10+$0x7E0];
	_ =	sdelay $0x4  }
0x2f0: {  	v9 =	vadd.s32 v56, v9  }
0x2f1: {  	[tilespmem:$0xA60] =	vst v9  }
0x2f2: {  	v9 =	vld [tilespmem:s10+$0x7F0];
	_ =	sdelay $0x2  }
0x2f3: {  	s23 =	sshll.u32 s7, $0x7  }
0x2f4: {  	s10 =	ssub.s32 s11, s23  }
0x2f5: {  	p0 =	slt.s32 s10, $0x1;
	v9 =	vadd.s32 v56, v9  }
.Ltmp7:
0x2f6: {  	[tilespmem:$0xA70] =	vst v9;
	(pc) =	sbr.rel @p0 .LBB2_10-.Ltmp7, $4  }
0x2f7: {  	[tilespmem:s29], [sflag:$0x1] =	stream.indirect.gather [hbm4b:s5+s26], $0x80, s28, s26, $0xb8;
	[tilespmem:$0x5280] =	vst v63  }
0x2f8: {  	_ =	swait.ge [sflag:s30], $0x4000  }
0x2f9: {  	[sflag:s30] =	ssyncset.done $0x0  }
0x2fa: {  	[sflag:s30] =	ssyncadd.s32 $0xFFFFC000  }
0x2fb: {  	p0 =	sgt.s32 s20, $0x1;
	s13 =	smov.u32 s20  }
0x2fc: {  	s13 =	simm.s32 @!p0 $0x1  }
0x2fd: {  	s10 =	simm.s32 $0xAC0;
	s15 =	sadd.s32 $0x0, s24;
	s13 =	smin.u32 s13, $0x80  }
0x2fe: {  	s17 =	sand.u32 $0x70, s22;
	v10 =	vld [tilespmem:s10+$0xFFFFFFC0];
	s15 =	sand.u32 $0xFFFFFF80, s15;
	p1 =	sne.s32 s13, $0x1  }
.Ltmp8:
0x2ff: {  	s15 =	sor.u32 s17, s15;
	(pc) =	sbr.rel @!p1 .LBB2_6-.Ltmp8, $2  }
0x300: {  	v9 =	vld [tilespmem:s15+$0x780];
	_ =	sdelay $0x2  }
0x301: {  	v11 =	vmov s22;
	p0 =	por $0x0, $0x0;
	s17 =	simm.s32 $0x1;
	vm0 =	vle.f32 v10, v55  }
0x302: {  	_ = 	snop  }
0x303: {  	v9 =	vperm.xlane v9, v11;
	v11 =	vmpcnt.ones.xlane vm0  }
0x304: {  	p0 =	slt.s32 s9, $0x200;
	s15 =	smov.u32 s9  }
0x305: {  	s15 =	simm.s32 @!p0 $0x200;
	v9 =	vshll.u32 v9, $0x7;
	(v2sf) =	vpush v11, $0x0  }
0x306: {  	[tilespmem:s15+$0x4A80] =	vst.msk vm0, v10;
	v11 =	vor.u32 v0, v9  }
0x307: {  	[tilespmem:s15+$0x4D00] =	vst.msk vm0, v11  }
0x308: {  	v10 =	vld [tilespmem:s10+$0xFFFFFFD0];
	_ =	sdelay $0x4  }
0x309: {  	vm0 =	vle.f32 v10, v55  }
0x30a: {  	v11 =	vmpcnt.ones.xlane vm0;
	_ =	sdelay $0x1  }
0x30b: {  	(v2sf) =	vpush v11, $0x0;
	_ =	sdelay $0x3  }
0x30c: {  	s21 =	spop (v2sf)  }
0x30d: {  	s15 =	sadd.s32 s9, s21  }
0x30e: {  	p0 =	slt.s32 s15, $0x200;
	s19 =	smov.u32 s15  }
0x30f: {  	s19 =	simm.s32 @!p0 $0x200  }
0x310: {  	v11 =	vor.u32 v2, v9;
	[tilespmem:s19+$0x4A80] =	vst.msk vm0, v10  }
0x311: {  	[tilespmem:s19+$0x4D00] =	vst.msk vm0, v11  }
0x312: {  	v10 =	vld [tilespmem:s10+$0xFFFFFFE0];
	_ =	sdelay $0x4  }
0x313: {  	vm0 =	vle.f32 v10, v55;
	s23 =	spop (v2sf)  }
0x314: {  	s15 =	sadd.s32 s15, s23;
	v11 =	vmpcnt.ones.xlane vm0  }
0x315: {  	p0 =	slt.s32 s15, $0x200;
	s19 =	smov.u32 s15  }
0x316: {  	s19 =	simm.s32 @!p0 $0x200;
	(v2sf) =	vpush v11, $0x0  }
0x317: {  	v11 =	vor.u32 v3, v9;
	[tilespmem:s19+$0x4A80] =	vst.msk vm0, v10  }
0x318: {  	[tilespmem:s19+$0x4D00] =	vst.msk vm0, v11  }
0x319: {  	v10 =	vld [tilespmem:s10+$0xFFFFFFF0];
	_ =	sdelay $0x4  }
0x31a: {  	vm0 =	vle.f32 v10, v55  }
0x31b: {  	v11 =	vmpcnt.ones.xlane vm0;
	_ =	sdelay $0x1  }
0x31c: {  	(v2sf) =	vpush v11, $0x0;
	_ =	sdelay $0x3  }
0x31d: {  	s8 =	spop (v2sf)  }
0x31e: {  	s15 =	sadd.s32 s15, s8  }
0x31f: {  	p0 =	slt.s32 s15, $0x200;
	s19 =	smov.u32 s15  }
0x320: {  	s19 =	simm.s32 @!p0 $0x200  }
0x321: {  	v11 =	vor.u32 v4, v9;
	[tilespmem:s19+$0x4A80] =	vst.msk vm0, v10  }
0x322: {  	[tilespmem:s19+$0x4D00] =	vst.msk vm0, v11  }
0x323: {  	v10 =	vld [tilespmem:s10+$0x0];
	_ =	sdelay $0x4  }
0x324: {  	vm0 =	vle.f32 v10, v55;
	s21 =	spop (v2sf)  }
0x325: {  	s15 =	sadd.s32 s15, s21;
	v11 =	vmpcnt.ones.xlane vm0  }
0x326: {  	p0 =	slt.s32 s15, $0x200;
	s19 =	smov.u32 s15  }
0x327: {  	s19 =	simm.s32 @!p0 $0x200;
	(v2sf) =	vpush v11, $0x0  }
0x328: {  	v11 =	vor.u32 v5, v9;
	[tilespmem:s19+$0x4A80] =	vst.msk vm0, v10  }
0x329: {  	[tilespmem:s19+$0x4D00] =	vst.msk vm0, v11  }
0x32a: {  	v10 =	vld [tilespmem:s10+$0x10];
	_ =	sdelay $0x4  }
0x32b: {  	vm0 =	vle.f32 v10, v55  }
0x32c: {  	v11 =	vmpcnt.ones.xlane vm0;
	_ =	sdelay $0x1  }
0x32d: {  	(v2sf) =	vpush v11, $0x0;
	_ =	sdelay $0x3  }
0x32e: {  	s23 =	spop (v2sf)  }
0x32f: {  	s15 =	sadd.s32 s15, s23  }
0x330: {  	p0 =	slt.s32 s15, $0x200;
	s19 =	smov.u32 s15  }
0x331: {  	s19 =	simm.s32 @!p0 $0x200  }
0x332: {  	v11 =	vor.u32 v6, v9;
	[tilespmem:s19+$0x4A80] =	vst.msk vm0, v10  }
0x333: {  	[tilespmem:s19+$0x4D00] =	vst.msk vm0, v11  }
0x334: {  	v10 =	vld [tilespmem:s10+$0x20];
	_ =	sdelay $0x4  }
0x335: {  	vm0 =	vle.f32 v10, v55;
	s8 =	spop (v2sf)  }
0x336: {  	s15 =	sadd.s32 s15, s8;
	v11 =	vmpcnt.ones.xlane vm0  }
0x337: {  	p0 =	slt.s32 s15, $0x200;
	s19 =	smov.u32 s15  }
0x338: {  	s19 =	simm.s32 @!p0 $0x200;
	(v2sf) =	vpush v11, $0x0  }
0x339: {  	v11 =	vor.u32 v7, v9;
	[tilespmem:s19+$0x4A80] =	vst.msk vm0, v10  }
0x33a: {  	[tilespmem:s19+$0x4D00] =	vst.msk vm0, v11  }
0x33b: {  	v10 =	vld [tilespmem:s10+$0x30];
	_ =	sdelay $0x4  }
0x33c: {  	vm0 =	vle.f32 v10, v55  }
0x33d: {  	v11 =	vmpcnt.ones.xlane vm0;
	_ =	sdelay $0x1  }
0x33e: {  	(v2sf) =	vpush v11, $0x0;
	_ =	sdelay $0x3  }
0x33f: {  	s21 =	spop (v2sf)  }
0x340: {  	s19 =	sadd.s32 s15, s21  }
0x341: {  	p0 =	slt.s32 s19, $0x200;
	s10 =	smov.u32 s19  }
0x342: {  	s10 =	simm.s32 @!p0 $0x200  }
0x343: {  	s23 =	sadd.s32 $0x1, s24;
	v9 =	vor.u32 v8, v9;
	[tilespmem:s10+$0x4A80] =	vst.msk vm0, v10  }
0x344: {  	s15 =	sand.u32 $0xFFFFFF80, s23;
	s21 =	sand.u32 $0x70, s17;
	[tilespmem:s10+$0x4D00] =	vst.msk vm0, v9;
	s10 =	simm.s32 $0xB40  }
0x345: {  	p1 =	sne.s32 s13, $0x2;
	s21 =	sor.u32 s21, s15;
	v10 =	vld [tilespmem:s10+$0xFFFFFFC0]  }
.Ltmp9:
0x346: {  	v9 =	vld [tilespmem:s21+$0x780];
	(pc) =	sbr.rel @!p1 .LBB2_9-.Ltmp9, $2  }
0x347: {  	_ =	sdelay $0x2  }
0x348: {  	v11 =	vmov s17;
	s15 =	simm.s32 $0x2;
	p0 =	por $0x1, $0x1;
	vm0 =	vle.f32 v10, v55;
	s17 =	spop (v2sf)  }
.LBB2_8:
0x349: {  	v9 =	vperm.xlane v9, v11;
	v11 =	vmpcnt.ones.xlane vm0;
	s19 =	sadd.s32 s19, s17;
	s17 =	smov.u32 s15;
	s15 =	sadd.s32 $0x1, s15  }
0x34a: {  	p1 =	sne.s32 s13, s15;
	p2 =	slt.s32 s19, $0x200;
	s21 =	smov.u32 s19  }
0x34b: {  	v9 =	vshll.u32 v9, $0x7;
	s21 =	simm.s32 @!p2 $0x200;
	(v2sf) =	vpush v11, $0x0  }
0x34c: {  	v11 =	vor.u32 v0, v9;
	[tilespmem:s21+$0x4A80] =	vst.msk vm0, v10  }
0x34d: {  	[tilespmem:s21+$0x4D00] =	vst.msk vm0, v11  }
0x34e: {  	v10 =	vld [tilespmem:s10+$0xFFFFFFD0];
	_ =	sdelay $0x4  }
0x34f: {  	vm0 =	vle.f32 v10, v55  }
0x350: {  	v11 =	vmpcnt.ones.xlane vm0;
	_ =	sdelay $0x1  }
0x351: {  	(v2sf) =	vpush v11, $0x0;
	_ =	sdelay $0x3  }
0x352: {  	s21 =	spop (v2sf)  }
0x353: {  	s19 =	sadd.s32 s19, s21  }
0x354: {  	p2 =	slt.s32 s19, $0x200;
	s21 =	smov.u32 s19  }
0x355: {  	s21 =	simm.s32 @!p2 $0x200  }
0x356: {  	v11 =	vor.u32 v2, v9;
	[tilespmem:s21+$0x4A80] =	vst.msk vm0, v10  }
0x357: {  	[tilespmem:s21+$0x4D00] =	vst.msk vm0, v11  }
0x358: {  	v10 =	vld [tilespmem:s10+$0xFFFFFFE0];
	_ =	sdelay $0x4  }
0x359: {  	vm0 =	vle.f32 v10, v55;
	s21 =	spop (v2sf)  }
0x35a: {  	s19 =	sadd.s32 s19, s21;
	v11 =	vmpcnt.ones.xlane vm0  }
0x35b: {  	p2 =	slt.s32 s19, $0x200;
	s21 =	smov.u32 s19  }
0x35c: {  	s21 =	simm.s32 @!p2 $0x200;
	(v2sf) =	vpush v11, $0x0  }
0x35d: {  	v11 =	vor.u32 v3, v9;
	[tilespmem:s21+$0x4A80] =	vst.msk vm0, v10  }
0x35e: {  	[tilespmem:s21+$0x4D00] =	vst.msk vm0, v11  }
0x35f: {  	v10 =	vld [tilespmem:s10+$0xFFFFFFF0];
	_ =	sdelay $0x4  }
0x360: {  	vm0 =	vle.f32 v10, v55  }
0x361: {  	v11 =	vmpcnt.ones.xlane vm0;
	_ =	sdelay $0x1  }
0x362: {  	(v2sf) =	vpush v11, $0x0;
	_ =	sdelay $0x3  }
0x363: {  	s21 =	spop (v2sf)  }
0x364: {  	s19 =	sadd.s32 s19, s21  }
0x365: {  	p2 =	slt.s32 s19, $0x200;
	s21 =	smov.u32 s19  }
0x366: {  	s21 =	simm.s32 @!p2 $0x200  }
0x367: {  	v11 =	vor.u32 v4, v9;
	[tilespmem:s21+$0x4A80] =	vst.msk vm0, v10  }
0x368: {  	[tilespmem:s21+$0x4D00] =	vst.msk vm0, v11  }
0x369: {  	v10 =	vld [tilespmem:s10+$0x0];
	_ =	sdelay $0x4  }
0x36a: {  	vm0 =	vle.f32 v10, v55;
	s21 =	spop (v2sf)  }
0x36b: {  	s19 =	sadd.s32 s19, s21;
	v11 =	vmpcnt.ones.xlane vm0  }
0x36c: {  	p2 =	slt.s32 s19, $0x200;
	s21 =	smov.u32 s19  }
0x36d: {  	s21 =	simm.s32 @!p2 $0x200;
	(v2sf) =	vpush v11, $0x0  }
0x36e: {  	v11 =	vor.u32 v5, v9;
	[tilespmem:s21+$0x4A80] =	vst.msk vm0, v10  }
0x36f: {  	[tilespmem:s21+$0x4D00] =	vst.msk vm0, v11  }
0x370: {  	v10 =	vld [tilespmem:s10+$0x10];
	_ =	sdelay $0x4  }
0x371: {  	vm0 =	vle.f32 v10, v55  }
0x372: {  	v11 =	vmpcnt.ones.xlane vm0;
	_ =	sdelay $0x1  }
0x373: {  	(v2sf) =	vpush v11, $0x0;
	_ =	sdelay $0x3  }
0x374: {  	s21 =	spop (v2sf)  }
0x375: {  	s19 =	sadd.s32 s19, s21  }
0x376: {  	p2 =	slt.s32 s19, $0x200;
	s21 =	smov.u32 s19  }
0x377: {  	s21 =	simm.s32 @!p2 $0x200  }
0x378: {  	v11 =	vor.u32 v6, v9;
	[tilespmem:s21+$0x4A80] =	vst.msk vm0, v10  }
0x379: {  	[tilespmem:s21+$0x4D00] =	vst.msk vm0, v11  }
0x37a: {  	v10 =	vld [tilespmem:s10+$0x20];
	_ =	sdelay $0x4  }
0x37b: {  	vm0 =	vle.f32 v10, v55;
	s21 =	spop (v2sf)  }
0x37c: {  	s19 =	sadd.s32 s19, s21;
	v11 =	vmpcnt.ones.xlane vm0  }
0x37d: {  	p2 =	slt.s32 s19, $0x200;
	s21 =	smov.u32 s19  }
0x37e: {  	s21 =	simm.s32 @!p2 $0x200;
	(v2sf) =	vpush v11, $0x0  }
0x37f: {  	v11 =	vor.u32 v7, v9;
	[tilespmem:s21+$0x4A80] =	vst.msk vm0, v10  }
0x380: {  	[tilespmem:s21+$0x4D00] =	vst.msk vm0, v11  }
0x381: {  	v10 =	vld [tilespmem:s10+$0x30];
	_ =	sdelay $0x4  }
0x382: {  	vm0 =	vle.f32 v10, v55  }
0x383: {  	v11 =	vmpcnt.ones.xlane vm0;
	_ =	sdelay $0x1  }
0x384: {  	(v2sf) =	vpush v11, $0x0;
	_ =	sdelay $0x3  }
0x385: {  	s21 =	spop (v2sf)  }
0x386: {  	s19 =	sadd.s32 s19, s21  }
0x387: {  	p2 =	slt.s32 s19, $0x200;
	s21 =	smov.u32 s19  }
0x388: {  	s21 =	simm.s32 @!p2 $0x200  }
0x389: {  	s23 =	sadd.s32 s17, s24;
	v9 =	vor.u32 v8, v9;
	[tilespmem:s21+$0x4A80] =	vst.msk vm0, v10  }
0x38a: {  	s8 =	sand.u32 $0x70, s17;
	s23 =	sand.u32 $0xFFFFFF80, s23;
	s10 =	sadd.s32 $0x80, s10;
	[tilespmem:s21+$0x4D00] =	vst.msk vm0, v9  }
0x38b: {  	s8 =	sor.u32 s8, s23;
	v10 =	vld [tilespmem:s10+$0xFFFFFFC0]  }
.Ltmp10:
0x38c: {  	v9 =	vld [tilespmem:s8+$0x780];
	(pc) =	sbr.rel @p1 .LBB2_8-.Ltmp10, $2  }
0x38d: {  	_ =	sdelay $0x2  }
0x38e: {  	v11 =	vmov s17;
	vm0 =	vle.f32 v10, v55;
	s17 =	spop (v2sf)  }
.Ltmp11:
0x38f: {  	_ = 	snop;
	(pc) =	sbr.rel .LBB2_9-.Ltmp11, $1  }
0x390: {  	_ =	sdelay $0x3  }
.LBB2_11:
0x391: {  	p1 =	slt.s32 s9, $0x200  }
0x392: {  	p0 =	slt.s32 s9, $0x1;
	s9 =	simm.s32 @!p1 $0x200  }
0x393: {  	s7 =	sadd.s32 $0xF, s9  }
0x394: {  	s8 =	sshra.s32 s7, $0x1F  }
.Ltmp12:
0x395: {  	s8 =	sshrl.u32 s8, $0x1C;
	(pc) =	sbr.rel @p0 .LBB2_14-.Ltmp12, $4  }
0x396: {  	s7 =	sadd.s32 s8, s7  }
0x397: {  	s10 =	sshra.s32 s7, $0x4  }
0x398: {  	p1 =	sgt.s32 s10, $0x1;
	s7 =	smov.u32 s10  }
0x399: {  	s7 =	simm.s32 @!p1 $0x1  }
0x39a: {  	s8 =	smov.u32 s10  }
0x39b: {  	s8 =	simm.s32 @!p1 $0x1  }
0x39c: {  	p2 =	sne.s32 s8, $0x1  }
.Ltmp13:
0x39d: {  	_ = 	snop;
	(pc) =	sbr.rel @!p2 .LBB2_14-.Ltmp13, $4  }
0x39e: {  	_ = 	snop  }
0x39f: {  	s11 =	simm.s32 $0x4F80;
	s13 =	simm.s32 $0x4D00  }
0x3a0: {  	[tilespmem:s11], [sflag:$0x2] =	stream.indirect.gather [hbm4b:s6+s31], $0x1, s13, s31, $0xb8;
	[tilespmem:$0x5280] =	vst v63  }
0x3a1: {  	s15 =	sadd.s32 $0xFFFFFFFF, s8  }
.LBB2_13:
0x3a2: {  	p2 =	sne.s32 s15, $0x1  }
.Ltmp14:
0x3a3: {  	_ = 	snop;
	(pc) =	sbr.rel @p2 .LBB2_13-.Ltmp14, $4  }
0x3a4: {  	_ = 	snop  }
0x3a5: {  	s11 =	sadd.s32 $0x10, s11;
	s13 =	sadd.s32 $0x10, s13  }
0x3a6: {  	s15 =	sadd.s32 $0xFFFFFFFF, s15  }
0x3a7: {  	[tilespmem:s11], [sflag:$0x2] =	stream.indirect.gather [hbm4b:s6+s31], $0x1, s13, s31, $0xb8;
	[tilespmem:$0x5280] =	vst v63  }
.LBB2_14:
0x3a8: {  	s9 =	sadd.s32 $0xFFFFFFE0, s9  }
0x3a9: {  	p2 =	slt.s32 s9, $0x1  }
.Ltmp15:
0x3aa: {  	_ = 	snop;
	(pc) =	sbr.rel @p2 .LBB2_15-.Ltmp15, $1  }
0x3ab: {  	_ =	sdelay $0x3  }
.Ltmp16:
0x3ac: {  	(pc) =	sbr.rel .LBB2_17-.Ltmp16, $2  }
0x3ad: {  	_ =	sdelay $0x2  }
0x3ae: {  	s10 =	simm.s32 @!p1 $0x1;
	s11 =	simm.s32 $0x0;
	s17 =	simm.s32 $0xFFFFFFFF  }
.LBB2_18:
0x3af: {  	v9 =	vimm.s32 $0x7FFFFFFF  }
.LBB2_26:
0x3b0: {  	(xrf0) =	vmax.scan.msk.u32 $0xffff, v9;
	_ =	sdelay $0x5  }
0x3b1: {  	v9, _, _ =	vpop (xrf0)  }
0x3b2: {  	(v2sf) =	vpush v9, $0xF;
	_ =	sdelay $0x9  }
0x3b3: {  	s11 =	sadd.s32 $0x1, s11  }
0x3b4: {  	p1 =	sne.s32 s11, s9  }
.Ltmp17:
0x3b5: {  	_ = 	snop;
	(pc) =	sbr.rel @!p1 .LBB2_27-.Ltmp17, $3  }
0x3b6: {  	_ =	sdelay $0x1  }
0x3b7: {  	s8 =	spop (v2sf)  }
0x3b8: {  	s17 =	sxor.u32 $0x80000000, s8  }
.LBB2_17:
.Ltmp18:
0x3b9: {  	(pc) =	sbr.rel @p0 .LBB2_18-.Ltmp18, $1  }
0x3ba: {  	_ =	sdelay $0x3  }
0x3bb: {  	p1 =	sne.s32 s10, $0x1  }
.Ltmp19:
0x3bc: {  	_ = 	snop;
	(pc) =	sbr.rel @!p1 .LBB2_23-.Ltmp19, $3  }
0x3bd: {  	_ =	sdelay $0x1  }
0x3be: {  	s16 =	simm.s32 $0x4A80;
	s13 =	simm.s32 $0x4D00;
	s15 =	sadd.s32 $0xFFFFFFFF, s10  }
0x3bf: {  	v10 =	vmov s17;
	v9 =	vimm.f32 $-1.000000000e+00;
	p2 =	por $0x0, $0x0;
	s17 =	simm.s32 $0x4D00;
	s19 =	simm.s32 $0x4A80;
	v11 =	vimm.f32 $-1.000000000e+00  }
0x3c0: {  	v11 =	vld [tilespmem:s13+$0x0]  }
0x3c1: {  	v12 =	vld [tilespmem:s16+$0x0];
	_ =	sdelay $0x2  }
0x3c2: {  	p3 =	sne.s32 s15, $0x1  }
.Ltmp20:
0x3c3: {  	_ = 	snop;
	(pc) =	sbr.rel @!p3 .LBB2_21-.Ltmp20, $4  }
0x3c4: {  	vm0 =	veq.s32 v11, v10;
	vm1 =	vlt.f32 v12, $1.000000020e+30  }
0x3c5: {  	vm0 =	vmand vm1, vm0  }
0x3c6: {  	s20 =	sadd.s32 $0xFFFFFFFF, s15;
	v12 =	vsel vm0, $0xBF800000, v12  }
0x3c7: {  	s17 =	simm.s32 $0x4D10;
	p2 =	por $0x1, $0x1;
	s19 =	simm.s32 $0x4A80;
	v11 =	vimm.f32 $-1.000000000e+00;
	[tilespmem:s16+$0x0] =	vst v12;
	vm0 =	vlt.f32 v12, $1.000000020e+30  }
.LBB2_22:
0x3c8: {  	p3 =	sne.s32 s20, $0x1;
	v13 =	vld [tilespmem:s17+$0x0];
	v12 =	vnsel vm0, $0xBF800000, v12;
	s19 =	sadd.s32 $0x10, s19  }
0x3c9: {  	v14 =	vld [tilespmem:s19+$0x0];
	v11 =	vmax.f32 v11, v12;
	_ =	sdelay $0x3  }
.Ltmp21:
0x3ca: {  	(pc) =	sbr.rel @p3 .LBB2_22-.Ltmp21, $4  }
0x3cb: {  	vm0 =	veq.s32 v13, v10;
	vm1 =	vlt.f32 v14, $1.000000020e+30  }
0x3cc: {  	vm0 =	vmand vm1, vm0  }
0x3cd: {  	v12 =	vsel vm0, $0xBF800000, v14  }
0x3ce: {  	s20 =	sadd.s32 $0xFFFFFFFF, s20;
	s17 =	sadd.s32 $0x10, s17;
	[tilespmem:s19+$0x0] =	vst v12;
	vm0 =	vlt.f32 v12, $1.000000020e+30  }
.LBB2_23:
0x3cf: {  	s8 =	sadd.s32 @p2 $0x10, s19;
	s19 =	simm.s32 $0x4A80  }
0x3d0: {  	v13 =	vld [tilespmem:s17+$0x0];
	s19 =	smov.u32 @p2 s8  }
0x3d1: {  	v14 =	vld [tilespmem:s19+$0x0];
	_ =	sdelay $0x4  }
0x3d2: {  	vm1 =	veq.s32 v13, v10;
	vm2 =	vlt.f32 v14, $1.000000020e+30  }
0x3d3: {  	vm1 =	vmand vm2, vm1  }
0x3d4: {  	v10 =	vnsel @p2 vm0, $0xBF800000, v12;
	v12 =	vsel vm1, $0xBF800000, v14  }
0x3d5: {  	v10 =	vmax.f32 @p2 v11, v10;
	vm0 =	vlt.f32 v12, $1.000000020e+30  }
0x3d6: {  	v9 =	vpsel p2, v10, v9;
	v10 =	vnsel vm0, $0xBF800000, v12  }
0x3d7: {  	v9 =	vmax.f32 v9, v10  }
0x3d8: {  	(xrf0) =	vmax.scan.msk.f32 $0xffff, v9;
	_ =	sdelay $0x2  }
0x3d9: {  	[tilespmem:s19+$0x0] =	vst v12  }
0x3da: {  	v12 =	vld [tilespmem:s16+$0x0]  }
.Ltmp22:
0x3db: {  	_ = 	snop;
	(pc) =	sbr.rel @!p1 .LBB2_25-.Ltmp22, $3  }
0x3dc: {  	v11 =	vld [tilespmem:s13+$0x0];
	v9, _, _ =	vpop (xrf0)  }
0x3dd: {  	v10 =	vbroadcast v9, $0xF;
	_ =	sdelay $0x1  }
0x3de: {  	s16 =	simm.s32 $0x4A90;
	vm1 =	vlt.f32 v12, $1.000000020e+30;
	v9 =	vimm.s32 $0xFFFFFFFF;
	vm0 =	veq.f32 v12, v10  }
.LBB2_24:
0x3df: {  	v12 =	vld [tilespmem:s16+$0x0];
	p1 =	sne.s32 s15, $0x1;
	s15 =	sadd.s32 $0xFFFFFFFF, s15;
	vm0 =	vmand vm0, vm1  }
.Ltmp23:
0x3e0: {  	s13 =	sadd.s32 $0x10, s13;
	v13 =	vnsel vm0, $0xFFFFFFFF, v11;
	(pc) =	sbr.rel @p1 .LBB2_24-.Ltmp23, $3  }
0x3e1: {  	v11 =	vld [tilespmem:s13+$0x0];
	vm0 =	vgt.s32 v9, v13  }
0x3e2: {  	v9 =	vsel vm0, v9, v13;
	_ =	sdelay $0x1  }
0x3e3: {  	s16 =	sadd.s32 $0x10, s16;
	vm0 =	veq.f32 v12, v10;
	vm1 =	vlt.f32 v12, $1.000000020e+30  }
.LBB2_25:
.Ltmp24:
0x3e4: {  	vm0 =	vmand vm0, vm1;
	(pc) =	sbr.rel .LBB2_26-.Ltmp24, $4  }
0x3e5: {  	v10 =	vnsel vm0, $0xFFFFFFFF, v11  }
0x3e6: {  	vm0 =	vgt.s32 v9, v10  }
0x3e7: {  	v9 =	vsel vm0, v9, v10  }
0x3e8: {  	v9 =	vxor.u32 $0x80000000, v9  }
.LBB2_21:
.Ltmp25:
0x3e9: {  	(pc) =	sbr.rel .LBB2_23-.Ltmp25, $2  }
0x3ea: {  	_ =	sdelay $0x2  }
0x3eb: {  	s19 =	simm.s32 $0x4A80;
	v11 =	vimm.f32 $-1.000000000e+00  }
.LBB2_15:
0x3ec: {  	s17 =	simm.s32 $0xFFFFFFFF  }
.LBB2_27:
.Ltmp26:
0x3ed: {  	(pc) =	sbr.rel @p0 .LBB2_45-.Ltmp26, $2  }
0x3ee: {  	_ =	sdelay $0x2  }
0x3ef: {  	v9 =	vimm.f32 $0.0e+00  }
0x3f0: {  	v56 =	vmov s17;
	s9 =	smov.u32 s7  }
.LBB2_29:
0x3f1: {  	p0 =	sne.s32 s9, $0x1  }
.Ltmp27:
0x3f2: {  	_ = 	snop;
	(pc) =	sbr.rel @p0 .LBB2_29-.Ltmp27, $4  }
0x3f3: {  	_ = 	snop  }
0x3f4: {  	_ =	swait.ge [sflag:s0], $0x10  }
0x3f5: {  	[sflag:s0] =	ssyncset.done $0x0  }
0x3f6: {  	s9 =	sadd.s32 $0xFFFFFFFF, s9;
	[sflag:s0] =	ssyncadd.s32 $0xFFFFFFF0  }
0x3f7: {  	s9 =	simm.s32 $0x4D00;
	p5 =	sne.s32 s7, $0x1  }
.Ltmp28:
0x3f8: {  	s8 =	simm.s32 $0x4A80;
	v10 =	vld [tilespmem:s9+$0x0];
	(pc) =	sbr.rel @!p5 .LBB2_31-.Ltmp28, $4  }
0x3f9: {  	v13 =	vld [tilespmem:s8+$0x0]  }
0x3fa: {  	s16 =	simm.s32 $0x4F80  }
0x3fb: {  	s7 =	sadd.s32 $0xFFFFFFFF, s7;
	p0 =	por $0x0, $0x0;
	p1 =	por $0x0, $0x0  }
0x3fc: {  	v55 =	vimm.f32 $0.0e+00;
	p2 =	por $0x0, $0x0;
	p3 =	por $0x0, $0x0;
	p4 =	por $0x0, $0x0  }
0x3fd: {  	vm0 =	veq.s32 v10, v56  }
0x3fe: {  	s8 =	simm.s32 $0x4D10;
	p5 =	sne.s32 s7, $0x1;
	v9 =	vsel vm0, $0xBF800000, v13  }
.Ltmp29:
0x3ff: {  	s24 =	simm.s32 $0x4A90;
	v10 =	vld [tilespmem:s8+$0x0];
	vm0 =	vge.f32 v9, $0.0e+00;
	vm1 =	vlt.f32 v9, $1.000000020e+30;
	(pc) =	sbr.rel @!p5 .LBB2_33-.Ltmp29, $4  }
0x400: {  	v13 =	vld [tilespmem:s24+$0x0];
	vm1 =	vmand vm0, vm1  }
0x401: {  	v57 =	vnsel vm1, $0x3F800000, v9  }
0x402: {  	v9 =	vshra.s32 v57, $0x1  }
0x403: {  	s7 =	sadd.s32 $0xFFFFFFFF, s7;
	p0 =	por $0x1, $0x1;
	v14 =	vmul.f32 $5.000000000e-01, v57;
	v60 =	vsub.s32 $0x5F3759DF, v9  }
0x404: {  	_ = 	snop  }
0x405: {  	vm0 =	veq.s32 v10, v56;
	v9 =	vmul.f32 v60, v14  }
0x406: {  	vm2 =	vmmov vm1;
	v10 =	vsel vm0, $0xBF800000, v13  }
0x407: {  	vm0 =	vge.f32 v10, $0.0e+00;
	vm1 =	vlt.f32 v10, $1.000000020e+30;
	v9 =	vmul.f32 v60, v9  }
0x408: {  	s8 =	simm.s32 $0x4D20;
	p5 =	sne.s32 s7, $0x1;
	vm1 =	vmand vm0, vm1  }
.Ltmp30:
0x409: {  	s24 =	simm.s32 $0x4AA0;
	v59 =	vnsel vm1, $0x3F800000, v10;
	v10 =	vld [tilespmem:s8+$0x0];
	v9 =	vsub.f32 $1.500000000e+00, v9;
	(pc) =	sbr.rel @!p5 .LBB2_35-.Ltmp30, $4  }
0x40a: {  	v13 =	vld [tilespmem:s24+$0x0]  }
0x40b: {  	v61 =	vmul.f32 v60, v9  }
0x40c: {  	v9 =	vshra.s32 v59, $0x1  }
0x40d: {  	s7 =	sadd.s32 $0xFFFFFFFF, s7;
	p1 =	por $0x1, $0x1;
	v12 =	vmul.f32 $5.000000000e-01, v59;
	v60 =	vsub.s32 $0x5F3759DF, v9;
	v22 =	vmul.f32 v61, v14  }
0x40e: {  	vm3 =	veq.s32 v10, v56  }
0x40f: {  	v9 =	vmul.f32 v60, v12;
	v11 =	vmul.f32 v22, v61;
	v10 =	vsel vm3, $0xBF800000, v13  }
0x410: {  	vm0 =	vmmov vm2;
	vm2 =	vmmov vm1;
	vm1 =	vge.f32 v10, $0.0e+00  }
0x411: {  	vm3 =	vlt.f32 v10, $1.000000020e+30;
	v9 =	vmul.f32 v60, v9;
	v11 =	vsub.f32 $1.500000000e+00, v11  }
0x412: {  	s8 =	simm.s32 $0x4D30;
	p5 =	sne.s32 s7, $0x1;
	vm1 =	vmand vm1, vm3  }
.Ltmp31:
0x413: {  	s24 =	simm.s32 $0x4AB0;
	v25 =	vnsel vm1, $0x3F800000, v10;
	v10 =	vld [tilespmem:s8+$0x0];
	v9 =	vsub.f32 $1.500000000e+00, v9;
	v17 =	vmul.f32 v11, v61;
	(pc) =	sbr.rel @!p5 .LBB2_37-.Ltmp31, $4  }
0x414: {  	v13 =	vld [tilespmem:s24+$0x0]  }
0x415: {  	v61 =	vmul.f32 v60, v9;
	v9 =	vmul.f32 v17, v14  }
0x416: {  	v16 =	vmul.f32 $5.000000000e-01, v25;
	v11 =	vshra.s32 v25, $0x1  }
0x417: {  	s7 =	sadd.s32 $0xFFFFFFFF, s7;
	p2 =	por $0x1, $0x1;
	v60 =	vsub.s32 $0x5F3759DF, v11;
	v22 =	vmul.f32 v61, v12;
	v26 =	vmul.f32 v9, v17  }
0x418: {  	v9 =	vmul.f32 v60, v16  }
0x419: {  	vm4 =	veq.s32 v10, v56;
	v10 =	vmul.f32 v22, v61;
	v11 =	vsub.f32 $1.500000000e+00, v26  }
0x41a: {  	vm5 =	vmmov vm0;
	vm3 =	vmmov vm1;
	v9 =	vmul.f32 v60, v9  }
0x41b: {  	v13 =	vsel vm4, $0xBF800000, v13;
	v10 =	vsub.f32 $1.500000000e+00, v10;
	v11 =	vmul.f32 v11, v17  }
0x41c: {  	s8 =	simm.s32 $0x4D40;
	p5 =	sne.s32 s7, $0x1;
	vm1 =	vge.f32 v13, $0.0e+00;
	vm4 =	vlt.f32 v13, $1.000000020e+30;
	v9 =	vsub.f32 $1.500000000e+00, v9  }
.Ltmp32:
0x41d: {  	s24 =	simm.s32 $0x4AC0;
	vm1 =	vmand vm1, vm4;
	v15 =	vmul.f32 v10, v61;
	v18 =	vmul.f32 v11, v57;
	v10 =	vld [tilespmem:s8+$0x0];
	(pc) =	sbr.rel @!p5 .LBB2_39-.Ltmp32, $4  }
0x41e: {  	vm5 =	vmmov vm5;
	v28 =	vnsel vm1, $0x3F800000, v13;
	v13 =	vld [tilespmem:s24+$0x0];
	v19 =	vmul.f32 v60, v9  }
0x41f: {  	vm4 =	vmmov vm2;
	v9 =	vmul.f32 v15, v12;
	v11 =	vadd.f32 $9.999999930e-09, v18  }
0x420: {  	v14 =	vmul.f32 $5.000000000e-01, v28;
	v12 =	vshra.s32 v28, $0x1;
	v23 =	vmul.f32 v19, v16  }
0x421: {  	s7 =	sadd.s32 $0xFFFFFFFF, s7;
	p3 =	por $0x1, $0x1;
	v60 =	vsub.s32 $0x5F3759DF, v12;
	v20 =	vmul.f32 v9, v15;
	(erf) = vrcp.f32 v11  }
0x422: {  	v9 =	vmul.f32 v60, v14;
	vm2 =	veq.s32 v10, v56;
	v10 =	vmul.f32 v23, v19;
	_ =	sdelay $0x1  }
0x423: {  	v11 =	vsel vm2, $0xBF800000, v13;
	v9 =	vmul.f32 v60, v9;
	v10 =	vsub.f32 $1.500000000e+00, v10  }
0x424: {  	v12 =	vsub.f32 $1.500000000e+00, v20;
	vm2 =	vmmov vm1;
	vm1 =	vge.f32 v11, $0.0e+00  }
0x425: {  	vm7 =	vlt.f32 v11, $1.000000020e+30;
	v9 =	vsub.f32 $1.500000000e+00, v9;
	v63 =	vmul.f32 v10, v19  }
0x426: {  	v12 =	vmul.f32 v12, v15;
	vm1 =	vmand vm1, vm7  }
0x427: {  	s9 =	simm.s32 $0x4D50;
	p5 =	sne.s32 s7, $0x1;
	v58 =	vnsel vm1, $0x3F800000, v11;
	v61 =	vmul.f32 v60, v9;
	v9 =	vmul.f32 v63, v16  }
.Ltmp33:
0x428: {  	s10 =	simm.s32 $0x4AD0;
	v10 =	vld [tilespmem:s9+$0x0];
	v12 =	vmul.f32 v12, v59;
	v13 =	vshra.s32 v58, $0x1;
	(pc) =	sbr.rel @!p5 .LBB2_41-.Ltmp33, $4  }
0x429: {  	vm8 =	vmmov vm4;
	vm6 =	vmmov vm3;
	v60 =	vsub.s32 $0x5F3759DF, v13;
	v13 =	vld [tilespmem:s10+$0x0]  }
0x42a: {  	v21 =	vld [tilespmem:s16+$0x0];
	vm8 =	vmmov vm8;
	v62 =	vmul.f32 $5.000000000e-01, v58;
	v24 =	vadd.f32 $9.999999930e-09, v12  }
0x42b: {  	vm7 =	vmmov vm5;
	v22 =	vmul.f32 v61, v14;
	v11 =	vmul.f32 v9, v63;
	v9 =	vpop (erf)  }
0x42c: {  	s11 =	sadd.s32 $0xFFFFFFFF, s7;
	p4 =	por $0x1, $0x1;
	s7 =	simm.s32 $0x4F80;
	(erf) = vrcp.f32 v24;
	v24 =	vimm.f32 $0.0e+00;
	v27 =	vmul.f32 v9, v18;
	v9 =	vmovc v25  }
.LBB2_42:
0x42d: {  	vm10 =	veq.s32 v10, v56;
	v10 =	vmul.f32 v60, v62;
	v22 =	vmul.f32 v22, v61  }
0x42e: {  	p5 =	sne.s32 s11, $0x1;
	vm9 =	vmmov vm6;
	vm6 =	vmmov vm2;
	vm2 =	vmmov vm1  }
0x42f: {  	v11 =	vsub.f32 $1.500000000e+00, v11;
	v29 =	vsel vm10, $0xBF800000, v13;
	v13 =	vmul.f32 v27, v21  }
0x430: {  	vm1 =	vge.f32 v29, $0.0e+00;
	v10 =	vmul.f32 v60, v10;
	v21 =	vsub.f32 $1.500000000e+00, v22  }
0x431: {  	s7 =	sadd.s32 $0x10, s7;
	vm10 =	vlt.f32 v29, $1.000000020e+30;
	v11 =	vmul.f32 v11, v63;
	v13 =	vnsel vm7, $0x0, v13  }
0x432: {  	s9 =	sadd.s32 $0x10, s9;
	v22 =	vsub.f32 $1.500000000e+00, v10;
	v63 =	vmul.f32 v21, v61;
	v21 =	vld [tilespmem:s7+$0x0];
	v24 =	vadd.f32 v13, v24  }
.Ltmp34:
0x433: {  	s10 =	sadd.s32 $0x10, s10;
	vm1 =	vmand vm1, vm10;
	vm7 =	vmmov vm8;
	v30 =	vmul.f32 v11, v9;
	v9 =	vmovc v28;
	v28 =	vmovc v58;
	v10 =	vld [tilespmem:s9+$0x0];
	(pc) =	sbr.rel @p5 .LBB2_42-.Ltmp34, $4  }
0x434: {  	v58 =	vnsel vm1, $0x3F800000, v29;
	v13 =	vld [tilespmem:s10+$0x0];
	v61 =	vmul.f32 v60, v22;
	v11 =	vmul.f32 v63, v14;
	v14 =	vmovc v62  }
0x435: {  	vm8 =	vmmov vm9;
	v62 =	vmul.f32 $5.000000000e-01, v58;
	v27 =	vadd.f32 $9.999999930e-09, v30  }
0x436: {  	v29 =	vshra.s32 v58, $0x1;
	v22 =	vmul.f32 v61, v14;
	v11 =	vmul.f32 v11, v63;
	v31 =	vpop (erf)  }
0x437: {  	s11 =	sadd.s32 $0xFFFFFFFF, s11;
	v60 =	vsub.s32 $0x5F3759DF, v29;
	(erf) = vrcp.f32 v27;
	v27 =	vmul.f32 v31, v12;
	v12 =	vmovc v30  }
.Ltmp35:
0x438: {  	(pc) =	sbr.rel .LBB2_44-.Ltmp35, $2  }
0x439: {  	_ =	sdelay $0x2  }
0x43a: {  	v29 =	vmov v28;
	v28 =	vmov v58  }
.LBB2_33:
.Ltmp36:
0x43b: {  	(pc) =	sbr.rel .LBB2_44-.Ltmp36, $2  }
0x43c: {  	_ =	sdelay $0x2  }
0x43d: {  	v28 =	vmov v57;
	s7 =	simm.s32 $0x4F80;
	v24 =	vimm.f32 $0.0e+00;
	v62 =	vmov v14  }
.LBB2_35:
.Ltmp37:
0x43e: {  	(pc) =	sbr.rel .LBB2_44-.Ltmp37, $2  }
0x43f: {  	_ =	sdelay $0x2  }
0x440: {  	v29 =	vmovc v57;
	v28 =	vmov v59;
	s7 =	simm.s32 $0x4F80;
	v24 =	vimm.f32 $0.0e+00;
	v62 =	vmov v12  }
.LBB2_37:
.Ltmp38:
0x441: {  	(pc) =	sbr.rel .LBB2_44-.Ltmp38, $3  }
0x442: {  	_ =	sdelay $0x1  }
0x443: {  	v62 =	vmovc v16;
	v29 =	vmov v59;
	v28 =	vmov v25;
	vm6 =	vmmov vm0  }
0x444: {  	v63 =	vmovc v17;
	s7 =	simm.s32 $0x4F80;
	v24 =	vimm.f32 $0.0e+00;
	v9 =	vmovc v57;
	v14 =	vmov v12;
	v11 =	vmov v26  }
.LBB2_39:
.Ltmp39:
0x445: {  	(pc) =	sbr.rel .LBB2_44-.Ltmp39, $4  }
0x446: {  	_ = 	snop  }
0x447: {  	v62 =	vmov v14;
	v61 =	vmov v19;
	v22 =	vmov v23  }
0x448: {  	vm6 =	vmmov vm4;
	vm2 =	vmmov vm3;
	v63 =	vmovc v15;
	v24 =	vimm.f32 $0.0e+00;
	v9 =	vmovc v59  }
0x449: {  	s7 =	simm.s32 $0x4F80;
	v29 =	vmovc v25;
	vm8 =	vmmov vm5;
	v14 =	vmovc v16;
	v12 =	vmov v18;
	v11 =	vmov v20  }
.LBB2_41:
.Ltmp40:
0x44a: {  	(pc) =	sbr.rel .LBB2_44-.Ltmp40, $2  }
0x44b: {  	_ =	sdelay $0x2  }
0x44c: {  	v29 =	vmovc v28;
	s7 =	simm.s32 $0x4F80;
	v24 =	vimm.f32 $0.0e+00;
	v9 =	vmov v25;
	v28 =	vmov v58  }
.LBB2_47:
0x44d: {  	_ =	sfence.sel $0x180000  }
0x44e: {  	[bflag:$0x0] =	sbarrier.arrive $0xFFFF  }
0x44f: {  	_ =	strace $0x90000047  }
0x450: {  	s0 =	stileid.u32;
	[bflag:$0x2] =	sbarrier.arrive $0xFFFF  }
0x451: {  	p0 =	sne.s32 s0, $0x0;
	s0 =	rddreg [dreg:$0x2]  }
0x452: {  	s0 =	sadd.s32 @!p0 $0x100000, s0  }
0x453: {  	[sflag:s0] =	ssyncadd.tile.s32 @!p0 $0x1;
	_ =	shalt  }
.Lfunc_end2:
_tile_overlayer_lowered:
.L_overlay_start_2:
0x454: {  	(tag) =	ssettag $0x2  }
0x455: {  	s0 =	rddreg [dreg:$0x0];
	s2 =	stileid.u32  }
0x456: {  	s1 =	rddreg [dreg:$0x1];
	p0 =	sne.s32 s2, $0x0  }
0x457: {  	s3 =	rddreg [dreg:$0x2];
	[bflag:$0x3] =	sbarrier.arrive $0xFFFF;
	s2 =	simm.s32 @!p0 $0x1C04  }
0x458: {  	[timem:s3], [sflag:s2] =	dma.local @!p0 [hbm:s0], s1  }
0x459: {  	s0 =	simm.s32 @!p0 $0x4  }
0x45a: {  	_ =	swait.ge @!p0 [sflag:s0], s1  }
0x45b: {  	s1 =	ssub.s32 @!p0 $0x0, s1;
	[sflag:s0] =	ssyncset.done @!p0 $0x0  }
0x45c: {  	[sflag:s0] =	ssyncadd.s32 @!p0 s1  }
0x45d: {  	[bflag:$0x3] =	sbarrier.arrive $0xFFFF  }
0x45e: {  	_ =	shalt  }

</sc_bundles>
